<compile_context>
chip_gen: v7x
topology: tpu7x:2x2x1
jax: 0.10.2.dev20260603
libtpu: 0.0.44.dev20260713+nightly
codegen_flags: <defaults>
</compile_context>

<pallas_src>
import jax
import jax.numpy as jnp
from jax import lax
from jax.experimental import pallas as pl
from jax.experimental.pallas import tpu as pltpu
from jax.experimental.pallas import tpu_sc as plsc

NUM_NODES = 1000000
E = 128
B = 16384
S = 6
L = 16
NC = 2
NS = 16
NW = NC * NS
B_PER_W = B // NW
CH = 64
NCHUNK = B_PER_W // CH
SIDX_ROWS = CH * S // E


def _loss_partials_body(src_hbm, smp_hbm, node_hbm, ctx_hbm, out_hbm,
                        src_idx, idxbuf, smp_idx, src_rows, smp_rows,
                        accv, stage, sems):
    wid = lax.axis_index("s") * NC + lax.axis_index("c")
    base = wid * B_PER_W
    lane = lax.iota(jnp.int32, L)

    pos_masks = []
    weights = []
    for t in range(3):
        is_pos = ((t * L + lane) % S) == 0
        pos_masks.append(is_pos)
        weights.append(jnp.where(is_pos, 1.0 / B, 1.0 / (B * (S - 1))))

    def softplus_weighted(logits, is_pos, w):
        t = jnp.where(is_pos, logits, -logits)
        a = jnp.abs(t)
        u = jnp.exp(-a)
        z = u / (2.0 + u)
        z2 = z * z
        log1p_u = 2.0 * z * (1.0 + z2 * (
            1.0 / 3.0 + z2 * (1.0 / 5.0 + z2 * (1.0 / 7.0 + z2 / 9.0))))
        sp = jnp.maximum(-t, 0.0) + log1p_u
        return sp * w

    pltpu.sync_copy(src_hbm.at[pl.ds(base, B_PER_W)], src_idx)

    def mk_copies(c, p):
        cps = [pltpu.make_async_copy(
            node_hbm.at[src_idx.at[pl.ds(c * CH, CH)]],
            src_rows.at[p], sems.at[p])]
        for j in range(SIDX_ROWS):
            cps.append(pltpu.make_async_copy(
                ctx_hbm.at[smp_idx.at[pl.ds(c * CH * S + j * E, E)]],
                smp_rows.at[p, pl.ds(j * E, E)], sems.at[p]))
        return cps

    def stage_and_gather(c, p):
        pltpu.sync_copy(smp_hbm.at[pl.ds(base + c * CH, CH)], idxbuf)

        def flat_body(q, _):
            fp = q * L + lane
            v = plsc.load_gather(idxbuf, [fp // S, fp % S])
            smp_idx[pl.ds(c * CH * S + q * L, L)] = v
            return 0

        lax.fori_loop(0, CH * S // L, flat_body, 0)
        cps = mk_copies(c, p)
        for cp in cps:
            cp.start()
        return cps

    GB = 8
    GR = GB * S

    def tree_sum(vs):
        while len(vs) > 1:
            vs = [a + b for a, b in zip(vs[::2], vs[1::2])]
        return vs[0]

    def compute_chunk(p, acc):
        def g_body(g, acc):
            b0 = g * GB
            for k in range(GB):
                bb = b0 + k
                sv = [src_rows[p, bb, pl.ds(j * L, L)]
                      for j in range(E // L)]
                for s in range(S):
                    row = bb * S + s
                    prods = [sv[j] * smp_rows[p, row, pl.ds(j * L, L)]
                             for j in range(E // L)]
                    stage[pl.ds((k * S + s) * L, L)] = tree_sum(prods)
            for t in range(GR // L):
                ridx = (t * L + lane) * L
                gs = [plsc.load_gather(stage, [ridx + j])
                      for j in range(L)]
                logits = tree_sum(gs)
                acc = acc + softplus_weighted(
                    logits, pos_masks[t], weights[t])
            return acc

        return lax.fori_loop(0, CH // GB, g_body, acc)

    stage_and_gather(jnp.int32(0), jnp.int32(0))

    def chunk_body(c, acc):
        @pl.when(c + 1 < NCHUNK)
        def _():
            stage_and_gather(c + 1, (c + 1) % 2)
        for cp in mk_copies(c, c % 2):
            cp.wait()
        return compute_chunk(c % 2, acc)

    acc = lax.fori_loop(
        0, NCHUNK, chunk_body, jnp.zeros((L,), jnp.float32))
    accv[...] = acc
    pltpu.sync_copy(accv, out_hbm.at[pl.ds(wid * L, L)])


def _sc_loss_partials(source_nodes, sample_nodes_flat, node_embedding,
                      context_embedding):
    mesh = plsc.VectorSubcoreMesh(
        core_axis_name="c", subcore_axis_name="s",
        num_cores=NC, num_subcores=NS)
    return pl.kernel(
        _loss_partials_body,
        out_type=jax.ShapeDtypeStruct((NW * L,), jnp.float32),
        mesh=mesh,
        scratch_types=[
            pltpu.VMEM((B_PER_W,), jnp.int32),
            pltpu.VMEM((CH, S), jnp.int32),
            pltpu.VMEM((B_PER_W * S,), jnp.int32),
            pltpu.VMEM((2, CH, E), jnp.float32),
            pltpu.VMEM((2, CH * S, E), jnp.float32),
            pltpu.VMEM((L,), jnp.float32),
            pltpu.VMEM((8 * S * L,), jnp.float32),
            pltpu.SemaphoreType.DMA((2,)),
        ],
        compiler_params=pltpu.CompilerParams(needs_layout_passes=False),
    )(source_nodes, sample_nodes_flat, node_embedding, context_embedding)


def _sum_body(x_ref, out_ref):
    out_ref[0, 0] = jnp.sum(x_ref[...])


def _tc_sum(partials2d):
    return pl.pallas_call(
        _sum_body,
        out_shape=jax.ShapeDtypeStruct((1, 1), jnp.float32),
        out_specs=pl.BlockSpec(memory_space=pltpu.SMEM),
    )(partials2d)


def kernel(source_nodes, sample_nodes, node_embedding, context_embedding):
    src = jnp.asarray(source_nodes, jnp.int32)
    smp = jnp.asarray(sample_nodes, jnp.int32)
    partials = _sc_loss_partials(src, smp, node_embedding, context_embedding)
    loss = _tc_sum(partials.reshape(4, NW * L // 4))
    return loss[0, 0]

# --- scband reference (transcript-rebuilt; emitter-appended) ---
"""Pipeline reference for scband-linemodel-20023137534883 (READ-ONLY COPY).

The authoritative reference and input builder live on the scoring server;
editing this copy changes nothing except your own understanding.
"""

import jax, jax.numpy as jnp
import numpy as np

NUM_NODES = 1000000
EMBED_DIM = 128
BATCH = 16384
S = 6

def setup_inputs(seed: int = 0) -> dict:
    key = jax.random.key(seed)
    k1, k2, k3, k4 = jax.random.split(key, 4)
    source_nodes = jax.random.randint(k1, (BATCH,), 0, NUM_NODES, dtype=jnp.int64 if jax.config.jax_enable_x64 else jnp.int32)
    sample_nodes = jax.random.randint(k2, (BATCH, S), 0, NUM_NODES, dtype=jnp.int64 if jax.config.jax_enable_x64 else jnp.int32)
    # Xavier-uniform-like init for embedding tables
    limit = float(np.sqrt(6.0 / (NUM_NODES + EMBED_DIM)))
    node_embedding = jax.random.uniform(k3, (NUM_NODES, EMBED_DIM), dtype=jnp.float32, minval=-limit, maxval=limit)
    context_embedding = jax.random.uniform(k4, (NUM_NODES, EMBED_DIM), dtype=jnp.float32, minval=-limit, maxval=limit)
    return {
        "source_nodes": source_nodes,
        "sample_nodes": sample_nodes,
        "node_embedding": node_embedding,
        "context_embedding": context_embedding,
    }

def reference(source_nodes, sample_nodes, node_embedding, context_embedding):
    # order == 2: source uses node_embedding, samples use context_embedding
    source_node_embeddings = jnp.take(node_embedding, source_nodes, axis=0)          # [B, E]
    sample_node_embeddings = jnp.take(context_embedding, sample_nodes, axis=0)       # [B, S, E]
    logits = jnp.einsum('be,bse->bs', source_node_embeddings, sample_node_embeddings)  # [B, S]
    pos_loss = -jnp.mean(jax.nn.log_sigmoid(logits[:, 0]))
    neg_loss = -jnp.mean(jax.nn.log_sigmoid(-logits[:, 1:]))
    loss = pos_loss + neg_loss
    return loss

if __name__ == "__main__":
    import jax
    _d = setup_inputs()
    print(jax.jit(kernel)(*tuple(_d.values())))

</pallas_src>

<mosaic_0001>
#map = affine_map<(d0, d1) -> (0)>
#map1 = affine_map<(d0, d1) -> (0, 0)>
module attributes {stable_mosaic.version = 14 : i64} {
  func.func @_loss_partials_body(%arg0: i32, %arg1: i32, %arg2: memref<16384xi32, #tpu.memory_space<hbm>>, %arg3: memref<16384x6xi32, #tpu.memory_space<hbm>>, %arg4: memref<1000000x128xf32, #tpu.memory_space<hbm>>, %arg5: memref<1000000x128xf32, #tpu.memory_space<hbm>>, %arg6: memref<512xf32, #tpu.memory_space<hbm>>, %arg7: memref<512xi32, #tpu.memory_space<vmem>>, %arg8: memref<64x6xi32, #tpu.memory_space<vmem>>, %arg9: memref<3072xi32, #tpu.memory_space<vmem>>, %arg10: memref<2x64x128xf32, #tpu.memory_space<vmem>>, %arg11: memref<2x384x128xf32, #tpu.memory_space<vmem>>, %arg12: memref<16xf32, #tpu.memory_space<vmem>>, %arg13: memref<768xf32, #tpu.memory_space<vmem>>, %arg14: memref<2x!tpu.dma_semaphore, #tpu.memory_space<semaphore_mem>>) attributes {dimension_semantics = [#tpu.dimension_semantics<core_parallel>, #tpu.dimension_semantics<subcore_parallel>], iteration_bounds = array<i64: 2, 16>, scalar_prefetch = 0 : i64, scratch_operands = 8 : i64, tpu.core_type = #tpu.core_type<sc_vector_subcore>, window_params = [{transform_indices = #map}, {transform_indices = #map1}, {transform_indices = #map1}, {transform_indices = #map1}, {transform_indices = #map}]} {
    %mul3A = arith.constant 2 : i32
    %mul3A_0 = arith.muli %arg1, %mul3A : i32
    %add3A = arith.addi %mul3A_0, %arg0 : i32
    %mul3A_1 = arith.constant 512 : i32
    %mul3A_2 = arith.muli %add3A, %mul3A_1 : i32
    %iota3A = tpu.iota {dimensions = array<i32: 0>} : vector<16xi32>
    %add3A_3 = arith.constant 0 : i32
    %add3A_4 = vector.broadcast %add3A_3 : i32 to vector<16xi32>
    %add3A_5 = arith.addi %add3A_4, %iota3A : vector<16xi32>
    %jit3A = arith.constant 6 : i32
    %eq3A = arith.constant 0 : i32
    %eq3A_6 = arith.cmpi eq, %jit3A, %eq3A : i32
    %jit3A_7 = arith.constant 1 : i32
    %select_n3A = arith.select %eq3A_6, %jit3A_7, %jit3A : i32
    %rem3A = vector.broadcast %select_n3A : i32 to vector<16xi32>
    %rem3A_8 = arith.remsi %add3A_5, %rem3A : vector<16xi32>
    %ne3A = arith.constant 0 : i32
    %ne3A_9 = vector.broadcast %ne3A : i32 to vector<16xi32>
    %ne3A_10 = arith.cmpi ne, %rem3A_8, %ne3A_9 : vector<16xi32>
    %lt3A = arith.constant 0 : i32
    %lt3A_11 = vector.broadcast %lt3A : i32 to vector<16xi32>
    %lt3A_12 = arith.cmpi slt, %rem3A_8, %lt3A_11 : vector<16xi32>
    %lt3A_13 = arith.constant 0 : i32
    %lt3A_14 = arith.cmpi slt, %select_n3A, %lt3A_13 : i32
    %ne3A_15 = vector.broadcast %lt3A_14 : i1 to vector<16xi1>
    %ne3A_16 = vector.broadcast %ne3A_15 : vector<16xi1> to vector<16xi1>
    %ne3A_17 = arith.xori %lt3A_12, %ne3A_16 : vector<16xi1>
    %and3A = arith.andi %ne3A_17, %ne3A_10 : vector<16xi1>
    %add3A_18 = vector.broadcast %select_n3A : i32 to vector<16xi32>
    %add3A_19 = arith.addi %rem3A_8, %add3A_18 : vector<16xi32>
    %select_n3A_20 = arith.select %and3A, %add3A_19, %rem3A_8 : vector<16xi1>, vector<16xi32>
    %eq3A_21 = arith.constant 0 : i32
    %eq3A_22 = vector.broadcast %eq3A_21 : i32 to vector<16xi32>
    %eq3A_23 = arith.cmpi eq, %select_n3A_20, %eq3A_22 : vector<16xi32>
    %jit3A_24 = arith.constant 6.10351563E-5 : f32
    %jit3A_25 = arith.constant 1.22070314E-5 : f32
    %broadcast_in_dim3A = vector.broadcast %jit3A_24 : f32 to vector<16xf32>
    %broadcast_in_dim3A_26 = vector.broadcast %jit3A_25 : f32 to vector<16xf32>
    %select_n3A_27 = arith.select %eq3A_23, %broadcast_in_dim3A, %broadcast_in_dim3A_26 : vector<16xi1>, vector<16xf32>
    %add3A_28 = arith.constant 16 : i32
    %add3A_29 = vector.broadcast %add3A_28 : i32 to vector<16xi32>
    %add3A_30 = arith.addi %add3A_29, %iota3A : vector<16xi32>
    %jit3A_31 = arith.constant 6 : i32
    %eq3A_32 = arith.constant 0 : i32
    %eq3A_33 = arith.cmpi eq, %jit3A_31, %eq3A_32 : i32
    %jit3A_34 = arith.constant 1 : i32
    %select_n3A_35 = arith.select %eq3A_33, %jit3A_34, %jit3A_31 : i32
    %rem3A_36 = vector.broadcast %select_n3A_35 : i32 to vector<16xi32>
    %rem3A_37 = arith.remsi %add3A_30, %rem3A_36 : vector<16xi32>
    %ne3A_38 = arith.constant 0 : i32
    %ne3A_39 = vector.broadcast %ne3A_38 : i32 to vector<16xi32>
    %ne3A_40 = arith.cmpi ne, %rem3A_37, %ne3A_39 : vector<16xi32>
    %lt3A_41 = arith.constant 0 : i32
    %lt3A_42 = vector.broadcast %lt3A_41 : i32 to vector<16xi32>
    %lt3A_43 = arith.cmpi slt, %rem3A_37, %lt3A_42 : vector<16xi32>
    %lt3A_44 = arith.constant 0 : i32
    %lt3A_45 = arith.cmpi slt, %select_n3A_35, %lt3A_44 : i32
    %ne3A_46 = vector.broadcast %lt3A_45 : i1 to vector<16xi1>
    %ne3A_47 = vector.broadcast %ne3A_46 : vector<16xi1> to vector<16xi1>
    %ne3A_48 = arith.xori %lt3A_43, %ne3A_47 : vector<16xi1>
    %and3A_49 = arith.andi %ne3A_48, %ne3A_40 : vector<16xi1>
    %add3A_50 = vector.broadcast %select_n3A_35 : i32 to vector<16xi32>
    %add3A_51 = arith.addi %rem3A_37, %add3A_50 : vector<16xi32>
    %select_n3A_52 = arith.select %and3A_49, %add3A_51, %rem3A_37 : vector<16xi1>, vector<16xi32>
    %eq3A_53 = arith.constant 0 : i32
    %eq3A_54 = vector.broadcast %eq3A_53 : i32 to vector<16xi32>
    %eq3A_55 = arith.cmpi eq, %select_n3A_52, %eq3A_54 : vector<16xi32>
    %jit3A_56 = arith.constant 6.10351563E-5 : f32
    %jit3A_57 = arith.constant 1.22070314E-5 : f32
    %broadcast_in_dim3A_58 = vector.broadcast %jit3A_56 : f32 to vector<16xf32>
    %broadcast_in_dim3A_59 = vector.broadcast %jit3A_57 : f32 to vector<16xf32>
    %select_n3A_60 = arith.select %eq3A_55, %broadcast_in_dim3A_58, %broadcast_in_dim3A_59 : vector<16xi1>, vector<16xf32>
    %add3A_61 = arith.constant 32 : i32
    %add3A_62 = vector.broadcast %add3A_61 : i32 to vector<16xi32>
    %add3A_63 = arith.addi %add3A_62, %iota3A : vector<16xi32>
    %jit3A_64 = arith.constant 6 : i32
    %eq3A_65 = arith.constant 0 : i32
    %eq3A_66 = arith.cmpi eq, %jit3A_64, %eq3A_65 : i32
    %jit3A_67 = arith.constant 1 : i32
    %select_n3A_68 = arith.select %eq3A_66, %jit3A_67, %jit3A_64 : i32
    %rem3A_69 = vector.broadcast %select_n3A_68 : i32 to vector<16xi32>
    %rem3A_70 = arith.remsi %add3A_63, %rem3A_69 : vector<16xi32>
    %ne3A_71 = arith.constant 0 : i32
    %ne3A_72 = vector.broadcast %ne3A_71 : i32 to vector<16xi32>
    %ne3A_73 = arith.cmpi ne, %rem3A_70, %ne3A_72 : vector<16xi32>
    %lt3A_74 = arith.constant 0 : i32
    %lt3A_75 = vector.broadcast %lt3A_74 : i32 to vector<16xi32>
    %lt3A_76 = arith.cmpi slt, %rem3A_70, %lt3A_75 : vector<16xi32>
    %lt3A_77 = arith.constant 0 : i32
    %lt3A_78 = arith.cmpi slt, %select_n3A_68, %lt3A_77 : i32
    %ne3A_79 = vector.broadcast %lt3A_78 : i1 to vector<16xi1>
    %ne3A_80 = vector.broadcast %ne3A_79 : vector<16xi1> to vector<16xi1>
    %ne3A_81 = arith.xori %lt3A_76, %ne3A_80 : vector<16xi1>
    %and3A_82 = arith.andi %ne3A_81, %ne3A_73 : vector<16xi1>
    %add3A_83 = vector.broadcast %select_n3A_68 : i32 to vector<16xi32>
    %add3A_84 = arith.addi %rem3A_70, %add3A_83 : vector<16xi32>
    %select_n3A_85 = arith.select %and3A_82, %add3A_84, %rem3A_70 : vector<16xi1>, vector<16xi32>
    %eq3A_86 = arith.constant 0 : i32
    %eq3A_87 = vector.broadcast %eq3A_86 : i32 to vector<16xi32>
    %eq3A_88 = arith.cmpi eq, %select_n3A_85, %eq3A_87 : vector<16xi32>
    %jit3A_89 = arith.constant 6.10351563E-5 : f32
    %jit3A_90 = arith.constant 1.22070314E-5 : f32
    %broadcast_in_dim3A_91 = vector.broadcast %jit3A_89 : f32 to vector<16xf32>
    %broadcast_in_dim3A_92 = vector.broadcast %jit3A_90 : f32 to vector<16xf32>
    %select_n3A_93 = arith.select %eq3A_88, %broadcast_in_dim3A_91, %broadcast_in_dim3A_92 : vector<16xi1>, vector<16xf32>
    "tpu.region"() ({
      %run_scoped3A = tpu.sem_alloc : memref<!tpu.dma_semaphore, #tpu.memory_space<semaphore_mem>>
      %dma_start3A_187 = tpu.memref_slice %arg2[%mul3A_2] : memref<16384xi32, #tpu.memory_space<hbm>> -> memref<512xi32, #tpu.memory_space<hbm>>
      %dma_start3A_188 = tpu.memref_slice %arg2[%mul3A_2] : memref<16384xi32, #tpu.memory_space<hbm>> -> memref<512xi32, #tpu.memory_space<hbm>>
      tpu.enqueue_dma source(%dma_start3A_188 : memref<512xi32, #tpu.memory_space<hbm>>) target(%arg7 : memref<512xi32, #tpu.memory_space<vmem>>) target_semaphore(%run_scoped3A : memref<!tpu.dma_semaphore, #tpu.memory_space<semaphore_mem>>)
      %dma_wait3A = tpu.memref_slice %arg2[%mul3A_2] : memref<16384xi32, #tpu.memory_space<hbm>> -> memref<512xi32, #tpu.memory_space<hbm>>
      %dma_wait3A_189 = tpu.memref_slice %arg2[%mul3A_2] : memref<16384xi32, #tpu.memory_space<hbm>> -> memref<512xi32, #tpu.memory_space<hbm>>
      tpu.wait_dma2 semaphore(%run_scoped3A : memref<!tpu.dma_semaphore, #tpu.memory_space<semaphore_mem>>) src(%dma_wait3A_189 : memref<512xi32, #tpu.memory_space<hbm>>) dst(%arg7 : memref<512xi32, #tpu.memory_space<vmem>>)
      tpu.yield
    }) : () -> ()
    %mul3A_94 = arith.constant 0 : i32
    %mul3A_95 = arith.constant 64 : i32
    %mul3A_96 = arith.muli %mul3A_94, %mul3A_95 : i32
    %add3A_97 = arith.addi %mul3A_2, %mul3A_96 : i32
    "tpu.region"() ({
      %run_scoped3A = tpu.sem_alloc : memref<!tpu.dma_semaphore, #tpu.memory_space<semaphore_mem>>
      %dma_start3A_187 = arith.constant 0 : i32
      %dma_start3A_188 = tpu.memref_slice %arg3[%add3A_97, %dma_start3A_187] : memref<16384x6xi32, #tpu.memory_space<hbm>> -> memref<64x6xi32, #tpu.memory_space<hbm>>
      %dma_start3A_189 = arith.constant 0 : i32
      %dma_start3A_190 = tpu.memref_slice %arg3[%add3A_97, %dma_start3A_189] : memref<16384x6xi32, #tpu.memory_space<hbm>> -> memref<64x6xi32, #tpu.memory_space<hbm>>
      tpu.enqueue_dma source(%dma_start3A_190 : memref<64x6xi32, #tpu.memory_space<hbm>>) target(%arg8 : memref<64x6xi32, #tpu.memory_space<vmem>>) target_semaphore(%run_scoped3A : memref<!tpu.dma_semaphore, #tpu.memory_space<semaphore_mem>>)
      %dma_wait3A = arith.constant 0 : i32
      %dma_wait3A_191 = tpu.memref_slice %arg3[%add3A_97, %dma_wait3A] : memref<16384x6xi32, #tpu.memory_space<hbm>> -> memref<64x6xi32, #tpu.memory_space<hbm>>
      %dma_wait3A_192 = arith.constant 0 : i32
      %dma_wait3A_193 = tpu.memref_slice %arg3[%add3A_97, %dma_wait3A_192] : memref<16384x6xi32, #tpu.memory_space<hbm>> -> memref<64x6xi32, #tpu.memory_space<hbm>>
      tpu.wait_dma2 semaphore(%run_scoped3A : memref<!tpu.dma_semaphore, #tpu.memory_space<semaphore_mem>>) src(%dma_wait3A_193 : memref<64x6xi32, #tpu.memory_space<hbm>>) dst(%arg8 : memref<64x6xi32, #tpu.memory_space<vmem>>)
      tpu.yield
    }) : () -> ()
    %scan3A = arith.constant 0 : i32
    %scan3A_98 = arith.constant 0 : i32
    %scan3A_99 = arith.constant 0 : i32
    %scan3A_100 = arith.constant 24 : i32
    %scan3A_101 = arith.addi %scan3A_99, %scan3A_100 : i32
    %scan3A_102 = arith.constant 1 : i32
    %scan3A_103 = scf.for %scan3A_187 = %scan3A_99 to %scan3A_101 step %scan3A_102 iter_args(%scan3A_188 = %scan3A_98) -> (i32)  : i32 {
      %mul3A_189 = arith.constant 16 : i32
      %mul3A_190 = arith.muli %scan3A_187, %mul3A_189 : i32
      %add3A_191 = vector.broadcast %mul3A_190 : i32 to vector<16xi32>
      %add3A_192 = arith.addi %add3A_191, %iota3A : vector<16xi32>
      %jit3A_193 = arith.constant 6 : i32
      %div3A = vector.broadcast %jit3A_193 : i32 to vector<16xi32>
      %div3A_194 = arith.divsi %add3A_192, %div3A : vector<16xi32>
      %sign3A = arith.constant 0 : i32
      %sign3A_195 = vector.broadcast %sign3A : i32 to vector<16xi32>
      %sign3A_196 = arith.cmpi sgt, %add3A_192, %sign3A_195 : vector<16xi32>
      %sign3A_197 = arith.extui %sign3A_196 : vector<16xi1> to vector<16xi32>
      %sign3A_198 = arith.constant 0 : i32
      %sign3A_199 = vector.broadcast %sign3A_198 : i32 to vector<16xi32>
      %sign3A_200 = arith.cmpi slt, %add3A_192, %sign3A_199 : vector<16xi32>
      %sign3A_201 = arith.extui %sign3A_200 : vector<16xi1> to vector<16xi32>
      %sign3A_202 = arith.subi %sign3A_197, %sign3A_201 : vector<16xi32>
      %sign3A_203 = arith.constant 0 : i32
      %sign3A_204 = arith.cmpi sgt, %jit3A_193, %sign3A_203 : i32
      %sign3A_205 = arith.extui %sign3A_204 : i1 to i32
      %sign3A_206 = arith.constant 0 : i32
      %sign3A_207 = arith.cmpi slt, %jit3A_193, %sign3A_206 : i32
      %sign3A_208 = arith.extui %sign3A_207 : i1 to i32
      %sign3A_209 = arith.subi %sign3A_205, %sign3A_208 : i32
      %ne3A_210 = vector.broadcast %sign3A_209 : i32 to vector<16xi32>
      %ne3A_211 = arith.cmpi ne, %sign3A_202, %ne3A_210 : vector<16xi32>
      %rem3A_212 = vector.broadcast %jit3A_193 : i32 to vector<16xi32>
      %rem3A_213 = arith.remsi %add3A_192, %rem3A_212 : vector<16xi32>
      %ne3A_214 = arith.constant 0 : i32
      %ne3A_215 = vector.broadcast %ne3A_214 : i32 to vector<16xi32>
      %ne3A_216 = arith.cmpi ne, %rem3A_213, %ne3A_215 : vector<16xi32>
      %and3A_217 = arith.andi %ne3A_211, %ne3A_216 : vector<16xi1>
      %sub3A = arith.constant 1 : i32
      %sub3A_218 = vector.broadcast %sub3A : i32 to vector<16xi32>
      %sub3A_219 = arith.subi %div3A_194, %sub3A_218 : vector<16xi32>
      %select_n3A_220 = arith.select %and3A_217, %sub3A_219, %div3A_194 : vector<16xi1>, vector<16xi32>
      %jit3A_221 = arith.constant 6 : i32
      %eq3A_222 = arith.constant 0 : i32
      %eq3A_223 = arith.cmpi eq, %jit3A_221, %eq3A_222 : i32
      %jit3A_224 = arith.constant 1 : i32
      %select_n3A_225 = arith.select %eq3A_223, %jit3A_224, %jit3A_221 : i32
      %rem3A_226 = vector.broadcast %select_n3A_225 : i32 to vector<16xi32>
      %rem3A_227 = arith.remsi %add3A_192, %rem3A_226 : vector<16xi32>
      %ne3A_228 = arith.constant 0 : i32
      %ne3A_229 = vector.broadcast %ne3A_228 : i32 to vector<16xi32>
      %ne3A_230 = arith.cmpi ne, %rem3A_227, %ne3A_229 : vector<16xi32>
      %lt3A_231 = arith.constant 0 : i32
      %lt3A_232 = vector.broadcast %lt3A_231 : i32 to vector<16xi32>
      %lt3A_233 = arith.cmpi slt, %rem3A_227, %lt3A_232 : vector<16xi32>
      %lt3A_234 = arith.constant 0 : i32
      %lt3A_235 = arith.cmpi slt, %select_n3A_225, %lt3A_234 : i32
      %ne3A_236 = vector.broadcast %lt3A_235 : i1 to vector<16xi1>
      %ne3A_237 = vector.broadcast %ne3A_236 : vector<16xi1> to vector<16xi1>
      %ne3A_238 = arith.xori %lt3A_233, %ne3A_237 : vector<16xi1>
      %and3A_239 = arith.andi %ne3A_238, %ne3A_230 : vector<16xi1>
      %add3A_240 = vector.broadcast %select_n3A_225 : i32 to vector<16xi32>
      %add3A_241 = arith.addi %rem3A_227, %add3A_240 : vector<16xi32>
      %select_n3A_242 = arith.select %and3A_239, %add3A_241, %rem3A_227 : vector<16xi1>, vector<16xi32>
      %gather3A = tpu.vector_load_idx %arg8[%select_n3A_220, %select_n3A_242] : memref<64x6xi32, #tpu.memory_space<vmem>>[vector<16xi32>, vector<16xi32>], vector<16xi32>,
      %mul3A_243 = arith.constant 64 : i32
      %mul3A_244 = arith.muli %scan3A, %mul3A_243 : i32
      %mul3A_245 = arith.constant 6 : i32
      %mul3A_246 = arith.muli %mul3A_244, %mul3A_245 : i32
      %mul3A_247 = arith.constant 16 : i32
      %mul3A_248 = arith.muli %scan3A_187, %mul3A_247 : i32
      %add3A_249 = arith.addi %mul3A_246, %mul3A_248 : i32
      %swap3A_250 = arith.index_cast %add3A_249 : i32 to index
      %swap3A_251 = tpu.vector_load %arg9[%swap3A_250] {strides = array<i32>} : memref<3072xi32, #tpu.memory_space<vmem>>, vector<16xi32>,
      tpu.vector_store %arg9[%swap3A_250], %gather3A {strides = array<i32>} : memref<3072xi32, #tpu.memory_space<vmem>>, vector<16xi32>,
      %scan3A_252 = arith.constant 0 : i32
      scf.yield %scan3A_252 : i32
    }
    %scan3A_104 = arith.constant 24 : i32
    %mul3A_105 = arith.constant 0 : i32
    %mul3A_106 = arith.constant 64 : i32
    %mul3A_107 = arith.muli %mul3A_105, %mul3A_106 : i32
    %mul3A_108 = arith.constant 0 : i32
    %mul3A_109 = arith.constant 64 : i32
    %mul3A_110 = arith.muli %mul3A_108, %mul3A_109 : i32
    %mul3A_111 = arith.constant 6 : i32
    %mul3A_112 = arith.muli %mul3A_110, %mul3A_111 : i32
    %add3A_113 = arith.constant 0 : i32
    %add3A_114 = arith.addi %mul3A_112, %add3A_113 : i32
    %mul3A_115 = arith.constant 0 : i32
    %mul3A_116 = arith.constant 64 : i32
    %mul3A_117 = arith.muli %mul3A_115, %mul3A_116 : i32
    %mul3A_118 = arith.constant 6 : i32
    %mul3A_119 = arith.muli %mul3A_117, %mul3A_118 : i32
    %add3A_120 = arith.constant 128 : i32
    %add3A_121 = arith.addi %mul3A_119, %add3A_120 : i32
    %mul3A_122 = arith.constant 0 : i32
    %mul3A_123 = arith.constant 64 : i32
    %mul3A_124 = arith.muli %mul3A_122, %mul3A_123 : i32
    %mul3A_125 = arith.constant 6 : i32
    %mul3A_126 = arith.muli %mul3A_124, %mul3A_125 : i32
    %add3A_127 = arith.constant 256 : i32
    %add3A_128 = arith.addi %mul3A_126, %add3A_127 : i32
    %dma_start3A = arith.constant 0 : i32
    %dma_start3A_129 = arith.constant 0 : i32
    %dma_start3A_130 = arith.constant 0 : i32
    %dma_start3A_131 = arith.constant 0 : i32
    %dma_start3A_132 = tpu.memref_slice %arg10[%dma_start3A, %dma_start3A_130, %dma_start3A_131] : memref<2x64x128xf32, #tpu.memory_space<vmem>> -> memref<1x64x128xf32, #tpu.memory_space<vmem>>
    %dma_start3A_133 = tpu.memref_squeeze %dma_start3A_132 : memref<1x64x128xf32, #tpu.memory_space<vmem>> -> memref<64x128xf32, #tpu.memory_space<vmem>>
    %dma_start3A_134 = tpu.memref_slice %arg7[%mul3A_107] : memref<512xi32, #tpu.memory_space<vmem>> -> memref<64xi32, #tpu.memory_space<vmem>>
    %dma_start3A_135 = arith.constant 0 : i32
    %dma_start3A_136 = arith.constant 0 : i32
    %dma_start3A_137 = tpu.memref_slice %arg4[%dma_start3A_135, %dma_start3A_136] : memref<1000000x128xf32, #tpu.memory_space<hbm>> -> memref<1000000x128xf32, #tpu.memory_space<hbm>>
    %dma_start3A_138 = tpu.memref_slice %arg14[%dma_start3A_129] : memref<2x!tpu.dma_semaphore, #tpu.memory_space<semaphore_mem>> -> memref<1x!tpu.dma_semaphore, #tpu.memory_space<semaphore_mem>>
    %dma_start3A_139 = tpu.memref_squeeze %dma_start3A_138 : memref<1x!tpu.dma_semaphore, #tpu.memory_space<semaphore_mem>> -> memref<!tpu.dma_semaphore, #tpu.memory_space<semaphore_mem>>
    tpu.enqueue_indirect_dma source(%dma_start3A_137 : memref<1000000x128xf32, #tpu.memory_space<hbm>>) target(%dma_start3A_133 : memref<64x128xf32, #tpu.memory_space<vmem>>) offsets(%dma_start3A_134 : memref<64xi32, #tpu.memory_space<vmem>>) semaphore(%dma_start3A_139 : memref<!tpu.dma_semaphore, #tpu.memory_space<semaphore_mem>>)
    %dma_start3A_140 = arith.constant 0 : i32
    %dma_start3A_141 = arith.constant 0 : i32
    %dma_start3A_142 = arith.constant 0 : i32
    %dma_start3A_143 = arith.constant 0 : i32
    %dma_start3A_144 = tpu.memref_slice %arg11[%dma_start3A_140, %dma_start3A_142, %dma_start3A_143] : memref<2x384x128xf32, #tpu.memory_space<vmem>> -> memref<1x128x128xf32, #tpu.memory_space<vmem>>
    %dma_start3A_145 = tpu.memref_squeeze %dma_start3A_144 : memref<1x128x128xf32, #tpu.memory_space<vmem>> -> memref<128x128xf32, #tpu.memory_space<vmem>>
    %dma_start3A_146 = tpu.memref_slice %arg9[%add3A_114] : memref<3072xi32, #tpu.memory_space<vmem>> -> memref<128xi32, #tpu.memory_space<vmem>>
    %dma_start3A_147 = arith.constant 0 : i32
    %dma_start3A_148 = arith.constant 0 : i32
    %dma_start3A_149 = tpu.memref_slice %arg5[%dma_start3A_147, %dma_start3A_148] : memref<1000000x128xf32, #tpu.memory_space<hbm>> -> memref<1000000x128xf32, #tpu.memory_space<hbm>>
    %dma_start3A_150 = tpu.memref_slice %arg14[%dma_start3A_141] : memref<2x!tpu.dma_semaphore, #tpu.memory_space<semaphore_mem>> -> memref<1x!tpu.dma_semaphore, #tpu.memory_space<semaphore_mem>>
    %dma_start3A_151 = tpu.memref_squeeze %dma_start3A_150 : memref<1x!tpu.dma_semaphore, #tpu.memory_space<semaphore_mem>> -> memref<!tpu.dma_semaphore, #tpu.memory_space<semaphore_mem>>
    tpu.enqueue_indirect_dma source(%dma_start3A_149 : memref<1000000x128xf32, #tpu.memory_space<hbm>>) target(%dma_start3A_145 : memref<128x128xf32, #tpu.memory_space<vmem>>) offsets(%dma_start3A_146 : memref<128xi32, #tpu.memory_space<vmem>>) semaphore(%dma_start3A_151 : memref<!tpu.dma_semaphore, #tpu.memory_space<semaphore_mem>>)
    %dma_start3A_152 = arith.constant 0 : i32
    %dma_start3A_153 = arith.constant 0 : i32
    %dma_start3A_154 = arith.constant 128 : i32
    %dma_start3A_155 = arith.constant 0 : i32
    %dma_start3A_156 = tpu.memref_slice %arg11[%dma_start3A_152, %dma_start3A_154, %dma_start3A_155] : memref<2x384x128xf32, #tpu.memory_space<vmem>> -> memref<1x128x128xf32, #tpu.memory_space<vmem>>
    %dma_start3A_157 = tpu.memref_squeeze %dma_start3A_156 : memref<1x128x128xf32, #tpu.memory_space<vmem>> -> memref<128x128xf32, #tpu.memory_space<vmem>>
    %dma_start3A_158 = tpu.memref_slice %arg9[%add3A_121] : memref<3072xi32, #tpu.memory_space<vmem>> -> memref<128xi32, #tpu.memory_space<vmem>>
    %dma_start3A_159 = arith.constant 0 : i32
    %dma_start3A_160 = arith.constant 0 : i32
    %dma_start3A_161 = tpu.memref_slice %arg5[%dma_start3A_159, %dma_start3A_160] : memref<1000000x128xf32, #tpu.memory_space<hbm>> -> memref<1000000x128xf32, #tpu.memory_space<hbm>>
    %dma_start3A_162 = tpu.memref_slice %arg14[%dma_start3A_153] : memref<2x!tpu.dma_semaphore, #tpu.memory_space<semaphore_mem>> -> memref<1x!tpu.dma_semaphore, #tpu.memory_space<semaphore_mem>>
    %dma_start3A_163 = tpu.memref_squeeze %dma_start3A_162 : memref<1x!tpu.dma_semaphore, #tpu.memory_space<semaphore_mem>> -> memref<!tpu.dma_semaphore, #tpu.memory_space<semaphore_mem>>
    tpu.enqueue_indirect_dma source(%dma_start3A_161 : memref<1000000x128xf32, #tpu.memory_space<hbm>>) target(%dma_start3A_157 : memref<128x128xf32, #tpu.memory_space<vmem>>) offsets(%dma_start3A_158 : memref<128xi32, #tpu.memory_space<vmem>>) semaphore(%dma_start3A_163 : memref<!tpu.dma_semaphore, #tpu.memory_space<semaphore_mem>>)
    %dma_start3A_164 = arith.constant 0 : i32
    %dma_start3A_165 = arith.constant 0 : i32
    %dma_start3A_166 = arith.constant 256 : i32
    %dma_start3A_167 = arith.constant 0 : i32
    %dma_start3A_168 = tpu.memref_slice %arg11[%dma_start3A_164, %dma_start3A_166, %dma_start3A_167] : memref<2x384x128xf32, #tpu.memory_space<vmem>> -> memref<1x128x128xf32, #tpu.memory_space<vmem>>
    %dma_start3A_169 = tpu.memref_squeeze %dma_start3A_168 : memref<1x128x128xf32, #tpu.memory_space<vmem>> -> memref<128x128xf32, #tpu.memory_space<vmem>>
    %dma_start3A_170 = tpu.memref_slice %arg9[%add3A_128] : memref<3072xi32, #tpu.memory_space<vmem>> -> memref<128xi32, #tpu.memory_space<vmem>>
    %dma_start3A_171 = arith.constant 0 : i32
    %dma_start3A_172 = arith.constant 0 : i32
    %dma_start3A_173 = tpu.memref_slice %arg5[%dma_start3A_171, %dma_start3A_172] : memref<1000000x128xf32, #tpu.memory_space<hbm>> -> memref<1000000x128xf32, #tpu.memory_space<hbm>>
    %dma_start3A_174 = tpu.memref_slice %arg14[%dma_start3A_165] : memref<2x!tpu.dma_semaphore, #tpu.memory_space<semaphore_mem>> -> memref<1x!tpu.dma_semaphore, #tpu.memory_space<semaphore_mem>>
    %dma_start3A_175 = tpu.memref_squeeze %dma_start3A_174 : memref<1x!tpu.dma_semaphore, #tpu.memory_space<semaphore_mem>> -> memref<!tpu.dma_semaphore, #tpu.memory_space<semaphore_mem>>
    tpu.enqueue_indirect_dma source(%dma_start3A_173 : memref<1000000x128xf32, #tpu.memory_space<hbm>>) target(%dma_start3A_169 : memref<128x128xf32, #tpu.memory_space<vmem>>) offsets(%dma_start3A_170 : memref<128xi32, #tpu.memory_space<vmem>>) semaphore(%dma_start3A_175 : memref<!tpu.dma_semaphore, #tpu.memory_space<semaphore_mem>>)
    %broadcast_in_dim3A_176 = arith.constant 0.000000e+00 : f32
    %broadcast_in_dim3A_177 = vector.broadcast %broadcast_in_dim3A_176 : f32 to vector<16xf32>
    %scan3A_178 = arith.constant 0 : i32
    %scan3A_179 = arith.constant 8 : i32
    %scan3A_180 = arith.addi %scan3A_178, %scan3A_179 : i32
    %scan3A_181 = arith.constant 1 : i32
    %scan3A_182 = scf.for %scan3A_187 = %scan3A_178 to %scan3A_180 step %scan3A_181 iter_args(%scan3A_188 = %broadcast_in_dim3A_177) -> (vector<16xf32>)  : i32 {
      %add3A_189 = arith.constant 1 : i32
      %add3A_190 = arith.addi %scan3A_187, %add3A_189 : i32
      %lt3A_191 = arith.constant 8 : i32
      %lt3A_192 = arith.cmpi slt, %add3A_190, %lt3A_191 : i32
      %convert_element_type3A = arith.extui %lt3A_192 : i1 to i32
      %cond3A = arith.constant 0 : i32
      %cond3A_193 = arith.cmpi ne, %convert_element_type3A, %cond3A : i32
      scf.if %cond3A_193 {
        %add3A_291 = arith.constant 1 : i32
        %add3A_292 = arith.addi %scan3A_187, %add3A_291 : i32
        %add3A_293 = arith.constant 1 : i32
        %add3A_294 = arith.addi %scan3A_187, %add3A_293 : i32
        %jit3A_295 = arith.constant 2 : i32
        %eq3A_296 = arith.constant 0 : i32
        %eq3A_297 = arith.cmpi eq, %jit3A_295, %eq3A_296 : i32
        %jit3A_298 = arith.constant 1 : i32
        %select_n3A_299 = arith.select %eq3A_297, %jit3A_298, %jit3A_295 : i32
        %rem3A_300 = arith.remsi %add3A_294, %select_n3A_299 : i32
        %ne3A_301 = arith.constant 0 : i32
        %ne3A_302 = arith.cmpi ne, %rem3A_300, %ne3A_301 : i32
        %lt3A_303 = arith.constant 0 : i32
        %lt3A_304 = arith.cmpi slt, %rem3A_300, %lt3A_303 : i32
        %lt3A_305 = arith.constant 0 : i32
        %lt3A_306 = arith.cmpi slt, %select_n3A_299, %lt3A_305 : i32
        %ne3A_307 = arith.xori %lt3A_304, %lt3A_306 : i1
        %and3A_308 = arith.andi %ne3A_307, %ne3A_302 : i1
        %add3A_309 = arith.addi %rem3A_300, %select_n3A_299 : i32
        %select_n3A_310 = arith.select %and3A_308, %add3A_309, %rem3A_300 : i32
        %mul3A_311 = arith.constant 64 : i32
        %mul3A_312 = arith.muli %add3A_292, %mul3A_311 : i32
        %add3A_313 = arith.addi %mul3A_2, %mul3A_312 : i32
        "tpu.region"() ({
          %run_scoped3A = tpu.sem_alloc : memref<!tpu.dma_semaphore, #tpu.memory_space<semaphore_mem>>
          %dma_start3A_381 = arith.constant 0 : i32
          %dma_start3A_382 = tpu.memref_slice %arg3[%add3A_313, %dma_start3A_381] : memref<16384x6xi32, #tpu.memory_space<hbm>> -> memref<64x6xi32, #tpu.memory_space<hbm>>
          %dma_start3A_383 = arith.constant 0 : i32
          %dma_start3A_384 = tpu.memref_slice %arg3[%add3A_313, %dma_start3A_383] : memref<16384x6xi32, #tpu.memory_space<hbm>> -> memref<64x6xi32, #tpu.memory_space<hbm>>
          tpu.enqueue_dma source(%dma_start3A_384 : memref<64x6xi32, #tpu.memory_space<hbm>>) target(%arg8 : memref<64x6xi32, #tpu.memory_space<vmem>>) target_semaphore(%run_scoped3A : memref<!tpu.dma_semaphore, #tpu.memory_space<semaphore_mem>>)
          %dma_wait3A_385 = arith.constant 0 : i32
          %dma_wait3A_386 = tpu.memref_slice %arg3[%add3A_313, %dma_wait3A_385] : memref<16384x6xi32, #tpu.memory_space<hbm>> -> memref<64x6xi32, #tpu.memory_space<hbm>>
          %dma_wait3A_387 = arith.constant 0 : i32
          %dma_wait3A_388 = tpu.memref_slice %arg3[%add3A_313, %dma_wait3A_387] : memref<16384x6xi32, #tpu.memory_space<hbm>> -> memref<64x6xi32, #tpu.memory_space<hbm>>
          tpu.wait_dma2 semaphore(%run_scoped3A : memref<!tpu.dma_semaphore, #tpu.memory_space<semaphore_mem>>) src(%dma_wait3A_388 : memref<64x6xi32, #tpu.memory_space<hbm>>) dst(%arg8 : memref<64x6xi32, #tpu.memory_space<vmem>>)
          tpu.yield
        }) : () -> ()
        %scan3A_314 = arith.constant 0 : i32
        %scan3A_315 = arith.constant 0 : i32
        %scan3A_316 = arith.constant 24 : i32
        %scan3A_317 = arith.addi %scan3A_315, %scan3A_316 : i32
        %scan3A_318 = arith.constant 1 : i32
        %scan3A_319 = scf.for %scan3A_381 = %scan3A_315 to %scan3A_317 step %scan3A_318 iter_args(%scan3A_382 = %scan3A_314) -> (i32)  : i32 {
          %mul3A_383 = arith.constant 16 : i32
          %mul3A_384 = arith.muli %scan3A_381, %mul3A_383 : i32
          %add3A_385 = vector.broadcast %mul3A_384 : i32 to vector<16xi32>
          %add3A_386 = arith.addi %add3A_385, %iota3A : vector<16xi32>
          %jit3A_387 = arith.constant 6 : i32
          %div3A = vector.broadcast %jit3A_387 : i32 to vector<16xi32>
          %div3A_388 = arith.divsi %add3A_386, %div3A : vector<16xi32>
          %sign3A = arith.constant 0 : i32
          %sign3A_389 = vector.broadcast %sign3A : i32 to vector<16xi32>
          %sign3A_390 = arith.cmpi sgt, %add3A_386, %sign3A_389 : vector<16xi32>
          %sign3A_391 = arith.extui %sign3A_390 : vector<16xi1> to vector<16xi32>
          %sign3A_392 = arith.constant 0 : i32
          %sign3A_393 = vector.broadcast %sign3A_392 : i32 to vector<16xi32>
          %sign3A_394 = arith.cmpi slt, %add3A_386, %sign3A_393 : vector<16xi32>
          %sign3A_395 = arith.extui %sign3A_394 : vector<16xi1> to vector<16xi32>
          %sign3A_396 = arith.subi %sign3A_391, %sign3A_395 : vector<16xi32>
          %sign3A_397 = arith.constant 0 : i32
          %sign3A_398 = arith.cmpi sgt, %jit3A_387, %sign3A_397 : i32
          %sign3A_399 = arith.extui %sign3A_398 : i1 to i32
          %sign3A_400 = arith.constant 0 : i32
          %sign3A_401 = arith.cmpi slt, %jit3A_387, %sign3A_400 : i32
          %sign3A_402 = arith.extui %sign3A_401 : i1 to i32
          %sign3A_403 = arith.subi %sign3A_399, %sign3A_402 : i32
          %ne3A_404 = vector.broadcast %sign3A_403 : i32 to vector<16xi32>
          %ne3A_405 = arith.cmpi ne, %sign3A_396, %ne3A_404 : vector<16xi32>
          %rem3A_406 = vector.broadcast %jit3A_387 : i32 to vector<16xi32>
          %rem3A_407 = arith.remsi %add3A_386, %rem3A_406 : vector<16xi32>
          %ne3A_408 = arith.constant 0 : i32
          %ne3A_409 = vector.broadcast %ne3A_408 : i32 to vector<16xi32>
          %ne3A_410 = arith.cmpi ne, %rem3A_407, %ne3A_409 : vector<16xi32>
          %and3A_411 = arith.andi %ne3A_405, %ne3A_410 : vector<16xi1>
          %sub3A = arith.constant 1 : i32
          %sub3A_412 = vector.broadcast %sub3A : i32 to vector<16xi32>
          %sub3A_413 = arith.subi %div3A_388, %sub3A_412 : vector<16xi32>
          %select_n3A_414 = arith.select %and3A_411, %sub3A_413, %div3A_388 : vector<16xi1>, vector<16xi32>
          %jit3A_415 = arith.constant 6 : i32
          %eq3A_416 = arith.constant 0 : i32
          %eq3A_417 = arith.cmpi eq, %jit3A_415, %eq3A_416 : i32
          %jit3A_418 = arith.constant 1 : i32
          %select_n3A_419 = arith.select %eq3A_417, %jit3A_418, %jit3A_415 : i32
          %rem3A_420 = vector.broadcast %select_n3A_419 : i32 to vector<16xi32>
          %rem3A_421 = arith.remsi %add3A_386, %rem3A_420 : vector<16xi32>
          %ne3A_422 = arith.constant 0 : i32
          %ne3A_423 = vector.broadcast %ne3A_422 : i32 to vector<16xi32>
          %ne3A_424 = arith.cmpi ne, %rem3A_421, %ne3A_423 : vector<16xi32>
          %lt3A_425 = arith.constant 0 : i32
          %lt3A_426 = vector.broadcast %lt3A_425 : i32 to vector<16xi32>
          %lt3A_427 = arith.cmpi slt, %rem3A_421, %lt3A_426 : vector<16xi32>
          %lt3A_428 = arith.constant 0 : i32
          %lt3A_429 = arith.cmpi slt, %select_n3A_419, %lt3A_428 : i32
          %ne3A_430 = vector.broadcast %lt3A_429 : i1 to vector<16xi1>
          %ne3A_431 = vector.broadcast %ne3A_430 : vector<16xi1> to vector<16xi1>
          %ne3A_432 = arith.xori %lt3A_427, %ne3A_431 : vector<16xi1>
          %and3A_433 = arith.andi %ne3A_432, %ne3A_424 : vector<16xi1>
          %add3A_434 = vector.broadcast %select_n3A_419 : i32 to vector<16xi32>
          %add3A_435 = arith.addi %rem3A_421, %add3A_434 : vector<16xi32>
          %select_n3A_436 = arith.select %and3A_433, %add3A_435, %rem3A_421 : vector<16xi1>, vector<16xi32>
          %gather3A = tpu.vector_load_idx %arg8[%select_n3A_414, %select_n3A_436] : memref<64x6xi32, #tpu.memory_space<vmem>>[vector<16xi32>, vector<16xi32>], vector<16xi32>,
          %mul3A_437 = arith.constant 64 : i32
          %mul3A_438 = arith.muli %add3A_292, %mul3A_437 : i32
          %mul3A_439 = arith.constant 6 : i32
          %mul3A_440 = arith.muli %mul3A_438, %mul3A_439 : i32
          %mul3A_441 = arith.constant 16 : i32
          %mul3A_442 = arith.muli %scan3A_381, %mul3A_441 : i32
          %add3A_443 = arith.addi %mul3A_440, %mul3A_442 : i32
          %swap3A_444 = arith.index_cast %add3A_443 : i32 to index
          %swap3A_445 = tpu.vector_load %arg9[%swap3A_444] {strides = array<i32>} : memref<3072xi32, #tpu.memory_space<vmem>>, vector<16xi32>,
          tpu.vector_store %arg9[%swap3A_444], %gather3A {strides = array<i32>} : memref<3072xi32, #tpu.memory_space<vmem>>, vector<16xi32>,
          %scan3A_446 = arith.constant 0 : i32
          scf.yield %scan3A_446 : i32
        }
        %scan3A_320 = arith.constant 24 : i32
        %mul3A_321 = arith.constant 64 : i32
        %mul3A_322 = arith.muli %add3A_292, %mul3A_321 : i32
        %mul3A_323 = arith.constant 64 : i32
        %mul3A_324 = arith.muli %add3A_292, %mul3A_323 : i32
        %mul3A_325 = arith.constant 6 : i32
        %mul3A_326 = arith.muli %mul3A_324, %mul3A_325 : i32
        %add3A_327 = arith.constant 0 : i32
        %add3A_328 = arith.addi %mul3A_326, %add3A_327 : i32
        %mul3A_329 = arith.constant 64 : i32
        %mul3A_330 = arith.muli %add3A_292, %mul3A_329 : i32
        %mul3A_331 = arith.constant 6 : i32
        %mul3A_332 = arith.muli %mul3A_330, %mul3A_331 : i32
        %add3A_333 = arith.constant 128 : i32
        %add3A_334 = arith.addi %mul3A_332, %add3A_333 : i32
        %mul3A_335 = arith.constant 64 : i32
        %mul3A_336 = arith.muli %add3A_292, %mul3A_335 : i32
        %mul3A_337 = arith.constant 6 : i32
        %mul3A_338 = arith.muli %mul3A_336, %mul3A_337 : i32
        %add3A_339 = arith.constant 256 : i32
        %add3A_340 = arith.addi %mul3A_338, %add3A_339 : i32
        %dma_start3A_341 = arith.constant 0 : i32
        %dma_start3A_342 = arith.constant 0 : i32
        %dma_start3A_343 = tpu.memref_slice %arg10[%select_n3A_310, %dma_start3A_341, %dma_start3A_342] : memref<2x64x128xf32, #tpu.memory_space<vmem>> -> memref<1x64x128xf32, #tpu.memory_space<vmem>>
        %dma_start3A_344 = tpu.memref_squeeze %dma_start3A_343 : memref<1x64x128xf32, #tpu.memory_space<vmem>> -> memref<64x128xf32, #tpu.memory_space<vmem>>
        %dma_start3A_345 = tpu.memref_slice %arg7[%mul3A_322] : memref<512xi32, #tpu.memory_space<vmem>> -> memref<64xi32, #tpu.memory_space<vmem>>
        %dma_start3A_346 = arith.constant 0 : i32
        %dma_start3A_347 = arith.constant 0 : i32
        %dma_start3A_348 = tpu.memref_slice %arg4[%dma_start3A_346, %dma_start3A_347] : memref<1000000x128xf32, #tpu.memory_space<hbm>> -> memref<1000000x128xf32, #tpu.memory_space<hbm>>
        %dma_start3A_349 = tpu.memref_slice %arg14[%select_n3A_310] : memref<2x!tpu.dma_semaphore, #tpu.memory_space<semaphore_mem>> -> memref<1x!tpu.dma_semaphore, #tpu.memory_space<semaphore_mem>>
        %dma_start3A_350 = tpu.memref_squeeze %dma_start3A_349 : memref<1x!tpu.dma_semaphore, #tpu.memory_space<semaphore_mem>> -> memref<!tpu.dma_semaphore, #tpu.memory_space<semaphore_mem>>
        tpu.enqueue_indirect_dma source(%dma_start3A_348 : memref<1000000x128xf32, #tpu.memory_space<hbm>>) target(%dma_start3A_344 : memref<64x128xf32, #tpu.memory_space<vmem>>) offsets(%dma_start3A_345 : memref<64xi32, #tpu.memory_space<vmem>>) semaphore(%dma_start3A_350 : memref<!tpu.dma_semaphore, #tpu.memory_space<semaphore_mem>>)
        %dma_start3A_351 = arith.constant 0 : i32
        %dma_start3A_352 = arith.constant 0 : i32
        %dma_start3A_353 = tpu.memref_slice %arg11[%select_n3A_310, %dma_start3A_351, %dma_start3A_352] : memref<2x384x128xf32, #tpu.memory_space<vmem>> -> memref<1x128x128xf32, #tpu.memory_space<vmem>>
        %dma_start3A_354 = tpu.memref_squeeze %dma_start3A_353 : memref<1x128x128xf32, #tpu.memory_space<vmem>> -> memref<128x128xf32, #tpu.memory_space<vmem>>
        %dma_start3A_355 = tpu.memref_slice %arg9[%add3A_328] : memref<3072xi32, #tpu.memory_space<vmem>> -> memref<128xi32, #tpu.memory_space<vmem>>
        %dma_start3A_356 = arith.constant 0 : i32
        %dma_start3A_357 = arith.constant 0 : i32
        %dma_start3A_358 = tpu.memref_slice %arg5[%dma_start3A_356, %dma_start3A_357] : memref<1000000x128xf32, #tpu.memory_space<hbm>> -> memref<1000000x128xf32, #tpu.memory_space<hbm>>
        %dma_start3A_359 = tpu.memref_slice %arg14[%select_n3A_310] : memref<2x!tpu.dma_semaphore, #tpu.memory_space<semaphore_mem>> -> memref<1x!tpu.dma_semaphore, #tpu.memory_space<semaphore_mem>>
        %dma_start3A_360 = tpu.memref_squeeze %dma_start3A_359 : memref<1x!tpu.dma_semaphore, #tpu.memory_space<semaphore_mem>> -> memref<!tpu.dma_semaphore, #tpu.memory_space<semaphore_mem>>
        tpu.enqueue_indirect_dma source(%dma_start3A_358 : memref<1000000x128xf32, #tpu.memory_space<hbm>>) target(%dma_start3A_354 : memref<128x128xf32, #tpu.memory_space<vmem>>) offsets(%dma_start3A_355 : memref<128xi32, #tpu.memory_space<vmem>>) semaphore(%dma_start3A_360 : memref<!tpu.dma_semaphore, #tpu.memory_space<semaphore_mem>>)
        %dma_start3A_361 = arith.constant 128 : i32
        %dma_start3A_362 = arith.constant 0 : i32
        %dma_start3A_363 = tpu.memref_slice %arg11[%select_n3A_310, %dma_start3A_361, %dma_start3A_362] : memref<2x384x128xf32, #tpu.memory_space<vmem>> -> memref<1x128x128xf32, #tpu.memory_space<vmem>>
        %dma_start3A_364 = tpu.memref_squeeze %dma_start3A_363 : memref<1x128x128xf32, #tpu.memory_space<vmem>> -> memref<128x128xf32, #tpu.memory_space<vmem>>
        %dma_start3A_365 = tpu.memref_slice %arg9[%add3A_334] : memref<3072xi32, #tpu.memory_space<vmem>> -> memref<128xi32, #tpu.memory_space<vmem>>
        %dma_start3A_366 = arith.constant 0 : i32
        %dma_start3A_367 = arith.constant 0 : i32
        %dma_start3A_368 = tpu.memref_slice %arg5[%dma_start3A_366, %dma_start3A_367] : memref<1000000x128xf32, #tpu.memory_space<hbm>> -> memref<1000000x128xf32, #tpu.memory_space<hbm>>
        %dma_start3A_369 = tpu.memref_slice %arg14[%select_n3A_310] : memref<2x!tpu.dma_semaphore, #tpu.memory_space<semaphore_mem>> -> memref<1x!tpu.dma_semaphore, #tpu.memory_space<semaphore_mem>>
        %dma_start3A_370 = tpu.memref_squeeze %dma_start3A_369 : memref<1x!tpu.dma_semaphore, #tpu.memory_space<semaphore_mem>> -> memref<!tpu.dma_semaphore, #tpu.memory_space<semaphore_mem>>
        tpu.enqueue_indirect_dma source(%dma_start3A_368 : memref<1000000x128xf32, #tpu.memory_space<hbm>>) target(%dma_start3A_364 : memref<128x128xf32, #tpu.memory_space<vmem>>) offsets(%dma_start3A_365 : memref<128xi32, #tpu.memory_space<vmem>>) semaphore(%dma_start3A_370 : memref<!tpu.dma_semaphore, #tpu.memory_space<semaphore_mem>>)
        %dma_start3A_371 = arith.constant 256 : i32
        %dma_start3A_372 = arith.constant 0 : i32
        %dma_start3A_373 = tpu.memref_slice %arg11[%select_n3A_310, %dma_start3A_371, %dma_start3A_372] : memref<2x384x128xf32, #tpu.memory_space<vmem>> -> memref<1x128x128xf32, #tpu.memory_space<vmem>>
        %dma_start3A_374 = tpu.memref_squeeze %dma_start3A_373 : memref<1x128x128xf32, #tpu.memory_space<vmem>> -> memref<128x128xf32, #tpu.memory_space<vmem>>
        %dma_start3A_375 = tpu.memref_slice %arg9[%add3A_340] : memref<3072xi32, #tpu.memory_space<vmem>> -> memref<128xi32, #tpu.memory_space<vmem>>
        %dma_start3A_376 = arith.constant 0 : i32
        %dma_start3A_377 = arith.constant 0 : i32
        %dma_start3A_378 = tpu.memref_slice %arg5[%dma_start3A_376, %dma_start3A_377] : memref<1000000x128xf32, #tpu.memory_space<hbm>> -> memref<1000000x128xf32, #tpu.memory_space<hbm>>
        %dma_start3A_379 = tpu.memref_slice %arg14[%select_n3A_310] : memref<2x!tpu.dma_semaphore, #tpu.memory_space<semaphore_mem>> -> memref<1x!tpu.dma_semaphore, #tpu.memory_space<semaphore_mem>>
        %dma_start3A_380 = tpu.memref_squeeze %dma_start3A_379 : memref<1x!tpu.dma_semaphore, #tpu.memory_space<semaphore_mem>> -> memref<!tpu.dma_semaphore, #tpu.memory_space<semaphore_mem>>
        tpu.enqueue_indirect_dma source(%dma_start3A_378 : memref<1000000x128xf32, #tpu.memory_space<hbm>>) target(%dma_start3A_374 : memref<128x128xf32, #tpu.memory_space<vmem>>) offsets(%dma_start3A_375 : memref<128xi32, #tpu.memory_space<vmem>>) semaphore(%dma_start3A_380 : memref<!tpu.dma_semaphore, #tpu.memory_space<semaphore_mem>>)
      } else {
      }
      %jit3A_194 = arith.constant 2 : i32
      %eq3A_195 = arith.constant 0 : i32
      %eq3A_196 = arith.cmpi eq, %jit3A_194, %eq3A_195 : i32
      %jit3A_197 = arith.constant 1 : i32
      %select_n3A_198 = arith.select %eq3A_196, %jit3A_197, %jit3A_194 : i32
      %rem3A_199 = arith.remsi %scan3A_187, %select_n3A_198 : i32
      %ne3A_200 = arith.constant 0 : i32
      %ne3A_201 = arith.cmpi ne, %rem3A_199, %ne3A_200 : i32
      %lt3A_202 = arith.constant 0 : i32
      %lt3A_203 = arith.cmpi slt, %rem3A_199, %lt3A_202 : i32
      %lt3A_204 = arith.constant 0 : i32
      %lt3A_205 = arith.cmpi slt, %select_n3A_198, %lt3A_204 : i32
      %ne3A_206 = arith.xori %lt3A_203, %lt3A_205 : i1
      %and3A_207 = arith.andi %ne3A_206, %ne3A_201 : i1
      %add3A_208 = arith.addi %rem3A_199, %select_n3A_198 : i32
      %select_n3A_209 = arith.select %and3A_207, %add3A_208, %rem3A_199 : i32
      %mul3A_210 = arith.constant 64 : i32
      %mul3A_211 = arith.muli %scan3A_187, %mul3A_210 : i32
      %mul3A_212 = arith.constant 64 : i32
      %mul3A_213 = arith.muli %scan3A_187, %mul3A_212 : i32
      %mul3A_214 = arith.constant 6 : i32
      %mul3A_215 = arith.muli %mul3A_213, %mul3A_214 : i32
      %add3A_216 = arith.constant 0 : i32
      %add3A_217 = arith.addi %mul3A_215, %add3A_216 : i32
      %mul3A_218 = arith.constant 64 : i32
      %mul3A_219 = arith.muli %scan3A_187, %mul3A_218 : i32
      %mul3A_220 = arith.constant 6 : i32
      %mul3A_221 = arith.muli %mul3A_219, %mul3A_220 : i32
      %add3A_222 = arith.constant 128 : i32
      %add3A_223 = arith.addi %mul3A_221, %add3A_222 : i32
      %mul3A_224 = arith.constant 64 : i32
      %mul3A_225 = arith.muli %scan3A_187, %mul3A_224 : i32
      %mul3A_226 = arith.constant 6 : i32
      %mul3A_227 = arith.muli %mul3A_225, %mul3A_226 : i32
      %add3A_228 = arith.constant 256 : i32
      %add3A_229 = arith.addi %mul3A_227, %add3A_228 : i32
      %dma_wait3A = arith.constant 0 : i32
      %dma_wait3A_230 = arith.constant 0 : i32
      %dma_wait3A_231 = tpu.memref_slice %arg10[%select_n3A_209, %dma_wait3A, %dma_wait3A_230] : memref<2x64x128xf32, #tpu.memory_space<vmem>> -> memref<1x64x128xf32, #tpu.memory_space<vmem>>
      %dma_wait3A_232 = tpu.memref_squeeze %dma_wait3A_231 : memref<1x64x128xf32, #tpu.memory_space<vmem>> -> memref<64x128xf32, #tpu.memory_space<vmem>>
      %dma_wait3A_233 = tpu.memref_slice %arg7[%mul3A_211] : memref<512xi32, #tpu.memory_space<vmem>> -> memref<64xi32, #tpu.memory_space<vmem>>
      %dma_wait3A_234 = arith.constant 0 : i32
      %dma_wait3A_235 = arith.constant 0 : i32
      %dma_wait3A_236 = tpu.memref_slice %arg4[%dma_wait3A_234, %dma_wait3A_235] : memref<1000000x128xf32, #tpu.memory_space<hbm>> -> memref<1000000x128xf32, #tpu.memory_space<hbm>>
      %dma_wait3A_237 = tpu.memref_slice %arg14[%select_n3A_209] : memref<2x!tpu.dma_semaphore, #tpu.memory_space<semaphore_mem>> -> memref<1x!tpu.dma_semaphore, #tpu.memory_space<semaphore_mem>>
      %dma_wait3A_238 = tpu.memref_squeeze %dma_wait3A_237 : memref<1x!tpu.dma_semaphore, #tpu.memory_space<semaphore_mem>> -> memref<!tpu.dma_semaphore, #tpu.memory_space<semaphore_mem>>
      tpu.wait_indirect_dma semaphore(%dma_wait3A_238 : memref<!tpu.dma_semaphore, #tpu.memory_space<semaphore_mem>>) src(%dma_wait3A_236 : memref<1000000x128xf32, #tpu.memory_space<hbm>>) dst(%dma_wait3A_232 : memref<64x128xf32, #tpu.memory_space<vmem>>)
      %dma_wait3A_239 = arith.constant 0 : i32
      %dma_wait3A_240 = arith.constant 0 : i32
      %dma_wait3A_241 = tpu.memref_slice %arg11[%select_n3A_209, %dma_wait3A_239, %dma_wait3A_240] : memref<2x384x128xf32, #tpu.memory_space<vmem>> -> memref<1x128x128xf32, #tpu.memory_space<vmem>>
      %dma_wait3A_242 = tpu.memref_squeeze %dma_wait3A_241 : memref<1x128x128xf32, #tpu.memory_space<vmem>> -> memref<128x128xf32, #tpu.memory_space<vmem>>
      %dma_wait3A_243 = tpu.memref_slice %arg9[%add3A_217] : memref<3072xi32, #tpu.memory_space<vmem>> -> memref<128xi32, #tpu.memory_space<vmem>>
      %dma_wait3A_244 = arith.constant 0 : i32
      %dma_wait3A_245 = arith.constant 0 : i32
      %dma_wait3A_246 = tpu.memref_slice %arg5[%dma_wait3A_244, %dma_wait3A_245] : memref<1000000x128xf32, #tpu.memory_space<hbm>> -> memref<1000000x128xf32, #tpu.memory_space<hbm>>
      %dma_wait3A_247 = tpu.memref_slice %arg14[%select_n3A_209] : memref<2x!tpu.dma_semaphore, #tpu.memory_space<semaphore_mem>> -> memref<1x!tpu.dma_semaphore, #tpu.memory_space<semaphore_mem>>
      %dma_wait3A_248 = tpu.memref_squeeze %dma_wait3A_247 : memref<1x!tpu.dma_semaphore, #tpu.memory_space<semaphore_mem>> -> memref<!tpu.dma_semaphore, #tpu.memory_space<semaphore_mem>>
      tpu.wait_indirect_dma semaphore(%dma_wait3A_248 : memref<!tpu.dma_semaphore, #tpu.memory_space<semaphore_mem>>) src(%dma_wait3A_246 : memref<1000000x128xf32, #tpu.memory_space<hbm>>) dst(%dma_wait3A_242 : memref<128x128xf32, #tpu.memory_space<vmem>>)
      %dma_wait3A_249 = arith.constant 128 : i32
      %dma_wait3A_250 = arith.constant 0 : i32
      %dma_wait3A_251 = tpu.memref_slice %arg11[%select_n3A_209, %dma_wait3A_249, %dma_wait3A_250] : memref<2x384x128xf32, #tpu.memory_space<vmem>> -> memref<1x128x128xf32, #tpu.memory_space<vmem>>
      %dma_wait3A_252 = tpu.memref_squeeze %dma_wait3A_251 : memref<1x128x128xf32, #tpu.memory_space<vmem>> -> memref<128x128xf32, #tpu.memory_space<vmem>>
      %dma_wait3A_253 = tpu.memref_slice %arg9[%add3A_223] : memref<3072xi32, #tpu.memory_space<vmem>> -> memref<128xi32, #tpu.memory_space<vmem>>
      %dma_wait3A_254 = arith.constant 0 : i32
      %dma_wait3A_255 = arith.constant 0 : i32
      %dma_wait3A_256 = tpu.memref_slice %arg5[%dma_wait3A_254, %dma_wait3A_255] : memref<1000000x128xf32, #tpu.memory_space<hbm>> -> memref<1000000x128xf32, #tpu.memory_space<hbm>>
      %dma_wait3A_257 = tpu.memref_slice %arg14[%select_n3A_209] : memref<2x!tpu.dma_semaphore, #tpu.memory_space<semaphore_mem>> -> memref<1x!tpu.dma_semaphore, #tpu.memory_space<semaphore_mem>>
      %dma_wait3A_258 = tpu.memref_squeeze %dma_wait3A_257 : memref<1x!tpu.dma_semaphore, #tpu.memory_space<semaphore_mem>> -> memref<!tpu.dma_semaphore, #tpu.memory_space<semaphore_mem>>
      tpu.wait_indirect_dma semaphore(%dma_wait3A_258 : memref<!tpu.dma_semaphore, #tpu.memory_space<semaphore_mem>>) src(%dma_wait3A_256 : memref<1000000x128xf32, #tpu.memory_space<hbm>>) dst(%dma_wait3A_252 : memref<128x128xf32, #tpu.memory_space<vmem>>)
      %dma_wait3A_259 = arith.constant 256 : i32
      %dma_wait3A_260 = arith.constant 0 : i32
      %dma_wait3A_261 = tpu.memref_slice %arg11[%select_n3A_209, %dma_wait3A_259, %dma_wait3A_260] : memref<2x384x128xf32, #tpu.memory_space<vmem>> -> memref<1x128x128xf32, #tpu.memory_space<vmem>>
      %dma_wait3A_262 = tpu.memref_squeeze %dma_wait3A_261 : memref<1x128x128xf32, #tpu.memory_space<vmem>> -> memref<128x128xf32, #tpu.memory_space<vmem>>
      %dma_wait3A_263 = tpu.memref_slice %arg9[%add3A_229] : memref<3072xi32, #tpu.memory_space<vmem>> -> memref<128xi32, #tpu.memory_space<vmem>>
      %dma_wait3A_264 = arith.constant 0 : i32
      %dma_wait3A_265 = arith.constant 0 : i32
      %dma_wait3A_266 = tpu.memref_slice %arg5[%dma_wait3A_264, %dma_wait3A_265] : memref<1000000x128xf32, #tpu.memory_space<hbm>> -> memref<1000000x128xf32, #tpu.memory_space<hbm>>
      %dma_wait3A_267 = tpu.memref_slice %arg14[%select_n3A_209] : memref<2x!tpu.dma_semaphore, #tpu.memory_space<semaphore_mem>> -> memref<1x!tpu.dma_semaphore, #tpu.memory_space<semaphore_mem>>
      %dma_wait3A_268 = tpu.memref_squeeze %dma_wait3A_267 : memref<1x!tpu.dma_semaphore, #tpu.memory_space<semaphore_mem>> -> memref<!tpu.dma_semaphore, #tpu.memory_space<semaphore_mem>>
      tpu.wait_indirect_dma semaphore(%dma_wait3A_268 : memref<!tpu.dma_semaphore, #tpu.memory_space<semaphore_mem>>) src(%dma_wait3A_266 : memref<1000000x128xf32, #tpu.memory_space<hbm>>) dst(%dma_wait3A_262 : memref<128x128xf32, #tpu.memory_space<vmem>>)
      %jit3A_269 = arith.constant 2 : i32
      %eq3A_270 = arith.constant 0 : i32
      %eq3A_271 = arith.cmpi eq, %jit3A_269, %eq3A_270 : i32
      %jit3A_272 = arith.constant 1 : i32
      %select_n3A_273 = arith.select %eq3A_271, %jit3A_272, %jit3A_269 : i32
      %rem3A_274 = arith.remsi %scan3A_187, %select_n3A_273 : i32
      %ne3A_275 = arith.constant 0 : i32
      %ne3A_276 = arith.cmpi ne, %rem3A_274, %ne3A_275 : i32
      %lt3A_277 = arith.constant 0 : i32
      %lt3A_278 = arith.cmpi slt, %rem3A_274, %lt3A_277 : i32
      %lt3A_279 = arith.constant 0 : i32
      %lt3A_280 = arith.cmpi slt, %select_n3A_273, %lt3A_279 : i32
      %ne3A_281 = arith.xori %lt3A_278, %lt3A_280 : i1
      %and3A_282 = arith.andi %ne3A_281, %ne3A_276 : i1
      %add3A_283 = arith.addi %rem3A_274, %select_n3A_273 : i32
      %select_n3A_284 = arith.select %and3A_282, %add3A_283, %rem3A_274 : i32
      %scan3A_285 = arith.constant 0 : i32
      %scan3A_286 = arith.constant 8 : i32
      %scan3A_287 = arith.addi %scan3A_285, %scan3A_286 : i32
      %scan3A_288 = arith.constant 1 : i32
      %scan3A_289 = scf.for %scan3A_291 = %scan3A_285 to %scan3A_287 step %scan3A_288 iter_args(%scan3A_292 = %scan3A_188) -> (vector<16xf32>)  : i32 {
        %mul3A_293 = arith.constant 8 : i32
        %mul3A_294 = arith.muli %scan3A_291, %mul3A_293 : i32
        %add3A_295 = arith.constant 0 : i32
        %add3A_296 = arith.addi %mul3A_294, %add3A_295 : i32
        %get3A = arith.index_cast %select_n3A_284 : i32 to index
        %get3A_297 = arith.index_cast %add3A_296 : i32 to index
        %get3A_298 = arith.constant 0 : index
        %get3A_299 = tpu.vector_load %arg10[%get3A, %get3A_297, %get3A_298] {strides = array<i32>} : memref<2x64x128xf32, #tpu.memory_space<vmem>>, vector<16xf32>,
        %get3A_300 = arith.index_cast %select_n3A_284 : i32 to index
        %get3A_301 = arith.index_cast %add3A_296 : i32 to index
        %get3A_302 = arith.constant 16 : index
        %get3A_303 = tpu.vector_load %arg10[%get3A_300, %get3A_301, %get3A_302] {strides = array<i32>} : memref<2x64x128xf32, #tpu.memory_space<vmem>>, vector<16xf32>,
        %get3A_304 = arith.index_cast %select_n3A_284 : i32 to index
        %get3A_305 = arith.index_cast %add3A_296 : i32 to index
        %get3A_306 = arith.constant 32 : index
        %get3A_307 = tpu.vector_load %arg10[%get3A_304, %get3A_305, %get3A_306] {strides = array<i32>} : memref<2x64x128xf32, #tpu.memory_space<vmem>>, vector<16xf32>,
        %get3A_308 = arith.index_cast %select_n3A_284 : i32 to index
        %get3A_309 = arith.index_cast %add3A_296 : i32 to index
        %get3A_310 = arith.constant 48 : index
        %get3A_311 = tpu.vector_load %arg10[%get3A_308, %get3A_309, %get3A_310] {strides = array<i32>} : memref<2x64x128xf32, #tpu.memory_space<vmem>>, vector<16xf32>,
        %get3A_312 = arith.index_cast %select_n3A_284 : i32 to index
        %get3A_313 = arith.index_cast %add3A_296 : i32 to index
        %get3A_314 = arith.constant 64 : index
        %get3A_315 = tpu.vector_load %arg10[%get3A_312, %get3A_313, %get3A_314] {strides = array<i32>} : memref<2x64x128xf32, #tpu.memory_space<vmem>>, vector<16xf32>,
        %get3A_316 = arith.index_cast %select_n3A_284 : i32 to index
        %get3A_317 = arith.index_cast %add3A_296 : i32 to index
        %get3A_318 = arith.constant 80 : index
        %get3A_319 = tpu.vector_load %arg10[%get3A_316, %get3A_317, %get3A_318] {strides = array<i32>} : memref<2x64x128xf32, #tpu.memory_space<vmem>>, vector<16xf32>,
        %get3A_320 = arith.index_cast %select_n3A_284 : i32 to index
        %get3A_321 = arith.index_cast %add3A_296 : i32 to index
        %get3A_322 = arith.constant 96 : index
        %get3A_323 = tpu.vector_load %arg10[%get3A_320, %get3A_321, %get3A_322] {strides = array<i32>} : memref<2x64x128xf32, #tpu.memory_space<vmem>>, vector<16xf32>,
        %get3A_324 = arith.index_cast %select_n3A_284 : i32 to index
        %get3A_325 = arith.index_cast %add3A_296 : i32 to index
        %get3A_326 = arith.constant 112 : index
        %get3A_327 = tpu.vector_load %arg10[%get3A_324, %get3A_325, %get3A_326] {strides = array<i32>} : memref<2x64x128xf32, #tpu.memory_space<vmem>>, vector<16xf32>,
        %mul3A_328 = arith.constant 6 : i32
        %mul3A_329 = arith.muli %add3A_296, %mul3A_328 : i32
        %add3A_330 = arith.constant 0 : i32
        %add3A_331 = arith.addi %mul3A_329, %add3A_330 : i32
        %get3A_332 = arith.index_cast %select_n3A_284 : i32 to index
        %get3A_333 = arith.index_cast %add3A_331 : i32 to index
        %get3A_334 = arith.constant 0 : index
        %get3A_335 = tpu.vector_load %arg11[%get3A_332, %get3A_333, %get3A_334] {strides = array<i32>} : memref<2x384x128xf32, #tpu.memory_space<vmem>>, vector<16xf32>,
        %mul3A_336 = arith.mulf %get3A_299, %get3A_335 : vector<16xf32>
        %get3A_337 = arith.index_cast %select_n3A_284 : i32 to index
        %get3A_338 = arith.index_cast %add3A_331 : i32 to index
        %get3A_339 = arith.constant 16 : index
        %get3A_340 = tpu.vector_load %arg11[%get3A_337, %get3A_338, %get3A_339] {strides = array<i32>} : memref<2x384x128xf32, #tpu.memory_space<vmem>>, vector<16xf32>,
        %mul3A_341 = arith.mulf %get3A_303, %get3A_340 : vector<16xf32>
        %get3A_342 = arith.index_cast %select_n3A_284 : i32 to index
        %get3A_343 = arith.index_cast %add3A_331 : i32 to index
        %get3A_344 = arith.constant 32 : index
        %get3A_345 = tpu.vector_load %arg11[%get3A_342, %get3A_343, %get3A_344] {strides = array<i32>} : memref<2x384x128xf32, #tpu.memory_space<vmem>>, vector<16xf32>,
        %mul3A_346 = arith.mulf %get3A_307, %get3A_345 : vector<16xf32>
        %get3A_347 = arith.index_cast %select_n3A_284 : i32 to index
        %get3A_348 = arith.index_cast %add3A_331 : i32 to index
        %get3A_349 = arith.constant 48 : index
        %get3A_350 = tpu.vector_load %arg11[%get3A_347, %get3A_348, %get3A_349] {strides = array<i32>} : memref<2x384x128xf32, #tpu.memory_space<vmem>>, vector<16xf32>,
        %mul3A_351 = arith.mulf %get3A_311, %get3A_350 : vector<16xf32>
        %get3A_352 = arith.index_cast %select_n3A_284 : i32 to index
        %get3A_353 = arith.index_cast %add3A_331 : i32 to index
        %get3A_354 = arith.constant 64 : index
        %get3A_355 = tpu.vector_load %arg11[%get3A_352, %get3A_353, %get3A_354] {strides = array<i32>} : memref<2x384x128xf32, #tpu.memory_space<vmem>>, vector<16xf32>,
        %mul3A_356 = arith.mulf %get3A_315, %get3A_355 : vector<16xf32>
        %get3A_357 = arith.index_cast %select_n3A_284 : i32 to index
        %get3A_358 = arith.index_cast %add3A_331 : i32 to index
        %get3A_359 = arith.constant 80 : index
        %get3A_360 = tpu.vector_load %arg11[%get3A_357, %get3A_358, %get3A_359] {strides = array<i32>} : memref<2x384x128xf32, #tpu.memory_space<vmem>>, vector<16xf32>,
        %mul3A_361 = arith.mulf %get3A_319, %get3A_360 : vector<16xf32>
        %get3A_362 = arith.index_cast %select_n3A_284 : i32 to index
        %get3A_363 = arith.index_cast %add3A_331 : i32 to index
        %get3A_364 = arith.constant 96 : index
        %get3A_365 = tpu.vector_load %arg11[%get3A_362, %get3A_363, %get3A_364] {strides = array<i32>} : memref<2x384x128xf32, #tpu.memory_space<vmem>>, vector<16xf32>,
        %mul3A_366 = arith.mulf %get3A_323, %get3A_365 : vector<16xf32>
        %get3A_367 = arith.index_cast %select_n3A_284 : i32 to index
        %get3A_368 = arith.index_cast %add3A_331 : i32 to index
        %get3A_369 = arith.constant 112 : index
        %get3A_370 = tpu.vector_load %arg11[%get3A_367, %get3A_368, %get3A_369] {strides = array<i32>} : memref<2x384x128xf32, #tpu.memory_space<vmem>>, vector<16xf32>,
        %mul3A_371 = arith.mulf %get3A_327, %get3A_370 : vector<16xf32>
        %add3A_372 = arith.addf %mul3A_336, %mul3A_341 : vector<16xf32>
        %add3A_373 = arith.addf %mul3A_346, %mul3A_351 : vector<16xf32>
        %add3A_374 = arith.addf %mul3A_356, %mul3A_361 : vector<16xf32>
        %add3A_375 = arith.addf %mul3A_366, %mul3A_371 : vector<16xf32>
        %add3A_376 = arith.addf %add3A_372, %add3A_373 : vector<16xf32>
        %add3A_377 = arith.addf %add3A_374, %add3A_375 : vector<16xf32>
        %add3A_378 = arith.addf %add3A_376, %add3A_377 : vector<16xf32>
        %swap3A_379 = arith.constant 0 : index
        %swap3A_380 = tpu.vector_load %arg13[%swap3A_379] {strides = array<i32>} : memref<768xf32, #tpu.memory_space<vmem>>, vector<16xf32>,
        tpu.vector_store %arg13[%swap3A_379], %add3A_378 {strides = array<i32>} : memref<768xf32, #tpu.memory_space<vmem>>, vector<16xf32>,
        %mul3A_381 = arith.constant 6 : i32
        %mul3A_382 = arith.muli %add3A_296, %mul3A_381 : i32
        %add3A_383 = arith.constant 1 : i32
        %add3A_384 = arith.addi %mul3A_382, %add3A_383 : i32
        %get3A_385 = arith.index_cast %select_n3A_284 : i32 to index
        %get3A_386 = arith.index_cast %add3A_384 : i32 to index
        %get3A_387 = arith.constant 0 : index
        %get3A_388 = tpu.vector_load %arg11[%get3A_385, %get3A_386, %get3A_387] {strides = array<i32>} : memref<2x384x128xf32, #tpu.memory_space<vmem>>, vector<16xf32>,
        %mul3A_389 = arith.mulf %get3A_299, %get3A_388 : vector<16xf32>
        %get3A_390 = arith.index_cast %select_n3A_284 : i32 to index
        %get3A_391 = arith.index_cast %add3A_384 : i32 to index
        %get3A_392 = arith.constant 16 : index
        %get3A_393 = tpu.vector_load %arg11[%get3A_390, %get3A_391, %get3A_392] {strides = array<i32>} : memref<2x384x128xf32, #tpu.memory_space<vmem>>, vector<16xf32>,
        %mul3A_394 = arith.mulf %get3A_303, %get3A_393 : vector<16xf32>
        %get3A_395 = arith.index_cast %select_n3A_284 : i32 to index
        %get3A_396 = arith.index_cast %add3A_384 : i32 to index
        %get3A_397 = arith.constant 32 : index
        %get3A_398 = tpu.vector_load %arg11[%get3A_395, %get3A_396, %get3A_397] {strides = array<i32>} : memref<2x384x128xf32, #tpu.memory_space<vmem>>, vector<16xf32>,
        %mul3A_399 = arith.mulf %get3A_307, %get3A_398 : vector<16xf32>
        %get3A_400 = arith.index_cast %select_n3A_284 : i32 to index
        %get3A_401 = arith.index_cast %add3A_384 : i32 to index
        %get3A_402 = arith.constant 48 : index
        %get3A_403 = tpu.vector_load %arg11[%get3A_400, %get3A_401, %get3A_402] {strides = array<i32>} : memref<2x384x128xf32, #tpu.memory_space<vmem>>, vector<16xf32>,
        %mul3A_404 = arith.mulf %get3A_311, %get3A_403 : vector<16xf32>
        %get3A_405 = arith.index_cast %select_n3A_284 : i32 to index
        %get3A_406 = arith.index_cast %add3A_384 : i32 to index
        %get3A_407 = arith.constant 64 : index
        %get3A_408 = tpu.vector_load %arg11[%get3A_405, %get3A_406, %get3A_407] {strides = array<i32>} : memref<2x384x128xf32, #tpu.memory_space<vmem>>, vector<16xf32>,
        %mul3A_409 = arith.mulf %get3A_315, %get3A_408 : vector<16xf32>
        %get3A_410 = arith.index_cast %select_n3A_284 : i32 to index
        %get3A_411 = arith.index_cast %add3A_384 : i32 to index
        %get3A_412 = arith.constant 80 : index
        %get3A_413 = tpu.vector_load %arg11[%get3A_410, %get3A_411, %get3A_412] {strides = array<i32>} : memref<2x384x128xf32, #tpu.memory_space<vmem>>, vector<16xf32>,
        %mul3A_414 = arith.mulf %get3A_319, %get3A_413 : vector<16xf32>
        %get3A_415 = arith.index_cast %select_n3A_284 : i32 to index
        %get3A_416 = arith.index_cast %add3A_384 : i32 to index
        %get3A_417 = arith.constant 96 : index
        %get3A_418 = tpu.vector_load %arg11[%get3A_415, %get3A_416, %get3A_417] {strides = array<i32>} : memref<2x384x128xf32, #tpu.memory_space<vmem>>, vector<16xf32>,
        %mul3A_419 = arith.mulf %get3A_323, %get3A_418 : vector<16xf32>
        %get3A_420 = arith.index_cast %select_n3A_284 : i32 to index
        %get3A_421 = arith.index_cast %add3A_384 : i32 to index
        %get3A_422 = arith.constant 112 : index
        %get3A_423 = tpu.vector_load %arg11[%get3A_420, %get3A_421, %get3A_422] {strides = array<i32>} : memref<2x384x128xf32, #tpu.memory_space<vmem>>, vector<16xf32>,
        %mul3A_424 = arith.mulf %get3A_327, %get3A_423 : vector<16xf32>
        %add3A_425 = arith.addf %mul3A_389, %mul3A_394 : vector<16xf32>
        %add3A_426 = arith.addf %mul3A_399, %mul3A_404 : vector<16xf32>
        %add3A_427 = arith.addf %mul3A_409, %mul3A_414 : vector<16xf32>
        %add3A_428 = arith.addf %mul3A_419, %mul3A_424 : vector<16xf32>
        %add3A_429 = arith.addf %add3A_425, %add3A_426 : vector<16xf32>
        %add3A_430 = arith.addf %add3A_427, %add3A_428 : vector<16xf32>
        %add3A_431 = arith.addf %add3A_429, %add3A_430 : vector<16xf32>
        %swap3A_432 = arith.constant 16 : index
        %swap3A_433 = tpu.vector_load %arg13[%swap3A_432] {strides = array<i32>} : memref<768xf32, #tpu.memory_space<vmem>>, vector<16xf32>,
        tpu.vector_store %arg13[%swap3A_432], %add3A_431 {strides = array<i32>} : memref<768xf32, #tpu.memory_space<vmem>>, vector<16xf32>,
        %mul3A_434 = arith.constant 6 : i32
        %mul3A_435 = arith.muli %add3A_296, %mul3A_434 : i32
        %add3A_436 = arith.constant 2 : i32
        %add3A_437 = arith.addi %mul3A_435, %add3A_436 : i32
        %get3A_438 = arith.index_cast %select_n3A_284 : i32 to index
        %get3A_439 = arith.index_cast %add3A_437 : i32 to index
        %get3A_440 = arith.constant 0 : index
        %get3A_441 = tpu.vector_load %arg11[%get3A_438, %get3A_439, %get3A_440] {strides = array<i32>} : memref<2x384x128xf32, #tpu.memory_space<vmem>>, vector<16xf32>,
        %mul3A_442 = arith.mulf %get3A_299, %get3A_441 : vector<16xf32>
        %get3A_443 = arith.index_cast %select_n3A_284 : i32 to index
        %get3A_444 = arith.index_cast %add3A_437 : i32 to index
        %get3A_445 = arith.constant 16 : index
        %get3A_446 = tpu.vector_load %arg11[%get3A_443, %get3A_444, %get3A_445] {strides = array<i32>} : memref<2x384x128xf32, #tpu.memory_space<vmem>>, vector<16xf32>,
        %mul3A_447 = arith.mulf %get3A_303, %get3A_446 : vector<16xf32>
        %get3A_448 = arith.index_cast %select_n3A_284 : i32 to index
        %get3A_449 = arith.index_cast %add3A_437 : i32 to index
        %get3A_450 = arith.constant 32 : index
        %get3A_451 = tpu.vector_load %arg11[%get3A_448, %get3A_449, %get3A_450] {strides = array<i32>} : memref<2x384x128xf32, #tpu.memory_space<vmem>>, vector<16xf32>,
        %mul3A_452 = arith.mulf %get3A_307, %get3A_451 : vector<16xf32>
        %get3A_453 = arith.index_cast %select_n3A_284 : i32 to index
        %get3A_454 = arith.index_cast %add3A_437 : i32 to index
        %get3A_455 = arith.constant 48 : index
        %get3A_456 = tpu.vector_load %arg11[%get3A_453, %get3A_454, %get3A_455] {strides = array<i32>} : memref<2x384x128xf32, #tpu.memory_space<vmem>>, vector<16xf32>,
        %mul3A_457 = arith.mulf %get3A_311, %get3A_456 : vector<16xf32>
        %get3A_458 = arith.index_cast %select_n3A_284 : i32 to index
        %get3A_459 = arith.index_cast %add3A_437 : i32 to index
        %get3A_460 = arith.constant 64 : index
        %get3A_461 = tpu.vector_load %arg11[%get3A_458, %get3A_459, %get3A_460] {strides = array<i32>} : memref<2x384x128xf32, #tpu.memory_space<vmem>>, vector<16xf32>,
        %mul3A_462 = arith.mulf %get3A_315, %get3A_461 : vector<16xf32>
        %get3A_463 = arith.index_cast %select_n3A_284 : i32 to index
        %get3A_464 = arith.index_cast %add3A_437 : i32 to index
        %get3A_465 = arith.constant 80 : index
        %get3A_466 = tpu.vector_load %arg11[%get3A_463, %get3A_464, %get3A_465] {strides = array<i32>} : memref<2x384x128xf32, #tpu.memory_space<vmem>>, vector<16xf32>,
        %mul3A_467 = arith.mulf %get3A_319, %get3A_466 : vector<16xf32>
        %get3A_468 = arith.index_cast %select_n3A_284 : i32 to index
        %get3A_469 = arith.index_cast %add3A_437 : i32 to index
        %get3A_470 = arith.constant 96 : index
        %get3A_471 = tpu.vector_load %arg11[%get3A_468, %get3A_469, %get3A_470] {strides = array<i32>} : memref<2x384x128xf32, #tpu.memory_space<vmem>>, vector<16xf32>,
        %mul3A_472 = arith.mulf %get3A_323, %get3A_471 : vector<16xf32>
        %get3A_473 = arith.index_cast %select_n3A_284 : i32 to index
        %get3A_474 = arith.index_cast %add3A_437 : i32 to index
        %get3A_475 = arith.constant 112 : index
        %get3A_476 = tpu.vector_load %arg11[%get3A_473, %get3A_474, %get3A_475] {strides = array<i32>} : memref<2x384x128xf32, #tpu.memory_space<vmem>>, vector<16xf32>,
        %mul3A_477 = arith.mulf %get3A_327, %get3A_476 : vector<16xf32>
        %add3A_478 = arith.addf %mul3A_442, %mul3A_447 : vector<16xf32>
        %add3A_479 = arith.addf %mul3A_452, %mul3A_457 : vector<16xf32>
        %add3A_480 = arith.addf %mul3A_462, %mul3A_467 : vector<16xf32>
        %add3A_481 = arith.addf %mul3A_472, %mul3A_477 : vector<16xf32>
        %add3A_482 = arith.addf %add3A_478, %add3A_479 : vector<16xf32>
        %add3A_483 = arith.addf %add3A_480, %add3A_481 : vector<16xf32>
        %add3A_484 = arith.addf %add3A_482, %add3A_483 : vector<16xf32>
        %swap3A_485 = arith.constant 32 : index
        %swap3A_486 = tpu.vector_load %arg13[%swap3A_485] {strides = array<i32>} : memref<768xf32, #tpu.memory_space<vmem>>, vector<16xf32>,
        tpu.vector_store %arg13[%swap3A_485], %add3A_484 {strides = array<i32>} : memref<768xf32, #tpu.memory_space<vmem>>, vector<16xf32>,
        %mul3A_487 = arith.constant 6 : i32
        %mul3A_488 = arith.muli %add3A_296, %mul3A_487 : i32
        %add3A_489 = arith.constant 3 : i32
        %add3A_490 = arith.addi %mul3A_488, %add3A_489 : i32
        %get3A_491 = arith.index_cast %select_n3A_284 : i32 to index
        %get3A_492 = arith.index_cast %add3A_490 : i32 to index
        %get3A_493 = arith.constant 0 : index
        %get3A_494 = tpu.vector_load %arg11[%get3A_491, %get3A_492, %get3A_493] {strides = array<i32>} : memref<2x384x128xf32, #tpu.memory_space<vmem>>, vector<16xf32>,
        %mul3A_495 = arith.mulf %get3A_299, %get3A_494 : vector<16xf32>
        %get3A_496 = arith.index_cast %select_n3A_284 : i32 to index
        %get3A_497 = arith.index_cast %add3A_490 : i32 to index
        %get3A_498 = arith.constant 16 : index
        %get3A_499 = tpu.vector_load %arg11[%get3A_496, %get3A_497, %get3A_498] {strides = array<i32>} : memref<2x384x128xf32, #tpu.memory_space<vmem>>, vector<16xf32>,
        %mul3A_500 = arith.mulf %get3A_303, %get3A_499 : vector<16xf32>
        %get3A_501 = arith.index_cast %select_n3A_284 : i32 to index
        %get3A_502 = arith.index_cast %add3A_490 : i32 to index
        %get3A_503 = arith.constant 32 : index
        %get3A_504 = tpu.vector_load %arg11[%get3A_501, %get3A_502, %get3A_503] {strides = array<i32>} : memref<2x384x128xf32, #tpu.memory_space<vmem>>, vector<16xf32>,
        %mul3A_505 = arith.mulf %get3A_307, %get3A_504 : vector<16xf32>
        %get3A_506 = arith.index_cast %select_n3A_284 : i32 to index
        %get3A_507 = arith.index_cast %add3A_490 : i32 to index
        %get3A_508 = arith.constant 48 : index
        %get3A_509 = tpu.vector_load %arg11[%get3A_506, %get3A_507, %get3A_508] {strides = array<i32>} : memref<2x384x128xf32, #tpu.memory_space<vmem>>, vector<16xf32>,
        %mul3A_510 = arith.mulf %get3A_311, %get3A_509 : vector<16xf32>
        %get3A_511 = arith.index_cast %select_n3A_284 : i32 to index
        %get3A_512 = arith.index_cast %add3A_490 : i32 to index
        %get3A_513 = arith.constant 64 : index
        %get3A_514 = tpu.vector_load %arg11[%get3A_511, %get3A_512, %get3A_513] {strides = array<i32>} : memref<2x384x128xf32, #tpu.memory_space<vmem>>, vector<16xf32>,
        %mul3A_515 = arith.mulf %get3A_315, %get3A_514 : vector<16xf32>
        %get3A_516 = arith.index_cast %select_n3A_284 : i32 to index
        %get3A_517 = arith.index_cast %add3A_490 : i32 to index
        %get3A_518 = arith.constant 80 : index
        %get3A_519 = tpu.vector_load %arg11[%get3A_516, %get3A_517, %get3A_518] {strides = array<i32>} : memref<2x384x128xf32, #tpu.memory_space<vmem>>, vector<16xf32>,
        %mul3A_520 = arith.mulf %get3A_319, %get3A_519 : vector<16xf32>
        %get3A_521 = arith.index_cast %select_n3A_284 : i32 to index
        %get3A_522 = arith.index_cast %add3A_490 : i32 to index
        %get3A_523 = arith.constant 96 : index
        %get3A_524 = tpu.vector_load %arg11[%get3A_521, %get3A_522, %get3A_523] {strides = array<i32>} : memref<2x384x128xf32, #tpu.memory_space<vmem>>, vector<16xf32>,
        %mul3A_525 = arith.mulf %get3A_323, %get3A_524 : vector<16xf32>
        %get3A_526 = arith.index_cast %select_n3A_284 : i32 to index
        %get3A_527 = arith.index_cast %add3A_490 : i32 to index
        %get3A_528 = arith.constant 112 : index
        %get3A_529 = tpu.vector_load %arg11[%get3A_526, %get3A_527, %get3A_528] {strides = array<i32>} : memref<2x384x128xf32, #tpu.memory_space<vmem>>, vector<16xf32>,
        %mul3A_530 = arith.mulf %get3A_327, %get3A_529 : vector<16xf32>
        %add3A_531 = arith.addf %mul3A_495, %mul3A_500 : vector<16xf32>
        %add3A_532 = arith.addf %mul3A_505, %mul3A_510 : vector<16xf32>
        %add3A_533 = arith.addf %mul3A_515, %mul3A_520 : vector<16xf32>
        %add3A_534 = arith.addf %mul3A_525, %mul3A_530 : vector<16xf32>
        %add3A_535 = arith.addf %add3A_531, %add3A_532 : vector<16xf32>
        %add3A_536 = arith.addf %add3A_533, %add3A_534 : vector<16xf32>
        %add3A_537 = arith.addf %add3A_535, %add3A_536 : vector<16xf32>
        %swap3A_538 = arith.constant 48 : index
        %swap3A_539 = tpu.vector_load %arg13[%swap3A_538] {strides = array<i32>} : memref<768xf32, #tpu.memory_space<vmem>>, vector<16xf32>,
        tpu.vector_store %arg13[%swap3A_538], %add3A_537 {strides = array<i32>} : memref<768xf32, #tpu.memory_space<vmem>>, vector<16xf32>,
        %mul3A_540 = arith.constant 6 : i32
        %mul3A_541 = arith.muli %add3A_296, %mul3A_540 : i32
        %add3A_542 = arith.constant 4 : i32
        %add3A_543 = arith.addi %mul3A_541, %add3A_542 : i32
        %get3A_544 = arith.index_cast %select_n3A_284 : i32 to index
        %get3A_545 = arith.index_cast %add3A_543 : i32 to index
        %get3A_546 = arith.constant 0 : index
        %get3A_547 = tpu.vector_load %arg11[%get3A_544, %get3A_545, %get3A_546] {strides = array<i32>} : memref<2x384x128xf32, #tpu.memory_space<vmem>>, vector<16xf32>,
        %mul3A_548 = arith.mulf %get3A_299, %get3A_547 : vector<16xf32>
        %get3A_549 = arith.index_cast %select_n3A_284 : i32 to index
        %get3A_550 = arith.index_cast %add3A_543 : i32 to index
        %get3A_551 = arith.constant 16 : index
        %get3A_552 = tpu.vector_load %arg11[%get3A_549, %get3A_550, %get3A_551] {strides = array<i32>} : memref<2x384x128xf32, #tpu.memory_space<vmem>>, vector<16xf32>,
        %mul3A_553 = arith.mulf %get3A_303, %get3A_552 : vector<16xf32>
        %get3A_554 = arith.index_cast %select_n3A_284 : i32 to index
        %get3A_555 = arith.index_cast %add3A_543 : i32 to index
        %get3A_556 = arith.constant 32 : index
        %get3A_557 = tpu.vector_load %arg11[%get3A_554, %get3A_555, %get3A_556] {strides = array<i32>} : memref<2x384x128xf32, #tpu.memory_space<vmem>>, vector<16xf32>,
        %mul3A_558 = arith.mulf %get3A_307, %get3A_557 : vector<16xf32>
        %get3A_559 = arith.index_cast %select_n3A_284 : i32 to index
        %get3A_560 = arith.index_cast %add3A_543 : i32 to index
        %get3A_561 = arith.constant 48 : index
        %get3A_562 = tpu.vector_load %arg11[%get3A_559, %get3A_560, %get3A_561] {strides = array<i32>} : memref<2x384x128xf32, #tpu.memory_space<vmem>>, vector<16xf32>,
        %mul3A_563 = arith.mulf %get3A_311, %get3A_562 : vector<16xf32>
        %get3A_564 = arith.index_cast %select_n3A_284 : i32 to index
        %get3A_565 = arith.index_cast %add3A_543 : i32 to index
        %get3A_566 = arith.constant 64 : index
        %get3A_567 = tpu.vector_load %arg11[%get3A_564, %get3A_565, %get3A_566] {strides = array<i32>} : memref<2x384x128xf32, #tpu.memory_space<vmem>>, vector<16xf32>,
        %mul3A_568 = arith.mulf %get3A_315, %get3A_567 : vector<16xf32>
        %get3A_569 = arith.index_cast %select_n3A_284 : i32 to index
        %get3A_570 = arith.index_cast %add3A_543 : i32 to index
        %get3A_571 = arith.constant 80 : index
        %get3A_572 = tpu.vector_load %arg11[%get3A_569, %get3A_570, %get3A_571] {strides = array<i32>} : memref<2x384x128xf32, #tpu.memory_space<vmem>>, vector<16xf32>,
        %mul3A_573 = arith.mulf %get3A_319, %get3A_572 : vector<16xf32>
        %get3A_574 = arith.index_cast %select_n3A_284 : i32 to index
        %get3A_575 = arith.index_cast %add3A_543 : i32 to index
        %get3A_576 = arith.constant 96 : index
        %get3A_577 = tpu.vector_load %arg11[%get3A_574, %get3A_575, %get3A_576] {strides = array<i32>} : memref<2x384x128xf32, #tpu.memory_space<vmem>>, vector<16xf32>,
        %mul3A_578 = arith.mulf %get3A_323, %get3A_577 : vector<16xf32>
        %get3A_579 = arith.index_cast %select_n3A_284 : i32 to index
        %get3A_580 = arith.index_cast %add3A_543 : i32 to index
        %get3A_581 = arith.constant 112 : index
        %get3A_582 = tpu.vector_load %arg11[%get3A_579, %get3A_580, %get3A_581] {strides = array<i32>} : memref<2x384x128xf32, #tpu.memory_space<vmem>>, vector<16xf32>,
        %mul3A_583 = arith.mulf %get3A_327, %get3A_582 : vector<16xf32>
        %add3A_584 = arith.addf %mul3A_548, %mul3A_553 : vector<16xf32>
        %add3A_585 = arith.addf %mul3A_558, %mul3A_563 : vector<16xf32>
        %add3A_586 = arith.addf %mul3A_568, %mul3A_573 : vector<16xf32>
        %add3A_587 = arith.addf %mul3A_578, %mul3A_583 : vector<16xf32>
        %add3A_588 = arith.addf %add3A_584, %add3A_585 : vector<16xf32>
        %add3A_589 = arith.addf %add3A_586, %add3A_587 : vector<16xf32>
        %add3A_590 = arith.addf %add3A_588, %add3A_589 : vector<16xf32>
        %swap3A_591 = arith.constant 64 : index
        %swap3A_592 = tpu.vector_load %arg13[%swap3A_591] {strides = array<i32>} : memref<768xf32, #tpu.memory_space<vmem>>, vector<16xf32>,
        tpu.vector_store %arg13[%swap3A_591], %add3A_590 {strides = array<i32>} : memref<768xf32, #tpu.memory_space<vmem>>, vector<16xf32>,
        %mul3A_593 = arith.constant 6 : i32
        %mul3A_594 = arith.muli %add3A_296, %mul3A_593 : i32
        %add3A_595 = arith.constant 5 : i32
        %add3A_596 = arith.addi %mul3A_594, %add3A_595 : i32
        %get3A_597 = arith.index_cast %select_n3A_284 : i32 to index
        %get3A_598 = arith.index_cast %add3A_596 : i32 to index
        %get3A_599 = arith.constant 0 : index
        %get3A_600 = tpu.vector_load %arg11[%get3A_597, %get3A_598, %get3A_599] {strides = array<i32>} : memref<2x384x128xf32, #tpu.memory_space<vmem>>, vector<16xf32>,
        %mul3A_601 = arith.mulf %get3A_299, %get3A_600 : vector<16xf32>
        %get3A_602 = arith.index_cast %select_n3A_284 : i32 to index
        %get3A_603 = arith.index_cast %add3A_596 : i32 to index
        %get3A_604 = arith.constant 16 : index
        %get3A_605 = tpu.vector_load %arg11[%get3A_602, %get3A_603, %get3A_604] {strides = array<i32>} : memref<2x384x128xf32, #tpu.memory_space<vmem>>, vector<16xf32>,
        %mul3A_606 = arith.mulf %get3A_303, %get3A_605 : vector<16xf32>
        %get3A_607 = arith.index_cast %select_n3A_284 : i32 to index
        %get3A_608 = arith.index_cast %add3A_596 : i32 to index
        %get3A_609 = arith.constant 32 : index
        %get3A_610 = tpu.vector_load %arg11[%get3A_607, %get3A_608, %get3A_609] {strides = array<i32>} : memref<2x384x128xf32, #tpu.memory_space<vmem>>, vector<16xf32>,
        %mul3A_611 = arith.mulf %get3A_307, %get3A_610 : vector<16xf32>
        %get3A_612 = arith.index_cast %select_n3A_284 : i32 to index
        %get3A_613 = arith.index_cast %add3A_596 : i32 to index
        %get3A_614 = arith.constant 48 : index
        %get3A_615 = tpu.vector_load %arg11[%get3A_612, %get3A_613, %get3A_614] {strides = array<i32>} : memref<2x384x128xf32, #tpu.memory_space<vmem>>, vector<16xf32>,
        %mul3A_616 = arith.mulf %get3A_311, %get3A_615 : vector<16xf32>
        %get3A_617 = arith.index_cast %select_n3A_284 : i32 to index
        %get3A_618 = arith.index_cast %add3A_596 : i32 to index
        %get3A_619 = arith.constant 64 : index
        %get3A_620 = tpu.vector_load %arg11[%get3A_617, %get3A_618, %get3A_619] {strides = array<i32>} : memref<2x384x128xf32, #tpu.memory_space<vmem>>, vector<16xf32>,
        %mul3A_621 = arith.mulf %get3A_315, %get3A_620 : vector<16xf32>
        %get3A_622 = arith.index_cast %select_n3A_284 : i32 to index
        %get3A_623 = arith.index_cast %add3A_596 : i32 to index
        %get3A_624 = arith.constant 80 : index
        %get3A_625 = tpu.vector_load %arg11[%get3A_622, %get3A_623, %get3A_624] {strides = array<i32>} : memref<2x384x128xf32, #tpu.memory_space<vmem>>, vector<16xf32>,
        %mul3A_626 = arith.mulf %get3A_319, %get3A_625 : vector<16xf32>
        %get3A_627 = arith.index_cast %select_n3A_284 : i32 to index
        %get3A_628 = arith.index_cast %add3A_596 : i32 to index
        %get3A_629 = arith.constant 96 : index
        %get3A_630 = tpu.vector_load %arg11[%get3A_627, %get3A_628, %get3A_629] {strides = array<i32>} : memref<2x384x128xf32, #tpu.memory_space<vmem>>, vector<16xf32>,
        %mul3A_631 = arith.mulf %get3A_323, %get3A_630 : vector<16xf32>
        %get3A_632 = arith.index_cast %select_n3A_284 : i32 to index
        %get3A_633 = arith.index_cast %add3A_596 : i32 to index
        %get3A_634 = arith.constant 112 : index
        %get3A_635 = tpu.vector_load %arg11[%get3A_632, %get3A_633, %get3A_634] {strides = array<i32>} : memref<2x384x128xf32, #tpu.memory_space<vmem>>, vector<16xf32>,
        %mul3A_636 = arith.mulf %get3A_327, %get3A_635 : vector<16xf32>
        %add3A_637 = arith.addf %mul3A_601, %mul3A_606 : vector<16xf32>
        %add3A_638 = arith.addf %mul3A_611, %mul3A_616 : vector<16xf32>
        %add3A_639 = arith.addf %mul3A_621, %mul3A_626 : vector<16xf32>
        %add3A_640 = arith.addf %mul3A_631, %mul3A_636 : vector<16xf32>
        %add3A_641 = arith.addf %add3A_637, %add3A_638 : vector<16xf32>
        %add3A_642 = arith.addf %add3A_639, %add3A_640 : vector<16xf32>
        %add3A_643 = arith.addf %add3A_641, %add3A_642 : vector<16xf32>
        %swap3A_644 = arith.constant 80 : index
        %swap3A_645 = tpu.vector_load %arg13[%swap3A_644] {strides = array<i32>} : memref<768xf32, #tpu.memory_space<vmem>>, vector<16xf32>,
        tpu.vector_store %arg13[%swap3A_644], %add3A_643 {strides = array<i32>} : memref<768xf32, #tpu.memory_space<vmem>>, vector<16xf32>,
        %add3A_646 = arith.constant 1 : i32
        %add3A_647 = arith.addi %mul3A_294, %add3A_646 : i32
        %get3A_648 = arith.index_cast %select_n3A_284 : i32 to index
        %get3A_649 = arith.index_cast %add3A_647 : i32 to index
        %get3A_650 = arith.constant 0 : index
        %get3A_651 = tpu.vector_load %arg10[%get3A_648, %get3A_649, %get3A_650] {strides = array<i32>} : memref<2x64x128xf32, #tpu.memory_space<vmem>>, vector<16xf32>,
        %get3A_652 = arith.index_cast %select_n3A_284 : i32 to index
        %get3A_653 = arith.index_cast %add3A_647 : i32 to index
        %get3A_654 = arith.constant 16 : index
        %get3A_655 = tpu.vector_load %arg10[%get3A_652, %get3A_653, %get3A_654] {strides = array<i32>} : memref<2x64x128xf32, #tpu.memory_space<vmem>>, vector<16xf32>,
        %get3A_656 = arith.index_cast %select_n3A_284 : i32 to index
        %get3A_657 = arith.index_cast %add3A_647 : i32 to index
        %get3A_658 = arith.constant 32 : index
        %get3A_659 = tpu.vector_load %arg10[%get3A_656, %get3A_657, %get3A_658] {strides = array<i32>} : memref<2x64x128xf32, #tpu.memory_space<vmem>>, vector<16xf32>,
        %get3A_660 = arith.index_cast %select_n3A_284 : i32 to index
        %get3A_661 = arith.index_cast %add3A_647 : i32 to index
        %get3A_662 = arith.constant 48 : index
        %get3A_663 = tpu.vector_load %arg10[%get3A_660, %get3A_661, %get3A_662] {strides = array<i32>} : memref<2x64x128xf32, #tpu.memory_space<vmem>>, vector<16xf32>,
        %get3A_664 = arith.index_cast %select_n3A_284 : i32 to index
        %get3A_665 = arith.index_cast %add3A_647 : i32 to index
        %get3A_666 = arith.constant 64 : index
        %get3A_667 = tpu.vector_load %arg10[%get3A_664, %get3A_665, %get3A_666] {strides = array<i32>} : memref<2x64x128xf32, #tpu.memory_space<vmem>>, vector<16xf32>,
        %get3A_668 = arith.index_cast %select_n3A_284 : i32 to index
        %get3A_669 = arith.index_cast %add3A_647 : i32 to index
        %get3A_670 = arith.constant 80 : index
        %get3A_671 = tpu.vector_load %arg10[%get3A_668, %get3A_669, %get3A_670] {strides = array<i32>} : memref<2x64x128xf32, #tpu.memory_space<vmem>>, vector<16xf32>,
        %get3A_672 = arith.index_cast %select_n3A_284 : i32 to index
        %get3A_673 = arith.index_cast %add3A_647 : i32 to index
        %get3A_674 = arith.constant 96 : index
        %get3A_675 = tpu.vector_load %arg10[%get3A_672, %get3A_673, %get3A_674] {strides = array<i32>} : memref<2x64x128xf32, #tpu.memory_space<vmem>>, vector<16xf32>,
        %get3A_676 = arith.index_cast %select_n3A_284 : i32 to index
        %get3A_677 = arith.index_cast %add3A_647 : i32 to index
        %get3A_678 = arith.constant 112 : index
        %get3A_679 = tpu.vector_load %arg10[%get3A_676, %get3A_677, %get3A_678] {strides = array<i32>} : memref<2x64x128xf32, #tpu.memory_space<vmem>>, vector<16xf32>,
        %mul3A_680 = arith.constant 6 : i32
        %mul3A_681 = arith.muli %add3A_647, %mul3A_680 : i32
        %add3A_682 = arith.constant 0 : i32
        %add3A_683 = arith.addi %mul3A_681, %add3A_682 : i32
        %get3A_684 = arith.index_cast %select_n3A_284 : i32 to index
        %get3A_685 = arith.index_cast %add3A_683 : i32 to index
        %get3A_686 = arith.constant 0 : index
        %get3A_687 = tpu.vector_load %arg11[%get3A_684, %get3A_685, %get3A_686] {strides = array<i32>} : memref<2x384x128xf32, #tpu.memory_space<vmem>>, vector<16xf32>,
        %mul3A_688 = arith.mulf %get3A_651, %get3A_687 : vector<16xf32>
        %get3A_689 = arith.index_cast %select_n3A_284 : i32 to index
        %get3A_690 = arith.index_cast %add3A_683 : i32 to index
        %get3A_691 = arith.constant 16 : index
        %get3A_692 = tpu.vector_load %arg11[%get3A_689, %get3A_690, %get3A_691] {strides = array<i32>} : memref<2x384x128xf32, #tpu.memory_space<vmem>>, vector<16xf32>,
        %mul3A_693 = arith.mulf %get3A_655, %get3A_692 : vector<16xf32>
        %get3A_694 = arith.index_cast %select_n3A_284 : i32 to index
        %get3A_695 = arith.index_cast %add3A_683 : i32 to index
        %get3A_696 = arith.constant 32 : index
        %get3A_697 = tpu.vector_load %arg11[%get3A_694, %get3A_695, %get3A_696] {strides = array<i32>} : memref<2x384x128xf32, #tpu.memory_space<vmem>>, vector<16xf32>,
        %mul3A_698 = arith.mulf %get3A_659, %get3A_697 : vector<16xf32>
        %get3A_699 = arith.index_cast %select_n3A_284 : i32 to index
        %get3A_700 = arith.index_cast %add3A_683 : i32 to index
        %get3A_701 = arith.constant 48 : index
        %get3A_702 = tpu.vector_load %arg11[%get3A_699, %get3A_700, %get3A_701] {strides = array<i32>} : memref<2x384x128xf32, #tpu.memory_space<vmem>>, vector<16xf32>,
        %mul3A_703 = arith.mulf %get3A_663, %get3A_702 : vector<16xf32>
        %get3A_704 = arith.index_cast %select_n3A_284 : i32 to index
        %get3A_705 = arith.index_cast %add3A_683 : i32 to index
        %get3A_706 = arith.constant 64 : index
        %get3A_707 = tpu.vector_load %arg11[%get3A_704, %get3A_705, %get3A_706] {strides = array<i32>} : memref<2x384x128xf32, #tpu.memory_space<vmem>>, vector<16xf32>,
        %mul3A_708 = arith.mulf %get3A_667, %get3A_707 : vector<16xf32>
        %get3A_709 = arith.index_cast %select_n3A_284 : i32 to index
        %get3A_710 = arith.index_cast %add3A_683 : i32 to index
        %get3A_711 = arith.constant 80 : index
        %get3A_712 = tpu.vector_load %arg11[%get3A_709, %get3A_710, %get3A_711] {strides = array<i32>} : memref<2x384x128xf32, #tpu.memory_space<vmem>>, vector<16xf32>,
        %mul3A_713 = arith.mulf %get3A_671, %get3A_712 : vector<16xf32>
        %get3A_714 = arith.index_cast %select_n3A_284 : i32 to index
        %get3A_715 = arith.index_cast %add3A_683 : i32 to index
        %get3A_716 = arith.constant 96 : index
        %get3A_717 = tpu.vector_load %arg11[%get3A_714, %get3A_715, %get3A_716] {strides = array<i32>} : memref<2x384x128xf32, #tpu.memory_space<vmem>>, vector<16xf32>,
        %mul3A_718 = arith.mulf %get3A_675, %get3A_717 : vector<16xf32>
        %get3A_719 = arith.index_cast %select_n3A_284 : i32 to index
        %get3A_720 = arith.index_cast %add3A_683 : i32 to index
        %get3A_721 = arith.constant 112 : index
        %get3A_722 = tpu.vector_load %arg11[%get3A_719, %get3A_720, %get3A_721] {strides = array<i32>} : memref<2x384x128xf32, #tpu.memory_space<vmem>>, vector<16xf32>,
        %mul3A_723 = arith.mulf %get3A_679, %get3A_722 : vector<16xf32>
        %add3A_724 = arith.addf %mul3A_688, %mul3A_693 : vector<16xf32>
        %add3A_725 = arith.addf %mul3A_698, %mul3A_703 : vector<16xf32>
        %add3A_726 = arith.addf %mul3A_708, %mul3A_713 : vector<16xf32>
        %add3A_727 = arith.addf %mul3A_718, %mul3A_723 : vector<16xf32>
        %add3A_728 = arith.addf %add3A_724, %add3A_725 : vector<16xf32>
        %add3A_729 = arith.addf %add3A_726, %add3A_727 : vector<16xf32>
        %add3A_730 = arith.addf %add3A_728, %add3A_729 : vector<16xf32>
        %swap3A_731 = arith.constant 96 : index
        %swap3A_732 = tpu.vector_load %arg13[%swap3A_731] {strides = array<i32>} : memref<768xf32, #tpu.memory_space<vmem>>, vector<16xf32>,
        tpu.vector_store %arg13[%swap3A_731], %add3A_730 {strides = array<i32>} : memref<768xf32, #tpu.memory_space<vmem>>, vector<16xf32>,
        %mul3A_733 = arith.constant 6 : i32
        %mul3A_734 = arith.muli %add3A_647, %mul3A_733 : i32
        %add3A_735 = arith.constant 1 : i32
        %add3A_736 = arith.addi %mul3A_734, %add3A_735 : i32
        %get3A_737 = arith.index_cast %select_n3A_284 : i32 to index
        %get3A_738 = arith.index_cast %add3A_736 : i32 to index
        %get3A_739 = arith.constant 0 : index
        %get3A_740 = tpu.vector_load %arg11[%get3A_737, %get3A_738, %get3A_739] {strides = array<i32>} : memref<2x384x128xf32, #tpu.memory_space<vmem>>, vector<16xf32>,
        %mul3A_741 = arith.mulf %get3A_651, %get3A_740 : vector<16xf32>
        %get3A_742 = arith.index_cast %select_n3A_284 : i32 to index
        %get3A_743 = arith.index_cast %add3A_736 : i32 to index
        %get3A_744 = arith.constant 16 : index
        %get3A_745 = tpu.vector_load %arg11[%get3A_742, %get3A_743, %get3A_744] {strides = array<i32>} : memref<2x384x128xf32, #tpu.memory_space<vmem>>, vector<16xf32>,
        %mul3A_746 = arith.mulf %get3A_655, %get3A_745 : vector<16xf32>
        %get3A_747 = arith.index_cast %select_n3A_284 : i32 to index
        %get3A_748 = arith.index_cast %add3A_736 : i32 to index
        %get3A_749 = arith.constant 32 : index
        %get3A_750 = tpu.vector_load %arg11[%get3A_747, %get3A_748, %get3A_749] {strides = array<i32>} : memref<2x384x128xf32, #tpu.memory_space<vmem>>, vector<16xf32>,
        %mul3A_751 = arith.mulf %get3A_659, %get3A_750 : vector<16xf32>
        %get3A_752 = arith.index_cast %select_n3A_284 : i32 to index
        %get3A_753 = arith.index_cast %add3A_736 : i32 to index
        %get3A_754 = arith.constant 48 : index
        %get3A_755 = tpu.vector_load %arg11[%get3A_752, %get3A_753, %get3A_754] {strides = array<i32>} : memref<2x384x128xf32, #tpu.memory_space<vmem>>, vector<16xf32>,
        %mul3A_756 = arith.mulf %get3A_663, %get3A_755 : vector<16xf32>
        %get3A_757 = arith.index_cast %select_n3A_284 : i32 to index
        %get3A_758 = arith.index_cast %add3A_736 : i32 to index
        %get3A_759 = arith.constant 64 : index
        %get3A_760 = tpu.vector_load %arg11[%get3A_757, %get3A_758, %get3A_759] {strides = array<i32>} : memref<2x384x128xf32, #tpu.memory_space<vmem>>, vector<16xf32>,
        %mul3A_761 = arith.mulf %get3A_667, %get3A_760 : vector<16xf32>
        %get3A_762 = arith.index_cast %select_n3A_284 : i32 to index
        %get3A_763 = arith.index_cast %add3A_736 : i32 to index
        %get3A_764 = arith.constant 80 : index
        %get3A_765 = tpu.vector_load %arg11[%get3A_762, %get3A_763, %get3A_764] {strides = array<i32>} : memref<2x384x128xf32, #tpu.memory_space<vmem>>, vector<16xf32>,
        %mul3A_766 = arith.mulf %get3A_671, %get3A_765 : vector<16xf32>
        %get3A_767 = arith.index_cast %select_n3A_284 : i32 to index
        %get3A_768 = arith.index_cast %add3A_736 : i32 to index
        %get3A_769 = arith.constant 96 : index
        %get3A_770 = tpu.vector_load %arg11[%get3A_767, %get3A_768, %get3A_769] {strides = array<i32>} : memref<2x384x128xf32, #tpu.memory_space<vmem>>, vector<16xf32>,
        %mul3A_771 = arith.mulf %get3A_675, %get3A_770 : vector<16xf32>
        %get3A_772 = arith.index_cast %select_n3A_284 : i32 to index
        %get3A_773 = arith.index_cast %add3A_736 : i32 to index
        %get3A_774 = arith.constant 112 : index
        %get3A_775 = tpu.vector_load %arg11[%get3A_772, %get3A_773, %get3A_774] {strides = array<i32>} : memref<2x384x128xf32, #tpu.memory_space<vmem>>, vector<16xf32>,
        %mul3A_776 = arith.mulf %get3A_679, %get3A_775 : vector<16xf32>
        %add3A_777 = arith.addf %mul3A_741, %mul3A_746 : vector<16xf32>
        %add3A_778 = arith.addf %mul3A_751, %mul3A_756 : vector<16xf32>
        %add3A_779 = arith.addf %mul3A_761, %mul3A_766 : vector<16xf32>
        %add3A_780 = arith.addf %mul3A_771, %mul3A_776 : vector<16xf32>
        %add3A_781 = arith.addf %add3A_777, %add3A_778 : vector<16xf32>
        %add3A_782 = arith.addf %add3A_779, %add3A_780 : vector<16xf32>
        %add3A_783 = arith.addf %add3A_781, %add3A_782 : vector<16xf32>
        %swap3A_784 = arith.constant 112 : index
        %swap3A_785 = tpu.vector_load %arg13[%swap3A_784] {strides = array<i32>} : memref<768xf32, #tpu.memory_space<vmem>>, vector<16xf32>,
        tpu.vector_store %arg13[%swap3A_784], %add3A_783 {strides = array<i32>} : memref<768xf32, #tpu.memory_space<vmem>>, vector<16xf32>,
        %mul3A_786 = arith.constant 6 : i32
        %mul3A_787 = arith.muli %add3A_647, %mul3A_786 : i32
        %add3A_788 = arith.constant 2 : i32
        %add3A_789 = arith.addi %mul3A_787, %add3A_788 : i32
        %get3A_790 = arith.index_cast %select_n3A_284 : i32 to index
        %get3A_791 = arith.index_cast %add3A_789 : i32 to index
        %get3A_792 = arith.constant 0 : index
        %get3A_793 = tpu.vector_load %arg11[%get3A_790, %get3A_791, %get3A_792] {strides = array<i32>} : memref<2x384x128xf32, #tpu.memory_space<vmem>>, vector<16xf32>,
        %mul3A_794 = arith.mulf %get3A_651, %get3A_793 : vector<16xf32>
        %get3A_795 = arith.index_cast %select_n3A_284 : i32 to index
        %get3A_796 = arith.index_cast %add3A_789 : i32 to index
        %get3A_797 = arith.constant 16 : index
        %get3A_798 = tpu.vector_load %arg11[%get3A_795, %get3A_796, %get3A_797] {strides = array<i32>} : memref<2x384x128xf32, #tpu.memory_space<vmem>>, vector<16xf32>,
        %mul3A_799 = arith.mulf %get3A_655, %get3A_798 : vector<16xf32>
        %get3A_800 = arith.index_cast %select_n3A_284 : i32 to index
        %get3A_801 = arith.index_cast %add3A_789 : i32 to index
        %get3A_802 = arith.constant 32 : index
        %get3A_803 = tpu.vector_load %arg11[%get3A_800, %get3A_801, %get3A_802] {strides = array<i32>} : memref<2x384x128xf32, #tpu.memory_space<vmem>>, vector<16xf32>,
        %mul3A_804 = arith.mulf %get3A_659, %get3A_803 : vector<16xf32>
        %get3A_805 = arith.index_cast %select_n3A_284 : i32 to index
        %get3A_806 = arith.index_cast %add3A_789 : i32 to index
        %get3A_807 = arith.constant 48 : index
        %get3A_808 = tpu.vector_load %arg11[%get3A_805, %get3A_806, %get3A_807] {strides = array<i32>} : memref<2x384x128xf32, #tpu.memory_space<vmem>>, vector<16xf32>,
        %mul3A_809 = arith.mulf %get3A_663, %get3A_808 : vector<16xf32>
        %get3A_810 = arith.index_cast %select_n3A_284 : i32 to index
        %get3A_811 = arith.index_cast %add3A_789 : i32 to index
        %get3A_812 = arith.constant 64 : index
        %get3A_813 = tpu.vector_load %arg11[%get3A_810, %get3A_811, %get3A_812] {strides = array<i32>} : memref<2x384x128xf32, #tpu.memory_space<vmem>>, vector<16xf32>,
        %mul3A_814 = arith.mulf %get3A_667, %get3A_813 : vector<16xf32>
        %get3A_815 = arith.index_cast %select_n3A_284 : i32 to index
        %get3A_816 = arith.index_cast %add3A_789 : i32 to index
        %get3A_817 = arith.constant 80 : index
        %get3A_818 = tpu.vector_load %arg11[%get3A_815, %get3A_816, %get3A_817] {strides = array<i32>} : memref<2x384x128xf32, #tpu.memory_space<vmem>>, vector<16xf32>,
        %mul3A_819 = arith.mulf %get3A_671, %get3A_818 : vector<16xf32>
        %get3A_820 = arith.index_cast %select_n3A_284 : i32 to index
        %get3A_821 = arith.index_cast %add3A_789 : i32 to index
        %get3A_822 = arith.constant 96 : index
        %get3A_823 = tpu.vector_load %arg11[%get3A_820, %get3A_821, %get3A_822] {strides = array<i32>} : memref<2x384x128xf32, #tpu.memory_space<vmem>>, vector<16xf32>,
        %mul3A_824 = arith.mulf %get3A_675, %get3A_823 : vector<16xf32>
        %get3A_825 = arith.index_cast %select_n3A_284 : i32 to index
        %get3A_826 = arith.index_cast %add3A_789 : i32 to index
        %get3A_827 = arith.constant 112 : index
        %get3A_828 = tpu.vector_load %arg11[%get3A_825, %get3A_826, %get3A_827] {strides = array<i32>} : memref<2x384x128xf32, #tpu.memory_space<vmem>>, vector<16xf32>,
        %mul3A_829 = arith.mulf %get3A_679, %get3A_828 : vector<16xf32>
        %add3A_830 = arith.addf %mul3A_794, %mul3A_799 : vector<16xf32>
        %add3A_831 = arith.addf %mul3A_804, %mul3A_809 : vector<16xf32>
        %add3A_832 = arith.addf %mul3A_814, %mul3A_819 : vector<16xf32>
        %add3A_833 = arith.addf %mul3A_824, %mul3A_829 : vector<16xf32>
        %add3A_834 = arith.addf %add3A_830, %add3A_831 : vector<16xf32>
        %add3A_835 = arith.addf %add3A_832, %add3A_833 : vector<16xf32>
        %add3A_836 = arith.addf %add3A_834, %add3A_835 : vector<16xf32>
        %swap3A_837 = arith.constant 128 : index
        %swap3A_838 = tpu.vector_load %arg13[%swap3A_837] {strides = array<i32>} : memref<768xf32, #tpu.memory_space<vmem>>, vector<16xf32>,
        tpu.vector_store %arg13[%swap3A_837], %add3A_836 {strides = array<i32>} : memref<768xf32, #tpu.memory_space<vmem>>, vector<16xf32>,
        %mul3A_839 = arith.constant 6 : i32
        %mul3A_840 = arith.muli %add3A_647, %mul3A_839 : i32
        %add3A_841 = arith.constant 3 : i32
        %add3A_842 = arith.addi %mul3A_840, %add3A_841 : i32
        %get3A_843 = arith.index_cast %select_n3A_284 : i32 to index
        %get3A_844 = arith.index_cast %add3A_842 : i32 to index
        %get3A_845 = arith.constant 0 : index
        %get3A_846 = tpu.vector_load %arg11[%get3A_843, %get3A_844, %get3A_845] {strides = array<i32>} : memref<2x384x128xf32, #tpu.memory_space<vmem>>, vector<16xf32>,
        %mul3A_847 = arith.mulf %get3A_651, %get3A_846 : vector<16xf32>
        %get3A_848 = arith.index_cast %select_n3A_284 : i32 to index
        %get3A_849 = arith.index_cast %add3A_842 : i32 to index
        %get3A_850 = arith.constant 16 : index
        %get3A_851 = tpu.vector_load %arg11[%get3A_848, %get3A_849, %get3A_850] {strides = array<i32>} : memref<2x384x128xf32, #tpu.memory_space<vmem>>, vector<16xf32>,
        %mul3A_852 = arith.mulf %get3A_655, %get3A_851 : vector<16xf32>
        %get3A_853 = arith.index_cast %select_n3A_284 : i32 to index
        %get3A_854 = arith.index_cast %add3A_842 : i32 to index
        %get3A_855 = arith.constant 32 : index
        %get3A_856 = tpu.vector_load %arg11[%get3A_853, %get3A_854, %get3A_855] {strides = array<i32>} : memref<2x384x128xf32, #tpu.memory_space<vmem>>, vector<16xf32>,
        %mul3A_857 = arith.mulf %get3A_659, %get3A_856 : vector<16xf32>
        %get3A_858 = arith.index_cast %select_n3A_284 : i32 to index
        %get3A_859 = arith.index_cast %add3A_842 : i32 to index
        %get3A_860 = arith.constant 48 : index
        %get3A_861 = tpu.vector_load %arg11[%get3A_858, %get3A_859, %get3A_860] {strides = array<i32>} : memref<2x384x128xf32, #tpu.memory_space<vmem>>, vector<16xf32>,
        %mul3A_862 = arith.mulf %get3A_663, %get3A_861 : vector<16xf32>
        %get3A_863 = arith.index_cast %select_n3A_284 : i32 to index
        %get3A_864 = arith.index_cast %add3A_842 : i32 to index
        %get3A_865 = arith.constant 64 : index
        %get3A_866 = tpu.vector_load %arg11[%get3A_863, %get3A_864, %get3A_865] {strides = array<i32>} : memref<2x384x128xf32, #tpu.memory_space<vmem>>, vector<16xf32>,
        %mul3A_867 = arith.mulf %get3A_667, %get3A_866 : vector<16xf32>
        %get3A_868 = arith.index_cast %select_n3A_284 : i32 to index
        %get3A_869 = arith.index_cast %add3A_842 : i32 to index
        %get3A_870 = arith.constant 80 : index
        %get3A_871 = tpu.vector_load %arg11[%get3A_868, %get3A_869, %get3A_870] {strides = array<i32>} : memref<2x384x128xf32, #tpu.memory_space<vmem>>, vector<16xf32>,
        %mul3A_872 = arith.mulf %get3A_671, %get3A_871 : vector<16xf32>
        %get3A_873 = arith.index_cast %select_n3A_284 : i32 to index
        %get3A_874 = arith.index_cast %add3A_842 : i32 to index
        %get3A_875 = arith.constant 96 : index
        %get3A_876 = tpu.vector_load %arg11[%get3A_873, %get3A_874, %get3A_875] {strides = array<i32>} : memref<2x384x128xf32, #tpu.memory_space<vmem>>, vector<16xf32>,
        %mul3A_877 = arith.mulf %get3A_675, %get3A_876 : vector<16xf32>
        %get3A_878 = arith.index_cast %select_n3A_284 : i32 to index
        %get3A_879 = arith.index_cast %add3A_842 : i32 to index
        %get3A_880 = arith.constant 112 : index
        %get3A_881 = tpu.vector_load %arg11[%get3A_878, %get3A_879, %get3A_880] {strides = array<i32>} : memref<2x384x128xf32, #tpu.memory_space<vmem>>, vector<16xf32>,
        %mul3A_882 = arith.mulf %get3A_679, %get3A_881 : vector<16xf32>
        %add3A_883 = arith.addf %mul3A_847, %mul3A_852 : vector<16xf32>
        %add3A_884 = arith.addf %mul3A_857, %mul3A_862 : vector<16xf32>
        %add3A_885 = arith.addf %mul3A_867, %mul3A_872 : vector<16xf32>
        %add3A_886 = arith.addf %mul3A_877, %mul3A_882 : vector<16xf32>
        %add3A_887 = arith.addf %add3A_883, %add3A_884 : vector<16xf32>
        %add3A_888 = arith.addf %add3A_885, %add3A_886 : vector<16xf32>
        %add3A_889 = arith.addf %add3A_887, %add3A_888 : vector<16xf32>
        %swap3A_890 = arith.constant 144 : index
        %swap3A_891 = tpu.vector_load %arg13[%swap3A_890] {strides = array<i32>} : memref<768xf32, #tpu.memory_space<vmem>>, vector<16xf32>,
        tpu.vector_store %arg13[%swap3A_890], %add3A_889 {strides = array<i32>} : memref<768xf32, #tpu.memory_space<vmem>>, vector<16xf32>,
        %mul3A_892 = arith.constant 6 : i32
        %mul3A_893 = arith.muli %add3A_647, %mul3A_892 : i32
        %add3A_894 = arith.constant 4 : i32
        %add3A_895 = arith.addi %mul3A_893, %add3A_894 : i32
        %get3A_896 = arith.index_cast %select_n3A_284 : i32 to index
        %get3A_897 = arith.index_cast %add3A_895 : i32 to index
        %get3A_898 = arith.constant 0 : index
        %get3A_899 = tpu.vector_load %arg11[%get3A_896, %get3A_897, %get3A_898] {strides = array<i32>} : memref<2x384x128xf32, #tpu.memory_space<vmem>>, vector<16xf32>,
        %mul3A_900 = arith.mulf %get3A_651, %get3A_899 : vector<16xf32>
        %get3A_901 = arith.index_cast %select_n3A_284 : i32 to index
        %get3A_902 = arith.index_cast %add3A_895 : i32 to index
        %get3A_903 = arith.constant 16 : index
        %get3A_904 = tpu.vector_load %arg11[%get3A_901, %get3A_902, %get3A_903] {strides = array<i32>} : memref<2x384x128xf32, #tpu.memory_space<vmem>>, vector<16xf32>,
        %mul3A_905 = arith.mulf %get3A_655, %get3A_904 : vector<16xf32>
        %get3A_906 = arith.index_cast %select_n3A_284 : i32 to index
        %get3A_907 = arith.index_cast %add3A_895 : i32 to index
        %get3A_908 = arith.constant 32 : index
        %get3A_909 = tpu.vector_load %arg11[%get3A_906, %get3A_907, %get3A_908] {strides = array<i32>} : memref<2x384x128xf32, #tpu.memory_space<vmem>>, vector<16xf32>,
        %mul3A_910 = arith.mulf %get3A_659, %get3A_909 : vector<16xf32>
        %get3A_911 = arith.index_cast %select_n3A_284 : i32 to index
        %get3A_912 = arith.index_cast %add3A_895 : i32 to index
        %get3A_913 = arith.constant 48 : index
        %get3A_914 = tpu.vector_load %arg11[%get3A_911, %get3A_912, %get3A_913] {strides = array<i32>} : memref<2x384x128xf32, #tpu.memory_space<vmem>>, vector<16xf32>,
        %mul3A_915 = arith.mulf %get3A_663, %get3A_914 : vector<16xf32>
        %get3A_916 = arith.index_cast %select_n3A_284 : i32 to index
        %get3A_917 = arith.index_cast %add3A_895 : i32 to index
        %get3A_918 = arith.constant 64 : index
        %get3A_919 = tpu.vector_load %arg11[%get3A_916, %get3A_917, %get3A_918] {strides = array<i32>} : memref<2x384x128xf32, #tpu.memory_space<vmem>>, vector<16xf32>,
        %mul3A_920 = arith.mulf %get3A_667, %get3A_919 : vector<16xf32>
        %get3A_921 = arith.index_cast %select_n3A_284 : i32 to index
        %get3A_922 = arith.index_cast %add3A_895 : i32 to index
        %get3A_923 = arith.constant 80 : index
        %get3A_924 = tpu.vector_load %arg11[%get3A_921, %get3A_922, %get3A_923] {strides = array<i32>} : memref<2x384x128xf32, #tpu.memory_space<vmem>>, vector<16xf32>,
        %mul3A_925 = arith.mulf %get3A_671, %get3A_924 : vector<16xf32>
        %get3A_926 = arith.index_cast %select_n3A_284 : i32 to index
        %get3A_927 = arith.index_cast %add3A_895 : i32 to index
        %get3A_928 = arith.constant 96 : index
        %get3A_929 = tpu.vector_load %arg11[%get3A_926, %get3A_927, %get3A_928] {strides = array<i32>} : memref<2x384x128xf32, #tpu.memory_space<vmem>>, vector<16xf32>,
        %mul3A_930 = arith.mulf %get3A_675, %get3A_929 : vector<16xf32>
        %get3A_931 = arith.index_cast %select_n3A_284 : i32 to index
        %get3A_932 = arith.index_cast %add3A_895 : i32 to index
        %get3A_933 = arith.constant 112 : index
        %get3A_934 = tpu.vector_load %arg11[%get3A_931, %get3A_932, %get3A_933] {strides = array<i32>} : memref<2x384x128xf32, #tpu.memory_space<vmem>>, vector<16xf32>,
        %mul3A_935 = arith.mulf %get3A_679, %get3A_934 : vector<16xf32>
        %add3A_936 = arith.addf %mul3A_900, %mul3A_905 : vector<16xf32>
        %add3A_937 = arith.addf %mul3A_910, %mul3A_915 : vector<16xf32>
        %add3A_938 = arith.addf %mul3A_920, %mul3A_925 : vector<16xf32>
        %add3A_939 = arith.addf %mul3A_930, %mul3A_935 : vector<16xf32>
        %add3A_940 = arith.addf %add3A_936, %add3A_937 : vector<16xf32>
        %add3A_941 = arith.addf %add3A_938, %add3A_939 : vector<16xf32>
        %add3A_942 = arith.addf %add3A_940, %add3A_941 : vector<16xf32>
        %swap3A_943 = arith.constant 160 : index
        %swap3A_944 = tpu.vector_load %arg13[%swap3A_943] {strides = array<i32>} : memref<768xf32, #tpu.memory_space<vmem>>, vector<16xf32>,
        tpu.vector_store %arg13[%swap3A_943], %add3A_942 {strides = array<i32>} : memref<768xf32, #tpu.memory_space<vmem>>, vector<16xf32>,
        %mul3A_945 = arith.constant 6 : i32
        %mul3A_946 = arith.muli %add3A_647, %mul3A_945 : i32
        %add3A_947 = arith.constant 5 : i32
        %add3A_948 = arith.addi %mul3A_946, %add3A_947 : i32
        %get3A_949 = arith.index_cast %select_n3A_284 : i32 to index
        %get3A_950 = arith.index_cast %add3A_948 : i32 to index
        %get3A_951 = arith.constant 0 : index
        %get3A_952 = tpu.vector_load %arg11[%get3A_949, %get3A_950, %get3A_951] {strides = array<i32>} : memref<2x384x128xf32, #tpu.memory_space<vmem>>, vector<16xf32>,
        %mul3A_953 = arith.mulf %get3A_651, %get3A_952 : vector<16xf32>
        %get3A_954 = arith.index_cast %select_n3A_284 : i32 to index
        %get3A_955 = arith.index_cast %add3A_948 : i32 to index
        %get3A_956 = arith.constant 16 : index
        %get3A_957 = tpu.vector_load %arg11[%get3A_954, %get3A_955, %get3A_956] {strides = array<i32>} : memref<2x384x128xf32, #tpu.memory_space<vmem>>, vector<16xf32>,
        %mul3A_958 = arith.mulf %get3A_655, %get3A_957 : vector<16xf32>
        %get3A_959 = arith.index_cast %select_n3A_284 : i32 to index
        %get3A_960 = arith.index_cast %add3A_948 : i32 to index
        %get3A_961 = arith.constant 32 : index
        %get3A_962 = tpu.vector_load %arg11[%get3A_959, %get3A_960, %get3A_961] {strides = array<i32>} : memref<2x384x128xf32, #tpu.memory_space<vmem>>, vector<16xf32>,
        %mul3A_963 = arith.mulf %get3A_659, %get3A_962 : vector<16xf32>
        %get3A_964 = arith.index_cast %select_n3A_284 : i32 to index
        %get3A_965 = arith.index_cast %add3A_948 : i32 to index
        %get3A_966 = arith.constant 48 : index
        %get3A_967 = tpu.vector_load %arg11[%get3A_964, %get3A_965, %get3A_966] {strides = array<i32>} : memref<2x384x128xf32, #tpu.memory_space<vmem>>, vector<16xf32>,
        %mul3A_968 = arith.mulf %get3A_663, %get3A_967 : vector<16xf32>
        %get3A_969 = arith.index_cast %select_n3A_284 : i32 to index
        %get3A_970 = arith.index_cast %add3A_948 : i32 to index
        %get3A_971 = arith.constant 64 : index
        %get3A_972 = tpu.vector_load %arg11[%get3A_969, %get3A_970, %get3A_971] {strides = array<i32>} : memref<2x384x128xf32, #tpu.memory_space<vmem>>, vector<16xf32>,
        %mul3A_973 = arith.mulf %get3A_667, %get3A_972 : vector<16xf32>
        %get3A_974 = arith.index_cast %select_n3A_284 : i32 to index
        %get3A_975 = arith.index_cast %add3A_948 : i32 to index
        %get3A_976 = arith.constant 80 : index
        %get3A_977 = tpu.vector_load %arg11[%get3A_974, %get3A_975, %get3A_976] {strides = array<i32>} : memref<2x384x128xf32, #tpu.memory_space<vmem>>, vector<16xf32>,
        %mul3A_978 = arith.mulf %get3A_671, %get3A_977 : vector<16xf32>
        %get3A_979 = arith.index_cast %select_n3A_284 : i32 to index
        %get3A_980 = arith.index_cast %add3A_948 : i32 to index
        %get3A_981 = arith.constant 96 : index
        %get3A_982 = tpu.vector_load %arg11[%get3A_979, %get3A_980, %get3A_981] {strides = array<i32>} : memref<2x384x128xf32, #tpu.memory_space<vmem>>, vector<16xf32>,
        %mul3A_983 = arith.mulf %get3A_675, %get3A_982 : vector<16xf32>
        %get3A_984 = arith.index_cast %select_n3A_284 : i32 to index
        %get3A_985 = arith.index_cast %add3A_948 : i32 to index
        %get3A_986 = arith.constant 112 : index
        %get3A_987 = tpu.vector_load %arg11[%get3A_984, %get3A_985, %get3A_986] {strides = array<i32>} : memref<2x384x128xf32, #tpu.memory_space<vmem>>, vector<16xf32>,
        %mul3A_988 = arith.mulf %get3A_679, %get3A_987 : vector<16xf32>
        %add3A_989 = arith.addf %mul3A_953, %mul3A_958 : vector<16xf32>
        %add3A_990 = arith.addf %mul3A_963, %mul3A_968 : vector<16xf32>
        %add3A_991 = arith.addf %mul3A_973, %mul3A_978 : vector<16xf32>
        %add3A_992 = arith.addf %mul3A_983, %mul3A_988 : vector<16xf32>
        %add3A_993 = arith.addf %add3A_989, %add3A_990 : vector<16xf32>
        %add3A_994 = arith.addf %add3A_991, %add3A_992 : vector<16xf32>
        %add3A_995 = arith.addf %add3A_993, %add3A_994 : vector<16xf32>
        %swap3A_996 = arith.constant 176 : index
        %swap3A_997 = tpu.vector_load %arg13[%swap3A_996] {strides = array<i32>} : memref<768xf32, #tpu.memory_space<vmem>>, vector<16xf32>,
        tpu.vector_store %arg13[%swap3A_996], %add3A_995 {strides = array<i32>} : memref<768xf32, #tpu.memory_space<vmem>>, vector<16xf32>,
        %add3A_998 = arith.constant 2 : i32
        %add3A_999 = arith.addi %mul3A_294, %add3A_998 : i32
        %get3A_1000 = arith.index_cast %select_n3A_284 : i32 to index
        %get3A_1001 = arith.index_cast %add3A_999 : i32 to index
        %get3A_1002 = arith.constant 0 : index
        %get3A_1003 = tpu.vector_load %arg10[%get3A_1000, %get3A_1001, %get3A_1002] {strides = array<i32>} : memref<2x64x128xf32, #tpu.memory_space<vmem>>, vector<16xf32>,
        %get3A_1004 = arith.index_cast %select_n3A_284 : i32 to index
        %get3A_1005 = arith.index_cast %add3A_999 : i32 to index
        %get3A_1006 = arith.constant 16 : index
        %get3A_1007 = tpu.vector_load %arg10[%get3A_1004, %get3A_1005, %get3A_1006] {strides = array<i32>} : memref<2x64x128xf32, #tpu.memory_space<vmem>>, vector<16xf32>,
        %get3A_1008 = arith.index_cast %select_n3A_284 : i32 to index
        %get3A_1009 = arith.index_cast %add3A_999 : i32 to index
        %get3A_1010 = arith.constant 32 : index
        %get3A_1011 = tpu.vector_load %arg10[%get3A_1008, %get3A_1009, %get3A_1010] {strides = array<i32>} : memref<2x64x128xf32, #tpu.memory_space<vmem>>, vector<16xf32>,
        %get3A_1012 = arith.index_cast %select_n3A_284 : i32 to index
        %get3A_1013 = arith.index_cast %add3A_999 : i32 to index
        %get3A_1014 = arith.constant 48 : index
        %get3A_1015 = tpu.vector_load %arg10[%get3A_1012, %get3A_1013, %get3A_1014] {strides = array<i32>} : memref<2x64x128xf32, #tpu.memory_space<vmem>>, vector<16xf32>,
        %get3A_1016 = arith.index_cast %select_n3A_284 : i32 to index
        %get3A_1017 = arith.index_cast %add3A_999 : i32 to index
        %get3A_1018 = arith.constant 64 : index
        %get3A_1019 = tpu.vector_load %arg10[%get3A_1016, %get3A_1017, %get3A_1018] {strides = array<i32>} : memref<2x64x128xf32, #tpu.memory_space<vmem>>, vector<16xf32>,
        %get3A_1020 = arith.index_cast %select_n3A_284 : i32 to index
        %get3A_1021 = arith.index_cast %add3A_999 : i32 to index
        %get3A_1022 = arith.constant 80 : index
        %get3A_1023 = tpu.vector_load %arg10[%get3A_1020, %get3A_1021, %get3A_1022] {strides = array<i32>} : memref<2x64x128xf32, #tpu.memory_space<vmem>>, vector<16xf32>,
        %get3A_1024 = arith.index_cast %select_n3A_284 : i32 to index
        %get3A_1025 = arith.index_cast %add3A_999 : i32 to index
        %get3A_1026 = arith.constant 96 : index
        %get3A_1027 = tpu.vector_load %arg10[%get3A_1024, %get3A_1025, %get3A_1026] {strides = array<i32>} : memref<2x64x128xf32, #tpu.memory_space<vmem>>, vector<16xf32>,
        %get3A_1028 = arith.index_cast %select_n3A_284 : i32 to index
        %get3A_1029 = arith.index_cast %add3A_999 : i32 to index
        %get3A_1030 = arith.constant 112 : index
        %get3A_1031 = tpu.vector_load %arg10[%get3A_1028, %get3A_1029, %get3A_1030] {strides = array<i32>} : memref<2x64x128xf32, #tpu.memory_space<vmem>>, vector<16xf32>,
        %mul3A_1032 = arith.constant 6 : i32
        %mul3A_1033 = arith.muli %add3A_999, %mul3A_1032 : i32
        %add3A_1034 = arith.constant 0 : i32
        %add3A_1035 = arith.addi %mul3A_1033, %add3A_1034 : i32
        %get3A_1036 = arith.index_cast %select_n3A_284 : i32 to index
        %get3A_1037 = arith.index_cast %add3A_1035 : i32 to index
        %get3A_1038 = arith.constant 0 : index
        %get3A_1039 = tpu.vector_load %arg11[%get3A_1036, %get3A_1037, %get3A_1038] {strides = array<i32>} : memref<2x384x128xf32, #tpu.memory_space<vmem>>, vector<16xf32>,
        %mul3A_1040 = arith.mulf %get3A_1003, %get3A_1039 : vector<16xf32>
        %get3A_1041 = arith.index_cast %select_n3A_284 : i32 to index
        %get3A_1042 = arith.index_cast %add3A_1035 : i32 to index
        %get3A_1043 = arith.constant 16 : index
        %get3A_1044 = tpu.vector_load %arg11[%get3A_1041, %get3A_1042, %get3A_1043] {strides = array<i32>} : memref<2x384x128xf32, #tpu.memory_space<vmem>>, vector<16xf32>,
        %mul3A_1045 = arith.mulf %get3A_1007, %get3A_1044 : vector<16xf32>
        %get3A_1046 = arith.index_cast %select_n3A_284 : i32 to index
        %get3A_1047 = arith.index_cast %add3A_1035 : i32 to index
        %get3A_1048 = arith.constant 32 : index
        %get3A_1049 = tpu.vector_load %arg11[%get3A_1046, %get3A_1047, %get3A_1048] {strides = array<i32>} : memref<2x384x128xf32, #tpu.memory_space<vmem>>, vector<16xf32>,
        %mul3A_1050 = arith.mulf %get3A_1011, %get3A_1049 : vector<16xf32>
        %get3A_1051 = arith.index_cast %select_n3A_284 : i32 to index
        %get3A_1052 = arith.index_cast %add3A_1035 : i32 to index
        %get3A_1053 = arith.constant 48 : index
        %get3A_1054 = tpu.vector_load %arg11[%get3A_1051, %get3A_1052, %get3A_1053] {strides = array<i32>} : memref<2x384x128xf32, #tpu.memory_space<vmem>>, vector<16xf32>,
        %mul3A_1055 = arith.mulf %get3A_1015, %get3A_1054 : vector<16xf32>
        %get3A_1056 = arith.index_cast %select_n3A_284 : i32 to index
        %get3A_1057 = arith.index_cast %add3A_1035 : i32 to index
        %get3A_1058 = arith.constant 64 : index
        %get3A_1059 = tpu.vector_load %arg11[%get3A_1056, %get3A_1057, %get3A_1058] {strides = array<i32>} : memref<2x384x128xf32, #tpu.memory_space<vmem>>, vector<16xf32>,
        %mul3A_1060 = arith.mulf %get3A_1019, %get3A_1059 : vector<16xf32>
        %get3A_1061 = arith.index_cast %select_n3A_284 : i32 to index
        %get3A_1062 = arith.index_cast %add3A_1035 : i32 to index
        %get3A_1063 = arith.constant 80 : index
        %get3A_1064 = tpu.vector_load %arg11[%get3A_1061, %get3A_1062, %get3A_1063] {strides = array<i32>} : memref<2x384x128xf32, #tpu.memory_space<vmem>>, vector<16xf32>,
        %mul3A_1065 = arith.mulf %get3A_1023, %get3A_1064 : vector<16xf32>
        %get3A_1066 = arith.index_cast %select_n3A_284 : i32 to index
        %get3A_1067 = arith.index_cast %add3A_1035 : i32 to index
        %get3A_1068 = arith.constant 96 : index
        %get3A_1069 = tpu.vector_load %arg11[%get3A_1066, %get3A_1067, %get3A_1068] {strides = array<i32>} : memref<2x384x128xf32, #tpu.memory_space<vmem>>, vector<16xf32>,
        %mul3A_1070 = arith.mulf %get3A_1027, %get3A_1069 : vector<16xf32>
        %get3A_1071 = arith.index_cast %select_n3A_284 : i32 to index
        %get3A_1072 = arith.index_cast %add3A_1035 : i32 to index
        %get3A_1073 = arith.constant 112 : index
        %get3A_1074 = tpu.vector_load %arg11[%get3A_1071, %get3A_1072, %get3A_1073] {strides = array<i32>} : memref<2x384x128xf32, #tpu.memory_space<vmem>>, vector<16xf32>,
        %mul3A_1075 = arith.mulf %get3A_1031, %get3A_1074 : vector<16xf32>
        %add3A_1076 = arith.addf %mul3A_1040, %mul3A_1045 : vector<16xf32>
        %add3A_1077 = arith.addf %mul3A_1050, %mul3A_1055 : vector<16xf32>
        %add3A_1078 = arith.addf %mul3A_1060, %mul3A_1065 : vector<16xf32>
        %add3A_1079 = arith.addf %mul3A_1070, %mul3A_1075 : vector<16xf32>
        %add3A_1080 = arith.addf %add3A_1076, %add3A_1077 : vector<16xf32>
        %add3A_1081 = arith.addf %add3A_1078, %add3A_1079 : vector<16xf32>
        %add3A_1082 = arith.addf %add3A_1080, %add3A_1081 : vector<16xf32>
        %swap3A_1083 = arith.constant 192 : index
        %swap3A_1084 = tpu.vector_load %arg13[%swap3A_1083] {strides = array<i32>} : memref<768xf32, #tpu.memory_space<vmem>>, vector<16xf32>,
        tpu.vector_store %arg13[%swap3A_1083], %add3A_1082 {strides = array<i32>} : memref<768xf32, #tpu.memory_space<vmem>>, vector<16xf32>,
        %mul3A_1085 = arith.constant 6 : i32
        %mul3A_1086 = arith.muli %add3A_999, %mul3A_1085 : i32
        %add3A_1087 = arith.constant 1 : i32
        %add3A_1088 = arith.addi %mul3A_1086, %add3A_1087 : i32
        %get3A_1089 = arith.index_cast %select_n3A_284 : i32 to index
        %get3A_1090 = arith.index_cast %add3A_1088 : i32 to index
        %get3A_1091 = arith.constant 0 : index
        %get3A_1092 = tpu.vector_load %arg11[%get3A_1089, %get3A_1090, %get3A_1091] {strides = array<i32>} : memref<2x384x128xf32, #tpu.memory_space<vmem>>, vector<16xf32>,
        %mul3A_1093 = arith.mulf %get3A_1003, %get3A_1092 : vector<16xf32>
        %get3A_1094 = arith.index_cast %select_n3A_284 : i32 to index
        %get3A_1095 = arith.index_cast %add3A_1088 : i32 to index
        %get3A_1096 = arith.constant 16 : index
        %get3A_1097 = tpu.vector_load %arg11[%get3A_1094, %get3A_1095, %get3A_1096] {strides = array<i32>} : memref<2x384x128xf32, #tpu.memory_space<vmem>>, vector<16xf32>,
        %mul3A_1098 = arith.mulf %get3A_1007, %get3A_1097 : vector<16xf32>
        %get3A_1099 = arith.index_cast %select_n3A_284 : i32 to index
        %get3A_1100 = arith.index_cast %add3A_1088 : i32 to index
        %get3A_1101 = arith.constant 32 : index
        %get3A_1102 = tpu.vector_load %arg11[%get3A_1099, %get3A_1100, %get3A_1101] {strides = array<i32>} : memref<2x384x128xf32, #tpu.memory_space<vmem>>, vector<16xf32>,
        %mul3A_1103 = arith.mulf %get3A_1011, %get3A_1102 : vector<16xf32>
        %get3A_1104 = arith.index_cast %select_n3A_284 : i32 to index
        %get3A_1105 = arith.index_cast %add3A_1088 : i32 to index
        %get3A_1106 = arith.constant 48 : index
        %get3A_1107 = tpu.vector_load %arg11[%get3A_1104, %get3A_1105, %get3A_1106] {strides = array<i32>} : memref<2x384x128xf32, #tpu.memory_space<vmem>>, vector<16xf32>,
        %mul3A_1108 = arith.mulf %get3A_1015, %get3A_1107 : vector<16xf32>
        %get3A_1109 = arith.index_cast %select_n3A_284 : i32 to index
        %get3A_1110 = arith.index_cast %add3A_1088 : i32 to index
        %get3A_1111 = arith.constant 64 : index
        %get3A_1112 = tpu.vector_load %arg11[%get3A_1109, %get3A_1110, %get3A_1111] {strides = array<i32>} : memref<2x384x128xf32, #tpu.memory_space<vmem>>, vector<16xf32>,
        %mul3A_1113 = arith.mulf %get3A_1019, %get3A_1112 : vector<16xf32>
        %get3A_1114 = arith.index_cast %select_n3A_284 : i32 to index
        %get3A_1115 = arith.index_cast %add3A_1088 : i32 to index
        %get3A_1116 = arith.constant 80 : index
        %get3A_1117 = tpu.vector_load %arg11[%get3A_1114, %get3A_1115, %get3A_1116] {strides = array<i32>} : memref<2x384x128xf32, #tpu.memory_space<vmem>>, vector<16xf32>,
        %mul3A_1118 = arith.mulf %get3A_1023, %get3A_1117 : vector<16xf32>
        %get3A_1119 = arith.index_cast %select_n3A_284 : i32 to index
        %get3A_1120 = arith.index_cast %add3A_1088 : i32 to index
        %get3A_1121 = arith.constant 96 : index
        %get3A_1122 = tpu.vector_load %arg11[%get3A_1119, %get3A_1120, %get3A_1121] {strides = array<i32>} : memref<2x384x128xf32, #tpu.memory_space<vmem>>, vector<16xf32>,
        %mul3A_1123 = arith.mulf %get3A_1027, %get3A_1122 : vector<16xf32>
        %get3A_1124 = arith.index_cast %select_n3A_284 : i32 to index
        %get3A_1125 = arith.index_cast %add3A_1088 : i32 to index
        %get3A_1126 = arith.constant 112 : index
        %get3A_1127 = tpu.vector_load %arg11[%get3A_1124, %get3A_1125, %get3A_1126] {strides = array<i32>} : memref<2x384x128xf32, #tpu.memory_space<vmem>>, vector<16xf32>,
        %mul3A_1128 = arith.mulf %get3A_1031, %get3A_1127 : vector<16xf32>
        %add3A_1129 = arith.addf %mul3A_1093, %mul3A_1098 : vector<16xf32>
        %add3A_1130 = arith.addf %mul3A_1103, %mul3A_1108 : vector<16xf32>
        %add3A_1131 = arith.addf %mul3A_1113, %mul3A_1118 : vector<16xf32>
        %add3A_1132 = arith.addf %mul3A_1123, %mul3A_1128 : vector<16xf32>
        %add3A_1133 = arith.addf %add3A_1129, %add3A_1130 : vector<16xf32>
        %add3A_1134 = arith.addf %add3A_1131, %add3A_1132 : vector<16xf32>
        %add3A_1135 = arith.addf %add3A_1133, %add3A_1134 : vector<16xf32>
        %swap3A_1136 = arith.constant 208 : index
        %swap3A_1137 = tpu.vector_load %arg13[%swap3A_1136] {strides = array<i32>} : memref<768xf32, #tpu.memory_space<vmem>>, vector<16xf32>,
        tpu.vector_store %arg13[%swap3A_1136], %add3A_1135 {strides = array<i32>} : memref<768xf32, #tpu.memory_space<vmem>>, vector<16xf32>,
        %mul3A_1138 = arith.constant 6 : i32
        %mul3A_1139 = arith.muli %add3A_999, %mul3A_1138 : i32
        %add3A_1140 = arith.constant 2 : i32
        %add3A_1141 = arith.addi %mul3A_1139, %add3A_1140 : i32
        %get3A_1142 = arith.index_cast %select_n3A_284 : i32 to index
        %get3A_1143 = arith.index_cast %add3A_1141 : i32 to index
        %get3A_1144 = arith.constant 0 : index
        %get3A_1145 = tpu.vector_load %arg11[%get3A_1142, %get3A_1143, %get3A_1144] {strides = array<i32>} : memref<2x384x128xf32, #tpu.memory_space<vmem>>, vector<16xf32>,
        %mul3A_1146 = arith.mulf %get3A_1003, %get3A_1145 : vector<16xf32>
        %get3A_1147 = arith.index_cast %select_n3A_284 : i32 to index
        %get3A_1148 = arith.index_cast %add3A_1141 : i32 to index
        %get3A_1149 = arith.constant 16 : index
        %get3A_1150 = tpu.vector_load %arg11[%get3A_1147, %get3A_1148, %get3A_1149] {strides = array<i32>} : memref<2x384x128xf32, #tpu.memory_space<vmem>>, vector<16xf32>,
        %mul3A_1151 = arith.mulf %get3A_1007, %get3A_1150 : vector<16xf32>
        %get3A_1152 = arith.index_cast %select_n3A_284 : i32 to index
        %get3A_1153 = arith.index_cast %add3A_1141 : i32 to index
        %get3A_1154 = arith.constant 32 : index
        %get3A_1155 = tpu.vector_load %arg11[%get3A_1152, %get3A_1153, %get3A_1154] {strides = array<i32>} : memref<2x384x128xf32, #tpu.memory_space<vmem>>, vector<16xf32>,
        %mul3A_1156 = arith.mulf %get3A_1011, %get3A_1155 : vector<16xf32>
        %get3A_1157 = arith.index_cast %select_n3A_284 : i32 to index
        %get3A_1158 = arith.index_cast %add3A_1141 : i32 to index
        %get3A_1159 = arith.constant 48 : index
        %get3A_1160 = tpu.vector_load %arg11[%get3A_1157, %get3A_1158, %get3A_1159] {strides = array<i32>} : memref<2x384x128xf32, #tpu.memory_space<vmem>>, vector<16xf32>,
        %mul3A_1161 = arith.mulf %get3A_1015, %get3A_1160 : vector<16xf32>
        %get3A_1162 = arith.index_cast %select_n3A_284 : i32 to index
        %get3A_1163 = arith.index_cast %add3A_1141 : i32 to index
        %get3A_1164 = arith.constant 64 : index
        %get3A_1165 = tpu.vector_load %arg11[%get3A_1162, %get3A_1163, %get3A_1164] {strides = array<i32>} : memref<2x384x128xf32, #tpu.memory_space<vmem>>, vector<16xf32>,
        %mul3A_1166 = arith.mulf %get3A_1019, %get3A_1165 : vector<16xf32>
        %get3A_1167 = arith.index_cast %select_n3A_284 : i32 to index
        %get3A_1168 = arith.index_cast %add3A_1141 : i32 to index
        %get3A_1169 = arith.constant 80 : index
        %get3A_1170 = tpu.vector_load %arg11[%get3A_1167, %get3A_1168, %get3A_1169] {strides = array<i32>} : memref<2x384x128xf32, #tpu.memory_space<vmem>>, vector<16xf32>,
        %mul3A_1171 = arith.mulf %get3A_1023, %get3A_1170 : vector<16xf32>
        %get3A_1172 = arith.index_cast %select_n3A_284 : i32 to index
        %get3A_1173 = arith.index_cast %add3A_1141 : i32 to index
        %get3A_1174 = arith.constant 96 : index
        %get3A_1175 = tpu.vector_load %arg11[%get3A_1172, %get3A_1173, %get3A_1174] {strides = array<i32>} : memref<2x384x128xf32, #tpu.memory_space<vmem>>, vector<16xf32>,
        %mul3A_1176 = arith.mulf %get3A_1027, %get3A_1175 : vector<16xf32>
        %get3A_1177 = arith.index_cast %select_n3A_284 : i32 to index
        %get3A_1178 = arith.index_cast %add3A_1141 : i32 to index
        %get3A_1179 = arith.constant 112 : index
        %get3A_1180 = tpu.vector_load %arg11[%get3A_1177, %get3A_1178, %get3A_1179] {strides = array<i32>} : memref<2x384x128xf32, #tpu.memory_space<vmem>>, vector<16xf32>,
        %mul3A_1181 = arith.mulf %get3A_1031, %get3A_1180 : vector<16xf32>
        %add3A_1182 = arith.addf %mul3A_1146, %mul3A_1151 : vector<16xf32>
        %add3A_1183 = arith.addf %mul3A_1156, %mul3A_1161 : vector<16xf32>
        %add3A_1184 = arith.addf %mul3A_1166, %mul3A_1171 : vector<16xf32>
        %add3A_1185 = arith.addf %mul3A_1176, %mul3A_1181 : vector<16xf32>
        %add3A_1186 = arith.addf %add3A_1182, %add3A_1183 : vector<16xf32>
        %add3A_1187 = arith.addf %add3A_1184, %add3A_1185 : vector<16xf32>
        %add3A_1188 = arith.addf %add3A_1186, %add3A_1187 : vector<16xf32>
        %swap3A_1189 = arith.constant 224 : index
        %swap3A_1190 = tpu.vector_load %arg13[%swap3A_1189] {strides = array<i32>} : memref<768xf32, #tpu.memory_space<vmem>>, vector<16xf32>,
        tpu.vector_store %arg13[%swap3A_1189], %add3A_1188 {strides = array<i32>} : memref<768xf32, #tpu.memory_space<vmem>>, vector<16xf32>,
        %mul3A_1191 = arith.constant 6 : i32
        %mul3A_1192 = arith.muli %add3A_999, %mul3A_1191 : i32
        %add3A_1193 = arith.constant 3 : i32
        %add3A_1194 = arith.addi %mul3A_1192, %add3A_1193 : i32
        %get3A_1195 = arith.index_cast %select_n3A_284 : i32 to index
        %get3A_1196 = arith.index_cast %add3A_1194 : i32 to index
        %get3A_1197 = arith.constant 0 : index
        %get3A_1198 = tpu.vector_load %arg11[%get3A_1195, %get3A_1196, %get3A_1197] {strides = array<i32>} : memref<2x384x128xf32, #tpu.memory_space<vmem>>, vector<16xf32>,
        %mul3A_1199 = arith.mulf %get3A_1003, %get3A_1198 : vector<16xf32>
        %get3A_1200 = arith.index_cast %select_n3A_284 : i32 to index
        %get3A_1201 = arith.index_cast %add3A_1194 : i32 to index
        %get3A_1202 = arith.constant 16 : index
        %get3A_1203 = tpu.vector_load %arg11[%get3A_1200, %get3A_1201, %get3A_1202] {strides = array<i32>} : memref<2x384x128xf32, #tpu.memory_space<vmem>>, vector<16xf32>,
        %mul3A_1204 = arith.mulf %get3A_1007, %get3A_1203 : vector<16xf32>
        %get3A_1205 = arith.index_cast %select_n3A_284 : i32 to index
        %get3A_1206 = arith.index_cast %add3A_1194 : i32 to index
        %get3A_1207 = arith.constant 32 : index
        %get3A_1208 = tpu.vector_load %arg11[%get3A_1205, %get3A_1206, %get3A_1207] {strides = array<i32>} : memref<2x384x128xf32, #tpu.memory_space<vmem>>, vector<16xf32>,
        %mul3A_1209 = arith.mulf %get3A_1011, %get3A_1208 : vector<16xf32>
        %get3A_1210 = arith.index_cast %select_n3A_284 : i32 to index
        %get3A_1211 = arith.index_cast %add3A_1194 : i32 to index
        %get3A_1212 = arith.constant 48 : index
        %get3A_1213 = tpu.vector_load %arg11[%get3A_1210, %get3A_1211, %get3A_1212] {strides = array<i32>} : memref<2x384x128xf32, #tpu.memory_space<vmem>>, vector<16xf32>,
        %mul3A_1214 = arith.mulf %get3A_1015, %get3A_1213 : vector<16xf32>
        %get3A_1215 = arith.index_cast %select_n3A_284 : i32 to index
        %get3A_1216 = arith.index_cast %add3A_1194 : i32 to index
        %get3A_1217 = arith.constant 64 : index
        %get3A_1218 = tpu.vector_load %arg11[%get3A_1215, %get3A_1216, %get3A_1217] {strides = array<i32>} : memref<2x384x128xf32, #tpu.memory_space<vmem>>, vector<16xf32>,
        %mul3A_1219 = arith.mulf %get3A_1019, %get3A_1218 : vector<16xf32>
        %get3A_1220 = arith.index_cast %select_n3A_284 : i32 to index
        %get3A_1221 = arith.index_cast %add3A_1194 : i32 to index
        %get3A_1222 = arith.constant 80 : index
        %get3A_1223 = tpu.vector_load %arg11[%get3A_1220, %get3A_1221, %get3A_1222] {strides = array<i32>} : memref<2x384x128xf32, #tpu.memory_space<vmem>>, vector<16xf32>,
        %mul3A_1224 = arith.mulf %get3A_1023, %get3A_1223 : vector<16xf32>
        %get3A_1225 = arith.index_cast %select_n3A_284 : i32 to index
        %get3A_1226 = arith.index_cast %add3A_1194 : i32 to index
        %get3A_1227 = arith.constant 96 : index
        %get3A_1228 = tpu.vector_load %arg11[%get3A_1225, %get3A_1226, %get3A_1227] {strides = array<i32>} : memref<2x384x128xf32, #tpu.memory_space<vmem>>, vector<16xf32>,
        %mul3A_1229 = arith.mulf %get3A_1027, %get3A_1228 : vector<16xf32>
        %get3A_1230 = arith.index_cast %select_n3A_284 : i32 to index
        %get3A_1231 = arith.index_cast %add3A_1194 : i32 to index
        %get3A_1232 = arith.constant 112 : index
        %get3A_1233 = tpu.vector_load %arg11[%get3A_1230, %get3A_1231, %get3A_1232] {strides = array<i32>} : memref<2x384x128xf32, #tpu.memory_space<vmem>>, vector<16xf32>,
        %mul3A_1234 = arith.mulf %get3A_1031, %get3A_1233 : vector<16xf32>
        %add3A_1235 = arith.addf %mul3A_1199, %mul3A_1204 : vector<16xf32>
        %add3A_1236 = arith.addf %mul3A_1209, %mul3A_1214 : vector<16xf32>
        %add3A_1237 = arith.addf %mul3A_1219, %mul3A_1224 : vector<16xf32>
        %add3A_1238 = arith.addf %mul3A_1229, %mul3A_1234 : vector<16xf32>
        %add3A_1239 = arith.addf %add3A_1235, %add3A_1236 : vector<16xf32>
        %add3A_1240 = arith.addf %add3A_1237, %add3A_1238 : vector<16xf32>
        %add3A_1241 = arith.addf %add3A_1239, %add3A_1240 : vector<16xf32>
        %swap3A_1242 = arith.constant 240 : index
        %swap3A_1243 = tpu.vector_load %arg13[%swap3A_1242] {strides = array<i32>} : memref<768xf32, #tpu.memory_space<vmem>>, vector<16xf32>,
        tpu.vector_store %arg13[%swap3A_1242], %add3A_1241 {strides = array<i32>} : memref<768xf32, #tpu.memory_space<vmem>>, vector<16xf32>,
        %mul3A_1244 = arith.constant 6 : i32
        %mul3A_1245 = arith.muli %add3A_999, %mul3A_1244 : i32
        %add3A_1246 = arith.constant 4 : i32
        %add3A_1247 = arith.addi %mul3A_1245, %add3A_1246 : i32
        %get3A_1248 = arith.index_cast %select_n3A_284 : i32 to index
        %get3A_1249 = arith.index_cast %add3A_1247 : i32 to index
        %get3A_1250 = arith.constant 0 : index
        %get3A_1251 = tpu.vector_load %arg11[%get3A_1248, %get3A_1249, %get3A_1250] {strides = array<i32>} : memref<2x384x128xf32, #tpu.memory_space<vmem>>, vector<16xf32>,
        %mul3A_1252 = arith.mulf %get3A_1003, %get3A_1251 : vector<16xf32>
        %get3A_1253 = arith.index_cast %select_n3A_284 : i32 to index
        %get3A_1254 = arith.index_cast %add3A_1247 : i32 to index
        %get3A_1255 = arith.constant 16 : index
        %get3A_1256 = tpu.vector_load %arg11[%get3A_1253, %get3A_1254, %get3A_1255] {strides = array<i32>} : memref<2x384x128xf32, #tpu.memory_space<vmem>>, vector<16xf32>,
        %mul3A_1257 = arith.mulf %get3A_1007, %get3A_1256 : vector<16xf32>
        %get3A_1258 = arith.index_cast %select_n3A_284 : i32 to index
        %get3A_1259 = arith.index_cast %add3A_1247 : i32 to index
        %get3A_1260 = arith.constant 32 : index
        %get3A_1261 = tpu.vector_load %arg11[%get3A_1258, %get3A_1259, %get3A_1260] {strides = array<i32>} : memref<2x384x128xf32, #tpu.memory_space<vmem>>, vector<16xf32>,
        %mul3A_1262 = arith.mulf %get3A_1011, %get3A_1261 : vector<16xf32>
        %get3A_1263 = arith.index_cast %select_n3A_284 : i32 to index
        %get3A_1264 = arith.index_cast %add3A_1247 : i32 to index
        %get3A_1265 = arith.constant 48 : index
        %get3A_1266 = tpu.vector_load %arg11[%get3A_1263, %get3A_1264, %get3A_1265] {strides = array<i32>} : memref<2x384x128xf32, #tpu.memory_space<vmem>>, vector<16xf32>,
        %mul3A_1267 = arith.mulf %get3A_1015, %get3A_1266 : vector<16xf32>
        %get3A_1268 = arith.index_cast %select_n3A_284 : i32 to index
        %get3A_1269 = arith.index_cast %add3A_1247 : i32 to index
        %get3A_1270 = arith.constant 64 : index
        %get3A_1271 = tpu.vector_load %arg11[%get3A_1268, %get3A_1269, %get3A_1270] {strides = array<i32>} : memref<2x384x128xf32, #tpu.memory_space<vmem>>, vector<16xf32>,
        %mul3A_1272 = arith.mulf %get3A_1019, %get3A_1271 : vector<16xf32>
        %get3A_1273 = arith.index_cast %select_n3A_284 : i32 to index
        %get3A_1274 = arith.index_cast %add3A_1247 : i32 to index
        %get3A_1275 = arith.constant 80 : index
        %get3A_1276 = tpu.vector_load %arg11[%get3A_1273, %get3A_1274, %get3A_1275] {strides = array<i32>} : memref<2x384x128xf32, #tpu.memory_space<vmem>>, vector<16xf32>,
        %mul3A_1277 = arith.mulf %get3A_1023, %get3A_1276 : vector<16xf32>
        %get3A_1278 = arith.index_cast %select_n3A_284 : i32 to index
        %get3A_1279 = arith.index_cast %add3A_1247 : i32 to index
        %get3A_1280 = arith.constant 96 : index
        %get3A_1281 = tpu.vector_load %arg11[%get3A_1278, %get3A_1279, %get3A_1280] {strides = array<i32>} : memref<2x384x128xf32, #tpu.memory_space<vmem>>, vector<16xf32>,
        %mul3A_1282 = arith.mulf %get3A_1027, %get3A_1281 : vector<16xf32>
        %get3A_1283 = arith.index_cast %select_n3A_284 : i32 to index
        %get3A_1284 = arith.index_cast %add3A_1247 : i32 to index
        %get3A_1285 = arith.constant 112 : index
        %get3A_1286 = tpu.vector_load %arg11[%get3A_1283, %get3A_1284, %get3A_1285] {strides = array<i32>} : memref<2x384x128xf32, #tpu.memory_space<vmem>>, vector<16xf32>,
        %mul3A_1287 = arith.mulf %get3A_1031, %get3A_1286 : vector<16xf32>
        %add3A_1288 = arith.addf %mul3A_1252, %mul3A_1257 : vector<16xf32>
        %add3A_1289 = arith.addf %mul3A_1262, %mul3A_1267 : vector<16xf32>
        %add3A_1290 = arith.addf %mul3A_1272, %mul3A_1277 : vector<16xf32>
        %add3A_1291 = arith.addf %mul3A_1282, %mul3A_1287 : vector<16xf32>
        %add3A_1292 = arith.addf %add3A_1288, %add3A_1289 : vector<16xf32>
        %add3A_1293 = arith.addf %add3A_1290, %add3A_1291 : vector<16xf32>
        %add3A_1294 = arith.addf %add3A_1292, %add3A_1293 : vector<16xf32>
        %swap3A_1295 = arith.constant 256 : index
        %swap3A_1296 = tpu.vector_load %arg13[%swap3A_1295] {strides = array<i32>} : memref<768xf32, #tpu.memory_space<vmem>>, vector<16xf32>,
        tpu.vector_store %arg13[%swap3A_1295], %add3A_1294 {strides = array<i32>} : memref<768xf32, #tpu.memory_space<vmem>>, vector<16xf32>,
        %mul3A_1297 = arith.constant 6 : i32
        %mul3A_1298 = arith.muli %add3A_999, %mul3A_1297 : i32
        %add3A_1299 = arith.constant 5 : i32
        %add3A_1300 = arith.addi %mul3A_1298, %add3A_1299 : i32
        %get3A_1301 = arith.index_cast %select_n3A_284 : i32 to index
        %get3A_1302 = arith.index_cast %add3A_1300 : i32 to index
        %get3A_1303 = arith.constant 0 : index
        %get3A_1304 = tpu.vector_load %arg11[%get3A_1301, %get3A_1302, %get3A_1303] {strides = array<i32>} : memref<2x384x128xf32, #tpu.memory_space<vmem>>, vector<16xf32>,
        %mul3A_1305 = arith.mulf %get3A_1003, %get3A_1304 : vector<16xf32>
        %get3A_1306 = arith.index_cast %select_n3A_284 : i32 to index
        %get3A_1307 = arith.index_cast %add3A_1300 : i32 to index
        %get3A_1308 = arith.constant 16 : index
        %get3A_1309 = tpu.vector_load %arg11[%get3A_1306, %get3A_1307, %get3A_1308] {strides = array<i32>} : memref<2x384x128xf32, #tpu.memory_space<vmem>>, vector<16xf32>,
        %mul3A_1310 = arith.mulf %get3A_1007, %get3A_1309 : vector<16xf32>
        %get3A_1311 = arith.index_cast %select_n3A_284 : i32 to index
        %get3A_1312 = arith.index_cast %add3A_1300 : i32 to index
        %get3A_1313 = arith.constant 32 : index
        %get3A_1314 = tpu.vector_load %arg11[%get3A_1311, %get3A_1312, %get3A_1313] {strides = array<i32>} : memref<2x384x128xf32, #tpu.memory_space<vmem>>, vector<16xf32>,
        %mul3A_1315 = arith.mulf %get3A_1011, %get3A_1314 : vector<16xf32>
        %get3A_1316 = arith.index_cast %select_n3A_284 : i32 to index
        %get3A_1317 = arith.index_cast %add3A_1300 : i32 to index
        %get3A_1318 = arith.constant 48 : index
        %get3A_1319 = tpu.vector_load %arg11[%get3A_1316, %get3A_1317, %get3A_1318] {strides = array<i32>} : memref<2x384x128xf32, #tpu.memory_space<vmem>>, vector<16xf32>,
        %mul3A_1320 = arith.mulf %get3A_1015, %get3A_1319 : vector<16xf32>
        %get3A_1321 = arith.index_cast %select_n3A_284 : i32 to index
        %get3A_1322 = arith.index_cast %add3A_1300 : i32 to index
        %get3A_1323 = arith.constant 64 : index
        %get3A_1324 = tpu.vector_load %arg11[%get3A_1321, %get3A_1322, %get3A_1323] {strides = array<i32>} : memref<2x384x128xf32, #tpu.memory_space<vmem>>, vector<16xf32>,
        %mul3A_1325 = arith.mulf %get3A_1019, %get3A_1324 : vector<16xf32>
        %get3A_1326 = arith.index_cast %select_n3A_284 : i32 to index
        %get3A_1327 = arith.index_cast %add3A_1300 : i32 to index
        %get3A_1328 = arith.constant 80 : index
        %get3A_1329 = tpu.vector_load %arg11[%get3A_1326, %get3A_1327, %get3A_1328] {strides = array<i32>} : memref<2x384x128xf32, #tpu.memory_space<vmem>>, vector<16xf32>,
        %mul3A_1330 = arith.mulf %get3A_1023, %get3A_1329 : vector<16xf32>
        %get3A_1331 = arith.index_cast %select_n3A_284 : i32 to index
        %get3A_1332 = arith.index_cast %add3A_1300 : i32 to index
        %get3A_1333 = arith.constant 96 : index
        %get3A_1334 = tpu.vector_load %arg11[%get3A_1331, %get3A_1332, %get3A_1333] {strides = array<i32>} : memref<2x384x128xf32, #tpu.memory_space<vmem>>, vector<16xf32>,
        %mul3A_1335 = arith.mulf %get3A_1027, %get3A_1334 : vector<16xf32>
        %get3A_1336 = arith.index_cast %select_n3A_284 : i32 to index
        %get3A_1337 = arith.index_cast %add3A_1300 : i32 to index
        %get3A_1338 = arith.constant 112 : index
        %get3A_1339 = tpu.vector_load %arg11[%get3A_1336, %get3A_1337, %get3A_1338] {strides = array<i32>} : memref<2x384x128xf32, #tpu.memory_space<vmem>>, vector<16xf32>,
        %mul3A_1340 = arith.mulf %get3A_1031, %get3A_1339 : vector<16xf32>
        %add3A_1341 = arith.addf %mul3A_1305, %mul3A_1310 : vector<16xf32>
        %add3A_1342 = arith.addf %mul3A_1315, %mul3A_1320 : vector<16xf32>
        %add3A_1343 = arith.addf %mul3A_1325, %mul3A_1330 : vector<16xf32>
        %add3A_1344 = arith.addf %mul3A_1335, %mul3A_1340 : vector<16xf32>
        %add3A_1345 = arith.addf %add3A_1341, %add3A_1342 : vector<16xf32>
        %add3A_1346 = arith.addf %add3A_1343, %add3A_1344 : vector<16xf32>
        %add3A_1347 = arith.addf %add3A_1345, %add3A_1346 : vector<16xf32>
        %swap3A_1348 = arith.constant 272 : index
        %swap3A_1349 = tpu.vector_load %arg13[%swap3A_1348] {strides = array<i32>} : memref<768xf32, #tpu.memory_space<vmem>>, vector<16xf32>,
        tpu.vector_store %arg13[%swap3A_1348], %add3A_1347 {strides = array<i32>} : memref<768xf32, #tpu.memory_space<vmem>>, vector<16xf32>,
        %add3A_1350 = arith.constant 3 : i32
        %add3A_1351 = arith.addi %mul3A_294, %add3A_1350 : i32
        %get3A_1352 = arith.index_cast %select_n3A_284 : i32 to index
        %get3A_1353 = arith.index_cast %add3A_1351 : i32 to index
        %get3A_1354 = arith.constant 0 : index
        %get3A_1355 = tpu.vector_load %arg10[%get3A_1352, %get3A_1353, %get3A_1354] {strides = array<i32>} : memref<2x64x128xf32, #tpu.memory_space<vmem>>, vector<16xf32>,
        %get3A_1356 = arith.index_cast %select_n3A_284 : i32 to index
        %get3A_1357 = arith.index_cast %add3A_1351 : i32 to index
        %get3A_1358 = arith.constant 16 : index
        %get3A_1359 = tpu.vector_load %arg10[%get3A_1356, %get3A_1357, %get3A_1358] {strides = array<i32>} : memref<2x64x128xf32, #tpu.memory_space<vmem>>, vector<16xf32>,
        %get3A_1360 = arith.index_cast %select_n3A_284 : i32 to index
        %get3A_1361 = arith.index_cast %add3A_1351 : i32 to index
        %get3A_1362 = arith.constant 32 : index
        %get3A_1363 = tpu.vector_load %arg10[%get3A_1360, %get3A_1361, %get3A_1362] {strides = array<i32>} : memref<2x64x128xf32, #tpu.memory_space<vmem>>, vector<16xf32>,
        %get3A_1364 = arith.index_cast %select_n3A_284 : i32 to index
        %get3A_1365 = arith.index_cast %add3A_1351 : i32 to index
        %get3A_1366 = arith.constant 48 : index
        %get3A_1367 = tpu.vector_load %arg10[%get3A_1364, %get3A_1365, %get3A_1366] {strides = array<i32>} : memref<2x64x128xf32, #tpu.memory_space<vmem>>, vector<16xf32>,
        %get3A_1368 = arith.index_cast %select_n3A_284 : i32 to index
        %get3A_1369 = arith.index_cast %add3A_1351 : i32 to index
        %get3A_1370 = arith.constant 64 : index
        %get3A_1371 = tpu.vector_load %arg10[%get3A_1368, %get3A_1369, %get3A_1370] {strides = array<i32>} : memref<2x64x128xf32, #tpu.memory_space<vmem>>, vector<16xf32>,
        %get3A_1372 = arith.index_cast %select_n3A_284 : i32 to index
        %get3A_1373 = arith.index_cast %add3A_1351 : i32 to index
        %get3A_1374 = arith.constant 80 : index
        %get3A_1375 = tpu.vector_load %arg10[%get3A_1372, %get3A_1373, %get3A_1374] {strides = array<i32>} : memref<2x64x128xf32, #tpu.memory_space<vmem>>, vector<16xf32>,
        %get3A_1376 = arith.index_cast %select_n3A_284 : i32 to index
        %get3A_1377 = arith.index_cast %add3A_1351 : i32 to index
        %get3A_1378 = arith.constant 96 : index
        %get3A_1379 = tpu.vector_load %arg10[%get3A_1376, %get3A_1377, %get3A_1378] {strides = array<i32>} : memref<2x64x128xf32, #tpu.memory_space<vmem>>, vector<16xf32>,
        %get3A_1380 = arith.index_cast %select_n3A_284 : i32 to index
        %get3A_1381 = arith.index_cast %add3A_1351 : i32 to index
        %get3A_1382 = arith.constant 112 : index
        %get3A_1383 = tpu.vector_load %arg10[%get3A_1380, %get3A_1381, %get3A_1382] {strides = array<i32>} : memref<2x64x128xf32, #tpu.memory_space<vmem>>, vector<16xf32>,
        %mul3A_1384 = arith.constant 6 : i32
        %mul3A_1385 = arith.muli %add3A_1351, %mul3A_1384 : i32
        %add3A_1386 = arith.constant 0 : i32
        %add3A_1387 = arith.addi %mul3A_1385, %add3A_1386 : i32
        %get3A_1388 = arith.index_cast %select_n3A_284 : i32 to index
        %get3A_1389 = arith.index_cast %add3A_1387 : i32 to index
        %get3A_1390 = arith.constant 0 : index
        %get3A_1391 = tpu.vector_load %arg11[%get3A_1388, %get3A_1389, %get3A_1390] {strides = array<i32>} : memref<2x384x128xf32, #tpu.memory_space<vmem>>, vector<16xf32>,
        %mul3A_1392 = arith.mulf %get3A_1355, %get3A_1391 : vector<16xf32>
        %get3A_1393 = arith.index_cast %select_n3A_284 : i32 to index
        %get3A_1394 = arith.index_cast %add3A_1387 : i32 to index
        %get3A_1395 = arith.constant 16 : index
        %get3A_1396 = tpu.vector_load %arg11[%get3A_1393, %get3A_1394, %get3A_1395] {strides = array<i32>} : memref<2x384x128xf32, #tpu.memory_space<vmem>>, vector<16xf32>,
        %mul3A_1397 = arith.mulf %get3A_1359, %get3A_1396 : vector<16xf32>
        %get3A_1398 = arith.index_cast %select_n3A_284 : i32 to index
        %get3A_1399 = arith.index_cast %add3A_1387 : i32 to index
        %get3A_1400 = arith.constant 32 : index
        %get3A_1401 = tpu.vector_load %arg11[%get3A_1398, %get3A_1399, %get3A_1400] {strides = array<i32>} : memref<2x384x128xf32, #tpu.memory_space<vmem>>, vector<16xf32>,
        %mul3A_1402 = arith.mulf %get3A_1363, %get3A_1401 : vector<16xf32>
        %get3A_1403 = arith.index_cast %select_n3A_284 : i32 to index
        %get3A_1404 = arith.index_cast %add3A_1387 : i32 to index
        %get3A_1405 = arith.constant 48 : index
        %get3A_1406 = tpu.vector_load %arg11[%get3A_1403, %get3A_1404, %get3A_1405] {strides = array<i32>} : memref<2x384x128xf32, #tpu.memory_space<vmem>>, vector<16xf32>,
        %mul3A_1407 = arith.mulf %get3A_1367, %get3A_1406 : vector<16xf32>
        %get3A_1408 = arith.index_cast %select_n3A_284 : i32 to index
        %get3A_1409 = arith.index_cast %add3A_1387 : i32 to index
        %get3A_1410 = arith.constant 64 : index
        %get3A_1411 = tpu.vector_load %arg11[%get3A_1408, %get3A_1409, %get3A_1410] {strides = array<i32>} : memref<2x384x128xf32, #tpu.memory_space<vmem>>, vector<16xf32>,
        %mul3A_1412 = arith.mulf %get3A_1371, %get3A_1411 : vector<16xf32>
        %get3A_1413 = arith.index_cast %select_n3A_284 : i32 to index
        %get3A_1414 = arith.index_cast %add3A_1387 : i32 to index
        %get3A_1415 = arith.constant 80 : index
        %get3A_1416 = tpu.vector_load %arg11[%get3A_1413, %get3A_1414, %get3A_1415] {strides = array<i32>} : memref<2x384x128xf32, #tpu.memory_space<vmem>>, vector<16xf32>,
        %mul3A_1417 = arith.mulf %get3A_1375, %get3A_1416 : vector<16xf32>
        %get3A_1418 = arith.index_cast %select_n3A_284 : i32 to index
        %get3A_1419 = arith.index_cast %add3A_1387 : i32 to index
        %get3A_1420 = arith.constant 96 : index
        %get3A_1421 = tpu.vector_load %arg11[%get3A_1418, %get3A_1419, %get3A_1420] {strides = array<i32>} : memref<2x384x128xf32, #tpu.memory_space<vmem>>, vector<16xf32>,
        %mul3A_1422 = arith.mulf %get3A_1379, %get3A_1421 : vector<16xf32>
        %get3A_1423 = arith.index_cast %select_n3A_284 : i32 to index
        %get3A_1424 = arith.index_cast %add3A_1387 : i32 to index
        %get3A_1425 = arith.constant 112 : index
        %get3A_1426 = tpu.vector_load %arg11[%get3A_1423, %get3A_1424, %get3A_1425] {strides = array<i32>} : memref<2x384x128xf32, #tpu.memory_space<vmem>>, vector<16xf32>,
        %mul3A_1427 = arith.mulf %get3A_1383, %get3A_1426 : vector<16xf32>
        %add3A_1428 = arith.addf %mul3A_1392, %mul3A_1397 : vector<16xf32>
        %add3A_1429 = arith.addf %mul3A_1402, %mul3A_1407 : vector<16xf32>
        %add3A_1430 = arith.addf %mul3A_1412, %mul3A_1417 : vector<16xf32>
        %add3A_1431 = arith.addf %mul3A_1422, %mul3A_1427 : vector<16xf32>
        %add3A_1432 = arith.addf %add3A_1428, %add3A_1429 : vector<16xf32>
        %add3A_1433 = arith.addf %add3A_1430, %add3A_1431 : vector<16xf32>
        %add3A_1434 = arith.addf %add3A_1432, %add3A_1433 : vector<16xf32>
        %swap3A_1435 = arith.constant 288 : index
        %swap3A_1436 = tpu.vector_load %arg13[%swap3A_1435] {strides = array<i32>} : memref<768xf32, #tpu.memory_space<vmem>>, vector<16xf32>,
        tpu.vector_store %arg13[%swap3A_1435], %add3A_1434 {strides = array<i32>} : memref<768xf32, #tpu.memory_space<vmem>>, vector<16xf32>,
        %mul3A_1437 = arith.constant 6 : i32
        %mul3A_1438 = arith.muli %add3A_1351, %mul3A_1437 : i32
        %add3A_1439 = arith.constant 1 : i32
        %add3A_1440 = arith.addi %mul3A_1438, %add3A_1439 : i32
        %get3A_1441 = arith.index_cast %select_n3A_284 : i32 to index
        %get3A_1442 = arith.index_cast %add3A_1440 : i32 to index
        %get3A_1443 = arith.constant 0 : index
        %get3A_1444 = tpu.vector_load %arg11[%get3A_1441, %get3A_1442, %get3A_1443] {strides = array<i32>} : memref<2x384x128xf32, #tpu.memory_space<vmem>>, vector<16xf32>,
        %mul3A_1445 = arith.mulf %get3A_1355, %get3A_1444 : vector<16xf32>
        %get3A_1446 = arith.index_cast %select_n3A_284 : i32 to index
        %get3A_1447 = arith.index_cast %add3A_1440 : i32 to index
        %get3A_1448 = arith.constant 16 : index
        %get3A_1449 = tpu.vector_load %arg11[%get3A_1446, %get3A_1447, %get3A_1448] {strides = array<i32>} : memref<2x384x128xf32, #tpu.memory_space<vmem>>, vector<16xf32>,
        %mul3A_1450 = arith.mulf %get3A_1359, %get3A_1449 : vector<16xf32>
        %get3A_1451 = arith.index_cast %select_n3A_284 : i32 to index
        %get3A_1452 = arith.index_cast %add3A_1440 : i32 to index
        %get3A_1453 = arith.constant 32 : index
        %get3A_1454 = tpu.vector_load %arg11[%get3A_1451, %get3A_1452, %get3A_1453] {strides = array<i32>} : memref<2x384x128xf32, #tpu.memory_space<vmem>>, vector<16xf32>,
        %mul3A_1455 = arith.mulf %get3A_1363, %get3A_1454 : vector<16xf32>
        %get3A_1456 = arith.index_cast %select_n3A_284 : i32 to index
        %get3A_1457 = arith.index_cast %add3A_1440 : i32 to index
        %get3A_1458 = arith.constant 48 : index
        %get3A_1459 = tpu.vector_load %arg11[%get3A_1456, %get3A_1457, %get3A_1458] {strides = array<i32>} : memref<2x384x128xf32, #tpu.memory_space<vmem>>, vector<16xf32>,
        %mul3A_1460 = arith.mulf %get3A_1367, %get3A_1459 : vector<16xf32>
        %get3A_1461 = arith.index_cast %select_n3A_284 : i32 to index
        %get3A_1462 = arith.index_cast %add3A_1440 : i32 to index
        %get3A_1463 = arith.constant 64 : index
        %get3A_1464 = tpu.vector_load %arg11[%get3A_1461, %get3A_1462, %get3A_1463] {strides = array<i32>} : memref<2x384x128xf32, #tpu.memory_space<vmem>>, vector<16xf32>,
        %mul3A_1465 = arith.mulf %get3A_1371, %get3A_1464 : vector<16xf32>
        %get3A_1466 = arith.index_cast %select_n3A_284 : i32 to index
        %get3A_1467 = arith.index_cast %add3A_1440 : i32 to index
        %get3A_1468 = arith.constant 80 : index
        %get3A_1469 = tpu.vector_load %arg11[%get3A_1466, %get3A_1467, %get3A_1468] {strides = array<i32>} : memref<2x384x128xf32, #tpu.memory_space<vmem>>, vector<16xf32>,
        %mul3A_1470 = arith.mulf %get3A_1375, %get3A_1469 : vector<16xf32>
        %get3A_1471 = arith.index_cast %select_n3A_284 : i32 to index
        %get3A_1472 = arith.index_cast %add3A_1440 : i32 to index
        %get3A_1473 = arith.constant 96 : index
        %get3A_1474 = tpu.vector_load %arg11[%get3A_1471, %get3A_1472, %get3A_1473] {strides = array<i32>} : memref<2x384x128xf32, #tpu.memory_space<vmem>>, vector<16xf32>,
        %mul3A_1475 = arith.mulf %get3A_1379, %get3A_1474 : vector<16xf32>
        %get3A_1476 = arith.index_cast %select_n3A_284 : i32 to index
        %get3A_1477 = arith.index_cast %add3A_1440 : i32 to index
        %get3A_1478 = arith.constant 112 : index
        %get3A_1479 = tpu.vector_load %arg11[%get3A_1476, %get3A_1477, %get3A_1478] {strides = array<i32>} : memref<2x384x128xf32, #tpu.memory_space<vmem>>, vector<16xf32>,
        %mul3A_1480 = arith.mulf %get3A_1383, %get3A_1479 : vector<16xf32>
        %add3A_1481 = arith.addf %mul3A_1445, %mul3A_1450 : vector<16xf32>
        %add3A_1482 = arith.addf %mul3A_1455, %mul3A_1460 : vector<16xf32>
        %add3A_1483 = arith.addf %mul3A_1465, %mul3A_1470 : vector<16xf32>
        %add3A_1484 = arith.addf %mul3A_1475, %mul3A_1480 : vector<16xf32>
        %add3A_1485 = arith.addf %add3A_1481, %add3A_1482 : vector<16xf32>
        %add3A_1486 = arith.addf %add3A_1483, %add3A_1484 : vector<16xf32>
        %add3A_1487 = arith.addf %add3A_1485, %add3A_1486 : vector<16xf32>
        %swap3A_1488 = arith.constant 304 : index
        %swap3A_1489 = tpu.vector_load %arg13[%swap3A_1488] {strides = array<i32>} : memref<768xf32, #tpu.memory_space<vmem>>, vector<16xf32>,
        tpu.vector_store %arg13[%swap3A_1488], %add3A_1487 {strides = array<i32>} : memref<768xf32, #tpu.memory_space<vmem>>, vector<16xf32>,
        %mul3A_1490 = arith.constant 6 : i32
        %mul3A_1491 = arith.muli %add3A_1351, %mul3A_1490 : i32
        %add3A_1492 = arith.constant 2 : i32
        %add3A_1493 = arith.addi %mul3A_1491, %add3A_1492 : i32
        %get3A_1494 = arith.index_cast %select_n3A_284 : i32 to index
        %get3A_1495 = arith.index_cast %add3A_1493 : i32 to index
        %get3A_1496 = arith.constant 0 : index
        %get3A_1497 = tpu.vector_load %arg11[%get3A_1494, %get3A_1495, %get3A_1496] {strides = array<i32>} : memref<2x384x128xf32, #tpu.memory_space<vmem>>, vector<16xf32>,
        %mul3A_1498 = arith.mulf %get3A_1355, %get3A_1497 : vector<16xf32>
        %get3A_1499 = arith.index_cast %select_n3A_284 : i32 to index
        %get3A_1500 = arith.index_cast %add3A_1493 : i32 to index
        %get3A_1501 = arith.constant 16 : index
        %get3A_1502 = tpu.vector_load %arg11[%get3A_1499, %get3A_1500, %get3A_1501] {strides = array<i32>} : memref<2x384x128xf32, #tpu.memory_space<vmem>>, vector<16xf32>,
        %mul3A_1503 = arith.mulf %get3A_1359, %get3A_1502 : vector<16xf32>
        %get3A_1504 = arith.index_cast %select_n3A_284 : i32 to index
        %get3A_1505 = arith.index_cast %add3A_1493 : i32 to index
        %get3A_1506 = arith.constant 32 : index
        %get3A_1507 = tpu.vector_load %arg11[%get3A_1504, %get3A_1505, %get3A_1506] {strides = array<i32>} : memref<2x384x128xf32, #tpu.memory_space<vmem>>, vector<16xf32>,
        %mul3A_1508 = arith.mulf %get3A_1363, %get3A_1507 : vector<16xf32>
        %get3A_1509 = arith.index_cast %select_n3A_284 : i32 to index
        %get3A_1510 = arith.index_cast %add3A_1493 : i32 to index
        %get3A_1511 = arith.constant 48 : index
        %get3A_1512 = tpu.vector_load %arg11[%get3A_1509, %get3A_1510, %get3A_1511] {strides = array<i32>} : memref<2x384x128xf32, #tpu.memory_space<vmem>>, vector<16xf32>,
        %mul3A_1513 = arith.mulf %get3A_1367, %get3A_1512 : vector<16xf32>
        %get3A_1514 = arith.index_cast %select_n3A_284 : i32 to index
        %get3A_1515 = arith.index_cast %add3A_1493 : i32 to index
        %get3A_1516 = arith.constant 64 : index
        %get3A_1517 = tpu.vector_load %arg11[%get3A_1514, %get3A_1515, %get3A_1516] {strides = array<i32>} : memref<2x384x128xf32, #tpu.memory_space<vmem>>, vector<16xf32>,
        %mul3A_1518 = arith.mulf %get3A_1371, %get3A_1517 : vector<16xf32>
        %get3A_1519 = arith.index_cast %select_n3A_284 : i32 to index
        %get3A_1520 = arith.index_cast %add3A_1493 : i32 to index
        %get3A_1521 = arith.constant 80 : index
        %get3A_1522 = tpu.vector_load %arg11[%get3A_1519, %get3A_1520, %get3A_1521] {strides = array<i32>} : memref<2x384x128xf32, #tpu.memory_space<vmem>>, vector<16xf32>,
        %mul3A_1523 = arith.mulf %get3A_1375, %get3A_1522 : vector<16xf32>
        %get3A_1524 = arith.index_cast %select_n3A_284 : i32 to index
        %get3A_1525 = arith.index_cast %add3A_1493 : i32 to index
        %get3A_1526 = arith.constant 96 : index
        %get3A_1527 = tpu.vector_load %arg11[%get3A_1524, %get3A_1525, %get3A_1526] {strides = array<i32>} : memref<2x384x128xf32, #tpu.memory_space<vmem>>, vector<16xf32>,
        %mul3A_1528 = arith.mulf %get3A_1379, %get3A_1527 : vector<16xf32>
        %get3A_1529 = arith.index_cast %select_n3A_284 : i32 to index
        %get3A_1530 = arith.index_cast %add3A_1493 : i32 to index
        %get3A_1531 = arith.constant 112 : index
        %get3A_1532 = tpu.vector_load %arg11[%get3A_1529, %get3A_1530, %get3A_1531] {strides = array<i32>} : memref<2x384x128xf32, #tpu.memory_space<vmem>>, vector<16xf32>,
        %mul3A_1533 = arith.mulf %get3A_1383, %get3A_1532 : vector<16xf32>
        %add3A_1534 = arith.addf %mul3A_1498, %mul3A_1503 : vector<16xf32>
        %add3A_1535 = arith.addf %mul3A_1508, %mul3A_1513 : vector<16xf32>
        %add3A_1536 = arith.addf %mul3A_1518, %mul3A_1523 : vector<16xf32>
        %add3A_1537 = arith.addf %mul3A_1528, %mul3A_1533 : vector<16xf32>
        %add3A_1538 = arith.addf %add3A_1534, %add3A_1535 : vector<16xf32>
        %add3A_1539 = arith.addf %add3A_1536, %add3A_1537 : vector<16xf32>
        %add3A_1540 = arith.addf %add3A_1538, %add3A_1539 : vector<16xf32>
        %swap3A_1541 = arith.constant 320 : index
        %swap3A_1542 = tpu.vector_load %arg13[%swap3A_1541] {strides = array<i32>} : memref<768xf32, #tpu.memory_space<vmem>>, vector<16xf32>,
        tpu.vector_store %arg13[%swap3A_1541], %add3A_1540 {strides = array<i32>} : memref<768xf32, #tpu.memory_space<vmem>>, vector<16xf32>,
        %mul3A_1543 = arith.constant 6 : i32
        %mul3A_1544 = arith.muli %add3A_1351, %mul3A_1543 : i32
        %add3A_1545 = arith.constant 3 : i32
        %add3A_1546 = arith.addi %mul3A_1544, %add3A_1545 : i32
        %get3A_1547 = arith.index_cast %select_n3A_284 : i32 to index
        %get3A_1548 = arith.index_cast %add3A_1546 : i32 to index
        %get3A_1549 = arith.constant 0 : index
        %get3A_1550 = tpu.vector_load %arg11[%get3A_1547, %get3A_1548, %get3A_1549] {strides = array<i32>} : memref<2x384x128xf32, #tpu.memory_space<vmem>>, vector<16xf32>,
        %mul3A_1551 = arith.mulf %get3A_1355, %get3A_1550 : vector<16xf32>
        %get3A_1552 = arith.index_cast %select_n3A_284 : i32 to index
        %get3A_1553 = arith.index_cast %add3A_1546 : i32 to index
        %get3A_1554 = arith.constant 16 : index
        %get3A_1555 = tpu.vector_load %arg11[%get3A_1552, %get3A_1553, %get3A_1554] {strides = array<i32>} : memref<2x384x128xf32, #tpu.memory_space<vmem>>, vector<16xf32>,
        %mul3A_1556 = arith.mulf %get3A_1359, %get3A_1555 : vector<16xf32>
        %get3A_1557 = arith.index_cast %select_n3A_284 : i32 to index
        %get3A_1558 = arith.index_cast %add3A_1546 : i32 to index
        %get3A_1559 = arith.constant 32 : index
        %get3A_1560 = tpu.vector_load %arg11[%get3A_1557, %get3A_1558, %get3A_1559] {strides = array<i32>} : memref<2x384x128xf32, #tpu.memory_space<vmem>>, vector<16xf32>,
        %mul3A_1561 = arith.mulf %get3A_1363, %get3A_1560 : vector<16xf32>
        %get3A_1562 = arith.index_cast %select_n3A_284 : i32 to index
        %get3A_1563 = arith.index_cast %add3A_1546 : i32 to index
        %get3A_1564 = arith.constant 48 : index
        %get3A_1565 = tpu.vector_load %arg11[%get3A_1562, %get3A_1563, %get3A_1564] {strides = array<i32>} : memref<2x384x128xf32, #tpu.memory_space<vmem>>, vector<16xf32>,
        %mul3A_1566 = arith.mulf %get3A_1367, %get3A_1565 : vector<16xf32>
        %get3A_1567 = arith.index_cast %select_n3A_284 : i32 to index
        %get3A_1568 = arith.index_cast %add3A_1546 : i32 to index
        %get3A_1569 = arith.constant 64 : index
        %get3A_1570 = tpu.vector_load %arg11[%get3A_1567, %get3A_1568, %get3A_1569] {strides = array<i32>} : memref<2x384x128xf32, #tpu.memory_space<vmem>>, vector<16xf32>,
        %mul3A_1571 = arith.mulf %get3A_1371, %get3A_1570 : vector<16xf32>
        %get3A_1572 = arith.index_cast %select_n3A_284 : i32 to index
        %get3A_1573 = arith.index_cast %add3A_1546 : i32 to index
        %get3A_1574 = arith.constant 80 : index
        %get3A_1575 = tpu.vector_load %arg11[%get3A_1572, %get3A_1573, %get3A_1574] {strides = array<i32>} : memref<2x384x128xf32, #tpu.memory_space<vmem>>, vector<16xf32>,
        %mul3A_1576 = arith.mulf %get3A_1375, %get3A_1575 : vector<16xf32>
        %get3A_1577 = arith.index_cast %select_n3A_284 : i32 to index
        %get3A_1578 = arith.index_cast %add3A_1546 : i32 to index
        %get3A_1579 = arith.constant 96 : index
        %get3A_1580 = tpu.vector_load %arg11[%get3A_1577, %get3A_1578, %get3A_1579] {strides = array<i32>} : memref<2x384x128xf32, #tpu.memory_space<vmem>>, vector<16xf32>,
        %mul3A_1581 = arith.mulf %get3A_1379, %get3A_1580 : vector<16xf32>
        %get3A_1582 = arith.index_cast %select_n3A_284 : i32 to index
        %get3A_1583 = arith.index_cast %add3A_1546 : i32 to index
        %get3A_1584 = arith.constant 112 : index
        %get3A_1585 = tpu.vector_load %arg11[%get3A_1582, %get3A_1583, %get3A_1584] {strides = array<i32>} : memref<2x384x128xf32, #tpu.memory_space<vmem>>, vector<16xf32>,
        %mul3A_1586 = arith.mulf %get3A_1383, %get3A_1585 : vector<16xf32>
        %add3A_1587 = arith.addf %mul3A_1551, %mul3A_1556 : vector<16xf32>
        %add3A_1588 = arith.addf %mul3A_1561, %mul3A_1566 : vector<16xf32>
        %add3A_1589 = arith.addf %mul3A_1571, %mul3A_1576 : vector<16xf32>
        %add3A_1590 = arith.addf %mul3A_1581, %mul3A_1586 : vector<16xf32>
        %add3A_1591 = arith.addf %add3A_1587, %add3A_1588 : vector<16xf32>
        %add3A_1592 = arith.addf %add3A_1589, %add3A_1590 : vector<16xf32>
        %add3A_1593 = arith.addf %add3A_1591, %add3A_1592 : vector<16xf32>
        %swap3A_1594 = arith.constant 336 : index
        %swap3A_1595 = tpu.vector_load %arg13[%swap3A_1594] {strides = array<i32>} : memref<768xf32, #tpu.memory_space<vmem>>, vector<16xf32>,
        tpu.vector_store %arg13[%swap3A_1594], %add3A_1593 {strides = array<i32>} : memref<768xf32, #tpu.memory_space<vmem>>, vector<16xf32>,
        %mul3A_1596 = arith.constant 6 : i32
        %mul3A_1597 = arith.muli %add3A_1351, %mul3A_1596 : i32
        %add3A_1598 = arith.constant 4 : i32
        %add3A_1599 = arith.addi %mul3A_1597, %add3A_1598 : i32
        %get3A_1600 = arith.index_cast %select_n3A_284 : i32 to index
        %get3A_1601 = arith.index_cast %add3A_1599 : i32 to index
        %get3A_1602 = arith.constant 0 : index
        %get3A_1603 = tpu.vector_load %arg11[%get3A_1600, %get3A_1601, %get3A_1602] {strides = array<i32>} : memref<2x384x128xf32, #tpu.memory_space<vmem>>, vector<16xf32>,
        %mul3A_1604 = arith.mulf %get3A_1355, %get3A_1603 : vector<16xf32>
        %get3A_1605 = arith.index_cast %select_n3A_284 : i32 to index
        %get3A_1606 = arith.index_cast %add3A_1599 : i32 to index
        %get3A_1607 = arith.constant 16 : index
        %get3A_1608 = tpu.vector_load %arg11[%get3A_1605, %get3A_1606, %get3A_1607] {strides = array<i32>} : memref<2x384x128xf32, #tpu.memory_space<vmem>>, vector<16xf32>,
        %mul3A_1609 = arith.mulf %get3A_1359, %get3A_1608 : vector<16xf32>
        %get3A_1610 = arith.index_cast %select_n3A_284 : i32 to index
        %get3A_1611 = arith.index_cast %add3A_1599 : i32 to index
        %get3A_1612 = arith.constant 32 : index
        %get3A_1613 = tpu.vector_load %arg11[%get3A_1610, %get3A_1611, %get3A_1612] {strides = array<i32>} : memref<2x384x128xf32, #tpu.memory_space<vmem>>, vector<16xf32>,
        %mul3A_1614 = arith.mulf %get3A_1363, %get3A_1613 : vector<16xf32>
        %get3A_1615 = arith.index_cast %select_n3A_284 : i32 to index
        %get3A_1616 = arith.index_cast %add3A_1599 : i32 to index
        %get3A_1617 = arith.constant 48 : index
        %get3A_1618 = tpu.vector_load %arg11[%get3A_1615, %get3A_1616, %get3A_1617] {strides = array<i32>} : memref<2x384x128xf32, #tpu.memory_space<vmem>>, vector<16xf32>,
        %mul3A_1619 = arith.mulf %get3A_1367, %get3A_1618 : vector<16xf32>
        %get3A_1620 = arith.index_cast %select_n3A_284 : i32 to index
        %get3A_1621 = arith.index_cast %add3A_1599 : i32 to index
        %get3A_1622 = arith.constant 64 : index
        %get3A_1623 = tpu.vector_load %arg11[%get3A_1620, %get3A_1621, %get3A_1622] {strides = array<i32>} : memref<2x384x128xf32, #tpu.memory_space<vmem>>, vector<16xf32>,
        %mul3A_1624 = arith.mulf %get3A_1371, %get3A_1623 : vector<16xf32>
        %get3A_1625 = arith.index_cast %select_n3A_284 : i32 to index
        %get3A_1626 = arith.index_cast %add3A_1599 : i32 to index
        %get3A_1627 = arith.constant 80 : index
        %get3A_1628 = tpu.vector_load %arg11[%get3A_1625, %get3A_1626, %get3A_1627] {strides = array<i32>} : memref<2x384x128xf32, #tpu.memory_space<vmem>>, vector<16xf32>,
        %mul3A_1629 = arith.mulf %get3A_1375, %get3A_1628 : vector<16xf32>
        %get3A_1630 = arith.index_cast %select_n3A_284 : i32 to index
        %get3A_1631 = arith.index_cast %add3A_1599 : i32 to index
        %get3A_1632 = arith.constant 96 : index
        %get3A_1633 = tpu.vector_load %arg11[%get3A_1630, %get3A_1631, %get3A_1632] {strides = array<i32>} : memref<2x384x128xf32, #tpu.memory_space<vmem>>, vector<16xf32>,
        %mul3A_1634 = arith.mulf %get3A_1379, %get3A_1633 : vector<16xf32>
        %get3A_1635 = arith.index_cast %select_n3A_284 : i32 to index
        %get3A_1636 = arith.index_cast %add3A_1599 : i32 to index
        %get3A_1637 = arith.constant 112 : index
        %get3A_1638 = tpu.vector_load %arg11[%get3A_1635, %get3A_1636, %get3A_1637] {strides = array<i32>} : memref<2x384x128xf32, #tpu.memory_space<vmem>>, vector<16xf32>,
        %mul3A_1639 = arith.mulf %get3A_1383, %get3A_1638 : vector<16xf32>
        %add3A_1640 = arith.addf %mul3A_1604, %mul3A_1609 : vector<16xf32>
        %add3A_1641 = arith.addf %mul3A_1614, %mul3A_1619 : vector<16xf32>
        %add3A_1642 = arith.addf %mul3A_1624, %mul3A_1629 : vector<16xf32>
        %add3A_1643 = arith.addf %mul3A_1634, %mul3A_1639 : vector<16xf32>
        %add3A_1644 = arith.addf %add3A_1640, %add3A_1641 : vector<16xf32>
        %add3A_1645 = arith.addf %add3A_1642, %add3A_1643 : vector<16xf32>
        %add3A_1646 = arith.addf %add3A_1644, %add3A_1645 : vector<16xf32>
        %swap3A_1647 = arith.constant 352 : index
        %swap3A_1648 = tpu.vector_load %arg13[%swap3A_1647] {strides = array<i32>} : memref<768xf32, #tpu.memory_space<vmem>>, vector<16xf32>,
        tpu.vector_store %arg13[%swap3A_1647], %add3A_1646 {strides = array<i32>} : memref<768xf32, #tpu.memory_space<vmem>>, vector<16xf32>,
        %mul3A_1649 = arith.constant 6 : i32
        %mul3A_1650 = arith.muli %add3A_1351, %mul3A_1649 : i32
        %add3A_1651 = arith.constant 5 : i32
        %add3A_1652 = arith.addi %mul3A_1650, %add3A_1651 : i32
        %get3A_1653 = arith.index_cast %select_n3A_284 : i32 to index
        %get3A_1654 = arith.index_cast %add3A_1652 : i32 to index
        %get3A_1655 = arith.constant 0 : index
        %get3A_1656 = tpu.vector_load %arg11[%get3A_1653, %get3A_1654, %get3A_1655] {strides = array<i32>} : memref<2x384x128xf32, #tpu.memory_space<vmem>>, vector<16xf32>,
        %mul3A_1657 = arith.mulf %get3A_1355, %get3A_1656 : vector<16xf32>
        %get3A_1658 = arith.index_cast %select_n3A_284 : i32 to index
        %get3A_1659 = arith.index_cast %add3A_1652 : i32 to index
        %get3A_1660 = arith.constant 16 : index
        %get3A_1661 = tpu.vector_load %arg11[%get3A_1658, %get3A_1659, %get3A_1660] {strides = array<i32>} : memref<2x384x128xf32, #tpu.memory_space<vmem>>, vector<16xf32>,
        %mul3A_1662 = arith.mulf %get3A_1359, %get3A_1661 : vector<16xf32>
        %get3A_1663 = arith.index_cast %select_n3A_284 : i32 to index
        %get3A_1664 = arith.index_cast %add3A_1652 : i32 to index
        %get3A_1665 = arith.constant 32 : index
        %get3A_1666 = tpu.vector_load %arg11[%get3A_1663, %get3A_1664, %get3A_1665] {strides = array<i32>} : memref<2x384x128xf32, #tpu.memory_space<vmem>>, vector<16xf32>,
        %mul3A_1667 = arith.mulf %get3A_1363, %get3A_1666 : vector<16xf32>
        %get3A_1668 = arith.index_cast %select_n3A_284 : i32 to index
        %get3A_1669 = arith.index_cast %add3A_1652 : i32 to index
        %get3A_1670 = arith.constant 48 : index
        %get3A_1671 = tpu.vector_load %arg11[%get3A_1668, %get3A_1669, %get3A_1670] {strides = array<i32>} : memref<2x384x128xf32, #tpu.memory_space<vmem>>, vector<16xf32>,
        %mul3A_1672 = arith.mulf %get3A_1367, %get3A_1671 : vector<16xf32>
        %get3A_1673 = arith.index_cast %select_n3A_284 : i32 to index
        %get3A_1674 = arith.index_cast %add3A_1652 : i32 to index
        %get3A_1675 = arith.constant 64 : index
        %get3A_1676 = tpu.vector_load %arg11[%get3A_1673, %get3A_1674, %get3A_1675] {strides = array<i32>} : memref<2x384x128xf32, #tpu.memory_space<vmem>>, vector<16xf32>,
        %mul3A_1677 = arith.mulf %get3A_1371, %get3A_1676 : vector<16xf32>
        %get3A_1678 = arith.index_cast %select_n3A_284 : i32 to index
        %get3A_1679 = arith.index_cast %add3A_1652 : i32 to index
        %get3A_1680 = arith.constant 80 : index
        %get3A_1681 = tpu.vector_load %arg11[%get3A_1678, %get3A_1679, %get3A_1680] {strides = array<i32>} : memref<2x384x128xf32, #tpu.memory_space<vmem>>, vector<16xf32>,
        %mul3A_1682 = arith.mulf %get3A_1375, %get3A_1681 : vector<16xf32>
        %get3A_1683 = arith.index_cast %select_n3A_284 : i32 to index
        %get3A_1684 = arith.index_cast %add3A_1652 : i32 to index
        %get3A_1685 = arith.constant 96 : index
        %get3A_1686 = tpu.vector_load %arg11[%get3A_1683, %get3A_1684, %get3A_1685] {strides = array<i32>} : memref<2x384x128xf32, #tpu.memory_space<vmem>>, vector<16xf32>,
        %mul3A_1687 = arith.mulf %get3A_1379, %get3A_1686 : vector<16xf32>
        %get3A_1688 = arith.index_cast %select_n3A_284 : i32 to index
        %get3A_1689 = arith.index_cast %add3A_1652 : i32 to index
        %get3A_1690 = arith.constant 112 : index
        %get3A_1691 = tpu.vector_load %arg11[%get3A_1688, %get3A_1689, %get3A_1690] {strides = array<i32>} : memref<2x384x128xf32, #tpu.memory_space<vmem>>, vector<16xf32>,
        %mul3A_1692 = arith.mulf %get3A_1383, %get3A_1691 : vector<16xf32>
        %add3A_1693 = arith.addf %mul3A_1657, %mul3A_1662 : vector<16xf32>
        %add3A_1694 = arith.addf %mul3A_1667, %mul3A_1672 : vector<16xf32>
        %add3A_1695 = arith.addf %mul3A_1677, %mul3A_1682 : vector<16xf32>
        %add3A_1696 = arith.addf %mul3A_1687, %mul3A_1692 : vector<16xf32>
        %add3A_1697 = arith.addf %add3A_1693, %add3A_1694 : vector<16xf32>
        %add3A_1698 = arith.addf %add3A_1695, %add3A_1696 : vector<16xf32>
        %add3A_1699 = arith.addf %add3A_1697, %add3A_1698 : vector<16xf32>
        %swap3A_1700 = arith.constant 368 : index
        %swap3A_1701 = tpu.vector_load %arg13[%swap3A_1700] {strides = array<i32>} : memref<768xf32, #tpu.memory_space<vmem>>, vector<16xf32>,
        tpu.vector_store %arg13[%swap3A_1700], %add3A_1699 {strides = array<i32>} : memref<768xf32, #tpu.memory_space<vmem>>, vector<16xf32>,
        %add3A_1702 = arith.constant 4 : i32
        %add3A_1703 = arith.addi %mul3A_294, %add3A_1702 : i32
        %get3A_1704 = arith.index_cast %select_n3A_284 : i32 to index
        %get3A_1705 = arith.index_cast %add3A_1703 : i32 to index
        %get3A_1706 = arith.constant 0 : index
        %get3A_1707 = tpu.vector_load %arg10[%get3A_1704, %get3A_1705, %get3A_1706] {strides = array<i32>} : memref<2x64x128xf32, #tpu.memory_space<vmem>>, vector<16xf32>,
        %get3A_1708 = arith.index_cast %select_n3A_284 : i32 to index
        %get3A_1709 = arith.index_cast %add3A_1703 : i32 to index
        %get3A_1710 = arith.constant 16 : index
        %get3A_1711 = tpu.vector_load %arg10[%get3A_1708, %get3A_1709, %get3A_1710] {strides = array<i32>} : memref<2x64x128xf32, #tpu.memory_space<vmem>>, vector<16xf32>,
        %get3A_1712 = arith.index_cast %select_n3A_284 : i32 to index
        %get3A_1713 = arith.index_cast %add3A_1703 : i32 to index
        %get3A_1714 = arith.constant 32 : index
        %get3A_1715 = tpu.vector_load %arg10[%get3A_1712, %get3A_1713, %get3A_1714] {strides = array<i32>} : memref<2x64x128xf32, #tpu.memory_space<vmem>>, vector<16xf32>,
        %get3A_1716 = arith.index_cast %select_n3A_284 : i32 to index
        %get3A_1717 = arith.index_cast %add3A_1703 : i32 to index
        %get3A_1718 = arith.constant 48 : index
        %get3A_1719 = tpu.vector_load %arg10[%get3A_1716, %get3A_1717, %get3A_1718] {strides = array<i32>} : memref<2x64x128xf32, #tpu.memory_space<vmem>>, vector<16xf32>,
        %get3A_1720 = arith.index_cast %select_n3A_284 : i32 to index
        %get3A_1721 = arith.index_cast %add3A_1703 : i32 to index
        %get3A_1722 = arith.constant 64 : index
        %get3A_1723 = tpu.vector_load %arg10[%get3A_1720, %get3A_1721, %get3A_1722] {strides = array<i32>} : memref<2x64x128xf32, #tpu.memory_space<vmem>>, vector<16xf32>,
        %get3A_1724 = arith.index_cast %select_n3A_284 : i32 to index
        %get3A_1725 = arith.index_cast %add3A_1703 : i32 to index
        %get3A_1726 = arith.constant 80 : index
        %get3A_1727 = tpu.vector_load %arg10[%get3A_1724, %get3A_1725, %get3A_1726] {strides = array<i32>} : memref<2x64x128xf32, #tpu.memory_space<vmem>>, vector<16xf32>,
        %get3A_1728 = arith.index_cast %select_n3A_284 : i32 to index
        %get3A_1729 = arith.index_cast %add3A_1703 : i32 to index
        %get3A_1730 = arith.constant 96 : index
        %get3A_1731 = tpu.vector_load %arg10[%get3A_1728, %get3A_1729, %get3A_1730] {strides = array<i32>} : memref<2x64x128xf32, #tpu.memory_space<vmem>>, vector<16xf32>,
        %get3A_1732 = arith.index_cast %select_n3A_284 : i32 to index
        %get3A_1733 = arith.index_cast %add3A_1703 : i32 to index
        %get3A_1734 = arith.constant 112 : index
        %get3A_1735 = tpu.vector_load %arg10[%get3A_1732, %get3A_1733, %get3A_1734] {strides = array<i32>} : memref<2x64x128xf32, #tpu.memory_space<vmem>>, vector<16xf32>,
        %mul3A_1736 = arith.constant 6 : i32
        %mul3A_1737 = arith.muli %add3A_1703, %mul3A_1736 : i32
        %add3A_1738 = arith.constant 0 : i32
        %add3A_1739 = arith.addi %mul3A_1737, %add3A_1738 : i32
        %get3A_1740 = arith.index_cast %select_n3A_284 : i32 to index
        %get3A_1741 = arith.index_cast %add3A_1739 : i32 to index
        %get3A_1742 = arith.constant 0 : index
        %get3A_1743 = tpu.vector_load %arg11[%get3A_1740, %get3A_1741, %get3A_1742] {strides = array<i32>} : memref<2x384x128xf32, #tpu.memory_space<vmem>>, vector<16xf32>,
        %mul3A_1744 = arith.mulf %get3A_1707, %get3A_1743 : vector<16xf32>
        %get3A_1745 = arith.index_cast %select_n3A_284 : i32 to index
        %get3A_1746 = arith.index_cast %add3A_1739 : i32 to index
        %get3A_1747 = arith.constant 16 : index
        %get3A_1748 = tpu.vector_load %arg11[%get3A_1745, %get3A_1746, %get3A_1747] {strides = array<i32>} : memref<2x384x128xf32, #tpu.memory_space<vmem>>, vector<16xf32>,
        %mul3A_1749 = arith.mulf %get3A_1711, %get3A_1748 : vector<16xf32>
        %get3A_1750 = arith.index_cast %select_n3A_284 : i32 to index
        %get3A_1751 = arith.index_cast %add3A_1739 : i32 to index
        %get3A_1752 = arith.constant 32 : index
        %get3A_1753 = tpu.vector_load %arg11[%get3A_1750, %get3A_1751, %get3A_1752] {strides = array<i32>} : memref<2x384x128xf32, #tpu.memory_space<vmem>>, vector<16xf32>,
        %mul3A_1754 = arith.mulf %get3A_1715, %get3A_1753 : vector<16xf32>
        %get3A_1755 = arith.index_cast %select_n3A_284 : i32 to index
        %get3A_1756 = arith.index_cast %add3A_1739 : i32 to index
        %get3A_1757 = arith.constant 48 : index
        %get3A_1758 = tpu.vector_load %arg11[%get3A_1755, %get3A_1756, %get3A_1757] {strides = array<i32>} : memref<2x384x128xf32, #tpu.memory_space<vmem>>, vector<16xf32>,
        %mul3A_1759 = arith.mulf %get3A_1719, %get3A_1758 : vector<16xf32>
        %get3A_1760 = arith.index_cast %select_n3A_284 : i32 to index
        %get3A_1761 = arith.index_cast %add3A_1739 : i32 to index
        %get3A_1762 = arith.constant 64 : index
        %get3A_1763 = tpu.vector_load %arg11[%get3A_1760, %get3A_1761, %get3A_1762] {strides = array<i32>} : memref<2x384x128xf32, #tpu.memory_space<vmem>>, vector<16xf32>,
        %mul3A_1764 = arith.mulf %get3A_1723, %get3A_1763 : vector<16xf32>
        %get3A_1765 = arith.index_cast %select_n3A_284 : i32 to index
        %get3A_1766 = arith.index_cast %add3A_1739 : i32 to index
        %get3A_1767 = arith.constant 80 : index
        %get3A_1768 = tpu.vector_load %arg11[%get3A_1765, %get3A_1766, %get3A_1767] {strides = array<i32>} : memref<2x384x128xf32, #tpu.memory_space<vmem>>, vector<16xf32>,
        %mul3A_1769 = arith.mulf %get3A_1727, %get3A_1768 : vector<16xf32>
        %get3A_1770 = arith.index_cast %select_n3A_284 : i32 to index
        %get3A_1771 = arith.index_cast %add3A_1739 : i32 to index
        %get3A_1772 = arith.constant 96 : index
        %get3A_1773 = tpu.vector_load %arg11[%get3A_1770, %get3A_1771, %get3A_1772] {strides = array<i32>} : memref<2x384x128xf32, #tpu.memory_space<vmem>>, vector<16xf32>,
        %mul3A_1774 = arith.mulf %get3A_1731, %get3A_1773 : vector<16xf32>
        %get3A_1775 = arith.index_cast %select_n3A_284 : i32 to index
        %get3A_1776 = arith.index_cast %add3A_1739 : i32 to index
        %get3A_1777 = arith.constant 112 : index
        %get3A_1778 = tpu.vector_load %arg11[%get3A_1775, %get3A_1776, %get3A_1777] {strides = array<i32>} : memref<2x384x128xf32, #tpu.memory_space<vmem>>, vector<16xf32>,
        %mul3A_1779 = arith.mulf %get3A_1735, %get3A_1778 : vector<16xf32>
        %add3A_1780 = arith.addf %mul3A_1744, %mul3A_1749 : vector<16xf32>
        %add3A_1781 = arith.addf %mul3A_1754, %mul3A_1759 : vector<16xf32>
        %add3A_1782 = arith.addf %mul3A_1764, %mul3A_1769 : vector<16xf32>
        %add3A_1783 = arith.addf %mul3A_1774, %mul3A_1779 : vector<16xf32>
        %add3A_1784 = arith.addf %add3A_1780, %add3A_1781 : vector<16xf32>
        %add3A_1785 = arith.addf %add3A_1782, %add3A_1783 : vector<16xf32>
        %add3A_1786 = arith.addf %add3A_1784, %add3A_1785 : vector<16xf32>
        %swap3A_1787 = arith.constant 384 : index
        %swap3A_1788 = tpu.vector_load %arg13[%swap3A_1787] {strides = array<i32>} : memref<768xf32, #tpu.memory_space<vmem>>, vector<16xf32>,
        tpu.vector_store %arg13[%swap3A_1787], %add3A_1786 {strides = array<i32>} : memref<768xf32, #tpu.memory_space<vmem>>, vector<16xf32>,
        %mul3A_1789 = arith.constant 6 : i32
        %mul3A_1790 = arith.muli %add3A_1703, %mul3A_1789 : i32
        %add3A_1791 = arith.constant 1 : i32
        %add3A_1792 = arith.addi %mul3A_1790, %add3A_1791 : i32
        %get3A_1793 = arith.index_cast %select_n3A_284 : i32 to index
        %get3A_1794 = arith.index_cast %add3A_1792 : i32 to index
        %get3A_1795 = arith.constant 0 : index
        %get3A_1796 = tpu.vector_load %arg11[%get3A_1793, %get3A_1794, %get3A_1795] {strides = array<i32>} : memref<2x384x128xf32, #tpu.memory_space<vmem>>, vector<16xf32>,
        %mul3A_1797 = arith.mulf %get3A_1707, %get3A_1796 : vector<16xf32>
        %get3A_1798 = arith.index_cast %select_n3A_284 : i32 to index
        %get3A_1799 = arith.index_cast %add3A_1792 : i32 to index
        %get3A_1800 = arith.constant 16 : index
        %get3A_1801 = tpu.vector_load %arg11[%get3A_1798, %get3A_1799, %get3A_1800] {strides = array<i32>} : memref<2x384x128xf32, #tpu.memory_space<vmem>>, vector<16xf32>,
        %mul3A_1802 = arith.mulf %get3A_1711, %get3A_1801 : vector<16xf32>
        %get3A_1803 = arith.index_cast %select_n3A_284 : i32 to index
        %get3A_1804 = arith.index_cast %add3A_1792 : i32 to index
        %get3A_1805 = arith.constant 32 : index
        %get3A_1806 = tpu.vector_load %arg11[%get3A_1803, %get3A_1804, %get3A_1805] {strides = array<i32>} : memref<2x384x128xf32, #tpu.memory_space<vmem>>, vector<16xf32>,
        %mul3A_1807 = arith.mulf %get3A_1715, %get3A_1806 : vector<16xf32>
        %get3A_1808 = arith.index_cast %select_n3A_284 : i32 to index
        %get3A_1809 = arith.index_cast %add3A_1792 : i32 to index
        %get3A_1810 = arith.constant 48 : index
        %get3A_1811 = tpu.vector_load %arg11[%get3A_1808, %get3A_1809, %get3A_1810] {strides = array<i32>} : memref<2x384x128xf32, #tpu.memory_space<vmem>>, vector<16xf32>,
        %mul3A_1812 = arith.mulf %get3A_1719, %get3A_1811 : vector<16xf32>
        %get3A_1813 = arith.index_cast %select_n3A_284 : i32 to index
        %get3A_1814 = arith.index_cast %add3A_1792 : i32 to index
        %get3A_1815 = arith.constant 64 : index
        %get3A_1816 = tpu.vector_load %arg11[%get3A_1813, %get3A_1814, %get3A_1815] {strides = array<i32>} : memref<2x384x128xf32, #tpu.memory_space<vmem>>, vector<16xf32>,
        %mul3A_1817 = arith.mulf %get3A_1723, %get3A_1816 : vector<16xf32>
        %get3A_1818 = arith.index_cast %select_n3A_284 : i32 to index
        %get3A_1819 = arith.index_cast %add3A_1792 : i32 to index
        %get3A_1820 = arith.constant 80 : index
        %get3A_1821 = tpu.vector_load %arg11[%get3A_1818, %get3A_1819, %get3A_1820] {strides = array<i32>} : memref<2x384x128xf32, #tpu.memory_space<vmem>>, vector<16xf32>,
        %mul3A_1822 = arith.mulf %get3A_1727, %get3A_1821 : vector<16xf32>
        %get3A_1823 = arith.index_cast %select_n3A_284 : i32 to index
        %get3A_1824 = arith.index_cast %add3A_1792 : i32 to index
        %get3A_1825 = arith.constant 96 : index
        %get3A_1826 = tpu.vector_load %arg11[%get3A_1823, %get3A_1824, %get3A_1825] {strides = array<i32>} : memref<2x384x128xf32, #tpu.memory_space<vmem>>, vector<16xf32>,
        %mul3A_1827 = arith.mulf %get3A_1731, %get3A_1826 : vector<16xf32>
        %get3A_1828 = arith.index_cast %select_n3A_284 : i32 to index
        %get3A_1829 = arith.index_cast %add3A_1792 : i32 to index
        %get3A_1830 = arith.constant 112 : index
        %get3A_1831 = tpu.vector_load %arg11[%get3A_1828, %get3A_1829, %get3A_1830] {strides = array<i32>} : memref<2x384x128xf32, #tpu.memory_space<vmem>>, vector<16xf32>,
        %mul3A_1832 = arith.mulf %get3A_1735, %get3A_1831 : vector<16xf32>
        %add3A_1833 = arith.addf %mul3A_1797, %mul3A_1802 : vector<16xf32>
        %add3A_1834 = arith.addf %mul3A_1807, %mul3A_1812 : vector<16xf32>
        %add3A_1835 = arith.addf %mul3A_1817, %mul3A_1822 : vector<16xf32>
        %add3A_1836 = arith.addf %mul3A_1827, %mul3A_1832 : vector<16xf32>
        %add3A_1837 = arith.addf %add3A_1833, %add3A_1834 : vector<16xf32>
        %add3A_1838 = arith.addf %add3A_1835, %add3A_1836 : vector<16xf32>
        %add3A_1839 = arith.addf %add3A_1837, %add3A_1838 : vector<16xf32>
        %swap3A_1840 = arith.constant 400 : index
        %swap3A_1841 = tpu.vector_load %arg13[%swap3A_1840] {strides = array<i32>} : memref<768xf32, #tpu.memory_space<vmem>>, vector<16xf32>,
        tpu.vector_store %arg13[%swap3A_1840], %add3A_1839 {strides = array<i32>} : memref<768xf32, #tpu.memory_space<vmem>>, vector<16xf32>,
        %mul3A_1842 = arith.constant 6 : i32
        %mul3A_1843 = arith.muli %add3A_1703, %mul3A_1842 : i32
        %add3A_1844 = arith.constant 2 : i32
        %add3A_1845 = arith.addi %mul3A_1843, %add3A_1844 : i32
        %get3A_1846 = arith.index_cast %select_n3A_284 : i32 to index
        %get3A_1847 = arith.index_cast %add3A_1845 : i32 to index
        %get3A_1848 = arith.constant 0 : index
        %get3A_1849 = tpu.vector_load %arg11[%get3A_1846, %get3A_1847, %get3A_1848] {strides = array<i32>} : memref<2x384x128xf32, #tpu.memory_space<vmem>>, vector<16xf32>,
        %mul3A_1850 = arith.mulf %get3A_1707, %get3A_1849 : vector<16xf32>
        %get3A_1851 = arith.index_cast %select_n3A_284 : i32 to index
        %get3A_1852 = arith.index_cast %add3A_1845 : i32 to index
        %get3A_1853 = arith.constant 16 : index
        %get3A_1854 = tpu.vector_load %arg11[%get3A_1851, %get3A_1852, %get3A_1853] {strides = array<i32>} : memref<2x384x128xf32, #tpu.memory_space<vmem>>, vector<16xf32>,
        %mul3A_1855 = arith.mulf %get3A_1711, %get3A_1854 : vector<16xf32>
        %get3A_1856 = arith.index_cast %select_n3A_284 : i32 to index
        %get3A_1857 = arith.index_cast %add3A_1845 : i32 to index
        %get3A_1858 = arith.constant 32 : index
        %get3A_1859 = tpu.vector_load %arg11[%get3A_1856, %get3A_1857, %get3A_1858] {strides = array<i32>} : memref<2x384x128xf32, #tpu.memory_space<vmem>>, vector<16xf32>,
        %mul3A_1860 = arith.mulf %get3A_1715, %get3A_1859 : vector<16xf32>
        %get3A_1861 = arith.index_cast %select_n3A_284 : i32 to index
        %get3A_1862 = arith.index_cast %add3A_1845 : i32 to index
        %get3A_1863 = arith.constant 48 : index
        %get3A_1864 = tpu.vector_load %arg11[%get3A_1861, %get3A_1862, %get3A_1863] {strides = array<i32>} : memref<2x384x128xf32, #tpu.memory_space<vmem>>, vector<16xf32>,
        %mul3A_1865 = arith.mulf %get3A_1719, %get3A_1864 : vector<16xf32>
        %get3A_1866 = arith.index_cast %select_n3A_284 : i32 to index
        %get3A_1867 = arith.index_cast %add3A_1845 : i32 to index
        %get3A_1868 = arith.constant 64 : index
        %get3A_1869 = tpu.vector_load %arg11[%get3A_1866, %get3A_1867, %get3A_1868] {strides = array<i32>} : memref<2x384x128xf32, #tpu.memory_space<vmem>>, vector<16xf32>,
        %mul3A_1870 = arith.mulf %get3A_1723, %get3A_1869 : vector<16xf32>
        %get3A_1871 = arith.index_cast %select_n3A_284 : i32 to index
        %get3A_1872 = arith.index_cast %add3A_1845 : i32 to index
        %get3A_1873 = arith.constant 80 : index
        %get3A_1874 = tpu.vector_load %arg11[%get3A_1871, %get3A_1872, %get3A_1873] {strides = array<i32>} : memref<2x384x128xf32, #tpu.memory_space<vmem>>, vector<16xf32>,
        %mul3A_1875 = arith.mulf %get3A_1727, %get3A_1874 : vector<16xf32>
        %get3A_1876 = arith.index_cast %select_n3A_284 : i32 to index
        %get3A_1877 = arith.index_cast %add3A_1845 : i32 to index
        %get3A_1878 = arith.constant 96 : index
        %get3A_1879 = tpu.vector_load %arg11[%get3A_1876, %get3A_1877, %get3A_1878] {strides = array<i32>} : memref<2x384x128xf32, #tpu.memory_space<vmem>>, vector<16xf32>,
        %mul3A_1880 = arith.mulf %get3A_1731, %get3A_1879 : vector<16xf32>
        %get3A_1881 = arith.index_cast %select_n3A_284 : i32 to index
        %get3A_1882 = arith.index_cast %add3A_1845 : i32 to index
        %get3A_1883 = arith.constant 112 : index
        %get3A_1884 = tpu.vector_load %arg11[%get3A_1881, %get3A_1882, %get3A_1883] {strides = array<i32>} : memref<2x384x128xf32, #tpu.memory_space<vmem>>, vector<16xf32>,
        %mul3A_1885 = arith.mulf %get3A_1735, %get3A_1884 : vector<16xf32>
        %add3A_1886 = arith.addf %mul3A_1850, %mul3A_1855 : vector<16xf32>
        %add3A_1887 = arith.addf %mul3A_1860, %mul3A_1865 : vector<16xf32>
        %add3A_1888 = arith.addf %mul3A_1870, %mul3A_1875 : vector<16xf32>
        %add3A_1889 = arith.addf %mul3A_1880, %mul3A_1885 : vector<16xf32>
        %add3A_1890 = arith.addf %add3A_1886, %add3A_1887 : vector<16xf32>
        %add3A_1891 = arith.addf %add3A_1888, %add3A_1889 : vector<16xf32>
        %add3A_1892 = arith.addf %add3A_1890, %add3A_1891 : vector<16xf32>
        %swap3A_1893 = arith.constant 416 : index
        %swap3A_1894 = tpu.vector_load %arg13[%swap3A_1893] {strides = array<i32>} : memref<768xf32, #tpu.memory_space<vmem>>, vector<16xf32>,
        tpu.vector_store %arg13[%swap3A_1893], %add3A_1892 {strides = array<i32>} : memref<768xf32, #tpu.memory_space<vmem>>, vector<16xf32>,
        %mul3A_1895 = arith.constant 6 : i32
        %mul3A_1896 = arith.muli %add3A_1703, %mul3A_1895 : i32
        %add3A_1897 = arith.constant 3 : i32
        %add3A_1898 = arith.addi %mul3A_1896, %add3A_1897 : i32
        %get3A_1899 = arith.index_cast %select_n3A_284 : i32 to index
        %get3A_1900 = arith.index_cast %add3A_1898 : i32 to index
        %get3A_1901 = arith.constant 0 : index
        %get3A_1902 = tpu.vector_load %arg11[%get3A_1899, %get3A_1900, %get3A_1901] {strides = array<i32>} : memref<2x384x128xf32, #tpu.memory_space<vmem>>, vector<16xf32>,
        %mul3A_1903 = arith.mulf %get3A_1707, %get3A_1902 : vector<16xf32>
        %get3A_1904 = arith.index_cast %select_n3A_284 : i32 to index
        %get3A_1905 = arith.index_cast %add3A_1898 : i32 to index
        %get3A_1906 = arith.constant 16 : index
        %get3A_1907 = tpu.vector_load %arg11[%get3A_1904, %get3A_1905, %get3A_1906] {strides = array<i32>} : memref<2x384x128xf32, #tpu.memory_space<vmem>>, vector<16xf32>,
        %mul3A_1908 = arith.mulf %get3A_1711, %get3A_1907 : vector<16xf32>
        %get3A_1909 = arith.index_cast %select_n3A_284 : i32 to index
        %get3A_1910 = arith.index_cast %add3A_1898 : i32 to index
        %get3A_1911 = arith.constant 32 : index
        %get3A_1912 = tpu.vector_load %arg11[%get3A_1909, %get3A_1910, %get3A_1911] {strides = array<i32>} : memref<2x384x128xf32, #tpu.memory_space<vmem>>, vector<16xf32>,
        %mul3A_1913 = arith.mulf %get3A_1715, %get3A_1912 : vector<16xf32>
        %get3A_1914 = arith.index_cast %select_n3A_284 : i32 to index
        %get3A_1915 = arith.index_cast %add3A_1898 : i32 to index
        %get3A_1916 = arith.constant 48 : index
        %get3A_1917 = tpu.vector_load %arg11[%get3A_1914, %get3A_1915, %get3A_1916] {strides = array<i32>} : memref<2x384x128xf32, #tpu.memory_space<vmem>>, vector<16xf32>,
        %mul3A_1918 = arith.mulf %get3A_1719, %get3A_1917 : vector<16xf32>
        %get3A_1919 = arith.index_cast %select_n3A_284 : i32 to index
        %get3A_1920 = arith.index_cast %add3A_1898 : i32 to index
        %get3A_1921 = arith.constant 64 : index
        %get3A_1922 = tpu.vector_load %arg11[%get3A_1919, %get3A_1920, %get3A_1921] {strides = array<i32>} : memref<2x384x128xf32, #tpu.memory_space<vmem>>, vector<16xf32>,
        %mul3A_1923 = arith.mulf %get3A_1723, %get3A_1922 : vector<16xf32>
        %get3A_1924 = arith.index_cast %select_n3A_284 : i32 to index
        %get3A_1925 = arith.index_cast %add3A_1898 : i32 to index
        %get3A_1926 = arith.constant 80 : index
        %get3A_1927 = tpu.vector_load %arg11[%get3A_1924, %get3A_1925, %get3A_1926] {strides = array<i32>} : memref<2x384x128xf32, #tpu.memory_space<vmem>>, vector<16xf32>,
        %mul3A_1928 = arith.mulf %get3A_1727, %get3A_1927 : vector<16xf32>
        %get3A_1929 = arith.index_cast %select_n3A_284 : i32 to index
        %get3A_1930 = arith.index_cast %add3A_1898 : i32 to index
        %get3A_1931 = arith.constant 96 : index
        %get3A_1932 = tpu.vector_load %arg11[%get3A_1929, %get3A_1930, %get3A_1931] {strides = array<i32>} : memref<2x384x128xf32, #tpu.memory_space<vmem>>, vector<16xf32>,
        %mul3A_1933 = arith.mulf %get3A_1731, %get3A_1932 : vector<16xf32>
        %get3A_1934 = arith.index_cast %select_n3A_284 : i32 to index
        %get3A_1935 = arith.index_cast %add3A_1898 : i32 to index
        %get3A_1936 = arith.constant 112 : index
        %get3A_1937 = tpu.vector_load %arg11[%get3A_1934, %get3A_1935, %get3A_1936] {strides = array<i32>} : memref<2x384x128xf32, #tpu.memory_space<vmem>>, vector<16xf32>,
        %mul3A_1938 = arith.mulf %get3A_1735, %get3A_1937 : vector<16xf32>
        %add3A_1939 = arith.addf %mul3A_1903, %mul3A_1908 : vector<16xf32>
        %add3A_1940 = arith.addf %mul3A_1913, %mul3A_1918 : vector<16xf32>
        %add3A_1941 = arith.addf %mul3A_1923, %mul3A_1928 : vector<16xf32>
        %add3A_1942 = arith.addf %mul3A_1933, %mul3A_1938 : vector<16xf32>
        %add3A_1943 = arith.addf %add3A_1939, %add3A_1940 : vector<16xf32>
        %add3A_1944 = arith.addf %add3A_1941, %add3A_1942 : vector<16xf32>
        %add3A_1945 = arith.addf %add3A_1943, %add3A_1944 : vector<16xf32>
        %swap3A_1946 = arith.constant 432 : index
        %swap3A_1947 = tpu.vector_load %arg13[%swap3A_1946] {strides = array<i32>} : memref<768xf32, #tpu.memory_space<vmem>>, vector<16xf32>,
        tpu.vector_store %arg13[%swap3A_1946], %add3A_1945 {strides = array<i32>} : memref<768xf32, #tpu.memory_space<vmem>>, vector<16xf32>,
        %mul3A_1948 = arith.constant 6 : i32
        %mul3A_1949 = arith.muli %add3A_1703, %mul3A_1948 : i32
        %add3A_1950 = arith.constant 4 : i32
        %add3A_1951 = arith.addi %mul3A_1949, %add3A_1950 : i32
        %get3A_1952 = arith.index_cast %select_n3A_284 : i32 to index
        %get3A_1953 = arith.index_cast %add3A_1951 : i32 to index
        %get3A_1954 = arith.constant 0 : index
        %get3A_1955 = tpu.vector_load %arg11[%get3A_1952, %get3A_1953, %get3A_1954] {strides = array<i32>} : memref<2x384x128xf32, #tpu.memory_space<vmem>>, vector<16xf32>,
        %mul3A_1956 = arith.mulf %get3A_1707, %get3A_1955 : vector<16xf32>
        %get3A_1957 = arith.index_cast %select_n3A_284 : i32 to index
        %get3A_1958 = arith.index_cast %add3A_1951 : i32 to index
        %get3A_1959 = arith.constant 16 : index
        %get3A_1960 = tpu.vector_load %arg11[%get3A_1957, %get3A_1958, %get3A_1959] {strides = array<i32>} : memref<2x384x128xf32, #tpu.memory_space<vmem>>, vector<16xf32>,
        %mul3A_1961 = arith.mulf %get3A_1711, %get3A_1960 : vector<16xf32>
        %get3A_1962 = arith.index_cast %select_n3A_284 : i32 to index
        %get3A_1963 = arith.index_cast %add3A_1951 : i32 to index
        %get3A_1964 = arith.constant 32 : index
        %get3A_1965 = tpu.vector_load %arg11[%get3A_1962, %get3A_1963, %get3A_1964] {strides = array<i32>} : memref<2x384x128xf32, #tpu.memory_space<vmem>>, vector<16xf32>,
        %mul3A_1966 = arith.mulf %get3A_1715, %get3A_1965 : vector<16xf32>
        %get3A_1967 = arith.index_cast %select_n3A_284 : i32 to index
        %get3A_1968 = arith.index_cast %add3A_1951 : i32 to index
        %get3A_1969 = arith.constant 48 : index
        %get3A_1970 = tpu.vector_load %arg11[%get3A_1967, %get3A_1968, %get3A_1969] {strides = array<i32>} : memref<2x384x128xf32, #tpu.memory_space<vmem>>, vector<16xf32>,
        %mul3A_1971 = arith.mulf %get3A_1719, %get3A_1970 : vector<16xf32>
        %get3A_1972 = arith.index_cast %select_n3A_284 : i32 to index
        %get3A_1973 = arith.index_cast %add3A_1951 : i32 to index
        %get3A_1974 = arith.constant 64 : index
        %get3A_1975 = tpu.vector_load %arg11[%get3A_1972, %get3A_1973, %get3A_1974] {strides = array<i32>} : memref<2x384x128xf32, #tpu.memory_space<vmem>>, vector<16xf32>,
        %mul3A_1976 = arith.mulf %get3A_1723, %get3A_1975 : vector<16xf32>
        %get3A_1977 = arith.index_cast %select_n3A_284 : i32 to index
        %get3A_1978 = arith.index_cast %add3A_1951 : i32 to index
        %get3A_1979 = arith.constant 80 : index
        %get3A_1980 = tpu.vector_load %arg11[%get3A_1977, %get3A_1978, %get3A_1979] {strides = array<i32>} : memref<2x384x128xf32, #tpu.memory_space<vmem>>, vector<16xf32>,
        %mul3A_1981 = arith.mulf %get3A_1727, %get3A_1980 : vector<16xf32>
        %get3A_1982 = arith.index_cast %select_n3A_284 : i32 to index
        %get3A_1983 = arith.index_cast %add3A_1951 : i32 to index
        %get3A_1984 = arith.constant 96 : index
        %get3A_1985 = tpu.vector_load %arg11[%get3A_1982, %get3A_1983, %get3A_1984] {strides = array<i32>} : memref<2x384x128xf32, #tpu.memory_space<vmem>>, vector<16xf32>,
        %mul3A_1986 = arith.mulf %get3A_1731, %get3A_1985 : vector<16xf32>
        %get3A_1987 = arith.index_cast %select_n3A_284 : i32 to index
        %get3A_1988 = arith.index_cast %add3A_1951 : i32 to index
        %get3A_1989 = arith.constant 112 : index
        %get3A_1990 = tpu.vector_load %arg11[%get3A_1987, %get3A_1988, %get3A_1989] {strides = array<i32>} : memref<2x384x128xf32, #tpu.memory_space<vmem>>, vector<16xf32>,
        %mul3A_1991 = arith.mulf %get3A_1735, %get3A_1990 : vector<16xf32>
        %add3A_1992 = arith.addf %mul3A_1956, %mul3A_1961 : vector<16xf32>
        %add3A_1993 = arith.addf %mul3A_1966, %mul3A_1971 : vector<16xf32>
        %add3A_1994 = arith.addf %mul3A_1976, %mul3A_1981 : vector<16xf32>
        %add3A_1995 = arith.addf %mul3A_1986, %mul3A_1991 : vector<16xf32>
        %add3A_1996 = arith.addf %add3A_1992, %add3A_1993 : vector<16xf32>
        %add3A_1997 = arith.addf %add3A_1994, %add3A_1995 : vector<16xf32>
        %add3A_1998 = arith.addf %add3A_1996, %add3A_1997 : vector<16xf32>
        %swap3A_1999 = arith.constant 448 : index
        %swap3A_2000 = tpu.vector_load %arg13[%swap3A_1999] {strides = array<i32>} : memref<768xf32, #tpu.memory_space<vmem>>, vector<16xf32>,
        tpu.vector_store %arg13[%swap3A_1999], %add3A_1998 {strides = array<i32>} : memref<768xf32, #tpu.memory_space<vmem>>, vector<16xf32>,
        %mul3A_2001 = arith.constant 6 : i32
        %mul3A_2002 = arith.muli %add3A_1703, %mul3A_2001 : i32
        %add3A_2003 = arith.constant 5 : i32
        %add3A_2004 = arith.addi %mul3A_2002, %add3A_2003 : i32
        %get3A_2005 = arith.index_cast %select_n3A_284 : i32 to index
        %get3A_2006 = arith.index_cast %add3A_2004 : i32 to index
        %get3A_2007 = arith.constant 0 : index
        %get3A_2008 = tpu.vector_load %arg11[%get3A_2005, %get3A_2006, %get3A_2007] {strides = array<i32>} : memref<2x384x128xf32, #tpu.memory_space<vmem>>, vector<16xf32>,
        %mul3A_2009 = arith.mulf %get3A_1707, %get3A_2008 : vector<16xf32>
        %get3A_2010 = arith.index_cast %select_n3A_284 : i32 to index
        %get3A_2011 = arith.index_cast %add3A_2004 : i32 to index
        %get3A_2012 = arith.constant 16 : index
        %get3A_2013 = tpu.vector_load %arg11[%get3A_2010, %get3A_2011, %get3A_2012] {strides = array<i32>} : memref<2x384x128xf32, #tpu.memory_space<vmem>>, vector<16xf32>,
        %mul3A_2014 = arith.mulf %get3A_1711, %get3A_2013 : vector<16xf32>
        %get3A_2015 = arith.index_cast %select_n3A_284 : i32 to index
        %get3A_2016 = arith.index_cast %add3A_2004 : i32 to index
        %get3A_2017 = arith.constant 32 : index
        %get3A_2018 = tpu.vector_load %arg11[%get3A_2015, %get3A_2016, %get3A_2017] {strides = array<i32>} : memref<2x384x128xf32, #tpu.memory_space<vmem>>, vector<16xf32>,
        %mul3A_2019 = arith.mulf %get3A_1715, %get3A_2018 : vector<16xf32>
        %get3A_2020 = arith.index_cast %select_n3A_284 : i32 to index
        %get3A_2021 = arith.index_cast %add3A_2004 : i32 to index
        %get3A_2022 = arith.constant 48 : index
        %get3A_2023 = tpu.vector_load %arg11[%get3A_2020, %get3A_2021, %get3A_2022] {strides = array<i32>} : memref<2x384x128xf32, #tpu.memory_space<vmem>>, vector<16xf32>,
        %mul3A_2024 = arith.mulf %get3A_1719, %get3A_2023 : vector<16xf32>
        %get3A_2025 = arith.index_cast %select_n3A_284 : i32 to index
        %get3A_2026 = arith.index_cast %add3A_2004 : i32 to index
        %get3A_2027 = arith.constant 64 : index
        %get3A_2028 = tpu.vector_load %arg11[%get3A_2025, %get3A_2026, %get3A_2027] {strides = array<i32>} : memref<2x384x128xf32, #tpu.memory_space<vmem>>, vector<16xf32>,
        %mul3A_2029 = arith.mulf %get3A_1723, %get3A_2028 : vector<16xf32>
        %get3A_2030 = arith.index_cast %select_n3A_284 : i32 to index
        %get3A_2031 = arith.index_cast %add3A_2004 : i32 to index
        %get3A_2032 = arith.constant 80 : index
        %get3A_2033 = tpu.vector_load %arg11[%get3A_2030, %get3A_2031, %get3A_2032] {strides = array<i32>} : memref<2x384x128xf32, #tpu.memory_space<vmem>>, vector<16xf32>,
        %mul3A_2034 = arith.mulf %get3A_1727, %get3A_2033 : vector<16xf32>
        %get3A_2035 = arith.index_cast %select_n3A_284 : i32 to index
        %get3A_2036 = arith.index_cast %add3A_2004 : i32 to index
        %get3A_2037 = arith.constant 96 : index
        %get3A_2038 = tpu.vector_load %arg11[%get3A_2035, %get3A_2036, %get3A_2037] {strides = array<i32>} : memref<2x384x128xf32, #tpu.memory_space<vmem>>, vector<16xf32>,
        %mul3A_2039 = arith.mulf %get3A_1731, %get3A_2038 : vector<16xf32>
        %get3A_2040 = arith.index_cast %select_n3A_284 : i32 to index
        %get3A_2041 = arith.index_cast %add3A_2004 : i32 to index
        %get3A_2042 = arith.constant 112 : index
        %get3A_2043 = tpu.vector_load %arg11[%get3A_2040, %get3A_2041, %get3A_2042] {strides = array<i32>} : memref<2x384x128xf32, #tpu.memory_space<vmem>>, vector<16xf32>,
        %mul3A_2044 = arith.mulf %get3A_1735, %get3A_2043 : vector<16xf32>
        %add3A_2045 = arith.addf %mul3A_2009, %mul3A_2014 : vector<16xf32>
        %add3A_2046 = arith.addf %mul3A_2019, %mul3A_2024 : vector<16xf32>
        %add3A_2047 = arith.addf %mul3A_2029, %mul3A_2034 : vector<16xf32>
        %add3A_2048 = arith.addf %mul3A_2039, %mul3A_2044 : vector<16xf32>
        %add3A_2049 = arith.addf %add3A_2045, %add3A_2046 : vector<16xf32>
        %add3A_2050 = arith.addf %add3A_2047, %add3A_2048 : vector<16xf32>
        %add3A_2051 = arith.addf %add3A_2049, %add3A_2050 : vector<16xf32>
        %swap3A_2052 = arith.constant 464 : index
        %swap3A_2053 = tpu.vector_load %arg13[%swap3A_2052] {strides = array<i32>} : memref<768xf32, #tpu.memory_space<vmem>>, vector<16xf32>,
        tpu.vector_store %arg13[%swap3A_2052], %add3A_2051 {strides = array<i32>} : memref<768xf32, #tpu.memory_space<vmem>>, vector<16xf32>,
        %add3A_2054 = arith.constant 5 : i32
        %add3A_2055 = arith.addi %mul3A_294, %add3A_2054 : i32
        %get3A_2056 = arith.index_cast %select_n3A_284 : i32 to index
        %get3A_2057 = arith.index_cast %add3A_2055 : i32 to index
        %get3A_2058 = arith.constant 0 : index
        %get3A_2059 = tpu.vector_load %arg10[%get3A_2056, %get3A_2057, %get3A_2058] {strides = array<i32>} : memref<2x64x128xf32, #tpu.memory_space<vmem>>, vector<16xf32>,
        %get3A_2060 = arith.index_cast %select_n3A_284 : i32 to index
        %get3A_2061 = arith.index_cast %add3A_2055 : i32 to index
        %get3A_2062 = arith.constant 16 : index
        %get3A_2063 = tpu.vector_load %arg10[%get3A_2060, %get3A_2061, %get3A_2062] {strides = array<i32>} : memref<2x64x128xf32, #tpu.memory_space<vmem>>, vector<16xf32>,
        %get3A_2064 = arith.index_cast %select_n3A_284 : i32 to index
        %get3A_2065 = arith.index_cast %add3A_2055 : i32 to index
        %get3A_2066 = arith.constant 32 : index
        %get3A_2067 = tpu.vector_load %arg10[%get3A_2064, %get3A_2065, %get3A_2066] {strides = array<i32>} : memref<2x64x128xf32, #tpu.memory_space<vmem>>, vector<16xf32>,
        %get3A_2068 = arith.index_cast %select_n3A_284 : i32 to index
        %get3A_2069 = arith.index_cast %add3A_2055 : i32 to index
        %get3A_2070 = arith.constant 48 : index
        %get3A_2071 = tpu.vector_load %arg10[%get3A_2068, %get3A_2069, %get3A_2070] {strides = array<i32>} : memref<2x64x128xf32, #tpu.memory_space<vmem>>, vector<16xf32>,
        %get3A_2072 = arith.index_cast %select_n3A_284 : i32 to index
        %get3A_2073 = arith.index_cast %add3A_2055 : i32 to index
        %get3A_2074 = arith.constant 64 : index
        %get3A_2075 = tpu.vector_load %arg10[%get3A_2072, %get3A_2073, %get3A_2074] {strides = array<i32>} : memref<2x64x128xf32, #tpu.memory_space<vmem>>, vector<16xf32>,
        %get3A_2076 = arith.index_cast %select_n3A_284 : i32 to index
        %get3A_2077 = arith.index_cast %add3A_2055 : i32 to index
        %get3A_2078 = arith.constant 80 : index
        %get3A_2079 = tpu.vector_load %arg10[%get3A_2076, %get3A_2077, %get3A_2078] {strides = array<i32>} : memref<2x64x128xf32, #tpu.memory_space<vmem>>, vector<16xf32>,
        %get3A_2080 = arith.index_cast %select_n3A_284 : i32 to index
        %get3A_2081 = arith.index_cast %add3A_2055 : i32 to index
        %get3A_2082 = arith.constant 96 : index
        %get3A_2083 = tpu.vector_load %arg10[%get3A_2080, %get3A_2081, %get3A_2082] {strides = array<i32>} : memref<2x64x128xf32, #tpu.memory_space<vmem>>, vector<16xf32>,
        %get3A_2084 = arith.index_cast %select_n3A_284 : i32 to index
        %get3A_2085 = arith.index_cast %add3A_2055 : i32 to index
        %get3A_2086 = arith.constant 112 : index
        %get3A_2087 = tpu.vector_load %arg10[%get3A_2084, %get3A_2085, %get3A_2086] {strides = array<i32>} : memref<2x64x128xf32, #tpu.memory_space<vmem>>, vector<16xf32>,
        %mul3A_2088 = arith.constant 6 : i32
        %mul3A_2089 = arith.muli %add3A_2055, %mul3A_2088 : i32
        %add3A_2090 = arith.constant 0 : i32
        %add3A_2091 = arith.addi %mul3A_2089, %add3A_2090 : i32
        %get3A_2092 = arith.index_cast %select_n3A_284 : i32 to index
        %get3A_2093 = arith.index_cast %add3A_2091 : i32 to index
        %get3A_2094 = arith.constant 0 : index
        %get3A_2095 = tpu.vector_load %arg11[%get3A_2092, %get3A_2093, %get3A_2094] {strides = array<i32>} : memref<2x384x128xf32, #tpu.memory_space<vmem>>, vector<16xf32>,
        %mul3A_2096 = arith.mulf %get3A_2059, %get3A_2095 : vector<16xf32>
        %get3A_2097 = arith.index_cast %select_n3A_284 : i32 to index
        %get3A_2098 = arith.index_cast %add3A_2091 : i32 to index
        %get3A_2099 = arith.constant 16 : index
        %get3A_2100 = tpu.vector_load %arg11[%get3A_2097, %get3A_2098, %get3A_2099] {strides = array<i32>} : memref<2x384x128xf32, #tpu.memory_space<vmem>>, vector<16xf32>,
        %mul3A_2101 = arith.mulf %get3A_2063, %get3A_2100 : vector<16xf32>
        %get3A_2102 = arith.index_cast %select_n3A_284 : i32 to index
        %get3A_2103 = arith.index_cast %add3A_2091 : i32 to index
        %get3A_2104 = arith.constant 32 : index
        %get3A_2105 = tpu.vector_load %arg11[%get3A_2102, %get3A_2103, %get3A_2104] {strides = array<i32>} : memref<2x384x128xf32, #tpu.memory_space<vmem>>, vector<16xf32>,
        %mul3A_2106 = arith.mulf %get3A_2067, %get3A_2105 : vector<16xf32>
        %get3A_2107 = arith.index_cast %select_n3A_284 : i32 to index
        %get3A_2108 = arith.index_cast %add3A_2091 : i32 to index
        %get3A_2109 = arith.constant 48 : index
        %get3A_2110 = tpu.vector_load %arg11[%get3A_2107, %get3A_2108, %get3A_2109] {strides = array<i32>} : memref<2x384x128xf32, #tpu.memory_space<vmem>>, vector<16xf32>,
        %mul3A_2111 = arith.mulf %get3A_2071, %get3A_2110 : vector<16xf32>
        %get3A_2112 = arith.index_cast %select_n3A_284 : i32 to index
        %get3A_2113 = arith.index_cast %add3A_2091 : i32 to index
        %get3A_2114 = arith.constant 64 : index
        %get3A_2115 = tpu.vector_load %arg11[%get3A_2112, %get3A_2113, %get3A_2114] {strides = array<i32>} : memref<2x384x128xf32, #tpu.memory_space<vmem>>, vector<16xf32>,
        %mul3A_2116 = arith.mulf %get3A_2075, %get3A_2115 : vector<16xf32>
        %get3A_2117 = arith.index_cast %select_n3A_284 : i32 to index
        %get3A_2118 = arith.index_cast %add3A_2091 : i32 to index
        %get3A_2119 = arith.constant 80 : index
        %get3A_2120 = tpu.vector_load %arg11[%get3A_2117, %get3A_2118, %get3A_2119] {strides = array<i32>} : memref<2x384x128xf32, #tpu.memory_space<vmem>>, vector<16xf32>,
        %mul3A_2121 = arith.mulf %get3A_2079, %get3A_2120 : vector<16xf32>
        %get3A_2122 = arith.index_cast %select_n3A_284 : i32 to index
        %get3A_2123 = arith.index_cast %add3A_2091 : i32 to index
        %get3A_2124 = arith.constant 96 : index
        %get3A_2125 = tpu.vector_load %arg11[%get3A_2122, %get3A_2123, %get3A_2124] {strides = array<i32>} : memref<2x384x128xf32, #tpu.memory_space<vmem>>, vector<16xf32>,
        %mul3A_2126 = arith.mulf %get3A_2083, %get3A_2125 : vector<16xf32>
        %get3A_2127 = arith.index_cast %select_n3A_284 : i32 to index
        %get3A_2128 = arith.index_cast %add3A_2091 : i32 to index
        %get3A_2129 = arith.constant 112 : index
        %get3A_2130 = tpu.vector_load %arg11[%get3A_2127, %get3A_2128, %get3A_2129] {strides = array<i32>} : memref<2x384x128xf32, #tpu.memory_space<vmem>>, vector<16xf32>,
        %mul3A_2131 = arith.mulf %get3A_2087, %get3A_2130 : vector<16xf32>
        %add3A_2132 = arith.addf %mul3A_2096, %mul3A_2101 : vector<16xf32>
        %add3A_2133 = arith.addf %mul3A_2106, %mul3A_2111 : vector<16xf32>
        %add3A_2134 = arith.addf %mul3A_2116, %mul3A_2121 : vector<16xf32>
        %add3A_2135 = arith.addf %mul3A_2126, %mul3A_2131 : vector<16xf32>
        %add3A_2136 = arith.addf %add3A_2132, %add3A_2133 : vector<16xf32>
        %add3A_2137 = arith.addf %add3A_2134, %add3A_2135 : vector<16xf32>
        %add3A_2138 = arith.addf %add3A_2136, %add3A_2137 : vector<16xf32>
        %swap3A_2139 = arith.constant 480 : index
        %swap3A_2140 = tpu.vector_load %arg13[%swap3A_2139] {strides = array<i32>} : memref<768xf32, #tpu.memory_space<vmem>>, vector<16xf32>,
        tpu.vector_store %arg13[%swap3A_2139], %add3A_2138 {strides = array<i32>} : memref<768xf32, #tpu.memory_space<vmem>>, vector<16xf32>,
        %mul3A_2141 = arith.constant 6 : i32
        %mul3A_2142 = arith.muli %add3A_2055, %mul3A_2141 : i32
        %add3A_2143 = arith.constant 1 : i32
        %add3A_2144 = arith.addi %mul3A_2142, %add3A_2143 : i32
        %get3A_2145 = arith.index_cast %select_n3A_284 : i32 to index
        %get3A_2146 = arith.index_cast %add3A_2144 : i32 to index
        %get3A_2147 = arith.constant 0 : index
        %get3A_2148 = tpu.vector_load %arg11[%get3A_2145, %get3A_2146, %get3A_2147] {strides = array<i32>} : memref<2x384x128xf32, #tpu.memory_space<vmem>>, vector<16xf32>,
        %mul3A_2149 = arith.mulf %get3A_2059, %get3A_2148 : vector<16xf32>
        %get3A_2150 = arith.index_cast %select_n3A_284 : i32 to index
        %get3A_2151 = arith.index_cast %add3A_2144 : i32 to index
        %get3A_2152 = arith.constant 16 : index
        %get3A_2153 = tpu.vector_load %arg11[%get3A_2150, %get3A_2151, %get3A_2152] {strides = array<i32>} : memref<2x384x128xf32, #tpu.memory_space<vmem>>, vector<16xf32>,
        %mul3A_2154 = arith.mulf %get3A_2063, %get3A_2153 : vector<16xf32>
        %get3A_2155 = arith.index_cast %select_n3A_284 : i32 to index
        %get3A_2156 = arith.index_cast %add3A_2144 : i32 to index
        %get3A_2157 = arith.constant 32 : index
        %get3A_2158 = tpu.vector_load %arg11[%get3A_2155, %get3A_2156, %get3A_2157] {strides = array<i32>} : memref<2x384x128xf32, #tpu.memory_space<vmem>>, vector<16xf32>,
        %mul3A_2159 = arith.mulf %get3A_2067, %get3A_2158 : vector<16xf32>
        %get3A_2160 = arith.index_cast %select_n3A_284 : i32 to index
        %get3A_2161 = arith.index_cast %add3A_2144 : i32 to index
        %get3A_2162 = arith.constant 48 : index
        %get3A_2163 = tpu.vector_load %arg11[%get3A_2160, %get3A_2161, %get3A_2162] {strides = array<i32>} : memref<2x384x128xf32, #tpu.memory_space<vmem>>, vector<16xf32>,
        %mul3A_2164 = arith.mulf %get3A_2071, %get3A_2163 : vector<16xf32>
        %get3A_2165 = arith.index_cast %select_n3A_284 : i32 to index
        %get3A_2166 = arith.index_cast %add3A_2144 : i32 to index
        %get3A_2167 = arith.constant 64 : index
        %get3A_2168 = tpu.vector_load %arg11[%get3A_2165, %get3A_2166, %get3A_2167] {strides = array<i32>} : memref<2x384x128xf32, #tpu.memory_space<vmem>>, vector<16xf32>,
        %mul3A_2169 = arith.mulf %get3A_2075, %get3A_2168 : vector<16xf32>
        %get3A_2170 = arith.index_cast %select_n3A_284 : i32 to index
        %get3A_2171 = arith.index_cast %add3A_2144 : i32 to index
        %get3A_2172 = arith.constant 80 : index
        %get3A_2173 = tpu.vector_load %arg11[%get3A_2170, %get3A_2171, %get3A_2172] {strides = array<i32>} : memref<2x384x128xf32, #tpu.memory_space<vmem>>, vector<16xf32>,
        %mul3A_2174 = arith.mulf %get3A_2079, %get3A_2173 : vector<16xf32>
        %get3A_2175 = arith.index_cast %select_n3A_284 : i32 to index
        %get3A_2176 = arith.index_cast %add3A_2144 : i32 to index
        %get3A_2177 = arith.constant 96 : index
        %get3A_2178 = tpu.vector_load %arg11[%get3A_2175, %get3A_2176, %get3A_2177] {strides = array<i32>} : memref<2x384x128xf32, #tpu.memory_space<vmem>>, vector<16xf32>,
        %mul3A_2179 = arith.mulf %get3A_2083, %get3A_2178 : vector<16xf32>
        %get3A_2180 = arith.index_cast %select_n3A_284 : i32 to index
        %get3A_2181 = arith.index_cast %add3A_2144 : i32 to index
        %get3A_2182 = arith.constant 112 : index
        %get3A_2183 = tpu.vector_load %arg11[%get3A_2180, %get3A_2181, %get3A_2182] {strides = array<i32>} : memref<2x384x128xf32, #tpu.memory_space<vmem>>, vector<16xf32>,
        %mul3A_2184 = arith.mulf %get3A_2087, %get3A_2183 : vector<16xf32>
        %add3A_2185 = arith.addf %mul3A_2149, %mul3A_2154 : vector<16xf32>
        %add3A_2186 = arith.addf %mul3A_2159, %mul3A_2164 : vector<16xf32>
        %add3A_2187 = arith.addf %mul3A_2169, %mul3A_2174 : vector<16xf32>
        %add3A_2188 = arith.addf %mul3A_2179, %mul3A_2184 : vector<16xf32>
        %add3A_2189 = arith.addf %add3A_2185, %add3A_2186 : vector<16xf32>
        %add3A_2190 = arith.addf %add3A_2187, %add3A_2188 : vector<16xf32>
        %add3A_2191 = arith.addf %add3A_2189, %add3A_2190 : vector<16xf32>
        %swap3A_2192 = arith.constant 496 : index
        %swap3A_2193 = tpu.vector_load %arg13[%swap3A_2192] {strides = array<i32>} : memref<768xf32, #tpu.memory_space<vmem>>, vector<16xf32>,
        tpu.vector_store %arg13[%swap3A_2192], %add3A_2191 {strides = array<i32>} : memref<768xf32, #tpu.memory_space<vmem>>, vector<16xf32>,
        %mul3A_2194 = arith.constant 6 : i32
        %mul3A_2195 = arith.muli %add3A_2055, %mul3A_2194 : i32
        %add3A_2196 = arith.constant 2 : i32
        %add3A_2197 = arith.addi %mul3A_2195, %add3A_2196 : i32
        %get3A_2198 = arith.index_cast %select_n3A_284 : i32 to index
        %get3A_2199 = arith.index_cast %add3A_2197 : i32 to index
        %get3A_2200 = arith.constant 0 : index
        %get3A_2201 = tpu.vector_load %arg11[%get3A_2198, %get3A_2199, %get3A_2200] {strides = array<i32>} : memref<2x384x128xf32, #tpu.memory_space<vmem>>, vector<16xf32>,
        %mul3A_2202 = arith.mulf %get3A_2059, %get3A_2201 : vector<16xf32>
        %get3A_2203 = arith.index_cast %select_n3A_284 : i32 to index
        %get3A_2204 = arith.index_cast %add3A_2197 : i32 to index
        %get3A_2205 = arith.constant 16 : index
        %get3A_2206 = tpu.vector_load %arg11[%get3A_2203, %get3A_2204, %get3A_2205] {strides = array<i32>} : memref<2x384x128xf32, #tpu.memory_space<vmem>>, vector<16xf32>,
        %mul3A_2207 = arith.mulf %get3A_2063, %get3A_2206 : vector<16xf32>
        %get3A_2208 = arith.index_cast %select_n3A_284 : i32 to index
        %get3A_2209 = arith.index_cast %add3A_2197 : i32 to index
        %get3A_2210 = arith.constant 32 : index
        %get3A_2211 = tpu.vector_load %arg11[%get3A_2208, %get3A_2209, %get3A_2210] {strides = array<i32>} : memref<2x384x128xf32, #tpu.memory_space<vmem>>, vector<16xf32>,
        %mul3A_2212 = arith.mulf %get3A_2067, %get3A_2211 : vector<16xf32>
        %get3A_2213 = arith.index_cast %select_n3A_284 : i32 to index
        %get3A_2214 = arith.index_cast %add3A_2197 : i32 to index
        %get3A_2215 = arith.constant 48 : index
        %get3A_2216 = tpu.vector_load %arg11[%get3A_2213, %get3A_2214, %get3A_2215] {strides = array<i32>} : memref<2x384x128xf32, #tpu.memory_space<vmem>>, vector<16xf32>,
        %mul3A_2217 = arith.mulf %get3A_2071, %get3A_2216 : vector<16xf32>
        %get3A_2218 = arith.index_cast %select_n3A_284 : i32 to index
        %get3A_2219 = arith.index_cast %add3A_2197 : i32 to index
        %get3A_2220 = arith.constant 64 : index
        %get3A_2221 = tpu.vector_load %arg11[%get3A_2218, %get3A_2219, %get3A_2220] {strides = array<i32>} : memref<2x384x128xf32, #tpu.memory_space<vmem>>, vector<16xf32>,
        %mul3A_2222 = arith.mulf %get3A_2075, %get3A_2221 : vector<16xf32>
        %get3A_2223 = arith.index_cast %select_n3A_284 : i32 to index
        %get3A_2224 = arith.index_cast %add3A_2197 : i32 to index
        %get3A_2225 = arith.constant 80 : index
        %get3A_2226 = tpu.vector_load %arg11[%get3A_2223, %get3A_2224, %get3A_2225] {strides = array<i32>} : memref<2x384x128xf32, #tpu.memory_space<vmem>>, vector<16xf32>,
        %mul3A_2227 = arith.mulf %get3A_2079, %get3A_2226 : vector<16xf32>
        %get3A_2228 = arith.index_cast %select_n3A_284 : i32 to index
        %get3A_2229 = arith.index_cast %add3A_2197 : i32 to index
        %get3A_2230 = arith.constant 96 : index
        %get3A_2231 = tpu.vector_load %arg11[%get3A_2228, %get3A_2229, %get3A_2230] {strides = array<i32>} : memref<2x384x128xf32, #tpu.memory_space<vmem>>, vector<16xf32>,
        %mul3A_2232 = arith.mulf %get3A_2083, %get3A_2231 : vector<16xf32>
        %get3A_2233 = arith.index_cast %select_n3A_284 : i32 to index
        %get3A_2234 = arith.index_cast %add3A_2197 : i32 to index
        %get3A_2235 = arith.constant 112 : index
        %get3A_2236 = tpu.vector_load %arg11[%get3A_2233, %get3A_2234, %get3A_2235] {strides = array<i32>} : memref<2x384x128xf32, #tpu.memory_space<vmem>>, vector<16xf32>,
        %mul3A_2237 = arith.mulf %get3A_2087, %get3A_2236 : vector<16xf32>
        %add3A_2238 = arith.addf %mul3A_2202, %mul3A_2207 : vector<16xf32>
        %add3A_2239 = arith.addf %mul3A_2212, %mul3A_2217 : vector<16xf32>
        %add3A_2240 = arith.addf %mul3A_2222, %mul3A_2227 : vector<16xf32>
        %add3A_2241 = arith.addf %mul3A_2232, %mul3A_2237 : vector<16xf32>
        %add3A_2242 = arith.addf %add3A_2238, %add3A_2239 : vector<16xf32>
        %add3A_2243 = arith.addf %add3A_2240, %add3A_2241 : vector<16xf32>
        %add3A_2244 = arith.addf %add3A_2242, %add3A_2243 : vector<16xf32>
        %swap3A_2245 = arith.constant 512 : index
        %swap3A_2246 = tpu.vector_load %arg13[%swap3A_2245] {strides = array<i32>} : memref<768xf32, #tpu.memory_space<vmem>>, vector<16xf32>,
        tpu.vector_store %arg13[%swap3A_2245], %add3A_2244 {strides = array<i32>} : memref<768xf32, #tpu.memory_space<vmem>>, vector<16xf32>,
        %mul3A_2247 = arith.constant 6 : i32
        %mul3A_2248 = arith.muli %add3A_2055, %mul3A_2247 : i32
        %add3A_2249 = arith.constant 3 : i32
        %add3A_2250 = arith.addi %mul3A_2248, %add3A_2249 : i32
        %get3A_2251 = arith.index_cast %select_n3A_284 : i32 to index
        %get3A_2252 = arith.index_cast %add3A_2250 : i32 to index
        %get3A_2253 = arith.constant 0 : index
        %get3A_2254 = tpu.vector_load %arg11[%get3A_2251, %get3A_2252, %get3A_2253] {strides = array<i32>} : memref<2x384x128xf32, #tpu.memory_space<vmem>>, vector<16xf32>,
        %mul3A_2255 = arith.mulf %get3A_2059, %get3A_2254 : vector<16xf32>
        %get3A_2256 = arith.index_cast %select_n3A_284 : i32 to index
        %get3A_2257 = arith.index_cast %add3A_2250 : i32 to index
        %get3A_2258 = arith.constant 16 : index
        %get3A_2259 = tpu.vector_load %arg11[%get3A_2256, %get3A_2257, %get3A_2258] {strides = array<i32>} : memref<2x384x128xf32, #tpu.memory_space<vmem>>, vector<16xf32>,
        %mul3A_2260 = arith.mulf %get3A_2063, %get3A_2259 : vector<16xf32>
        %get3A_2261 = arith.index_cast %select_n3A_284 : i32 to index
        %get3A_2262 = arith.index_cast %add3A_2250 : i32 to index
        %get3A_2263 = arith.constant 32 : index
        %get3A_2264 = tpu.vector_load %arg11[%get3A_2261, %get3A_2262, %get3A_2263] {strides = array<i32>} : memref<2x384x128xf32, #tpu.memory_space<vmem>>, vector<16xf32>,
        %mul3A_2265 = arith.mulf %get3A_2067, %get3A_2264 : vector<16xf32>
        %get3A_2266 = arith.index_cast %select_n3A_284 : i32 to index
        %get3A_2267 = arith.index_cast %add3A_2250 : i32 to index
        %get3A_2268 = arith.constant 48 : index
        %get3A_2269 = tpu.vector_load %arg11[%get3A_2266, %get3A_2267, %get3A_2268] {strides = array<i32>} : memref<2x384x128xf32, #tpu.memory_space<vmem>>, vector<16xf32>,
        %mul3A_2270 = arith.mulf %get3A_2071, %get3A_2269 : vector<16xf32>
        %get3A_2271 = arith.index_cast %select_n3A_284 : i32 to index
        %get3A_2272 = arith.index_cast %add3A_2250 : i32 to index
        %get3A_2273 = arith.constant 64 : index
        %get3A_2274 = tpu.vector_load %arg11[%get3A_2271, %get3A_2272, %get3A_2273] {strides = array<i32>} : memref<2x384x128xf32, #tpu.memory_space<vmem>>, vector<16xf32>,
        %mul3A_2275 = arith.mulf %get3A_2075, %get3A_2274 : vector<16xf32>
        %get3A_2276 = arith.index_cast %select_n3A_284 : i32 to index
        %get3A_2277 = arith.index_cast %add3A_2250 : i32 to index
        %get3A_2278 = arith.constant 80 : index
        %get3A_2279 = tpu.vector_load %arg11[%get3A_2276, %get3A_2277, %get3A_2278] {strides = array<i32>} : memref<2x384x128xf32, #tpu.memory_space<vmem>>, vector<16xf32>,
        %mul3A_2280 = arith.mulf %get3A_2079, %get3A_2279 : vector<16xf32>
        %get3A_2281 = arith.index_cast %select_n3A_284 : i32 to index
        %get3A_2282 = arith.index_cast %add3A_2250 : i32 to index
        %get3A_2283 = arith.constant 96 : index
        %get3A_2284 = tpu.vector_load %arg11[%get3A_2281, %get3A_2282, %get3A_2283] {strides = array<i32>} : memref<2x384x128xf32, #tpu.memory_space<vmem>>, vector<16xf32>,
        %mul3A_2285 = arith.mulf %get3A_2083, %get3A_2284 : vector<16xf32>
        %get3A_2286 = arith.index_cast %select_n3A_284 : i32 to index
        %get3A_2287 = arith.index_cast %add3A_2250 : i32 to index
        %get3A_2288 = arith.constant 112 : index
        %get3A_2289 = tpu.vector_load %arg11[%get3A_2286, %get3A_2287, %get3A_2288] {strides = array<i32>} : memref<2x384x128xf32, #tpu.memory_space<vmem>>, vector<16xf32>,
        %mul3A_2290 = arith.mulf %get3A_2087, %get3A_2289 : vector<16xf32>
        %add3A_2291 = arith.addf %mul3A_2255, %mul3A_2260 : vector<16xf32>
        %add3A_2292 = arith.addf %mul3A_2265, %mul3A_2270 : vector<16xf32>
        %add3A_2293 = arith.addf %mul3A_2275, %mul3A_2280 : vector<16xf32>
        %add3A_2294 = arith.addf %mul3A_2285, %mul3A_2290 : vector<16xf32>
        %add3A_2295 = arith.addf %add3A_2291, %add3A_2292 : vector<16xf32>
        %add3A_2296 = arith.addf %add3A_2293, %add3A_2294 : vector<16xf32>
        %add3A_2297 = arith.addf %add3A_2295, %add3A_2296 : vector<16xf32>
        %swap3A_2298 = arith.constant 528 : index
        %swap3A_2299 = tpu.vector_load %arg13[%swap3A_2298] {strides = array<i32>} : memref<768xf32, #tpu.memory_space<vmem>>, vector<16xf32>,
        tpu.vector_store %arg13[%swap3A_2298], %add3A_2297 {strides = array<i32>} : memref<768xf32, #tpu.memory_space<vmem>>, vector<16xf32>,
        %mul3A_2300 = arith.constant 6 : i32
        %mul3A_2301 = arith.muli %add3A_2055, %mul3A_2300 : i32
        %add3A_2302 = arith.constant 4 : i32
        %add3A_2303 = arith.addi %mul3A_2301, %add3A_2302 : i32
        %get3A_2304 = arith.index_cast %select_n3A_284 : i32 to index
        %get3A_2305 = arith.index_cast %add3A_2303 : i32 to index
        %get3A_2306 = arith.constant 0 : index
        %get3A_2307 = tpu.vector_load %arg11[%get3A_2304, %get3A_2305, %get3A_2306] {strides = array<i32>} : memref<2x384x128xf32, #tpu.memory_space<vmem>>, vector<16xf32>,
        %mul3A_2308 = arith.mulf %get3A_2059, %get3A_2307 : vector<16xf32>
        %get3A_2309 = arith.index_cast %select_n3A_284 : i32 to index
        %get3A_2310 = arith.index_cast %add3A_2303 : i32 to index
        %get3A_2311 = arith.constant 16 : index
        %get3A_2312 = tpu.vector_load %arg11[%get3A_2309, %get3A_2310, %get3A_2311] {strides = array<i32>} : memref<2x384x128xf32, #tpu.memory_space<vmem>>, vector<16xf32>,
        %mul3A_2313 = arith.mulf %get3A_2063, %get3A_2312 : vector<16xf32>
        %get3A_2314 = arith.index_cast %select_n3A_284 : i32 to index
        %get3A_2315 = arith.index_cast %add3A_2303 : i32 to index
        %get3A_2316 = arith.constant 32 : index
        %get3A_2317 = tpu.vector_load %arg11[%get3A_2314, %get3A_2315, %get3A_2316] {strides = array<i32>} : memref<2x384x128xf32, #tpu.memory_space<vmem>>, vector<16xf32>,
        %mul3A_2318 = arith.mulf %get3A_2067, %get3A_2317 : vector<16xf32>
        %get3A_2319 = arith.index_cast %select_n3A_284 : i32 to index
        %get3A_2320 = arith.index_cast %add3A_2303 : i32 to index
        %get3A_2321 = arith.constant 48 : index
        %get3A_2322 = tpu.vector_load %arg11[%get3A_2319, %get3A_2320, %get3A_2321] {strides = array<i32>} : memref<2x384x128xf32, #tpu.memory_space<vmem>>, vector<16xf32>,
        %mul3A_2323 = arith.mulf %get3A_2071, %get3A_2322 : vector<16xf32>
        %get3A_2324 = arith.index_cast %select_n3A_284 : i32 to index
        %get3A_2325 = arith.index_cast %add3A_2303 : i32 to index
        %get3A_2326 = arith.constant 64 : index
        %get3A_2327 = tpu.vector_load %arg11[%get3A_2324, %get3A_2325, %get3A_2326] {strides = array<i32>} : memref<2x384x128xf32, #tpu.memory_space<vmem>>, vector<16xf32>,
        %mul3A_2328 = arith.mulf %get3A_2075, %get3A_2327 : vector<16xf32>
        %get3A_2329 = arith.index_cast %select_n3A_284 : i32 to index
        %get3A_2330 = arith.index_cast %add3A_2303 : i32 to index
        %get3A_2331 = arith.constant 80 : index
        %get3A_2332 = tpu.vector_load %arg11[%get3A_2329, %get3A_2330, %get3A_2331] {strides = array<i32>} : memref<2x384x128xf32, #tpu.memory_space<vmem>>, vector<16xf32>,
        %mul3A_2333 = arith.mulf %get3A_2079, %get3A_2332 : vector<16xf32>
        %get3A_2334 = arith.index_cast %select_n3A_284 : i32 to index
        %get3A_2335 = arith.index_cast %add3A_2303 : i32 to index
        %get3A_2336 = arith.constant 96 : index
        %get3A_2337 = tpu.vector_load %arg11[%get3A_2334, %get3A_2335, %get3A_2336] {strides = array<i32>} : memref<2x384x128xf32, #tpu.memory_space<vmem>>, vector<16xf32>,
        %mul3A_2338 = arith.mulf %get3A_2083, %get3A_2337 : vector<16xf32>
        %get3A_2339 = arith.index_cast %select_n3A_284 : i32 to index
        %get3A_2340 = arith.index_cast %add3A_2303 : i32 to index
        %get3A_2341 = arith.constant 112 : index
        %get3A_2342 = tpu.vector_load %arg11[%get3A_2339, %get3A_2340, %get3A_2341] {strides = array<i32>} : memref<2x384x128xf32, #tpu.memory_space<vmem>>, vector<16xf32>,
        %mul3A_2343 = arith.mulf %get3A_2087, %get3A_2342 : vector<16xf32>
        %add3A_2344 = arith.addf %mul3A_2308, %mul3A_2313 : vector<16xf32>
        %add3A_2345 = arith.addf %mul3A_2318, %mul3A_2323 : vector<16xf32>
        %add3A_2346 = arith.addf %mul3A_2328, %mul3A_2333 : vector<16xf32>
        %add3A_2347 = arith.addf %mul3A_2338, %mul3A_2343 : vector<16xf32>
        %add3A_2348 = arith.addf %add3A_2344, %add3A_2345 : vector<16xf32>
        %add3A_2349 = arith.addf %add3A_2346, %add3A_2347 : vector<16xf32>
        %add3A_2350 = arith.addf %add3A_2348, %add3A_2349 : vector<16xf32>
        %swap3A_2351 = arith.constant 544 : index
        %swap3A_2352 = tpu.vector_load %arg13[%swap3A_2351] {strides = array<i32>} : memref<768xf32, #tpu.memory_space<vmem>>, vector<16xf32>,
        tpu.vector_store %arg13[%swap3A_2351], %add3A_2350 {strides = array<i32>} : memref<768xf32, #tpu.memory_space<vmem>>, vector<16xf32>,
        %mul3A_2353 = arith.constant 6 : i32
        %mul3A_2354 = arith.muli %add3A_2055, %mul3A_2353 : i32
        %add3A_2355 = arith.constant 5 : i32
        %add3A_2356 = arith.addi %mul3A_2354, %add3A_2355 : i32
        %get3A_2357 = arith.index_cast %select_n3A_284 : i32 to index
        %get3A_2358 = arith.index_cast %add3A_2356 : i32 to index
        %get3A_2359 = arith.constant 0 : index
        %get3A_2360 = tpu.vector_load %arg11[%get3A_2357, %get3A_2358, %get3A_2359] {strides = array<i32>} : memref<2x384x128xf32, #tpu.memory_space<vmem>>, vector<16xf32>,
        %mul3A_2361 = arith.mulf %get3A_2059, %get3A_2360 : vector<16xf32>
        %get3A_2362 = arith.index_cast %select_n3A_284 : i32 to index
        %get3A_2363 = arith.index_cast %add3A_2356 : i32 to index
        %get3A_2364 = arith.constant 16 : index
        %get3A_2365 = tpu.vector_load %arg11[%get3A_2362, %get3A_2363, %get3A_2364] {strides = array<i32>} : memref<2x384x128xf32, #tpu.memory_space<vmem>>, vector<16xf32>,
        %mul3A_2366 = arith.mulf %get3A_2063, %get3A_2365 : vector<16xf32>
        %get3A_2367 = arith.index_cast %select_n3A_284 : i32 to index
        %get3A_2368 = arith.index_cast %add3A_2356 : i32 to index
        %get3A_2369 = arith.constant 32 : index
        %get3A_2370 = tpu.vector_load %arg11[%get3A_2367, %get3A_2368, %get3A_2369] {strides = array<i32>} : memref<2x384x128xf32, #tpu.memory_space<vmem>>, vector<16xf32>,
        %mul3A_2371 = arith.mulf %get3A_2067, %get3A_2370 : vector<16xf32>
        %get3A_2372 = arith.index_cast %select_n3A_284 : i32 to index
        %get3A_2373 = arith.index_cast %add3A_2356 : i32 to index
        %get3A_2374 = arith.constant 48 : index
        %get3A_2375 = tpu.vector_load %arg11[%get3A_2372, %get3A_2373, %get3A_2374] {strides = array<i32>} : memref<2x384x128xf32, #tpu.memory_space<vmem>>, vector<16xf32>,
        %mul3A_2376 = arith.mulf %get3A_2071, %get3A_2375 : vector<16xf32>
        %get3A_2377 = arith.index_cast %select_n3A_284 : i32 to index
        %get3A_2378 = arith.index_cast %add3A_2356 : i32 to index
        %get3A_2379 = arith.constant 64 : index
        %get3A_2380 = tpu.vector_load %arg11[%get3A_2377, %get3A_2378, %get3A_2379] {strides = array<i32>} : memref<2x384x128xf32, #tpu.memory_space<vmem>>, vector<16xf32>,
        %mul3A_2381 = arith.mulf %get3A_2075, %get3A_2380 : vector<16xf32>
        %get3A_2382 = arith.index_cast %select_n3A_284 : i32 to index
        %get3A_2383 = arith.index_cast %add3A_2356 : i32 to index
        %get3A_2384 = arith.constant 80 : index
        %get3A_2385 = tpu.vector_load %arg11[%get3A_2382, %get3A_2383, %get3A_2384] {strides = array<i32>} : memref<2x384x128xf32, #tpu.memory_space<vmem>>, vector<16xf32>,
        %mul3A_2386 = arith.mulf %get3A_2079, %get3A_2385 : vector<16xf32>
        %get3A_2387 = arith.index_cast %select_n3A_284 : i32 to index
        %get3A_2388 = arith.index_cast %add3A_2356 : i32 to index
        %get3A_2389 = arith.constant 96 : index
        %get3A_2390 = tpu.vector_load %arg11[%get3A_2387, %get3A_2388, %get3A_2389] {strides = array<i32>} : memref<2x384x128xf32, #tpu.memory_space<vmem>>, vector<16xf32>,
        %mul3A_2391 = arith.mulf %get3A_2083, %get3A_2390 : vector<16xf32>
        %get3A_2392 = arith.index_cast %select_n3A_284 : i32 to index
        %get3A_2393 = arith.index_cast %add3A_2356 : i32 to index
        %get3A_2394 = arith.constant 112 : index
        %get3A_2395 = tpu.vector_load %arg11[%get3A_2392, %get3A_2393, %get3A_2394] {strides = array<i32>} : memref<2x384x128xf32, #tpu.memory_space<vmem>>, vector<16xf32>,
        %mul3A_2396 = arith.mulf %get3A_2087, %get3A_2395 : vector<16xf32>
        %add3A_2397 = arith.addf %mul3A_2361, %mul3A_2366 : vector<16xf32>
        %add3A_2398 = arith.addf %mul3A_2371, %mul3A_2376 : vector<16xf32>
        %add3A_2399 = arith.addf %mul3A_2381, %mul3A_2386 : vector<16xf32>
        %add3A_2400 = arith.addf %mul3A_2391, %mul3A_2396 : vector<16xf32>
        %add3A_2401 = arith.addf %add3A_2397, %add3A_2398 : vector<16xf32>
        %add3A_2402 = arith.addf %add3A_2399, %add3A_2400 : vector<16xf32>
        %add3A_2403 = arith.addf %add3A_2401, %add3A_2402 : vector<16xf32>
        %swap3A_2404 = arith.constant 560 : index
        %swap3A_2405 = tpu.vector_load %arg13[%swap3A_2404] {strides = array<i32>} : memref<768xf32, #tpu.memory_space<vmem>>, vector<16xf32>,
        tpu.vector_store %arg13[%swap3A_2404], %add3A_2403 {strides = array<i32>} : memref<768xf32, #tpu.memory_space<vmem>>, vector<16xf32>,
        %add3A_2406 = arith.constant 6 : i32
        %add3A_2407 = arith.addi %mul3A_294, %add3A_2406 : i32
        %get3A_2408 = arith.index_cast %select_n3A_284 : i32 to index
        %get3A_2409 = arith.index_cast %add3A_2407 : i32 to index
        %get3A_2410 = arith.constant 0 : index
        %get3A_2411 = tpu.vector_load %arg10[%get3A_2408, %get3A_2409, %get3A_2410] {strides = array<i32>} : memref<2x64x128xf32, #tpu.memory_space<vmem>>, vector<16xf32>,
        %get3A_2412 = arith.index_cast %select_n3A_284 : i32 to index
        %get3A_2413 = arith.index_cast %add3A_2407 : i32 to index
        %get3A_2414 = arith.constant 16 : index
        %get3A_2415 = tpu.vector_load %arg10[%get3A_2412, %get3A_2413, %get3A_2414] {strides = array<i32>} : memref<2x64x128xf32, #tpu.memory_space<vmem>>, vector<16xf32>,
        %get3A_2416 = arith.index_cast %select_n3A_284 : i32 to index
        %get3A_2417 = arith.index_cast %add3A_2407 : i32 to index
        %get3A_2418 = arith.constant 32 : index
        %get3A_2419 = tpu.vector_load %arg10[%get3A_2416, %get3A_2417, %get3A_2418] {strides = array<i32>} : memref<2x64x128xf32, #tpu.memory_space<vmem>>, vector<16xf32>,
        %get3A_2420 = arith.index_cast %select_n3A_284 : i32 to index
        %get3A_2421 = arith.index_cast %add3A_2407 : i32 to index
        %get3A_2422 = arith.constant 48 : index
        %get3A_2423 = tpu.vector_load %arg10[%get3A_2420, %get3A_2421, %get3A_2422] {strides = array<i32>} : memref<2x64x128xf32, #tpu.memory_space<vmem>>, vector<16xf32>,
        %get3A_2424 = arith.index_cast %select_n3A_284 : i32 to index
        %get3A_2425 = arith.index_cast %add3A_2407 : i32 to index
        %get3A_2426 = arith.constant 64 : index
        %get3A_2427 = tpu.vector_load %arg10[%get3A_2424, %get3A_2425, %get3A_2426] {strides = array<i32>} : memref<2x64x128xf32, #tpu.memory_space<vmem>>, vector<16xf32>,
        %get3A_2428 = arith.index_cast %select_n3A_284 : i32 to index
        %get3A_2429 = arith.index_cast %add3A_2407 : i32 to index
        %get3A_2430 = arith.constant 80 : index
        %get3A_2431 = tpu.vector_load %arg10[%get3A_2428, %get3A_2429, %get3A_2430] {strides = array<i32>} : memref<2x64x128xf32, #tpu.memory_space<vmem>>, vector<16xf32>,
        %get3A_2432 = arith.index_cast %select_n3A_284 : i32 to index
        %get3A_2433 = arith.index_cast %add3A_2407 : i32 to index
        %get3A_2434 = arith.constant 96 : index
        %get3A_2435 = tpu.vector_load %arg10[%get3A_2432, %get3A_2433, %get3A_2434] {strides = array<i32>} : memref<2x64x128xf32, #tpu.memory_space<vmem>>, vector<16xf32>,
        %get3A_2436 = arith.index_cast %select_n3A_284 : i32 to index
        %get3A_2437 = arith.index_cast %add3A_2407 : i32 to index
        %get3A_2438 = arith.constant 112 : index
        %get3A_2439 = tpu.vector_load %arg10[%get3A_2436, %get3A_2437, %get3A_2438] {strides = array<i32>} : memref<2x64x128xf32, #tpu.memory_space<vmem>>, vector<16xf32>,
        %mul3A_2440 = arith.constant 6 : i32
        %mul3A_2441 = arith.muli %add3A_2407, %mul3A_2440 : i32
        %add3A_2442 = arith.constant 0 : i32
        %add3A_2443 = arith.addi %mul3A_2441, %add3A_2442 : i32
        %get3A_2444 = arith.index_cast %select_n3A_284 : i32 to index
        %get3A_2445 = arith.index_cast %add3A_2443 : i32 to index
        %get3A_2446 = arith.constant 0 : index
        %get3A_2447 = tpu.vector_load %arg11[%get3A_2444, %get3A_2445, %get3A_2446] {strides = array<i32>} : memref<2x384x128xf32, #tpu.memory_space<vmem>>, vector<16xf32>,
        %mul3A_2448 = arith.mulf %get3A_2411, %get3A_2447 : vector<16xf32>
        %get3A_2449 = arith.index_cast %select_n3A_284 : i32 to index
        %get3A_2450 = arith.index_cast %add3A_2443 : i32 to index
        %get3A_2451 = arith.constant 16 : index
        %get3A_2452 = tpu.vector_load %arg11[%get3A_2449, %get3A_2450, %get3A_2451] {strides = array<i32>} : memref<2x384x128xf32, #tpu.memory_space<vmem>>, vector<16xf32>,
        %mul3A_2453 = arith.mulf %get3A_2415, %get3A_2452 : vector<16xf32>
        %get3A_2454 = arith.index_cast %select_n3A_284 : i32 to index
        %get3A_2455 = arith.index_cast %add3A_2443 : i32 to index
        %get3A_2456 = arith.constant 32 : index
        %get3A_2457 = tpu.vector_load %arg11[%get3A_2454, %get3A_2455, %get3A_2456] {strides = array<i32>} : memref<2x384x128xf32, #tpu.memory_space<vmem>>, vector<16xf32>,
        %mul3A_2458 = arith.mulf %get3A_2419, %get3A_2457 : vector<16xf32>
        %get3A_2459 = arith.index_cast %select_n3A_284 : i32 to index
        %get3A_2460 = arith.index_cast %add3A_2443 : i32 to index
        %get3A_2461 = arith.constant 48 : index
        %get3A_2462 = tpu.vector_load %arg11[%get3A_2459, %get3A_2460, %get3A_2461] {strides = array<i32>} : memref<2x384x128xf32, #tpu.memory_space<vmem>>, vector<16xf32>,
        %mul3A_2463 = arith.mulf %get3A_2423, %get3A_2462 : vector<16xf32>
        %get3A_2464 = arith.index_cast %select_n3A_284 : i32 to index
        %get3A_2465 = arith.index_cast %add3A_2443 : i32 to index
        %get3A_2466 = arith.constant 64 : index
        %get3A_2467 = tpu.vector_load %arg11[%get3A_2464, %get3A_2465, %get3A_2466] {strides = array<i32>} : memref<2x384x128xf32, #tpu.memory_space<vmem>>, vector<16xf32>,
        %mul3A_2468 = arith.mulf %get3A_2427, %get3A_2467 : vector<16xf32>
        %get3A_2469 = arith.index_cast %select_n3A_284 : i32 to index
        %get3A_2470 = arith.index_cast %add3A_2443 : i32 to index
        %get3A_2471 = arith.constant 80 : index
        %get3A_2472 = tpu.vector_load %arg11[%get3A_2469, %get3A_2470, %get3A_2471] {strides = array<i32>} : memref<2x384x128xf32, #tpu.memory_space<vmem>>, vector<16xf32>,
        %mul3A_2473 = arith.mulf %get3A_2431, %get3A_2472 : vector<16xf32>
        %get3A_2474 = arith.index_cast %select_n3A_284 : i32 to index
        %get3A_2475 = arith.index_cast %add3A_2443 : i32 to index
        %get3A_2476 = arith.constant 96 : index
        %get3A_2477 = tpu.vector_load %arg11[%get3A_2474, %get3A_2475, %get3A_2476] {strides = array<i32>} : memref<2x384x128xf32, #tpu.memory_space<vmem>>, vector<16xf32>,
        %mul3A_2478 = arith.mulf %get3A_2435, %get3A_2477 : vector<16xf32>
        %get3A_2479 = arith.index_cast %select_n3A_284 : i32 to index
        %get3A_2480 = arith.index_cast %add3A_2443 : i32 to index
        %get3A_2481 = arith.constant 112 : index
        %get3A_2482 = tpu.vector_load %arg11[%get3A_2479, %get3A_2480, %get3A_2481] {strides = array<i32>} : memref<2x384x128xf32, #tpu.memory_space<vmem>>, vector<16xf32>,
        %mul3A_2483 = arith.mulf %get3A_2439, %get3A_2482 : vector<16xf32>
        %add3A_2484 = arith.addf %mul3A_2448, %mul3A_2453 : vector<16xf32>
        %add3A_2485 = arith.addf %mul3A_2458, %mul3A_2463 : vector<16xf32>
        %add3A_2486 = arith.addf %mul3A_2468, %mul3A_2473 : vector<16xf32>
        %add3A_2487 = arith.addf %mul3A_2478, %mul3A_2483 : vector<16xf32>
        %add3A_2488 = arith.addf %add3A_2484, %add3A_2485 : vector<16xf32>
        %add3A_2489 = arith.addf %add3A_2486, %add3A_2487 : vector<16xf32>
        %add3A_2490 = arith.addf %add3A_2488, %add3A_2489 : vector<16xf32>
        %swap3A_2491 = arith.constant 576 : index
        %swap3A_2492 = tpu.vector_load %arg13[%swap3A_2491] {strides = array<i32>} : memref<768xf32, #tpu.memory_space<vmem>>, vector<16xf32>,
        tpu.vector_store %arg13[%swap3A_2491], %add3A_2490 {strides = array<i32>} : memref<768xf32, #tpu.memory_space<vmem>>, vector<16xf32>,
        %mul3A_2493 = arith.constant 6 : i32
        %mul3A_2494 = arith.muli %add3A_2407, %mul3A_2493 : i32
        %add3A_2495 = arith.constant 1 : i32
        %add3A_2496 = arith.addi %mul3A_2494, %add3A_2495 : i32
        %get3A_2497 = arith.index_cast %select_n3A_284 : i32 to index
        %get3A_2498 = arith.index_cast %add3A_2496 : i32 to index
        %get3A_2499 = arith.constant 0 : index
        %get3A_2500 = tpu.vector_load %arg11[%get3A_2497, %get3A_2498, %get3A_2499] {strides = array<i32>} : memref<2x384x128xf32, #tpu.memory_space<vmem>>, vector<16xf32>,
        %mul3A_2501 = arith.mulf %get3A_2411, %get3A_2500 : vector<16xf32>
        %get3A_2502 = arith.index_cast %select_n3A_284 : i32 to index
        %get3A_2503 = arith.index_cast %add3A_2496 : i32 to index
        %get3A_2504 = arith.constant 16 : index
        %get3A_2505 = tpu.vector_load %arg11[%get3A_2502, %get3A_2503, %get3A_2504] {strides = array<i32>} : memref<2x384x128xf32, #tpu.memory_space<vmem>>, vector<16xf32>,
        %mul3A_2506 = arith.mulf %get3A_2415, %get3A_2505 : vector<16xf32>
        %get3A_2507 = arith.index_cast %select_n3A_284 : i32 to index
        %get3A_2508 = arith.index_cast %add3A_2496 : i32 to index
        %get3A_2509 = arith.constant 32 : index
        %get3A_2510 = tpu.vector_load %arg11[%get3A_2507, %get3A_2508, %get3A_2509] {strides = array<i32>} : memref<2x384x128xf32, #tpu.memory_space<vmem>>, vector<16xf32>,
        %mul3A_2511 = arith.mulf %get3A_2419, %get3A_2510 : vector<16xf32>
        %get3A_2512 = arith.index_cast %select_n3A_284 : i32 to index
        %get3A_2513 = arith.index_cast %add3A_2496 : i32 to index
        %get3A_2514 = arith.constant 48 : index
        %get3A_2515 = tpu.vector_load %arg11[%get3A_2512, %get3A_2513, %get3A_2514] {strides = array<i32>} : memref<2x384x128xf32, #tpu.memory_space<vmem>>, vector<16xf32>,
        %mul3A_2516 = arith.mulf %get3A_2423, %get3A_2515 : vector<16xf32>
        %get3A_2517 = arith.index_cast %select_n3A_284 : i32 to index
        %get3A_2518 = arith.index_cast %add3A_2496 : i32 to index
        %get3A_2519 = arith.constant 64 : index
        %get3A_2520 = tpu.vector_load %arg11[%get3A_2517, %get3A_2518, %get3A_2519] {strides = array<i32>} : memref<2x384x128xf32, #tpu.memory_space<vmem>>, vector<16xf32>,
        %mul3A_2521 = arith.mulf %get3A_2427, %get3A_2520 : vector<16xf32>
        %get3A_2522 = arith.index_cast %select_n3A_284 : i32 to index
        %get3A_2523 = arith.index_cast %add3A_2496 : i32 to index
        %get3A_2524 = arith.constant 80 : index
        %get3A_2525 = tpu.vector_load %arg11[%get3A_2522, %get3A_2523, %get3A_2524] {strides = array<i32>} : memref<2x384x128xf32, #tpu.memory_space<vmem>>, vector<16xf32>,
        %mul3A_2526 = arith.mulf %get3A_2431, %get3A_2525 : vector<16xf32>
        %get3A_2527 = arith.index_cast %select_n3A_284 : i32 to index
        %get3A_2528 = arith.index_cast %add3A_2496 : i32 to index
        %get3A_2529 = arith.constant 96 : index
        %get3A_2530 = tpu.vector_load %arg11[%get3A_2527, %get3A_2528, %get3A_2529] {strides = array<i32>} : memref<2x384x128xf32, #tpu.memory_space<vmem>>, vector<16xf32>,
        %mul3A_2531 = arith.mulf %get3A_2435, %get3A_2530 : vector<16xf32>
        %get3A_2532 = arith.index_cast %select_n3A_284 : i32 to index
        %get3A_2533 = arith.index_cast %add3A_2496 : i32 to index
        %get3A_2534 = arith.constant 112 : index
        %get3A_2535 = tpu.vector_load %arg11[%get3A_2532, %get3A_2533, %get3A_2534] {strides = array<i32>} : memref<2x384x128xf32, #tpu.memory_space<vmem>>, vector<16xf32>,
        %mul3A_2536 = arith.mulf %get3A_2439, %get3A_2535 : vector<16xf32>
        %add3A_2537 = arith.addf %mul3A_2501, %mul3A_2506 : vector<16xf32>
        %add3A_2538 = arith.addf %mul3A_2511, %mul3A_2516 : vector<16xf32>
        %add3A_2539 = arith.addf %mul3A_2521, %mul3A_2526 : vector<16xf32>
        %add3A_2540 = arith.addf %mul3A_2531, %mul3A_2536 : vector<16xf32>
        %add3A_2541 = arith.addf %add3A_2537, %add3A_2538 : vector<16xf32>
        %add3A_2542 = arith.addf %add3A_2539, %add3A_2540 : vector<16xf32>
        %add3A_2543 = arith.addf %add3A_2541, %add3A_2542 : vector<16xf32>
        %swap3A_2544 = arith.constant 592 : index
        %swap3A_2545 = tpu.vector_load %arg13[%swap3A_2544] {strides = array<i32>} : memref<768xf32, #tpu.memory_space<vmem>>, vector<16xf32>,
        tpu.vector_store %arg13[%swap3A_2544], %add3A_2543 {strides = array<i32>} : memref<768xf32, #tpu.memory_space<vmem>>, vector<16xf32>,
        %mul3A_2546 = arith.constant 6 : i32
        %mul3A_2547 = arith.muli %add3A_2407, %mul3A_2546 : i32
        %add3A_2548 = arith.constant 2 : i32
        %add3A_2549 = arith.addi %mul3A_2547, %add3A_2548 : i32
        %get3A_2550 = arith.index_cast %select_n3A_284 : i32 to index
        %get3A_2551 = arith.index_cast %add3A_2549 : i32 to index
        %get3A_2552 = arith.constant 0 : index
        %get3A_2553 = tpu.vector_load %arg11[%get3A_2550, %get3A_2551, %get3A_2552] {strides = array<i32>} : memref<2x384x128xf32, #tpu.memory_space<vmem>>, vector<16xf32>,
        %mul3A_2554 = arith.mulf %get3A_2411, %get3A_2553 : vector<16xf32>
        %get3A_2555 = arith.index_cast %select_n3A_284 : i32 to index
        %get3A_2556 = arith.index_cast %add3A_2549 : i32 to index
        %get3A_2557 = arith.constant 16 : index
        %get3A_2558 = tpu.vector_load %arg11[%get3A_2555, %get3A_2556, %get3A_2557] {strides = array<i32>} : memref<2x384x128xf32, #tpu.memory_space<vmem>>, vector<16xf32>,
        %mul3A_2559 = arith.mulf %get3A_2415, %get3A_2558 : vector<16xf32>
        %get3A_2560 = arith.index_cast %select_n3A_284 : i32 to index
        %get3A_2561 = arith.index_cast %add3A_2549 : i32 to index
        %get3A_2562 = arith.constant 32 : index
        %get3A_2563 = tpu.vector_load %arg11[%get3A_2560, %get3A_2561, %get3A_2562] {strides = array<i32>} : memref<2x384x128xf32, #tpu.memory_space<vmem>>, vector<16xf32>,
        %mul3A_2564 = arith.mulf %get3A_2419, %get3A_2563 : vector<16xf32>
        %get3A_2565 = arith.index_cast %select_n3A_284 : i32 to index
        %get3A_2566 = arith.index_cast %add3A_2549 : i32 to index
        %get3A_2567 = arith.constant 48 : index
        %get3A_2568 = tpu.vector_load %arg11[%get3A_2565, %get3A_2566, %get3A_2567] {strides = array<i32>} : memref<2x384x128xf32, #tpu.memory_space<vmem>>, vector<16xf32>,
        %mul3A_2569 = arith.mulf %get3A_2423, %get3A_2568 : vector<16xf32>
        %get3A_2570 = arith.index_cast %select_n3A_284 : i32 to index
        %get3A_2571 = arith.index_cast %add3A_2549 : i32 to index
        %get3A_2572 = arith.constant 64 : index
        %get3A_2573 = tpu.vector_load %arg11[%get3A_2570, %get3A_2571, %get3A_2572] {strides = array<i32>} : memref<2x384x128xf32, #tpu.memory_space<vmem>>, vector<16xf32>,
        %mul3A_2574 = arith.mulf %get3A_2427, %get3A_2573 : vector<16xf32>
        %get3A_2575 = arith.index_cast %select_n3A_284 : i32 to index
        %get3A_2576 = arith.index_cast %add3A_2549 : i32 to index
        %get3A_2577 = arith.constant 80 : index
        %get3A_2578 = tpu.vector_load %arg11[%get3A_2575, %get3A_2576, %get3A_2577] {strides = array<i32>} : memref<2x384x128xf32, #tpu.memory_space<vmem>>, vector<16xf32>,
        %mul3A_2579 = arith.mulf %get3A_2431, %get3A_2578 : vector<16xf32>
        %get3A_2580 = arith.index_cast %select_n3A_284 : i32 to index
        %get3A_2581 = arith.index_cast %add3A_2549 : i32 to index
        %get3A_2582 = arith.constant 96 : index
        %get3A_2583 = tpu.vector_load %arg11[%get3A_2580, %get3A_2581, %get3A_2582] {strides = array<i32>} : memref<2x384x128xf32, #tpu.memory_space<vmem>>, vector<16xf32>,
        %mul3A_2584 = arith.mulf %get3A_2435, %get3A_2583 : vector<16xf32>
        %get3A_2585 = arith.index_cast %select_n3A_284 : i32 to index
        %get3A_2586 = arith.index_cast %add3A_2549 : i32 to index
        %get3A_2587 = arith.constant 112 : index
        %get3A_2588 = tpu.vector_load %arg11[%get3A_2585, %get3A_2586, %get3A_2587] {strides = array<i32>} : memref<2x384x128xf32, #tpu.memory_space<vmem>>, vector<16xf32>,
        %mul3A_2589 = arith.mulf %get3A_2439, %get3A_2588 : vector<16xf32>
        %add3A_2590 = arith.addf %mul3A_2554, %mul3A_2559 : vector<16xf32>
        %add3A_2591 = arith.addf %mul3A_2564, %mul3A_2569 : vector<16xf32>
        %add3A_2592 = arith.addf %mul3A_2574, %mul3A_2579 : vector<16xf32>
        %add3A_2593 = arith.addf %mul3A_2584, %mul3A_2589 : vector<16xf32>
        %add3A_2594 = arith.addf %add3A_2590, %add3A_2591 : vector<16xf32>
        %add3A_2595 = arith.addf %add3A_2592, %add3A_2593 : vector<16xf32>
        %add3A_2596 = arith.addf %add3A_2594, %add3A_2595 : vector<16xf32>
        %swap3A_2597 = arith.constant 608 : index
        %swap3A_2598 = tpu.vector_load %arg13[%swap3A_2597] {strides = array<i32>} : memref<768xf32, #tpu.memory_space<vmem>>, vector<16xf32>,
        tpu.vector_store %arg13[%swap3A_2597], %add3A_2596 {strides = array<i32>} : memref<768xf32, #tpu.memory_space<vmem>>, vector<16xf32>,
        %mul3A_2599 = arith.constant 6 : i32
        %mul3A_2600 = arith.muli %add3A_2407, %mul3A_2599 : i32
        %add3A_2601 = arith.constant 3 : i32
        %add3A_2602 = arith.addi %mul3A_2600, %add3A_2601 : i32
        %get3A_2603 = arith.index_cast %select_n3A_284 : i32 to index
        %get3A_2604 = arith.index_cast %add3A_2602 : i32 to index
        %get3A_2605 = arith.constant 0 : index
        %get3A_2606 = tpu.vector_load %arg11[%get3A_2603, %get3A_2604, %get3A_2605] {strides = array<i32>} : memref<2x384x128xf32, #tpu.memory_space<vmem>>, vector<16xf32>,
        %mul3A_2607 = arith.mulf %get3A_2411, %get3A_2606 : vector<16xf32>
        %get3A_2608 = arith.index_cast %select_n3A_284 : i32 to index
        %get3A_2609 = arith.index_cast %add3A_2602 : i32 to index
        %get3A_2610 = arith.constant 16 : index
        %get3A_2611 = tpu.vector_load %arg11[%get3A_2608, %get3A_2609, %get3A_2610] {strides = array<i32>} : memref<2x384x128xf32, #tpu.memory_space<vmem>>, vector<16xf32>,
        %mul3A_2612 = arith.mulf %get3A_2415, %get3A_2611 : vector<16xf32>
        %get3A_2613 = arith.index_cast %select_n3A_284 : i32 to index
        %get3A_2614 = arith.index_cast %add3A_2602 : i32 to index
        %get3A_2615 = arith.constant 32 : index
        %get3A_2616 = tpu.vector_load %arg11[%get3A_2613, %get3A_2614, %get3A_2615] {strides = array<i32>} : memref<2x384x128xf32, #tpu.memory_space<vmem>>, vector<16xf32>,
        %mul3A_2617 = arith.mulf %get3A_2419, %get3A_2616 : vector<16xf32>
        %get3A_2618 = arith.index_cast %select_n3A_284 : i32 to index
        %get3A_2619 = arith.index_cast %add3A_2602 : i32 to index
        %get3A_2620 = arith.constant 48 : index
        %get3A_2621 = tpu.vector_load %arg11[%get3A_2618, %get3A_2619, %get3A_2620] {strides = array<i32>} : memref<2x384x128xf32, #tpu.memory_space<vmem>>, vector<16xf32>,
        %mul3A_2622 = arith.mulf %get3A_2423, %get3A_2621 : vector<16xf32>
        %get3A_2623 = arith.index_cast %select_n3A_284 : i32 to index
        %get3A_2624 = arith.index_cast %add3A_2602 : i32 to index
        %get3A_2625 = arith.constant 64 : index
        %get3A_2626 = tpu.vector_load %arg11[%get3A_2623, %get3A_2624, %get3A_2625] {strides = array<i32>} : memref<2x384x128xf32, #tpu.memory_space<vmem>>, vector<16xf32>,
        %mul3A_2627 = arith.mulf %get3A_2427, %get3A_2626 : vector<16xf32>
        %get3A_2628 = arith.index_cast %select_n3A_284 : i32 to index
        %get3A_2629 = arith.index_cast %add3A_2602 : i32 to index
        %get3A_2630 = arith.constant 80 : index
        %get3A_2631 = tpu.vector_load %arg11[%get3A_2628, %get3A_2629, %get3A_2630] {strides = array<i32>} : memref<2x384x128xf32, #tpu.memory_space<vmem>>, vector<16xf32>,
        %mul3A_2632 = arith.mulf %get3A_2431, %get3A_2631 : vector<16xf32>
        %get3A_2633 = arith.index_cast %select_n3A_284 : i32 to index
        %get3A_2634 = arith.index_cast %add3A_2602 : i32 to index
        %get3A_2635 = arith.constant 96 : index
        %get3A_2636 = tpu.vector_load %arg11[%get3A_2633, %get3A_2634, %get3A_2635] {strides = array<i32>} : memref<2x384x128xf32, #tpu.memory_space<vmem>>, vector<16xf32>,
        %mul3A_2637 = arith.mulf %get3A_2435, %get3A_2636 : vector<16xf32>
        %get3A_2638 = arith.index_cast %select_n3A_284 : i32 to index
        %get3A_2639 = arith.index_cast %add3A_2602 : i32 to index
        %get3A_2640 = arith.constant 112 : index
        %get3A_2641 = tpu.vector_load %arg11[%get3A_2638, %get3A_2639, %get3A_2640] {strides = array<i32>} : memref<2x384x128xf32, #tpu.memory_space<vmem>>, vector<16xf32>,
        %mul3A_2642 = arith.mulf %get3A_2439, %get3A_2641 : vector<16xf32>
        %add3A_2643 = arith.addf %mul3A_2607, %mul3A_2612 : vector<16xf32>
        %add3A_2644 = arith.addf %mul3A_2617, %mul3A_2622 : vector<16xf32>
        %add3A_2645 = arith.addf %mul3A_2627, %mul3A_2632 : vector<16xf32>
        %add3A_2646 = arith.addf %mul3A_2637, %mul3A_2642 : vector<16xf32>
        %add3A_2647 = arith.addf %add3A_2643, %add3A_2644 : vector<16xf32>
        %add3A_2648 = arith.addf %add3A_2645, %add3A_2646 : vector<16xf32>
        %add3A_2649 = arith.addf %add3A_2647, %add3A_2648 : vector<16xf32>
        %swap3A_2650 = arith.constant 624 : index
        %swap3A_2651 = tpu.vector_load %arg13[%swap3A_2650] {strides = array<i32>} : memref<768xf32, #tpu.memory_space<vmem>>, vector<16xf32>,
        tpu.vector_store %arg13[%swap3A_2650], %add3A_2649 {strides = array<i32>} : memref<768xf32, #tpu.memory_space<vmem>>, vector<16xf32>,
        %mul3A_2652 = arith.constant 6 : i32
        %mul3A_2653 = arith.muli %add3A_2407, %mul3A_2652 : i32
        %add3A_2654 = arith.constant 4 : i32
        %add3A_2655 = arith.addi %mul3A_2653, %add3A_2654 : i32
        %get3A_2656 = arith.index_cast %select_n3A_284 : i32 to index
        %get3A_2657 = arith.index_cast %add3A_2655 : i32 to index
        %get3A_2658 = arith.constant 0 : index
        %get3A_2659 = tpu.vector_load %arg11[%get3A_2656, %get3A_2657, %get3A_2658] {strides = array<i32>} : memref<2x384x128xf32, #tpu.memory_space<vmem>>, vector<16xf32>,
        %mul3A_2660 = arith.mulf %get3A_2411, %get3A_2659 : vector<16xf32>
        %get3A_2661 = arith.index_cast %select_n3A_284 : i32 to index
        %get3A_2662 = arith.index_cast %add3A_2655 : i32 to index
        %get3A_2663 = arith.constant 16 : index
        %get3A_2664 = tpu.vector_load %arg11[%get3A_2661, %get3A_2662, %get3A_2663] {strides = array<i32>} : memref<2x384x128xf32, #tpu.memory_space<vmem>>, vector<16xf32>,
        %mul3A_2665 = arith.mulf %get3A_2415, %get3A_2664 : vector<16xf32>
        %get3A_2666 = arith.index_cast %select_n3A_284 : i32 to index
        %get3A_2667 = arith.index_cast %add3A_2655 : i32 to index
        %get3A_2668 = arith.constant 32 : index
        %get3A_2669 = tpu.vector_load %arg11[%get3A_2666, %get3A_2667, %get3A_2668] {strides = array<i32>} : memref<2x384x128xf32, #tpu.memory_space<vmem>>, vector<16xf32>,
        %mul3A_2670 = arith.mulf %get3A_2419, %get3A_2669 : vector<16xf32>
        %get3A_2671 = arith.index_cast %select_n3A_284 : i32 to index
        %get3A_2672 = arith.index_cast %add3A_2655 : i32 to index
        %get3A_2673 = arith.constant 48 : index
        %get3A_2674 = tpu.vector_load %arg11[%get3A_2671, %get3A_2672, %get3A_2673] {strides = array<i32>} : memref<2x384x128xf32, #tpu.memory_space<vmem>>, vector<16xf32>,
        %mul3A_2675 = arith.mulf %get3A_2423, %get3A_2674 : vector<16xf32>
        %get3A_2676 = arith.index_cast %select_n3A_284 : i32 to index
        %get3A_2677 = arith.index_cast %add3A_2655 : i32 to index
        %get3A_2678 = arith.constant 64 : index
        %get3A_2679 = tpu.vector_load %arg11[%get3A_2676, %get3A_2677, %get3A_2678] {strides = array<i32>} : memref<2x384x128xf32, #tpu.memory_space<vmem>>, vector<16xf32>,
        %mul3A_2680 = arith.mulf %get3A_2427, %get3A_2679 : vector<16xf32>
        %get3A_2681 = arith.index_cast %select_n3A_284 : i32 to index
        %get3A_2682 = arith.index_cast %add3A_2655 : i32 to index
        %get3A_2683 = arith.constant 80 : index
        %get3A_2684 = tpu.vector_load %arg11[%get3A_2681, %get3A_2682, %get3A_2683] {strides = array<i32>} : memref<2x384x128xf32, #tpu.memory_space<vmem>>, vector<16xf32>,
        %mul3A_2685 = arith.mulf %get3A_2431, %get3A_2684 : vector<16xf32>
        %get3A_2686 = arith.index_cast %select_n3A_284 : i32 to index
        %get3A_2687 = arith.index_cast %add3A_2655 : i32 to index
        %get3A_2688 = arith.constant 96 : index
        %get3A_2689 = tpu.vector_load %arg11[%get3A_2686, %get3A_2687, %get3A_2688] {strides = array<i32>} : memref<2x384x128xf32, #tpu.memory_space<vmem>>, vector<16xf32>,
        %mul3A_2690 = arith.mulf %get3A_2435, %get3A_2689 : vector<16xf32>
        %get3A_2691 = arith.index_cast %select_n3A_284 : i32 to index
        %get3A_2692 = arith.index_cast %add3A_2655 : i32 to index
        %get3A_2693 = arith.constant 112 : index
        %get3A_2694 = tpu.vector_load %arg11[%get3A_2691, %get3A_2692, %get3A_2693] {strides = array<i32>} : memref<2x384x128xf32, #tpu.memory_space<vmem>>, vector<16xf32>,
        %mul3A_2695 = arith.mulf %get3A_2439, %get3A_2694 : vector<16xf32>
        %add3A_2696 = arith.addf %mul3A_2660, %mul3A_2665 : vector<16xf32>
        %add3A_2697 = arith.addf %mul3A_2670, %mul3A_2675 : vector<16xf32>
        %add3A_2698 = arith.addf %mul3A_2680, %mul3A_2685 : vector<16xf32>
        %add3A_2699 = arith.addf %mul3A_2690, %mul3A_2695 : vector<16xf32>
        %add3A_2700 = arith.addf %add3A_2696, %add3A_2697 : vector<16xf32>
        %add3A_2701 = arith.addf %add3A_2698, %add3A_2699 : vector<16xf32>
        %add3A_2702 = arith.addf %add3A_2700, %add3A_2701 : vector<16xf32>
        %swap3A_2703 = arith.constant 640 : index
        %swap3A_2704 = tpu.vector_load %arg13[%swap3A_2703] {strides = array<i32>} : memref<768xf32, #tpu.memory_space<vmem>>, vector<16xf32>,
        tpu.vector_store %arg13[%swap3A_2703], %add3A_2702 {strides = array<i32>} : memref<768xf32, #tpu.memory_space<vmem>>, vector<16xf32>,
        %mul3A_2705 = arith.constant 6 : i32
        %mul3A_2706 = arith.muli %add3A_2407, %mul3A_2705 : i32
        %add3A_2707 = arith.constant 5 : i32
        %add3A_2708 = arith.addi %mul3A_2706, %add3A_2707 : i32
        %get3A_2709 = arith.index_cast %select_n3A_284 : i32 to index
        %get3A_2710 = arith.index_cast %add3A_2708 : i32 to index
        %get3A_2711 = arith.constant 0 : index
        %get3A_2712 = tpu.vector_load %arg11[%get3A_2709, %get3A_2710, %get3A_2711] {strides = array<i32>} : memref<2x384x128xf32, #tpu.memory_space<vmem>>, vector<16xf32>,
        %mul3A_2713 = arith.mulf %get3A_2411, %get3A_2712 : vector<16xf32>
        %get3A_2714 = arith.index_cast %select_n3A_284 : i32 to index
        %get3A_2715 = arith.index_cast %add3A_2708 : i32 to index
        %get3A_2716 = arith.constant 16 : index
        %get3A_2717 = tpu.vector_load %arg11[%get3A_2714, %get3A_2715, %get3A_2716] {strides = array<i32>} : memref<2x384x128xf32, #tpu.memory_space<vmem>>, vector<16xf32>,
        %mul3A_2718 = arith.mulf %get3A_2415, %get3A_2717 : vector<16xf32>
        %get3A_2719 = arith.index_cast %select_n3A_284 : i32 to index
        %get3A_2720 = arith.index_cast %add3A_2708 : i32 to index
        %get3A_2721 = arith.constant 32 : index
        %get3A_2722 = tpu.vector_load %arg11[%get3A_2719, %get3A_2720, %get3A_2721] {strides = array<i32>} : memref<2x384x128xf32, #tpu.memory_space<vmem>>, vector<16xf32>,
        %mul3A_2723 = arith.mulf %get3A_2419, %get3A_2722 : vector<16xf32>
        %get3A_2724 = arith.index_cast %select_n3A_284 : i32 to index
        %get3A_2725 = arith.index_cast %add3A_2708 : i32 to index
        %get3A_2726 = arith.constant 48 : index
        %get3A_2727 = tpu.vector_load %arg11[%get3A_2724, %get3A_2725, %get3A_2726] {strides = array<i32>} : memref<2x384x128xf32, #tpu.memory_space<vmem>>, vector<16xf32>,
        %mul3A_2728 = arith.mulf %get3A_2423, %get3A_2727 : vector<16xf32>
        %get3A_2729 = arith.index_cast %select_n3A_284 : i32 to index
        %get3A_2730 = arith.index_cast %add3A_2708 : i32 to index
        %get3A_2731 = arith.constant 64 : index
        %get3A_2732 = tpu.vector_load %arg11[%get3A_2729, %get3A_2730, %get3A_2731] {strides = array<i32>} : memref<2x384x128xf32, #tpu.memory_space<vmem>>, vector<16xf32>,
        %mul3A_2733 = arith.mulf %get3A_2427, %get3A_2732 : vector<16xf32>
        %get3A_2734 = arith.index_cast %select_n3A_284 : i32 to index
        %get3A_2735 = arith.index_cast %add3A_2708 : i32 to index
        %get3A_2736 = arith.constant 80 : index
        %get3A_2737 = tpu.vector_load %arg11[%get3A_2734, %get3A_2735, %get3A_2736] {strides = array<i32>} : memref<2x384x128xf32, #tpu.memory_space<vmem>>, vector<16xf32>,
        %mul3A_2738 = arith.mulf %get3A_2431, %get3A_2737 : vector<16xf32>
        %get3A_2739 = arith.index_cast %select_n3A_284 : i32 to index
        %get3A_2740 = arith.index_cast %add3A_2708 : i32 to index
        %get3A_2741 = arith.constant 96 : index
        %get3A_2742 = tpu.vector_load %arg11[%get3A_2739, %get3A_2740, %get3A_2741] {strides = array<i32>} : memref<2x384x128xf32, #tpu.memory_space<vmem>>, vector<16xf32>,
        %mul3A_2743 = arith.mulf %get3A_2435, %get3A_2742 : vector<16xf32>
        %get3A_2744 = arith.index_cast %select_n3A_284 : i32 to index
        %get3A_2745 = arith.index_cast %add3A_2708 : i32 to index
        %get3A_2746 = arith.constant 112 : index
        %get3A_2747 = tpu.vector_load %arg11[%get3A_2744, %get3A_2745, %get3A_2746] {strides = array<i32>} : memref<2x384x128xf32, #tpu.memory_space<vmem>>, vector<16xf32>,
        %mul3A_2748 = arith.mulf %get3A_2439, %get3A_2747 : vector<16xf32>
        %add3A_2749 = arith.addf %mul3A_2713, %mul3A_2718 : vector<16xf32>
        %add3A_2750 = arith.addf %mul3A_2723, %mul3A_2728 : vector<16xf32>
        %add3A_2751 = arith.addf %mul3A_2733, %mul3A_2738 : vector<16xf32>
        %add3A_2752 = arith.addf %mul3A_2743, %mul3A_2748 : vector<16xf32>
        %add3A_2753 = arith.addf %add3A_2749, %add3A_2750 : vector<16xf32>
        %add3A_2754 = arith.addf %add3A_2751, %add3A_2752 : vector<16xf32>
        %add3A_2755 = arith.addf %add3A_2753, %add3A_2754 : vector<16xf32>
        %swap3A_2756 = arith.constant 656 : index
        %swap3A_2757 = tpu.vector_load %arg13[%swap3A_2756] {strides = array<i32>} : memref<768xf32, #tpu.memory_space<vmem>>, vector<16xf32>,
        tpu.vector_store %arg13[%swap3A_2756], %add3A_2755 {strides = array<i32>} : memref<768xf32, #tpu.memory_space<vmem>>, vector<16xf32>,
        %add3A_2758 = arith.constant 7 : i32
        %add3A_2759 = arith.addi %mul3A_294, %add3A_2758 : i32
        %get3A_2760 = arith.index_cast %select_n3A_284 : i32 to index
        %get3A_2761 = arith.index_cast %add3A_2759 : i32 to index
        %get3A_2762 = arith.constant 0 : index
        %get3A_2763 = tpu.vector_load %arg10[%get3A_2760, %get3A_2761, %get3A_2762] {strides = array<i32>} : memref<2x64x128xf32, #tpu.memory_space<vmem>>, vector<16xf32>,
        %get3A_2764 = arith.index_cast %select_n3A_284 : i32 to index
        %get3A_2765 = arith.index_cast %add3A_2759 : i32 to index
        %get3A_2766 = arith.constant 16 : index
        %get3A_2767 = tpu.vector_load %arg10[%get3A_2764, %get3A_2765, %get3A_2766] {strides = array<i32>} : memref<2x64x128xf32, #tpu.memory_space<vmem>>, vector<16xf32>,
        %get3A_2768 = arith.index_cast %select_n3A_284 : i32 to index
        %get3A_2769 = arith.index_cast %add3A_2759 : i32 to index
        %get3A_2770 = arith.constant 32 : index
        %get3A_2771 = tpu.vector_load %arg10[%get3A_2768, %get3A_2769, %get3A_2770] {strides = array<i32>} : memref<2x64x128xf32, #tpu.memory_space<vmem>>, vector<16xf32>,
        %get3A_2772 = arith.index_cast %select_n3A_284 : i32 to index
        %get3A_2773 = arith.index_cast %add3A_2759 : i32 to index
        %get3A_2774 = arith.constant 48 : index
        %get3A_2775 = tpu.vector_load %arg10[%get3A_2772, %get3A_2773, %get3A_2774] {strides = array<i32>} : memref<2x64x128xf32, #tpu.memory_space<vmem>>, vector<16xf32>,
        %get3A_2776 = arith.index_cast %select_n3A_284 : i32 to index
        %get3A_2777 = arith.index_cast %add3A_2759 : i32 to index
        %get3A_2778 = arith.constant 64 : index
        %get3A_2779 = tpu.vector_load %arg10[%get3A_2776, %get3A_2777, %get3A_2778] {strides = array<i32>} : memref<2x64x128xf32, #tpu.memory_space<vmem>>, vector<16xf32>,
        %get3A_2780 = arith.index_cast %select_n3A_284 : i32 to index
        %get3A_2781 = arith.index_cast %add3A_2759 : i32 to index
        %get3A_2782 = arith.constant 80 : index
        %get3A_2783 = tpu.vector_load %arg10[%get3A_2780, %get3A_2781, %get3A_2782] {strides = array<i32>} : memref<2x64x128xf32, #tpu.memory_space<vmem>>, vector<16xf32>,
        %get3A_2784 = arith.index_cast %select_n3A_284 : i32 to index
        %get3A_2785 = arith.index_cast %add3A_2759 : i32 to index
        %get3A_2786 = arith.constant 96 : index
        %get3A_2787 = tpu.vector_load %arg10[%get3A_2784, %get3A_2785, %get3A_2786] {strides = array<i32>} : memref<2x64x128xf32, #tpu.memory_space<vmem>>, vector<16xf32>,
        %get3A_2788 = arith.index_cast %select_n3A_284 : i32 to index
        %get3A_2789 = arith.index_cast %add3A_2759 : i32 to index
        %get3A_2790 = arith.constant 112 : index
        %get3A_2791 = tpu.vector_load %arg10[%get3A_2788, %get3A_2789, %get3A_2790] {strides = array<i32>} : memref<2x64x128xf32, #tpu.memory_space<vmem>>, vector<16xf32>,
        %mul3A_2792 = arith.constant 6 : i32
        %mul3A_2793 = arith.muli %add3A_2759, %mul3A_2792 : i32
        %add3A_2794 = arith.constant 0 : i32
        %add3A_2795 = arith.addi %mul3A_2793, %add3A_2794 : i32
        %get3A_2796 = arith.index_cast %select_n3A_284 : i32 to index
        %get3A_2797 = arith.index_cast %add3A_2795 : i32 to index
        %get3A_2798 = arith.constant 0 : index
        %get3A_2799 = tpu.vector_load %arg11[%get3A_2796, %get3A_2797, %get3A_2798] {strides = array<i32>} : memref<2x384x128xf32, #tpu.memory_space<vmem>>, vector<16xf32>,
        %mul3A_2800 = arith.mulf %get3A_2763, %get3A_2799 : vector<16xf32>
        %get3A_2801 = arith.index_cast %select_n3A_284 : i32 to index
        %get3A_2802 = arith.index_cast %add3A_2795 : i32 to index
        %get3A_2803 = arith.constant 16 : index
        %get3A_2804 = tpu.vector_load %arg11[%get3A_2801, %get3A_2802, %get3A_2803] {strides = array<i32>} : memref<2x384x128xf32, #tpu.memory_space<vmem>>, vector<16xf32>,
        %mul3A_2805 = arith.mulf %get3A_2767, %get3A_2804 : vector<16xf32>
        %get3A_2806 = arith.index_cast %select_n3A_284 : i32 to index
        %get3A_2807 = arith.index_cast %add3A_2795 : i32 to index
        %get3A_2808 = arith.constant 32 : index
        %get3A_2809 = tpu.vector_load %arg11[%get3A_2806, %get3A_2807, %get3A_2808] {strides = array<i32>} : memref<2x384x128xf32, #tpu.memory_space<vmem>>, vector<16xf32>,
        %mul3A_2810 = arith.mulf %get3A_2771, %get3A_2809 : vector<16xf32>
        %get3A_2811 = arith.index_cast %select_n3A_284 : i32 to index
        %get3A_2812 = arith.index_cast %add3A_2795 : i32 to index
        %get3A_2813 = arith.constant 48 : index
        %get3A_2814 = tpu.vector_load %arg11[%get3A_2811, %get3A_2812, %get3A_2813] {strides = array<i32>} : memref<2x384x128xf32, #tpu.memory_space<vmem>>, vector<16xf32>,
        %mul3A_2815 = arith.mulf %get3A_2775, %get3A_2814 : vector<16xf32>
        %get3A_2816 = arith.index_cast %select_n3A_284 : i32 to index
        %get3A_2817 = arith.index_cast %add3A_2795 : i32 to index
        %get3A_2818 = arith.constant 64 : index
        %get3A_2819 = tpu.vector_load %arg11[%get3A_2816, %get3A_2817, %get3A_2818] {strides = array<i32>} : memref<2x384x128xf32, #tpu.memory_space<vmem>>, vector<16xf32>,
        %mul3A_2820 = arith.mulf %get3A_2779, %get3A_2819 : vector<16xf32>
        %get3A_2821 = arith.index_cast %select_n3A_284 : i32 to index
        %get3A_2822 = arith.index_cast %add3A_2795 : i32 to index
        %get3A_2823 = arith.constant 80 : index
        %get3A_2824 = tpu.vector_load %arg11[%get3A_2821, %get3A_2822, %get3A_2823] {strides = array<i32>} : memref<2x384x128xf32, #tpu.memory_space<vmem>>, vector<16xf32>,
        %mul3A_2825 = arith.mulf %get3A_2783, %get3A_2824 : vector<16xf32>
        %get3A_2826 = arith.index_cast %select_n3A_284 : i32 to index
        %get3A_2827 = arith.index_cast %add3A_2795 : i32 to index
        %get3A_2828 = arith.constant 96 : index
        %get3A_2829 = tpu.vector_load %arg11[%get3A_2826, %get3A_2827, %get3A_2828] {strides = array<i32>} : memref<2x384x128xf32, #tpu.memory_space<vmem>>, vector<16xf32>,
        %mul3A_2830 = arith.mulf %get3A_2787, %get3A_2829 : vector<16xf32>
        %get3A_2831 = arith.index_cast %select_n3A_284 : i32 to index
        %get3A_2832 = arith.index_cast %add3A_2795 : i32 to index
        %get3A_2833 = arith.constant 112 : index
        %get3A_2834 = tpu.vector_load %arg11[%get3A_2831, %get3A_2832, %get3A_2833] {strides = array<i32>} : memref<2x384x128xf32, #tpu.memory_space<vmem>>, vector<16xf32>,
        %mul3A_2835 = arith.mulf %get3A_2791, %get3A_2834 : vector<16xf32>
        %add3A_2836 = arith.addf %mul3A_2800, %mul3A_2805 : vector<16xf32>
        %add3A_2837 = arith.addf %mul3A_2810, %mul3A_2815 : vector<16xf32>
        %add3A_2838 = arith.addf %mul3A_2820, %mul3A_2825 : vector<16xf32>
        %add3A_2839 = arith.addf %mul3A_2830, %mul3A_2835 : vector<16xf32>
        %add3A_2840 = arith.addf %add3A_2836, %add3A_2837 : vector<16xf32>
        %add3A_2841 = arith.addf %add3A_2838, %add3A_2839 : vector<16xf32>
        %add3A_2842 = arith.addf %add3A_2840, %add3A_2841 : vector<16xf32>
        %swap3A_2843 = arith.constant 672 : index
        %swap3A_2844 = tpu.vector_load %arg13[%swap3A_2843] {strides = array<i32>} : memref<768xf32, #tpu.memory_space<vmem>>, vector<16xf32>,
        tpu.vector_store %arg13[%swap3A_2843], %add3A_2842 {strides = array<i32>} : memref<768xf32, #tpu.memory_space<vmem>>, vector<16xf32>,
        %mul3A_2845 = arith.constant 6 : i32
        %mul3A_2846 = arith.muli %add3A_2759, %mul3A_2845 : i32
        %add3A_2847 = arith.constant 1 : i32
        %add3A_2848 = arith.addi %mul3A_2846, %add3A_2847 : i32
        %get3A_2849 = arith.index_cast %select_n3A_284 : i32 to index
        %get3A_2850 = arith.index_cast %add3A_2848 : i32 to index
        %get3A_2851 = arith.constant 0 : index
        %get3A_2852 = tpu.vector_load %arg11[%get3A_2849, %get3A_2850, %get3A_2851] {strides = array<i32>} : memref<2x384x128xf32, #tpu.memory_space<vmem>>, vector<16xf32>,
        %mul3A_2853 = arith.mulf %get3A_2763, %get3A_2852 : vector<16xf32>
        %get3A_2854 = arith.index_cast %select_n3A_284 : i32 to index
        %get3A_2855 = arith.index_cast %add3A_2848 : i32 to index
        %get3A_2856 = arith.constant 16 : index
        %get3A_2857 = tpu.vector_load %arg11[%get3A_2854, %get3A_2855, %get3A_2856] {strides = array<i32>} : memref<2x384x128xf32, #tpu.memory_space<vmem>>, vector<16xf32>,
        %mul3A_2858 = arith.mulf %get3A_2767, %get3A_2857 : vector<16xf32>
        %get3A_2859 = arith.index_cast %select_n3A_284 : i32 to index
        %get3A_2860 = arith.index_cast %add3A_2848 : i32 to index
        %get3A_2861 = arith.constant 32 : index
        %get3A_2862 = tpu.vector_load %arg11[%get3A_2859, %get3A_2860, %get3A_2861] {strides = array<i32>} : memref<2x384x128xf32, #tpu.memory_space<vmem>>, vector<16xf32>,
        %mul3A_2863 = arith.mulf %get3A_2771, %get3A_2862 : vector<16xf32>
        %get3A_2864 = arith.index_cast %select_n3A_284 : i32 to index
        %get3A_2865 = arith.index_cast %add3A_2848 : i32 to index
        %get3A_2866 = arith.constant 48 : index
        %get3A_2867 = tpu.vector_load %arg11[%get3A_2864, %get3A_2865, %get3A_2866] {strides = array<i32>} : memref<2x384x128xf32, #tpu.memory_space<vmem>>, vector<16xf32>,
        %mul3A_2868 = arith.mulf %get3A_2775, %get3A_2867 : vector<16xf32>
        %get3A_2869 = arith.index_cast %select_n3A_284 : i32 to index
        %get3A_2870 = arith.index_cast %add3A_2848 : i32 to index
        %get3A_2871 = arith.constant 64 : index
        %get3A_2872 = tpu.vector_load %arg11[%get3A_2869, %get3A_2870, %get3A_2871] {strides = array<i32>} : memref<2x384x128xf32, #tpu.memory_space<vmem>>, vector<16xf32>,
        %mul3A_2873 = arith.mulf %get3A_2779, %get3A_2872 : vector<16xf32>
        %get3A_2874 = arith.index_cast %select_n3A_284 : i32 to index
        %get3A_2875 = arith.index_cast %add3A_2848 : i32 to index
        %get3A_2876 = arith.constant 80 : index
        %get3A_2877 = tpu.vector_load %arg11[%get3A_2874, %get3A_2875, %get3A_2876] {strides = array<i32>} : memref<2x384x128xf32, #tpu.memory_space<vmem>>, vector<16xf32>,
        %mul3A_2878 = arith.mulf %get3A_2783, %get3A_2877 : vector<16xf32>
        %get3A_2879 = arith.index_cast %select_n3A_284 : i32 to index
        %get3A_2880 = arith.index_cast %add3A_2848 : i32 to index
        %get3A_2881 = arith.constant 96 : index
        %get3A_2882 = tpu.vector_load %arg11[%get3A_2879, %get3A_2880, %get3A_2881] {strides = array<i32>} : memref<2x384x128xf32, #tpu.memory_space<vmem>>, vector<16xf32>,
        %mul3A_2883 = arith.mulf %get3A_2787, %get3A_2882 : vector<16xf32>
        %get3A_2884 = arith.index_cast %select_n3A_284 : i32 to index
        %get3A_2885 = arith.index_cast %add3A_2848 : i32 to index
        %get3A_2886 = arith.constant 112 : index
        %get3A_2887 = tpu.vector_load %arg11[%get3A_2884, %get3A_2885, %get3A_2886] {strides = array<i32>} : memref<2x384x128xf32, #tpu.memory_space<vmem>>, vector<16xf32>,
        %mul3A_2888 = arith.mulf %get3A_2791, %get3A_2887 : vector<16xf32>
        %add3A_2889 = arith.addf %mul3A_2853, %mul3A_2858 : vector<16xf32>
        %add3A_2890 = arith.addf %mul3A_2863, %mul3A_2868 : vector<16xf32>
        %add3A_2891 = arith.addf %mul3A_2873, %mul3A_2878 : vector<16xf32>
        %add3A_2892 = arith.addf %mul3A_2883, %mul3A_2888 : vector<16xf32>
        %add3A_2893 = arith.addf %add3A_2889, %add3A_2890 : vector<16xf32>
        %add3A_2894 = arith.addf %add3A_2891, %add3A_2892 : vector<16xf32>
        %add3A_2895 = arith.addf %add3A_2893, %add3A_2894 : vector<16xf32>
        %swap3A_2896 = arith.constant 688 : index
        %swap3A_2897 = tpu.vector_load %arg13[%swap3A_2896] {strides = array<i32>} : memref<768xf32, #tpu.memory_space<vmem>>, vector<16xf32>,
        tpu.vector_store %arg13[%swap3A_2896], %add3A_2895 {strides = array<i32>} : memref<768xf32, #tpu.memory_space<vmem>>, vector<16xf32>,
        %mul3A_2898 = arith.constant 6 : i32
        %mul3A_2899 = arith.muli %add3A_2759, %mul3A_2898 : i32
        %add3A_2900 = arith.constant 2 : i32
        %add3A_2901 = arith.addi %mul3A_2899, %add3A_2900 : i32
        %get3A_2902 = arith.index_cast %select_n3A_284 : i32 to index
        %get3A_2903 = arith.index_cast %add3A_2901 : i32 to index
        %get3A_2904 = arith.constant 0 : index
        %get3A_2905 = tpu.vector_load %arg11[%get3A_2902, %get3A_2903, %get3A_2904] {strides = array<i32>} : memref<2x384x128xf32, #tpu.memory_space<vmem>>, vector<16xf32>,
        %mul3A_2906 = arith.mulf %get3A_2763, %get3A_2905 : vector<16xf32>
        %get3A_2907 = arith.index_cast %select_n3A_284 : i32 to index
        %get3A_2908 = arith.index_cast %add3A_2901 : i32 to index
        %get3A_2909 = arith.constant 16 : index
        %get3A_2910 = tpu.vector_load %arg11[%get3A_2907, %get3A_2908, %get3A_2909] {strides = array<i32>} : memref<2x384x128xf32, #tpu.memory_space<vmem>>, vector<16xf32>,
        %mul3A_2911 = arith.mulf %get3A_2767, %get3A_2910 : vector<16xf32>
        %get3A_2912 = arith.index_cast %select_n3A_284 : i32 to index
        %get3A_2913 = arith.index_cast %add3A_2901 : i32 to index
        %get3A_2914 = arith.constant 32 : index
        %get3A_2915 = tpu.vector_load %arg11[%get3A_2912, %get3A_2913, %get3A_2914] {strides = array<i32>} : memref<2x384x128xf32, #tpu.memory_space<vmem>>, vector<16xf32>,
        %mul3A_2916 = arith.mulf %get3A_2771, %get3A_2915 : vector<16xf32>
        %get3A_2917 = arith.index_cast %select_n3A_284 : i32 to index
        %get3A_2918 = arith.index_cast %add3A_2901 : i32 to index
        %get3A_2919 = arith.constant 48 : index
        %get3A_2920 = tpu.vector_load %arg11[%get3A_2917, %get3A_2918, %get3A_2919] {strides = array<i32>} : memref<2x384x128xf32, #tpu.memory_space<vmem>>, vector<16xf32>,
        %mul3A_2921 = arith.mulf %get3A_2775, %get3A_2920 : vector<16xf32>
        %get3A_2922 = arith.index_cast %select_n3A_284 : i32 to index
        %get3A_2923 = arith.index_cast %add3A_2901 : i32 to index
        %get3A_2924 = arith.constant 64 : index
        %get3A_2925 = tpu.vector_load %arg11[%get3A_2922, %get3A_2923, %get3A_2924] {strides = array<i32>} : memref<2x384x128xf32, #tpu.memory_space<vmem>>, vector<16xf32>,
        %mul3A_2926 = arith.mulf %get3A_2779, %get3A_2925 : vector<16xf32>
        %get3A_2927 = arith.index_cast %select_n3A_284 : i32 to index
        %get3A_2928 = arith.index_cast %add3A_2901 : i32 to index
        %get3A_2929 = arith.constant 80 : index
        %get3A_2930 = tpu.vector_load %arg11[%get3A_2927, %get3A_2928, %get3A_2929] {strides = array<i32>} : memref<2x384x128xf32, #tpu.memory_space<vmem>>, vector<16xf32>,
        %mul3A_2931 = arith.mulf %get3A_2783, %get3A_2930 : vector<16xf32>
        %get3A_2932 = arith.index_cast %select_n3A_284 : i32 to index
        %get3A_2933 = arith.index_cast %add3A_2901 : i32 to index
        %get3A_2934 = arith.constant 96 : index
        %get3A_2935 = tpu.vector_load %arg11[%get3A_2932, %get3A_2933, %get3A_2934] {strides = array<i32>} : memref<2x384x128xf32, #tpu.memory_space<vmem>>, vector<16xf32>,
        %mul3A_2936 = arith.mulf %get3A_2787, %get3A_2935 : vector<16xf32>
        %get3A_2937 = arith.index_cast %select_n3A_284 : i32 to index
        %get3A_2938 = arith.index_cast %add3A_2901 : i32 to index
        %get3A_2939 = arith.constant 112 : index
        %get3A_2940 = tpu.vector_load %arg11[%get3A_2937, %get3A_2938, %get3A_2939] {strides = array<i32>} : memref<2x384x128xf32, #tpu.memory_space<vmem>>, vector<16xf32>,
        %mul3A_2941 = arith.mulf %get3A_2791, %get3A_2940 : vector<16xf32>
        %add3A_2942 = arith.addf %mul3A_2906, %mul3A_2911 : vector<16xf32>
        %add3A_2943 = arith.addf %mul3A_2916, %mul3A_2921 : vector<16xf32>
        %add3A_2944 = arith.addf %mul3A_2926, %mul3A_2931 : vector<16xf32>
        %add3A_2945 = arith.addf %mul3A_2936, %mul3A_2941 : vector<16xf32>
        %add3A_2946 = arith.addf %add3A_2942, %add3A_2943 : vector<16xf32>
        %add3A_2947 = arith.addf %add3A_2944, %add3A_2945 : vector<16xf32>
        %add3A_2948 = arith.addf %add3A_2946, %add3A_2947 : vector<16xf32>
        %swap3A_2949 = arith.constant 704 : index
        %swap3A_2950 = tpu.vector_load %arg13[%swap3A_2949] {strides = array<i32>} : memref<768xf32, #tpu.memory_space<vmem>>, vector<16xf32>,
        tpu.vector_store %arg13[%swap3A_2949], %add3A_2948 {strides = array<i32>} : memref<768xf32, #tpu.memory_space<vmem>>, vector<16xf32>,
        %mul3A_2951 = arith.constant 6 : i32
        %mul3A_2952 = arith.muli %add3A_2759, %mul3A_2951 : i32
        %add3A_2953 = arith.constant 3 : i32
        %add3A_2954 = arith.addi %mul3A_2952, %add3A_2953 : i32
        %get3A_2955 = arith.index_cast %select_n3A_284 : i32 to index
        %get3A_2956 = arith.index_cast %add3A_2954 : i32 to index
        %get3A_2957 = arith.constant 0 : index
        %get3A_2958 = tpu.vector_load %arg11[%get3A_2955, %get3A_2956, %get3A_2957] {strides = array<i32>} : memref<2x384x128xf32, #tpu.memory_space<vmem>>, vector<16xf32>,
        %mul3A_2959 = arith.mulf %get3A_2763, %get3A_2958 : vector<16xf32>
        %get3A_2960 = arith.index_cast %select_n3A_284 : i32 to index
        %get3A_2961 = arith.index_cast %add3A_2954 : i32 to index
        %get3A_2962 = arith.constant 16 : index
        %get3A_2963 = tpu.vector_load %arg11[%get3A_2960, %get3A_2961, %get3A_2962] {strides = array<i32>} : memref<2x384x128xf32, #tpu.memory_space<vmem>>, vector<16xf32>,
        %mul3A_2964 = arith.mulf %get3A_2767, %get3A_2963 : vector<16xf32>
        %get3A_2965 = arith.index_cast %select_n3A_284 : i32 to index
        %get3A_2966 = arith.index_cast %add3A_2954 : i32 to index
        %get3A_2967 = arith.constant 32 : index
        %get3A_2968 = tpu.vector_load %arg11[%get3A_2965, %get3A_2966, %get3A_2967] {strides = array<i32>} : memref<2x384x128xf32, #tpu.memory_space<vmem>>, vector<16xf32>,
        %mul3A_2969 = arith.mulf %get3A_2771, %get3A_2968 : vector<16xf32>
        %get3A_2970 = arith.index_cast %select_n3A_284 : i32 to index
        %get3A_2971 = arith.index_cast %add3A_2954 : i32 to index
        %get3A_2972 = arith.constant 48 : index
        %get3A_2973 = tpu.vector_load %arg11[%get3A_2970, %get3A_2971, %get3A_2972] {strides = array<i32>} : memref<2x384x128xf32, #tpu.memory_space<vmem>>, vector<16xf32>,
        %mul3A_2974 = arith.mulf %get3A_2775, %get3A_2973 : vector<16xf32>
        %get3A_2975 = arith.index_cast %select_n3A_284 : i32 to index
        %get3A_2976 = arith.index_cast %add3A_2954 : i32 to index
        %get3A_2977 = arith.constant 64 : index
        %get3A_2978 = tpu.vector_load %arg11[%get3A_2975, %get3A_2976, %get3A_2977] {strides = array<i32>} : memref<2x384x128xf32, #tpu.memory_space<vmem>>, vector<16xf32>,
        %mul3A_2979 = arith.mulf %get3A_2779, %get3A_2978 : vector<16xf32>
        %get3A_2980 = arith.index_cast %select_n3A_284 : i32 to index
        %get3A_2981 = arith.index_cast %add3A_2954 : i32 to index
        %get3A_2982 = arith.constant 80 : index
        %get3A_2983 = tpu.vector_load %arg11[%get3A_2980, %get3A_2981, %get3A_2982] {strides = array<i32>} : memref<2x384x128xf32, #tpu.memory_space<vmem>>, vector<16xf32>,
        %mul3A_2984 = arith.mulf %get3A_2783, %get3A_2983 : vector<16xf32>
        %get3A_2985 = arith.index_cast %select_n3A_284 : i32 to index
        %get3A_2986 = arith.index_cast %add3A_2954 : i32 to index
        %get3A_2987 = arith.constant 96 : index
        %get3A_2988 = tpu.vector_load %arg11[%get3A_2985, %get3A_2986, %get3A_2987] {strides = array<i32>} : memref<2x384x128xf32, #tpu.memory_space<vmem>>, vector<16xf32>,
        %mul3A_2989 = arith.mulf %get3A_2787, %get3A_2988 : vector<16xf32>
        %get3A_2990 = arith.index_cast %select_n3A_284 : i32 to index
        %get3A_2991 = arith.index_cast %add3A_2954 : i32 to index
        %get3A_2992 = arith.constant 112 : index
        %get3A_2993 = tpu.vector_load %arg11[%get3A_2990, %get3A_2991, %get3A_2992] {strides = array<i32>} : memref<2x384x128xf32, #tpu.memory_space<vmem>>, vector<16xf32>,
        %mul3A_2994 = arith.mulf %get3A_2791, %get3A_2993 : vector<16xf32>
        %add3A_2995 = arith.addf %mul3A_2959, %mul3A_2964 : vector<16xf32>
        %add3A_2996 = arith.addf %mul3A_2969, %mul3A_2974 : vector<16xf32>
        %add3A_2997 = arith.addf %mul3A_2979, %mul3A_2984 : vector<16xf32>
        %add3A_2998 = arith.addf %mul3A_2989, %mul3A_2994 : vector<16xf32>
        %add3A_2999 = arith.addf %add3A_2995, %add3A_2996 : vector<16xf32>
        %add3A_3000 = arith.addf %add3A_2997, %add3A_2998 : vector<16xf32>
        %add3A_3001 = arith.addf %add3A_2999, %add3A_3000 : vector<16xf32>
        %swap3A_3002 = arith.constant 720 : index
        %swap3A_3003 = tpu.vector_load %arg13[%swap3A_3002] {strides = array<i32>} : memref<768xf32, #tpu.memory_space<vmem>>, vector<16xf32>,
        tpu.vector_store %arg13[%swap3A_3002], %add3A_3001 {strides = array<i32>} : memref<768xf32, #tpu.memory_space<vmem>>, vector<16xf32>,
        %mul3A_3004 = arith.constant 6 : i32
        %mul3A_3005 = arith.muli %add3A_2759, %mul3A_3004 : i32
        %add3A_3006 = arith.constant 4 : i32
        %add3A_3007 = arith.addi %mul3A_3005, %add3A_3006 : i32
        %get3A_3008 = arith.index_cast %select_n3A_284 : i32 to index
        %get3A_3009 = arith.index_cast %add3A_3007 : i32 to index
        %get3A_3010 = arith.constant 0 : index
        %get3A_3011 = tpu.vector_load %arg11[%get3A_3008, %get3A_3009, %get3A_3010] {strides = array<i32>} : memref<2x384x128xf32, #tpu.memory_space<vmem>>, vector<16xf32>,
        %mul3A_3012 = arith.mulf %get3A_2763, %get3A_3011 : vector<16xf32>
        %get3A_3013 = arith.index_cast %select_n3A_284 : i32 to index
        %get3A_3014 = arith.index_cast %add3A_3007 : i32 to index
        %get3A_3015 = arith.constant 16 : index
        %get3A_3016 = tpu.vector_load %arg11[%get3A_3013, %get3A_3014, %get3A_3015] {strides = array<i32>} : memref<2x384x128xf32, #tpu.memory_space<vmem>>, vector<16xf32>,
        %mul3A_3017 = arith.mulf %get3A_2767, %get3A_3016 : vector<16xf32>
        %get3A_3018 = arith.index_cast %select_n3A_284 : i32 to index
        %get3A_3019 = arith.index_cast %add3A_3007 : i32 to index
        %get3A_3020 = arith.constant 32 : index
        %get3A_3021 = tpu.vector_load %arg11[%get3A_3018, %get3A_3019, %get3A_3020] {strides = array<i32>} : memref<2x384x128xf32, #tpu.memory_space<vmem>>, vector<16xf32>,
        %mul3A_3022 = arith.mulf %get3A_2771, %get3A_3021 : vector<16xf32>
        %get3A_3023 = arith.index_cast %select_n3A_284 : i32 to index
        %get3A_3024 = arith.index_cast %add3A_3007 : i32 to index
        %get3A_3025 = arith.constant 48 : index
        %get3A_3026 = tpu.vector_load %arg11[%get3A_3023, %get3A_3024, %get3A_3025] {strides = array<i32>} : memref<2x384x128xf32, #tpu.memory_space<vmem>>, vector<16xf32>,
        %mul3A_3027 = arith.mulf %get3A_2775, %get3A_3026 : vector<16xf32>
        %get3A_3028 = arith.index_cast %select_n3A_284 : i32 to index
        %get3A_3029 = arith.index_cast %add3A_3007 : i32 to index
        %get3A_3030 = arith.constant 64 : index
        %get3A_3031 = tpu.vector_load %arg11[%get3A_3028, %get3A_3029, %get3A_3030] {strides = array<i32>} : memref<2x384x128xf32, #tpu.memory_space<vmem>>, vector<16xf32>,
        %mul3A_3032 = arith.mulf %get3A_2779, %get3A_3031 : vector<16xf32>
        %get3A_3033 = arith.index_cast %select_n3A_284 : i32 to index
        %get3A_3034 = arith.index_cast %add3A_3007 : i32 to index
        %get3A_3035 = arith.constant 80 : index
        %get3A_3036 = tpu.vector_load %arg11[%get3A_3033, %get3A_3034, %get3A_3035] {strides = array<i32>} : memref<2x384x128xf32, #tpu.memory_space<vmem>>, vector<16xf32>,
        %mul3A_3037 = arith.mulf %get3A_2783, %get3A_3036 : vector<16xf32>
        %get3A_3038 = arith.index_cast %select_n3A_284 : i32 to index
        %get3A_3039 = arith.index_cast %add3A_3007 : i32 to index
        %get3A_3040 = arith.constant 96 : index
        %get3A_3041 = tpu.vector_load %arg11[%get3A_3038, %get3A_3039, %get3A_3040] {strides = array<i32>} : memref<2x384x128xf32, #tpu.memory_space<vmem>>, vector<16xf32>,
        %mul3A_3042 = arith.mulf %get3A_2787, %get3A_3041 : vector<16xf32>
        %get3A_3043 = arith.index_cast %select_n3A_284 : i32 to index
        %get3A_3044 = arith.index_cast %add3A_3007 : i32 to index
        %get3A_3045 = arith.constant 112 : index
        %get3A_3046 = tpu.vector_load %arg11[%get3A_3043, %get3A_3044, %get3A_3045] {strides = array<i32>} : memref<2x384x128xf32, #tpu.memory_space<vmem>>, vector<16xf32>,
        %mul3A_3047 = arith.mulf %get3A_2791, %get3A_3046 : vector<16xf32>
        %add3A_3048 = arith.addf %mul3A_3012, %mul3A_3017 : vector<16xf32>
        %add3A_3049 = arith.addf %mul3A_3022, %mul3A_3027 : vector<16xf32>
        %add3A_3050 = arith.addf %mul3A_3032, %mul3A_3037 : vector<16xf32>
        %add3A_3051 = arith.addf %mul3A_3042, %mul3A_3047 : vector<16xf32>
        %add3A_3052 = arith.addf %add3A_3048, %add3A_3049 : vector<16xf32>
        %add3A_3053 = arith.addf %add3A_3050, %add3A_3051 : vector<16xf32>
        %add3A_3054 = arith.addf %add3A_3052, %add3A_3053 : vector<16xf32>
        %swap3A_3055 = arith.constant 736 : index
        %swap3A_3056 = tpu.vector_load %arg13[%swap3A_3055] {strides = array<i32>} : memref<768xf32, #tpu.memory_space<vmem>>, vector<16xf32>,
        tpu.vector_store %arg13[%swap3A_3055], %add3A_3054 {strides = array<i32>} : memref<768xf32, #tpu.memory_space<vmem>>, vector<16xf32>,
        %mul3A_3057 = arith.constant 6 : i32
        %mul3A_3058 = arith.muli %add3A_2759, %mul3A_3057 : i32
        %add3A_3059 = arith.constant 5 : i32
        %add3A_3060 = arith.addi %mul3A_3058, %add3A_3059 : i32
        %get3A_3061 = arith.index_cast %select_n3A_284 : i32 to index
        %get3A_3062 = arith.index_cast %add3A_3060 : i32 to index
        %get3A_3063 = arith.constant 0 : index
        %get3A_3064 = tpu.vector_load %arg11[%get3A_3061, %get3A_3062, %get3A_3063] {strides = array<i32>} : memref<2x384x128xf32, #tpu.memory_space<vmem>>, vector<16xf32>,
        %mul3A_3065 = arith.mulf %get3A_2763, %get3A_3064 : vector<16xf32>
        %get3A_3066 = arith.index_cast %select_n3A_284 : i32 to index
        %get3A_3067 = arith.index_cast %add3A_3060 : i32 to index
        %get3A_3068 = arith.constant 16 : index
        %get3A_3069 = tpu.vector_load %arg11[%get3A_3066, %get3A_3067, %get3A_3068] {strides = array<i32>} : memref<2x384x128xf32, #tpu.memory_space<vmem>>, vector<16xf32>,
        %mul3A_3070 = arith.mulf %get3A_2767, %get3A_3069 : vector<16xf32>
        %get3A_3071 = arith.index_cast %select_n3A_284 : i32 to index
        %get3A_3072 = arith.index_cast %add3A_3060 : i32 to index
        %get3A_3073 = arith.constant 32 : index
        %get3A_3074 = tpu.vector_load %arg11[%get3A_3071, %get3A_3072, %get3A_3073] {strides = array<i32>} : memref<2x384x128xf32, #tpu.memory_space<vmem>>, vector<16xf32>,
        %mul3A_3075 = arith.mulf %get3A_2771, %get3A_3074 : vector<16xf32>
        %get3A_3076 = arith.index_cast %select_n3A_284 : i32 to index
        %get3A_3077 = arith.index_cast %add3A_3060 : i32 to index
        %get3A_3078 = arith.constant 48 : index
        %get3A_3079 = tpu.vector_load %arg11[%get3A_3076, %get3A_3077, %get3A_3078] {strides = array<i32>} : memref<2x384x128xf32, #tpu.memory_space<vmem>>, vector<16xf32>,
        %mul3A_3080 = arith.mulf %get3A_2775, %get3A_3079 : vector<16xf32>
        %get3A_3081 = arith.index_cast %select_n3A_284 : i32 to index
        %get3A_3082 = arith.index_cast %add3A_3060 : i32 to index
        %get3A_3083 = arith.constant 64 : index
        %get3A_3084 = tpu.vector_load %arg11[%get3A_3081, %get3A_3082, %get3A_3083] {strides = array<i32>} : memref<2x384x128xf32, #tpu.memory_space<vmem>>, vector<16xf32>,
        %mul3A_3085 = arith.mulf %get3A_2779, %get3A_3084 : vector<16xf32>
        %get3A_3086 = arith.index_cast %select_n3A_284 : i32 to index
        %get3A_3087 = arith.index_cast %add3A_3060 : i32 to index
        %get3A_3088 = arith.constant 80 : index
        %get3A_3089 = tpu.vector_load %arg11[%get3A_3086, %get3A_3087, %get3A_3088] {strides = array<i32>} : memref<2x384x128xf32, #tpu.memory_space<vmem>>, vector<16xf32>,
        %mul3A_3090 = arith.mulf %get3A_2783, %get3A_3089 : vector<16xf32>
        %get3A_3091 = arith.index_cast %select_n3A_284 : i32 to index
        %get3A_3092 = arith.index_cast %add3A_3060 : i32 to index
        %get3A_3093 = arith.constant 96 : index
        %get3A_3094 = tpu.vector_load %arg11[%get3A_3091, %get3A_3092, %get3A_3093] {strides = array<i32>} : memref<2x384x128xf32, #tpu.memory_space<vmem>>, vector<16xf32>,
        %mul3A_3095 = arith.mulf %get3A_2787, %get3A_3094 : vector<16xf32>
        %get3A_3096 = arith.index_cast %select_n3A_284 : i32 to index
        %get3A_3097 = arith.index_cast %add3A_3060 : i32 to index
        %get3A_3098 = arith.constant 112 : index
        %get3A_3099 = tpu.vector_load %arg11[%get3A_3096, %get3A_3097, %get3A_3098] {strides = array<i32>} : memref<2x384x128xf32, #tpu.memory_space<vmem>>, vector<16xf32>,
        %mul3A_3100 = arith.mulf %get3A_2791, %get3A_3099 : vector<16xf32>
        %add3A_3101 = arith.addf %mul3A_3065, %mul3A_3070 : vector<16xf32>
        %add3A_3102 = arith.addf %mul3A_3075, %mul3A_3080 : vector<16xf32>
        %add3A_3103 = arith.addf %mul3A_3085, %mul3A_3090 : vector<16xf32>
        %add3A_3104 = arith.addf %mul3A_3095, %mul3A_3100 : vector<16xf32>
        %add3A_3105 = arith.addf %add3A_3101, %add3A_3102 : vector<16xf32>
        %add3A_3106 = arith.addf %add3A_3103, %add3A_3104 : vector<16xf32>
        %add3A_3107 = arith.addf %add3A_3105, %add3A_3106 : vector<16xf32>
        %swap3A_3108 = arith.constant 752 : index
        %swap3A_3109 = tpu.vector_load %arg13[%swap3A_3108] {strides = array<i32>} : memref<768xf32, #tpu.memory_space<vmem>>, vector<16xf32>,
        tpu.vector_store %arg13[%swap3A_3108], %add3A_3107 {strides = array<i32>} : memref<768xf32, #tpu.memory_space<vmem>>, vector<16xf32>,
        %add3A_3110 = arith.constant 0 : i32
        %add3A_3111 = vector.broadcast %add3A_3110 : i32 to vector<16xi32>
        %add3A_3112 = arith.addi %add3A_3111, %iota3A : vector<16xi32>
        %mul3A_3113 = arith.constant 16 : i32
        %mul3A_3114 = vector.broadcast %mul3A_3113 : i32 to vector<16xi32>
        %mul3A_3115 = arith.muli %add3A_3112, %mul3A_3114 : vector<16xi32>
        %add3A_3116 = arith.constant 0 : i32
        %add3A_3117 = vector.broadcast %add3A_3116 : i32 to vector<16xi32>
        %add3A_3118 = arith.addi %mul3A_3115, %add3A_3117 : vector<16xi32>
        %gather3A = tpu.vector_load_idx %arg13[%add3A_3118] : memref<768xf32, #tpu.memory_space<vmem>>[vector<16xi32>], vector<16xf32>,
        %add3A_3119 = arith.constant 1 : i32
        %add3A_3120 = vector.broadcast %add3A_3119 : i32 to vector<16xi32>
        %add3A_3121 = arith.addi %mul3A_3115, %add3A_3120 : vector<16xi32>
        %gather3A_3122 = tpu.vector_load_idx %arg13[%add3A_3121] : memref<768xf32, #tpu.memory_space<vmem>>[vector<16xi32>], vector<16xf32>,
        %add3A_3123 = arith.constant 2 : i32
        %add3A_3124 = vector.broadcast %add3A_3123 : i32 to vector<16xi32>
        %add3A_3125 = arith.addi %mul3A_3115, %add3A_3124 : vector<16xi32>
        %gather3A_3126 = tpu.vector_load_idx %arg13[%add3A_3125] : memref<768xf32, #tpu.memory_space<vmem>>[vector<16xi32>], vector<16xf32>,
        %add3A_3127 = arith.constant 3 : i32
        %add3A_3128 = vector.broadcast %add3A_3127 : i32 to vector<16xi32>
        %add3A_3129 = arith.addi %mul3A_3115, %add3A_3128 : vector<16xi32>
        %gather3A_3130 = tpu.vector_load_idx %arg13[%add3A_3129] : memref<768xf32, #tpu.memory_space<vmem>>[vector<16xi32>], vector<16xf32>,
        %add3A_3131 = arith.constant 4 : i32
        %add3A_3132 = vector.broadcast %add3A_3131 : i32 to vector<16xi32>
        %add3A_3133 = arith.addi %mul3A_3115, %add3A_3132 : vector<16xi32>
        %gather3A_3134 = tpu.vector_load_idx %arg13[%add3A_3133] : memref<768xf32, #tpu.memory_space<vmem>>[vector<16xi32>], vector<16xf32>,
        %add3A_3135 = arith.constant 5 : i32
        %add3A_3136 = vector.broadcast %add3A_3135 : i32 to vector<16xi32>
        %add3A_3137 = arith.addi %mul3A_3115, %add3A_3136 : vector<16xi32>
        %gather3A_3138 = tpu.vector_load_idx %arg13[%add3A_3137] : memref<768xf32, #tpu.memory_space<vmem>>[vector<16xi32>], vector<16xf32>,
        %add3A_3139 = arith.constant 6 : i32
        %add3A_3140 = vector.broadcast %add3A_3139 : i32 to vector<16xi32>
        %add3A_3141 = arith.addi %mul3A_3115, %add3A_3140 : vector<16xi32>
        %gather3A_3142 = tpu.vector_load_idx %arg13[%add3A_3141] : memref<768xf32, #tpu.memory_space<vmem>>[vector<16xi32>], vector<16xf32>,
        %add3A_3143 = arith.constant 7 : i32
        %add3A_3144 = vector.broadcast %add3A_3143 : i32 to vector<16xi32>
        %add3A_3145 = arith.addi %mul3A_3115, %add3A_3144 : vector<16xi32>
        %gather3A_3146 = tpu.vector_load_idx %arg13[%add3A_3145] : memref<768xf32, #tpu.memory_space<vmem>>[vector<16xi32>], vector<16xf32>,
        %add3A_3147 = arith.constant 8 : i32
        %add3A_3148 = vector.broadcast %add3A_3147 : i32 to vector<16xi32>
        %add3A_3149 = arith.addi %mul3A_3115, %add3A_3148 : vector<16xi32>
        %gather3A_3150 = tpu.vector_load_idx %arg13[%add3A_3149] : memref<768xf32, #tpu.memory_space<vmem>>[vector<16xi32>], vector<16xf32>,
        %add3A_3151 = arith.constant 9 : i32
        %add3A_3152 = vector.broadcast %add3A_3151 : i32 to vector<16xi32>
        %add3A_3153 = arith.addi %mul3A_3115, %add3A_3152 : vector<16xi32>
        %gather3A_3154 = tpu.vector_load_idx %arg13[%add3A_3153] : memref<768xf32, #tpu.memory_space<vmem>>[vector<16xi32>], vector<16xf32>,
        %add3A_3155 = arith.constant 10 : i32
        %add3A_3156 = vector.broadcast %add3A_3155 : i32 to vector<16xi32>
        %add3A_3157 = arith.addi %mul3A_3115, %add3A_3156 : vector<16xi32>
        %gather3A_3158 = tpu.vector_load_idx %arg13[%add3A_3157] : memref<768xf32, #tpu.memory_space<vmem>>[vector<16xi32>], vector<16xf32>,
        %add3A_3159 = arith.constant 11 : i32
        %add3A_3160 = vector.broadcast %add3A_3159 : i32 to vector<16xi32>
        %add3A_3161 = arith.addi %mul3A_3115, %add3A_3160 : vector<16xi32>
        %gather3A_3162 = tpu.vector_load_idx %arg13[%add3A_3161] : memref<768xf32, #tpu.memory_space<vmem>>[vector<16xi32>], vector<16xf32>,
        %add3A_3163 = arith.constant 12 : i32
        %add3A_3164 = vector.broadcast %add3A_3163 : i32 to vector<16xi32>
        %add3A_3165 = arith.addi %mul3A_3115, %add3A_3164 : vector<16xi32>
        %gather3A_3166 = tpu.vector_load_idx %arg13[%add3A_3165] : memref<768xf32, #tpu.memory_space<vmem>>[vector<16xi32>], vector<16xf32>,
        %add3A_3167 = arith.constant 13 : i32
        %add3A_3168 = vector.broadcast %add3A_3167 : i32 to vector<16xi32>
        %add3A_3169 = arith.addi %mul3A_3115, %add3A_3168 : vector<16xi32>
        %gather3A_3170 = tpu.vector_load_idx %arg13[%add3A_3169] : memref<768xf32, #tpu.memory_space<vmem>>[vector<16xi32>], vector<16xf32>,
        %add3A_3171 = arith.constant 14 : i32
        %add3A_3172 = vector.broadcast %add3A_3171 : i32 to vector<16xi32>
        %add3A_3173 = arith.addi %mul3A_3115, %add3A_3172 : vector<16xi32>
        %gather3A_3174 = tpu.vector_load_idx %arg13[%add3A_3173] : memref<768xf32, #tpu.memory_space<vmem>>[vector<16xi32>], vector<16xf32>,
        %add3A_3175 = arith.constant 15 : i32
        %add3A_3176 = vector.broadcast %add3A_3175 : i32 to vector<16xi32>
        %add3A_3177 = arith.addi %mul3A_3115, %add3A_3176 : vector<16xi32>
        %gather3A_3178 = tpu.vector_load_idx %arg13[%add3A_3177] : memref<768xf32, #tpu.memory_space<vmem>>[vector<16xi32>], vector<16xf32>,
        %add3A_3179 = arith.addf %gather3A, %gather3A_3122 : vector<16xf32>
        %add3A_3180 = arith.addf %gather3A_3126, %gather3A_3130 : vector<16xf32>
        %add3A_3181 = arith.addf %gather3A_3134, %gather3A_3138 : vector<16xf32>
        %add3A_3182 = arith.addf %gather3A_3142, %gather3A_3146 : vector<16xf32>
        %add3A_3183 = arith.addf %gather3A_3150, %gather3A_3154 : vector<16xf32>
        %add3A_3184 = arith.addf %gather3A_3158, %gather3A_3162 : vector<16xf32>
        %add3A_3185 = arith.addf %gather3A_3166, %gather3A_3170 : vector<16xf32>
        %add3A_3186 = arith.addf %gather3A_3174, %gather3A_3178 : vector<16xf32>
        %add3A_3187 = arith.addf %add3A_3179, %add3A_3180 : vector<16xf32>
        %add3A_3188 = arith.addf %add3A_3181, %add3A_3182 : vector<16xf32>
        %add3A_3189 = arith.addf %add3A_3183, %add3A_3184 : vector<16xf32>
        %add3A_3190 = arith.addf %add3A_3185, %add3A_3186 : vector<16xf32>
        %add3A_3191 = arith.addf %add3A_3187, %add3A_3188 : vector<16xf32>
        %add3A_3192 = arith.addf %add3A_3189, %add3A_3190 : vector<16xf32>
        %add3A_3193 = arith.addf %add3A_3191, %add3A_3192 : vector<16xf32>
        %neg3A = arith.constant 0.000000e+00 : f32
        %neg3A_3194 = vector.broadcast %neg3A : f32 to vector<16xf32>
        %neg3A_3195 = arith.subf %neg3A_3194, %add3A_3193 : vector<16xf32>
        %select_n3A_3196 = arith.select %eq3A_23, %add3A_3193, %neg3A_3195 : vector<16xi1>, vector<16xf32>
        %abs3A = math.absf %select_n3A_3196 : vector<16xf32>
        %neg3A_3197 = arith.constant 0.000000e+00 : f32
        %neg3A_3198 = vector.broadcast %neg3A_3197 : f32 to vector<16xf32>
        %neg3A_3199 = arith.subf %neg3A_3198, %abs3A : vector<16xf32>
        %exp3A = math.exp %neg3A_3199 : vector<16xf32>
        %add3A_3200 = arith.constant 2.000000e+00 : f32
        %add3A_3201 = vector.broadcast %add3A_3200 : f32 to vector<16xf32>
        %add3A_3202 = arith.addf %add3A_3201, %exp3A : vector<16xf32>
        %div3A = arith.divf %exp3A, %add3A_3202 : vector<16xf32>
        %mul3A_3203 = arith.mulf %div3A, %div3A : vector<16xf32>
        %mul3A_3204 = arith.constant 2.000000e+00 : f32
        %mul3A_3205 = vector.broadcast %mul3A_3204 : f32 to vector<16xf32>
        %mul3A_3206 = arith.mulf %mul3A_3205, %div3A : vector<16xf32>
        %div3A_3207 = arith.constant 9.000000e+00 : f32
        %div3A_3208 = vector.broadcast %div3A_3207 : f32 to vector<16xf32>
        %div3A_3209 = arith.divf %mul3A_3203, %div3A_3208 : vector<16xf32>
        %add3A_3210 = arith.constant 0.142857149 : f32
        %add3A_3211 = vector.broadcast %add3A_3210 : f32 to vector<16xf32>
        %add3A_3212 = arith.addf %add3A_3211, %div3A_3209 : vector<16xf32>
        %mul3A_3213 = arith.mulf %mul3A_3203, %add3A_3212 : vector<16xf32>
        %add3A_3214 = arith.constant 2.000000e-01 : f32
        %add3A_3215 = vector.broadcast %add3A_3214 : f32 to vector<16xf32>
        %add3A_3216 = arith.addf %add3A_3215, %mul3A_3213 : vector<16xf32>
        %mul3A_3217 = arith.mulf %mul3A_3203, %add3A_3216 : vector<16xf32>
        %add3A_3218 = arith.constant 0.333333343 : f32
        %add3A_3219 = vector.broadcast %add3A_3218 : f32 to vector<16xf32>
        %add3A_3220 = arith.addf %add3A_3219, %mul3A_3217 : vector<16xf32>
        %mul3A_3221 = arith.mulf %mul3A_3203, %add3A_3220 : vector<16xf32>
        %add3A_3222 = arith.constant 1.000000e+00 : f32
        %add3A_3223 = vector.broadcast %add3A_3222 : f32 to vector<16xf32>
        %add3A_3224 = arith.addf %add3A_3223, %mul3A_3221 : vector<16xf32>
        %mul3A_3225 = arith.mulf %mul3A_3206, %add3A_3224 : vector<16xf32>
        %neg3A_3226 = arith.constant 0.000000e+00 : f32
        %neg3A_3227 = vector.broadcast %neg3A_3226 : f32 to vector<16xf32>
        %neg3A_3228 = arith.subf %neg3A_3227, %select_n3A_3196 : vector<16xf32>
        %max3A = arith.constant 0.000000e+00 : f32
        %max3A_3229 = vector.broadcast %max3A : f32 to vector<16xf32>
        %max3A_3230 = arith.maximumf %neg3A_3228, %max3A_3229 : vector<16xf32>
        %add3A_3231 = arith.addf %max3A_3230, %mul3A_3225 : vector<16xf32>
        %mul3A_3232 = arith.mulf %add3A_3231, %select_n3A_27 : vector<16xf32>
        %add3A_3233 = arith.addf %scan3A_292, %mul3A_3232 : vector<16xf32>
        %add3A_3234 = arith.constant 16 : i32
        %add3A_3235 = vector.broadcast %add3A_3234 : i32 to vector<16xi32>
        %add3A_3236 = arith.addi %add3A_3235, %iota3A : vector<16xi32>
        %mul3A_3237 = arith.constant 16 : i32
        %mul3A_3238 = vector.broadcast %mul3A_3237 : i32 to vector<16xi32>
        %mul3A_3239 = arith.muli %add3A_3236, %mul3A_3238 : vector<16xi32>
        %add3A_3240 = arith.constant 0 : i32
        %add3A_3241 = vector.broadcast %add3A_3240 : i32 to vector<16xi32>
        %add3A_3242 = arith.addi %mul3A_3239, %add3A_3241 : vector<16xi32>
        %gather3A_3243 = tpu.vector_load_idx %arg13[%add3A_3242] : memref<768xf32, #tpu.memory_space<vmem>>[vector<16xi32>], vector<16xf32>,
        %add3A_3244 = arith.constant 1 : i32
        %add3A_3245 = vector.broadcast %add3A_3244 : i32 to vector<16xi32>
        %add3A_3246 = arith.addi %mul3A_3239, %add3A_3245 : vector<16xi32>
        %gather3A_3247 = tpu.vector_load_idx %arg13[%add3A_3246] : memref<768xf32, #tpu.memory_space<vmem>>[vector<16xi32>], vector<16xf32>,
        %add3A_3248 = arith.constant 2 : i32
        %add3A_3249 = vector.broadcast %add3A_3248 : i32 to vector<16xi32>
        %add3A_3250 = arith.addi %mul3A_3239, %add3A_3249 : vector<16xi32>
        %gather3A_3251 = tpu.vector_load_idx %arg13[%add3A_3250] : memref<768xf32, #tpu.memory_space<vmem>>[vector<16xi32>], vector<16xf32>,
        %add3A_3252 = arith.constant 3 : i32
        %add3A_3253 = vector.broadcast %add3A_3252 : i32 to vector<16xi32>
        %add3A_3254 = arith.addi %mul3A_3239, %add3A_3253 : vector<16xi32>
        %gather3A_3255 = tpu.vector_load_idx %arg13[%add3A_3254] : memref<768xf32, #tpu.memory_space<vmem>>[vector<16xi32>], vector<16xf32>,
        %add3A_3256 = arith.constant 4 : i32
        %add3A_3257 = vector.broadcast %add3A_3256 : i32 to vector<16xi32>
        %add3A_3258 = arith.addi %mul3A_3239, %add3A_3257 : vector<16xi32>
        %gather3A_3259 = tpu.vector_load_idx %arg13[%add3A_3258] : memref<768xf32, #tpu.memory_space<vmem>>[vector<16xi32>], vector<16xf32>,
        %add3A_3260 = arith.constant 5 : i32
        %add3A_3261 = vector.broadcast %add3A_3260 : i32 to vector<16xi32>
        %add3A_3262 = arith.addi %mul3A_3239, %add3A_3261 : vector<16xi32>
        %gather3A_3263 = tpu.vector_load_idx %arg13[%add3A_3262] : memref<768xf32, #tpu.memory_space<vmem>>[vector<16xi32>], vector<16xf32>,
        %add3A_3264 = arith.constant 6 : i32
        %add3A_3265 = vector.broadcast %add3A_3264 : i32 to vector<16xi32>
        %add3A_3266 = arith.addi %mul3A_3239, %add3A_3265 : vector<16xi32>
        %gather3A_3267 = tpu.vector_load_idx %arg13[%add3A_3266] : memref<768xf32, #tpu.memory_space<vmem>>[vector<16xi32>], vector<16xf32>,
        %add3A_3268 = arith.constant 7 : i32
        %add3A_3269 = vector.broadcast %add3A_3268 : i32 to vector<16xi32>
        %add3A_3270 = arith.addi %mul3A_3239, %add3A_3269 : vector<16xi32>
        %gather3A_3271 = tpu.vector_load_idx %arg13[%add3A_3270] : memref<768xf32, #tpu.memory_space<vmem>>[vector<16xi32>], vector<16xf32>,
        %add3A_3272 = arith.constant 8 : i32
        %add3A_3273 = vector.broadcast %add3A_3272 : i32 to vector<16xi32>
        %add3A_3274 = arith.addi %mul3A_3239, %add3A_3273 : vector<16xi32>
        %gather3A_3275 = tpu.vector_load_idx %arg13[%add3A_3274] : memref<768xf32, #tpu.memory_space<vmem>>[vector<16xi32>], vector<16xf32>,
        %add3A_3276 = arith.constant 9 : i32
        %add3A_3277 = vector.broadcast %add3A_3276 : i32 to vector<16xi32>
        %add3A_3278 = arith.addi %mul3A_3239, %add3A_3277 : vector<16xi32>
        %gather3A_3279 = tpu.vector_load_idx %arg13[%add3A_3278] : memref<768xf32, #tpu.memory_space<vmem>>[vector<16xi32>], vector<16xf32>,
        %add3A_3280 = arith.constant 10 : i32
        %add3A_3281 = vector.broadcast %add3A_3280 : i32 to vector<16xi32>
        %add3A_3282 = arith.addi %mul3A_3239, %add3A_3281 : vector<16xi32>
        %gather3A_3283 = tpu.vector_load_idx %arg13[%add3A_3282] : memref<768xf32, #tpu.memory_space<vmem>>[vector<16xi32>], vector<16xf32>,
        %add3A_3284 = arith.constant 11 : i32
        %add3A_3285 = vector.broadcast %add3A_3284 : i32 to vector<16xi32>
        %add3A_3286 = arith.addi %mul3A_3239, %add3A_3285 : vector<16xi32>
        %gather3A_3287 = tpu.vector_load_idx %arg13[%add3A_3286] : memref<768xf32, #tpu.memory_space<vmem>>[vector<16xi32>], vector<16xf32>,
        %add3A_3288 = arith.constant 12 : i32
        %add3A_3289 = vector.broadcast %add3A_3288 : i32 to vector<16xi32>
        %add3A_3290 = arith.addi %mul3A_3239, %add3A_3289 : vector<16xi32>
        %gather3A_3291 = tpu.vector_load_idx %arg13[%add3A_3290] : memref<768xf32, #tpu.memory_space<vmem>>[vector<16xi32>], vector<16xf32>,
        %add3A_3292 = arith.constant 13 : i32
        %add3A_3293 = vector.broadcast %add3A_3292 : i32 to vector<16xi32>
        %add3A_3294 = arith.addi %mul3A_3239, %add3A_3293 : vector<16xi32>
        %gather3A_3295 = tpu.vector_load_idx %arg13[%add3A_3294] : memref<768xf32, #tpu.memory_space<vmem>>[vector<16xi32>], vector<16xf32>,
        %add3A_3296 = arith.constant 14 : i32
        %add3A_3297 = vector.broadcast %add3A_3296 : i32 to vector<16xi32>
        %add3A_3298 = arith.addi %mul3A_3239, %add3A_3297 : vector<16xi32>
        %gather3A_3299 = tpu.vector_load_idx %arg13[%add3A_3298] : memref<768xf32, #tpu.memory_space<vmem>>[vector<16xi32>], vector<16xf32>,
        %add3A_3300 = arith.constant 15 : i32
        %add3A_3301 = vector.broadcast %add3A_3300 : i32 to vector<16xi32>
        %add3A_3302 = arith.addi %mul3A_3239, %add3A_3301 : vector<16xi32>
        %gather3A_3303 = tpu.vector_load_idx %arg13[%add3A_3302] : memref<768xf32, #tpu.memory_space<vmem>>[vector<16xi32>], vector<16xf32>,
        %add3A_3304 = arith.addf %gather3A_3243, %gather3A_3247 : vector<16xf32>
        %add3A_3305 = arith.addf %gather3A_3251, %gather3A_3255 : vector<16xf32>
        %add3A_3306 = arith.addf %gather3A_3259, %gather3A_3263 : vector<16xf32>
        %add3A_3307 = arith.addf %gather3A_3267, %gather3A_3271 : vector<16xf32>
        %add3A_3308 = arith.addf %gather3A_3275, %gather3A_3279 : vector<16xf32>
        %add3A_3309 = arith.addf %gather3A_3283, %gather3A_3287 : vector<16xf32>
        %add3A_3310 = arith.addf %gather3A_3291, %gather3A_3295 : vector<16xf32>
        %add3A_3311 = arith.addf %gather3A_3299, %gather3A_3303 : vector<16xf32>
        %add3A_3312 = arith.addf %add3A_3304, %add3A_3305 : vector<16xf32>
        %add3A_3313 = arith.addf %add3A_3306, %add3A_3307 : vector<16xf32>
        %add3A_3314 = arith.addf %add3A_3308, %add3A_3309 : vector<16xf32>
        %add3A_3315 = arith.addf %add3A_3310, %add3A_3311 : vector<16xf32>
        %add3A_3316 = arith.addf %add3A_3312, %add3A_3313 : vector<16xf32>
        %add3A_3317 = arith.addf %add3A_3314, %add3A_3315 : vector<16xf32>
        %add3A_3318 = arith.addf %add3A_3316, %add3A_3317 : vector<16xf32>
        %neg3A_3319 = arith.constant 0.000000e+00 : f32
        %neg3A_3320 = vector.broadcast %neg3A_3319 : f32 to vector<16xf32>
        %neg3A_3321 = arith.subf %neg3A_3320, %add3A_3318 : vector<16xf32>
        %select_n3A_3322 = arith.select %eq3A_55, %add3A_3318, %neg3A_3321 : vector<16xi1>, vector<16xf32>
        %abs3A_3323 = math.absf %select_n3A_3322 : vector<16xf32>
        %neg3A_3324 = arith.constant 0.000000e+00 : f32
        %neg3A_3325 = vector.broadcast %neg3A_3324 : f32 to vector<16xf32>
        %neg3A_3326 = arith.subf %neg3A_3325, %abs3A_3323 : vector<16xf32>
        %exp3A_3327 = math.exp %neg3A_3326 : vector<16xf32>
        %add3A_3328 = arith.constant 2.000000e+00 : f32
        %add3A_3329 = vector.broadcast %add3A_3328 : f32 to vector<16xf32>
        %add3A_3330 = arith.addf %add3A_3329, %exp3A_3327 : vector<16xf32>
        %div3A_3331 = arith.divf %exp3A_3327, %add3A_3330 : vector<16xf32>
        %mul3A_3332 = arith.mulf %div3A_3331, %div3A_3331 : vector<16xf32>
        %mul3A_3333 = arith.constant 2.000000e+00 : f32
        %mul3A_3334 = vector.broadcast %mul3A_3333 : f32 to vector<16xf32>
        %mul3A_3335 = arith.mulf %mul3A_3334, %div3A_3331 : vector<16xf32>
        %div3A_3336 = arith.constant 9.000000e+00 : f32
        %div3A_3337 = vector.broadcast %div3A_3336 : f32 to vector<16xf32>
        %div3A_3338 = arith.divf %mul3A_3332, %div3A_3337 : vector<16xf32>
        %add3A_3339 = arith.constant 0.142857149 : f32
        %add3A_3340 = vector.broadcast %add3A_3339 : f32 to vector<16xf32>
        %add3A_3341 = arith.addf %add3A_3340, %div3A_3338 : vector<16xf32>
        %mul3A_3342 = arith.mulf %mul3A_3332, %add3A_3341 : vector<16xf32>
        %add3A_3343 = arith.constant 2.000000e-01 : f32
        %add3A_3344 = vector.broadcast %add3A_3343 : f32 to vector<16xf32>
        %add3A_3345 = arith.addf %add3A_3344, %mul3A_3342 : vector<16xf32>
        %mul3A_3346 = arith.mulf %mul3A_3332, %add3A_3345 : vector<16xf32>
        %add3A_3347 = arith.constant 0.333333343 : f32
        %add3A_3348 = vector.broadcast %add3A_3347 : f32 to vector<16xf32>
        %add3A_3349 = arith.addf %add3A_3348, %mul3A_3346 : vector<16xf32>
        %mul3A_3350 = arith.mulf %mul3A_3332, %add3A_3349 : vector<16xf32>
        %add3A_3351 = arith.constant 1.000000e+00 : f32
        %add3A_3352 = vector.broadcast %add3A_3351 : f32 to vector<16xf32>
        %add3A_3353 = arith.addf %add3A_3352, %mul3A_3350 : vector<16xf32>
        %mul3A_3354 = arith.mulf %mul3A_3335, %add3A_3353 : vector<16xf32>
        %neg3A_3355 = arith.constant 0.000000e+00 : f32
        %neg3A_3356 = vector.broadcast %neg3A_3355 : f32 to vector<16xf32>
        %neg3A_3357 = arith.subf %neg3A_3356, %select_n3A_3322 : vector<16xf32>
        %max3A_3358 = arith.constant 0.000000e+00 : f32
        %max3A_3359 = vector.broadcast %max3A_3358 : f32 to vector<16xf32>
        %max3A_3360 = arith.maximumf %neg3A_3357, %max3A_3359 : vector<16xf32>
        %add3A_3361 = arith.addf %max3A_3360, %mul3A_3354 : vector<16xf32>
        %mul3A_3362 = arith.mulf %add3A_3361, %select_n3A_60 : vector<16xf32>
        %add3A_3363 = arith.addf %add3A_3233, %mul3A_3362 : vector<16xf32>
        %add3A_3364 = arith.constant 32 : i32
        %add3A_3365 = vector.broadcast %add3A_3364 : i32 to vector<16xi32>
        %add3A_3366 = arith.addi %add3A_3365, %iota3A : vector<16xi32>
        %mul3A_3367 = arith.constant 16 : i32
        %mul3A_3368 = vector.broadcast %mul3A_3367 : i32 to vector<16xi32>
        %mul3A_3369 = arith.muli %add3A_3366, %mul3A_3368 : vector<16xi32>
        %add3A_3370 = arith.constant 0 : i32
        %add3A_3371 = vector.broadcast %add3A_3370 : i32 to vector<16xi32>
        %add3A_3372 = arith.addi %mul3A_3369, %add3A_3371 : vector<16xi32>
        %gather3A_3373 = tpu.vector_load_idx %arg13[%add3A_3372] : memref<768xf32, #tpu.memory_space<vmem>>[vector<16xi32>], vector<16xf32>,
        %add3A_3374 = arith.constant 1 : i32
        %add3A_3375 = vector.broadcast %add3A_3374 : i32 to vector<16xi32>
        %add3A_3376 = arith.addi %mul3A_3369, %add3A_3375 : vector<16xi32>
        %gather3A_3377 = tpu.vector_load_idx %arg13[%add3A_3376] : memref<768xf32, #tpu.memory_space<vmem>>[vector<16xi32>], vector<16xf32>,
        %add3A_3378 = arith.constant 2 : i32
        %add3A_3379 = vector.broadcast %add3A_3378 : i32 to vector<16xi32>
        %add3A_3380 = arith.addi %mul3A_3369, %add3A_3379 : vector<16xi32>
        %gather3A_3381 = tpu.vector_load_idx %arg13[%add3A_3380] : memref<768xf32, #tpu.memory_space<vmem>>[vector<16xi32>], vector<16xf32>,
        %add3A_3382 = arith.constant 3 : i32
        %add3A_3383 = vector.broadcast %add3A_3382 : i32 to vector<16xi32>
        %add3A_3384 = arith.addi %mul3A_3369, %add3A_3383 : vector<16xi32>
        %gather3A_3385 = tpu.vector_load_idx %arg13[%add3A_3384] : memref<768xf32, #tpu.memory_space<vmem>>[vector<16xi32>], vector<16xf32>,
        %add3A_3386 = arith.constant 4 : i32
        %add3A_3387 = vector.broadcast %add3A_3386 : i32 to vector<16xi32>
        %add3A_3388 = arith.addi %mul3A_3369, %add3A_3387 : vector<16xi32>
        %gather3A_3389 = tpu.vector_load_idx %arg13[%add3A_3388] : memref<768xf32, #tpu.memory_space<vmem>>[vector<16xi32>], vector<16xf32>,
        %add3A_3390 = arith.constant 5 : i32
        %add3A_3391 = vector.broadcast %add3A_3390 : i32 to vector<16xi32>
        %add3A_3392 = arith.addi %mul3A_3369, %add3A_3391 : vector<16xi32>
        %gather3A_3393 = tpu.vector_load_idx %arg13[%add3A_3392] : memref<768xf32, #tpu.memory_space<vmem>>[vector<16xi32>], vector<16xf32>,
        %add3A_3394 = arith.constant 6 : i32
        %add3A_3395 = vector.broadcast %add3A_3394 : i32 to vector<16xi32>
        %add3A_3396 = arith.addi %mul3A_3369, %add3A_3395 : vector<16xi32>
        %gather3A_3397 = tpu.vector_load_idx %arg13[%add3A_3396] : memref<768xf32, #tpu.memory_space<vmem>>[vector<16xi32>], vector<16xf32>,
        %add3A_3398 = arith.constant 7 : i32
        %add3A_3399 = vector.broadcast %add3A_3398 : i32 to vector<16xi32>
        %add3A_3400 = arith.addi %mul3A_3369, %add3A_3399 : vector<16xi32>
        %gather3A_3401 = tpu.vector_load_idx %arg13[%add3A_3400] : memref<768xf32, #tpu.memory_space<vmem>>[vector<16xi32>], vector<16xf32>,
        %add3A_3402 = arith.constant 8 : i32
        %add3A_3403 = vector.broadcast %add3A_3402 : i32 to vector<16xi32>
        %add3A_3404 = arith.addi %mul3A_3369, %add3A_3403 : vector<16xi32>
        %gather3A_3405 = tpu.vector_load_idx %arg13[%add3A_3404] : memref<768xf32, #tpu.memory_space<vmem>>[vector<16xi32>], vector<16xf32>,
        %add3A_3406 = arith.constant 9 : i32
        %add3A_3407 = vector.broadcast %add3A_3406 : i32 to vector<16xi32>
        %add3A_3408 = arith.addi %mul3A_3369, %add3A_3407 : vector<16xi32>
        %gather3A_3409 = tpu.vector_load_idx %arg13[%add3A_3408] : memref<768xf32, #tpu.memory_space<vmem>>[vector<16xi32>], vector<16xf32>,
        %add3A_3410 = arith.constant 10 : i32
        %add3A_3411 = vector.broadcast %add3A_3410 : i32 to vector<16xi32>
        %add3A_3412 = arith.addi %mul3A_3369, %add3A_3411 : vector<16xi32>
        %gather3A_3413 = tpu.vector_load_idx %arg13[%add3A_3412] : memref<768xf32, #tpu.memory_space<vmem>>[vector<16xi32>], vector<16xf32>,
        %add3A_3414 = arith.constant 11 : i32
        %add3A_3415 = vector.broadcast %add3A_3414 : i32 to vector<16xi32>
        %add3A_3416 = arith.addi %mul3A_3369, %add3A_3415 : vector<16xi32>
        %gather3A_3417 = tpu.vector_load_idx %arg13[%add3A_3416] : memref<768xf32, #tpu.memory_space<vmem>>[vector<16xi32>], vector<16xf32>,
        %add3A_3418 = arith.constant 12 : i32
        %add3A_3419 = vector.broadcast %add3A_3418 : i32 to vector<16xi32>
        %add3A_3420 = arith.addi %mul3A_3369, %add3A_3419 : vector<16xi32>
        %gather3A_3421 = tpu.vector_load_idx %arg13[%add3A_3420] : memref<768xf32, #tpu.memory_space<vmem>>[vector<16xi32>], vector<16xf32>,
        %add3A_3422 = arith.constant 13 : i32
        %add3A_3423 = vector.broadcast %add3A_3422 : i32 to vector<16xi32>
        %add3A_3424 = arith.addi %mul3A_3369, %add3A_3423 : vector<16xi32>
        %gather3A_3425 = tpu.vector_load_idx %arg13[%add3A_3424] : memref<768xf32, #tpu.memory_space<vmem>>[vector<16xi32>], vector<16xf32>,
        %add3A_3426 = arith.constant 14 : i32
        %add3A_3427 = vector.broadcast %add3A_3426 : i32 to vector<16xi32>
        %add3A_3428 = arith.addi %mul3A_3369, %add3A_3427 : vector<16xi32>
        %gather3A_3429 = tpu.vector_load_idx %arg13[%add3A_3428] : memref<768xf32, #tpu.memory_space<vmem>>[vector<16xi32>], vector<16xf32>,
        %add3A_3430 = arith.constant 15 : i32
        %add3A_3431 = vector.broadcast %add3A_3430 : i32 to vector<16xi32>
        %add3A_3432 = arith.addi %mul3A_3369, %add3A_3431 : vector<16xi32>
        %gather3A_3433 = tpu.vector_load_idx %arg13[%add3A_3432] : memref<768xf32, #tpu.memory_space<vmem>>[vector<16xi32>], vector<16xf32>,
        %add3A_3434 = arith.addf %gather3A_3373, %gather3A_3377 : vector<16xf32>
        %add3A_3435 = arith.addf %gather3A_3381, %gather3A_3385 : vector<16xf32>
        %add3A_3436 = arith.addf %gather3A_3389, %gather3A_3393 : vector<16xf32>
        %add3A_3437 = arith.addf %gather3A_3397, %gather3A_3401 : vector<16xf32>
        %add3A_3438 = arith.addf %gather3A_3405, %gather3A_3409 : vector<16xf32>
        %add3A_3439 = arith.addf %gather3A_3413, %gather3A_3417 : vector<16xf32>
        %add3A_3440 = arith.addf %gather3A_3421, %gather3A_3425 : vector<16xf32>
        %add3A_3441 = arith.addf %gather3A_3429, %gather3A_3433 : vector<16xf32>
        %add3A_3442 = arith.addf %add3A_3434, %add3A_3435 : vector<16xf32>
        %add3A_3443 = arith.addf %add3A_3436, %add3A_3437 : vector<16xf32>
        %add3A_3444 = arith.addf %add3A_3438, %add3A_3439 : vector<16xf32>
        %add3A_3445 = arith.addf %add3A_3440, %add3A_3441 : vector<16xf32>
        %add3A_3446 = arith.addf %add3A_3442, %add3A_3443 : vector<16xf32>
        %add3A_3447 = arith.addf %add3A_3444, %add3A_3445 : vector<16xf32>
        %add3A_3448 = arith.addf %add3A_3446, %add3A_3447 : vector<16xf32>
        %neg3A_3449 = arith.constant 0.000000e+00 : f32
        %neg3A_3450 = vector.broadcast %neg3A_3449 : f32 to vector<16xf32>
        %neg3A_3451 = arith.subf %neg3A_3450, %add3A_3448 : vector<16xf32>
        %select_n3A_3452 = arith.select %eq3A_88, %add3A_3448, %neg3A_3451 : vector<16xi1>, vector<16xf32>
        %abs3A_3453 = math.absf %select_n3A_3452 : vector<16xf32>
        %neg3A_3454 = arith.constant 0.000000e+00 : f32
        %neg3A_3455 = vector.broadcast %neg3A_3454 : f32 to vector<16xf32>
        %neg3A_3456 = arith.subf %neg3A_3455, %abs3A_3453 : vector<16xf32>
        %exp3A_3457 = math.exp %neg3A_3456 : vector<16xf32>
        %add3A_3458 = arith.constant 2.000000e+00 : f32
        %add3A_3459 = vector.broadcast %add3A_3458 : f32 to vector<16xf32>
        %add3A_3460 = arith.addf %add3A_3459, %exp3A_3457 : vector<16xf32>
        %div3A_3461 = arith.divf %exp3A_3457, %add3A_3460 : vector<16xf32>
        %mul3A_3462 = arith.mulf %div3A_3461, %div3A_3461 : vector<16xf32>
        %mul3A_3463 = arith.constant 2.000000e+00 : f32
        %mul3A_3464 = vector.broadcast %mul3A_3463 : f32 to vector<16xf32>
        %mul3A_3465 = arith.mulf %mul3A_3464, %div3A_3461 : vector<16xf32>
        %div3A_3466 = arith.constant 9.000000e+00 : f32
        %div3A_3467 = vector.broadcast %div3A_3466 : f32 to vector<16xf32>
        %div3A_3468 = arith.divf %mul3A_3462, %div3A_3467 : vector<16xf32>
        %add3A_3469 = arith.constant 0.142857149 : f32
        %add3A_3470 = vector.broadcast %add3A_3469 : f32 to vector<16xf32>
        %add3A_3471 = arith.addf %add3A_3470, %div3A_3468 : vector<16xf32>
        %mul3A_3472 = arith.mulf %mul3A_3462, %add3A_3471 : vector<16xf32>
        %add3A_3473 = arith.constant 2.000000e-01 : f32
        %add3A_3474 = vector.broadcast %add3A_3473 : f32 to vector<16xf32>
        %add3A_3475 = arith.addf %add3A_3474, %mul3A_3472 : vector<16xf32>
        %mul3A_3476 = arith.mulf %mul3A_3462, %add3A_3475 : vector<16xf32>
        %add3A_3477 = arith.constant 0.333333343 : f32
        %add3A_3478 = vector.broadcast %add3A_3477 : f32 to vector<16xf32>
        %add3A_3479 = arith.addf %add3A_3478, %mul3A_3476 : vector<16xf32>
        %mul3A_3480 = arith.mulf %mul3A_3462, %add3A_3479 : vector<16xf32>
        %add3A_3481 = arith.constant 1.000000e+00 : f32
        %add3A_3482 = vector.broadcast %add3A_3481 : f32 to vector<16xf32>
        %add3A_3483 = arith.addf %add3A_3482, %mul3A_3480 : vector<16xf32>
        %mul3A_3484 = arith.mulf %mul3A_3465, %add3A_3483 : vector<16xf32>
        %neg3A_3485 = arith.constant 0.000000e+00 : f32
        %neg3A_3486 = vector.broadcast %neg3A_3485 : f32 to vector<16xf32>
        %neg3A_3487 = arith.subf %neg3A_3486, %select_n3A_3452 : vector<16xf32>
        %max3A_3488 = arith.constant 0.000000e+00 : f32
        %max3A_3489 = vector.broadcast %max3A_3488 : f32 to vector<16xf32>
        %max3A_3490 = arith.maximumf %neg3A_3487, %max3A_3489 : vector<16xf32>
        %add3A_3491 = arith.addf %max3A_3490, %mul3A_3484 : vector<16xf32>
        %mul3A_3492 = arith.mulf %add3A_3491, %select_n3A_93 : vector<16xf32>
        %add3A_3493 = arith.addf %add3A_3363, %mul3A_3492 : vector<16xf32>
        scf.yield %add3A_3493 : vector<16xf32>
      }
      %scan3A_290 = arith.constant 8 : i32
      scf.yield %scan3A_289 : vector<16xf32>
    }
    %scan3A_183 = arith.constant 8 : i32
    %swap3A = arith.constant 0 : index
    %swap3A_184 = tpu.vector_load %arg12[%swap3A] {strides = array<i32>} : memref<16xf32, #tpu.memory_space<vmem>>, vector<16xf32>,
    tpu.vector_store %arg12[%swap3A], %scan3A_182 {strides = array<i32>} : memref<16xf32, #tpu.memory_space<vmem>>, vector<16xf32>,
    %mul3A_185 = arith.constant 16 : i32
    %mul3A_186 = arith.muli %add3A, %mul3A_185 : i32
    "tpu.region"() ({
      %run_scoped3A = tpu.sem_alloc : memref<!tpu.dma_semaphore, #tpu.memory_space<semaphore_mem>>
      %dma_start3A_187 = tpu.memref_slice %arg6[%mul3A_186] : memref<512xf32, #tpu.memory_space<hbm>> -> memref<16xf32, #tpu.memory_space<hbm>>
      %dma_start3A_188 = tpu.memref_slice %arg6[%mul3A_186] : memref<512xf32, #tpu.memory_space<hbm>> -> memref<16xf32, #tpu.memory_space<hbm>>
      tpu.enqueue_dma source(%arg12 : memref<16xf32, #tpu.memory_space<vmem>>) target(%dma_start3A_188 : memref<16xf32, #tpu.memory_space<hbm>>) target_semaphore(%run_scoped3A : memref<!tpu.dma_semaphore, #tpu.memory_space<semaphore_mem>>)
      %dma_wait3A = tpu.memref_slice %arg6[%mul3A_186] : memref<512xf32, #tpu.memory_space<hbm>> -> memref<16xf32, #tpu.memory_space<hbm>>
      %dma_wait3A_189 = tpu.memref_slice %arg6[%mul3A_186] : memref<512xf32, #tpu.memory_space<hbm>> -> memref<16xf32, #tpu.memory_space<hbm>>
      tpu.wait_dma2 semaphore(%run_scoped3A : memref<!tpu.dma_semaphore, #tpu.memory_space<semaphore_mem>>) src(%arg12 : memref<16xf32, #tpu.memory_space<vmem>>) dst(%dma_wait3A_189 : memref<16xf32, #tpu.memory_space<hbm>>)
      tpu.yield
    }) : () -> ()
    return
  }
}

module attributes {stable_mosaic.version = 14 : i64} {
  func.func @_sum_body(%arg0: memref<4x128xf32, #tpu.memory_space<vmem>>, %arg1: memref<1x1xf32, #tpu.memory_space<smem>>) attributes {dimension_semantics = [], scalar_prefetch = 0 : i64, scratch_operands = 0 : i64, tpu.core_type = #tpu.core_type<tc>} {
    %get3A = arith.constant 0 : index
    %get3A_0 = arith.constant 0 : index
    %get3A_1 = vector.load %arg0[%get3A, %get3A_0] : memref<4x128xf32, #tpu.memory_space<vmem>>, vector<4x128xf32>
    %reduce_sum3A = vector.shape_cast %get3A_1 : vector<4x128xf32> to vector<1x4x128xf32>
    %reduce_sum3A_2 = arith.constant dense<0.000000e+00> : vector<1xf32>
    %reduce_sum3A_3 = vector.multi_reduction <add>, %reduce_sum3A, %reduce_sum3A_2 [1, 2] : vector<1x4x128xf32> to vector<1xf32>
    %reduce_sum3A_4 = vector.shape_cast %reduce_sum3A_3 : vector<1xf32> to vector<1x1x1xf32>
    %reduce_sum3A_5 = vector.extract %reduce_sum3A_4[0, 0, 0] : f32 from vector<1x1x1xf32>
    %swap3A = arith.constant 0 : index
    %swap3A_6 = arith.constant 0 : index
    %swap3A_7 = memref.load %arg1[%swap3A, %swap3A_6] : memref<1x1xf32, #tpu.memory_space<smem>>
    memref.store %reduce_sum3A_5, %arg1[%swap3A, %swap3A_6] : memref<1x1xf32, #tpu.memory_space<smem>>
    return
  }
}

</mosaic_0001>

<sc_bundles>
// kernel: kernel.4.cloned.1.call-start
scs
__scs_entry_jumppad:
0x0: {  	(pc) =	sbr.rel $0x88, $3  }
0x1: {  	(tag) =	ssettag $0x0;
	lr =	simm.s32 $0x1  }
0x2: {  	[smem:$0x3F9D] =	sst lr;
	_ =	strace $0xD0000000  }
0x3: {  	_ = 	snop  }
0x4: {  	_ = 	snop  }
0x5: {  	_ = 	snop  }
0x6: {  	_ = 	snop  }
0x7: {  	_ = 	snop  }
__scs_overlays_trampoline_lowered:
0x8: {  	[smem:$0x3FAC] =	sst s0  }
0x9: {  	[smem:$0x3FAD] =	sst s1  }
0xa: {  	[smem:$0x3FAE] =	sst s2  }
0xb: {  	[smem:$0x3FAF] =	sst s3  }
0xc: {  	[smem:$0x3FB0] =	sst s4  }
0xd: {  	[smem:$0x3FB1] =	sst s5  }
0xe: {  	[smem:$0x3FB2] =	sst s6  }
0xf: {  	[smem:$0x3FB3] =	sst s7  }
0x10: {  	[smem:$0x3FB4] =	sst s8  }
0x11: {  	[smem:$0x3FB5] =	sst s9;
	s0 =	simm.s32 @!p0 $0x0  }
0x12: {  	s1 =	sld [smem:$0x3F9B];
	s0 =	simm.s32 @p0 $0x1  }
0x13: {  	[smem:$0x3FB6] =	sst s0;
	s0 =	simm.s32 @!p1 $0x0  }
0x14: {  	s2 =	sld [smem:$0x3F9A];
	s0 =	simm.s32 @p1 $0x1  }
0x15: {  	[smem:$0x3FB7] =	sst s0;
	s0 =	simm.s32 @!p2 $0x0  }
0x16: {  	s3 =	sld [smem:$0x3FDB];
	s0 =	simm.s32 @p2 $0x1  }
0x17: {  	s4 =	simm.s32 $0x1BF5;
	[smem:$0x3FB9] =	sst s0  }
0x18: {  	s0 =	sld [smem:$0x3F9C];
	_ =	swait.ge [sflag:s4], $0x0  }
0x19: {  	s7 =	sld [smem:$0x3F9D]  }
0x1a: {  	s8 =	sadd.s32 $0xFFFFE003, lr  }
0x1b: {  	s9 =	sadd.s32 $0xFFFFFEF7, lr;
	s5 =	simm.s32 $0xFFFFFFFF;
	p2 =	slt.u32 s8, $0xFFFFF086  }
0x1c: {  	p1 =	slt.u32 s9, $0xF7A;
	s5 =	simm.s32 @!p2 $0x0  }
0x1d: {  	s5 =	simm.s32 @p1 $0x1;
	p0 =	seq.s32 s7, s2  }
0x1e: {  	s7 =	smul.u32 @!p0 $0xF7A, s2;
	p2 =	seq.s32 @!p0 s5, $0x0  }
0x1f: {  	s9 =	smul.u32 $0xF7A, s1;
	s8 =	simm.s32 @!p0 $0x1BF5;
	p2 =	por !p2, p0  }
0x20: {  	[sflag:s8] =	ssyncset.s32 @!p0 $0xFFFFF086;
	s6 =	sadd.s32 @!p0 s3, s7;
	s7 =	simm.s32 @!p0 $0x108  }
0x21: {  	s3 =	sadd.s32 s3, s9;
	s6 =	sadd.s32 @!p0 $0x88, s6;
	s7 =	simm.s32 @p2 $0x1082  }
0x22: {  	[simem:s7], [sflag:s8] =	dma.local @!p0 [hbm:s6], $0xF7A  }
0x23: {  	s9 =	sor.u32 $0xD0000000, s2;
	s6 =	simm.s32 $0x108;
	_ =	swait.ge @!p0 [sflag:s8], $0x0  }
0x24: {  	s3 =	sadd.s32 $0x88, s3;
	s6 =	simm.s32 @!p1 $0x1082;
	[sflag:s4] =	ssyncset.s32 $0xFFFFF086  }
0x25: {  	[simem:s6], [sflag:s4] =	dma.local [hbm:s3], $0xF7A  }
0x26: {  	[smem:$0x3F9D] =	sst s1;
	(tag) =	ssettag s2;
	_ =	strace s9  }
0x27: {  	s1 =	sld [smem:$0x3FAD]  }
0x28: {  	s2 =	sld [smem:$0x3FAE]  }
0x29: {  	s4 =	sld [smem:$0x3FB0]  }
0x2a: {  	p0 =	seq.s32 s5, $0x0;
	s5 =	sld [smem:$0x3FB1]  }
0x2b: {  	s6 =	sld [smem:$0x3FB2]  }
0x2c: {  	s7 =	sld [smem:$0x3FB3]  }
0x2d: {  	s3 =	simm.s32 $0x108;
	s8 =	sld [smem:$0x3FB4]  }
0x2e: {  	s3 =	simm.s32 @!p0 $0x1082;
	s9 =	sld [smem:$0x3FB5]  }
0x2f: {  	lr =	sadd.s32 s0, s3;
	s0 =	sld [smem:$0x3FAC]  }
0x30: {  	s3 =	sld [smem:$0x3FAF]  }
0x31: {  	[smem:$0x3FB8] =	sst s10  }
0x32: {  	s10 =	sld [smem:$0x3FB6];
	_ =	sdelay $0x3  }
0x33: {  	p0 =	seq.s32 s10, $0x1;
	s10 =	sld [smem:$0x3FB8];
	_ =	sdelay $0x3  }
0x34: {  	[smem:$0x3FB8] =	sst s10  }
0x35: {  	s10 =	sld [smem:$0x3FB7];
	_ =	sdelay $0x3  }
0x36: {  	p1 =	seq.s32 s10, $0x1;
	s10 =	sld [smem:$0x3FB8];
	_ =	sdelay $0x3  }
0x37: {  	[smem:$0x3FB8] =	sst s10  }
0x38: {  	s10 =	sld [smem:$0x3FB9]  }
0x39: {  	_ = 	snop;
	(pc) =	sbr.ind lr, $3  }
0x3a: {  	_ = 	snop  }
0x3b: {  	_ = 	snop  }
0x3c: {  	p2 =	seq.s32 s10, $0x1;
	s10 =	sld [smem:$0x3FB8]  }
0x3d: {  	_ =	shalt  }
0x3e: {  	_ =	shalt  }
0x3f: {  	_ =	shalt  }
0x40: {  	_ =	shalt  }
0x41: {  	_ =	shalt  }
0x42: {  	_ =	shalt  }
0x43: {  	_ =	shalt  }
0x44: {  	_ =	shalt  }
0x45: {  	_ =	shalt  }
0x46: {  	_ =	shalt  }
0x47: {  	_ =	shalt  }
0x48: {  	_ =	shalt  }
0x49: {  	_ =	shalt  }
0x4a: {  	_ =	shalt  }
0x4b: {  	_ =	shalt  }
0x4c: {  	_ =	shalt  }
0x4d: {  	_ =	shalt  }
0x4e: {  	_ =	shalt  }
0x4f: {  	_ =	shalt  }
0x50: {  	_ =	shalt  }
0x51: {  	_ =	shalt  }
0x52: {  	_ =	shalt  }
0x53: {  	_ =	shalt  }
0x54: {  	_ =	shalt  }
0x55: {  	_ =	shalt  }
0x56: {  	_ =	shalt  }
0x57: {  	_ =	shalt  }
0x58: {  	_ =	shalt  }
0x59: {  	_ =	shalt  }
0x5a: {  	_ =	shalt  }
0x5b: {  	_ =	shalt  }
0x5c: {  	_ =	shalt  }
0x5d: {  	_ =	shalt  }
0x5e: {  	_ =	shalt  }
0x5f: {  	_ =	shalt  }
0x60: {  	_ =	shalt  }
0x61: {  	_ =	shalt  }
0x62: {  	_ =	shalt  }
0x63: {  	_ =	shalt  }
0x64: {  	_ =	shalt  }
0x65: {  	_ =	shalt  }
0x66: {  	_ =	shalt  }
0x67: {  	_ =	shalt  }
0x68: {  	_ =	shalt  }
0x69: {  	_ =	shalt  }
0x6a: {  	_ =	shalt  }
0x6b: {  	_ =	shalt  }
0x6c: {  	_ =	shalt  }
0x6d: {  	_ =	shalt  }
0x6e: {  	_ =	shalt  }
0x6f: {  	_ =	shalt  }
0x70: {  	_ =	shalt  }
0x71: {  	_ =	shalt  }
0x72: {  	_ =	shalt  }
0x73: {  	_ =	shalt  }
0x74: {  	_ =	shalt  }
0x75: {  	_ =	shalt  }
0x76: {  	_ =	shalt  }
0x77: {  	_ =	shalt  }
0x78: {  	_ =	shalt  }
0x79: {  	_ =	shalt  }
0x7a: {  	_ =	shalt  }
0x7b: {  	_ =	shalt  }
0x7c: {  	_ =	shalt  }
0x7d: {  	_ =	shalt  }
0x7e: {  	_ =	shalt  }
0x7f: {  	_ =	shalt  }
0x80: {  	_ =	shalt  }
0x81: {  	_ =	shalt  }
0x82: {  	_ =	shalt  }
0x83: {  	_ =	shalt  }
0x84: {  	_ =	shalt  }
0x85: {  	_ =	shalt  }
0x86: {  	_ =	shalt  }
0x87: {  	_ =	shalt  }
.Lfunc_end0:
.L_simem_size_0:
called_computation_lowered:
.L_overlay_start_0:
0x88: {  	s2 =	sld [smem:$0x3FD9]  }
0x89: {  	s3 =	sld [smem:$0x3FFE];
	_ =	sdelay $0x1  }
0x8a: {  	s1 =	srdreg.scid  }
0x8b: {  	s0 =	sand.u32 $0x1, s1  }
0x8c: {  	s17 =	sshll.u32 s0, $0xA;
	s2 =	sadd.s32 s3, s2  }
0x8d: {  	s2 =	sadd.s32 s2, s17  }
0x8e: {  	[smem:$0x3FC4] =	sst s2  }
0x8f: {  	_ = 	snop  }
0x90: {  	s2 =	sld [smem:$0x3FC9]  }
0x91: {  	s18 =	sld [smem:$0x3FC7]  }
0x92: {  	s4 =	sld [smem:$0x3FC6];
	(tm) =	ssettm $0x1  }
0x93: {  	s5 =	sld [smem:$0x3FFB];
	_ =	sdelay $0x3  }
0x94: {  	_ =	strace s5  }
0x95: {  	s5 =	sld [smem:$0x3FFC];
	_ =	sdelay $0x3  }
0x96: {  	_ =	strace s5  }
0x97: {  	s5 =	sld [smem:$0x3FFD];
	_ =	sdelay $0x3  }
0x98: {  	_ =	strace s5  }
0x99: {  	_ =	strace $0x8FFFFFFF  }
0x9a: {  	s19 =	sld [smem:$0x3FDB];
	_ =	sdelay $0x1  }
0x9b: {  	s6 =	simm.s32 $_scs_section_size  }
0x9c: {  	s7 =	simm.s32 $_size__tile_overlayer_lowered;
	s8 =	simm.s32 $_tile_overlayer_lowered  }
0x9d: {  	s22 =	simm.s32 $0x1BFF;
	s21 =	sshll.u32 s8, $0x1;
	s5 =	sadd.s32 s6, s19  }
0x9e: {  	s9 =	simm.s32 $0x0;
	s20 =	sshll.u32 s7, $0x1;
	s7 =	sadd.s32 s21, s5  }
0x9f: {  	[timem:s9], [sflag:s22] =	dma.local [hbm:s7], s20  }
0xa0: {  	_ =	swait.ge [sflag:s22], s20  }
0xa1: {  	s6 =	ssub.s32 $0x0, s20;
	[sflag:s22] =	ssyncset.done $0x0  }
0xa2: {  	[sflag:s22] =	ssyncadd.s32 s6;
	_ =	sdelay $0x1  }
0xa3: {  	s23 =	simm.s32 $0x1B8B  }
0xa4: {  	_ =	swait.ge [sflag:s23], $0x1  }
0xa5: {  	[sflag:s23] =	ssyncset.done $0x0  }
0xa6: {  	s25 =	simm.s32 $0x1B8E;
	s24 =	sld [smem:$0x3FFE];
	[sflag:s23] =	ssyncadd.s32 $0xFFFFFFFF  }
0xa7: {  	s26 =	simm.s32 $execute0_lowered;
	[smem:$0x3FD2] =	sst s25  }
0xa8: {  	s7 =	sshll.u32 s26, $0x1;
	_ =	strace $0x80000046;
	[dreg:$0x1] =	wrdreg $0xFFFFFFFF  }
0xa9: {  	s28 =	simm.s32 $_size_execute0_lowered;
	s5 =	sadd.s32 s5, s7;
	[dreg:$0x0] =	wrdreg $0x0  }
0xaa: {  	s7 =	sshll.u32 s28, $0x1;
	[dreg:$0x2] =	wrdreg s5  }
0xab: {  	[dreg:$0x3] =	wrdreg s7  }
0xac: {  	[dreg:$0x4] =	wrdreg $0xC0  }
0xad: {  	_ =	task [dreg:s9], $0x5FFFF  }
0xae: {  	[dreg:$0x1] =	wrdreg $0xFFFFFFFF  }
0xaf: {  	[dreg:$0x0] =	wrdreg $0x60  }
0xb0: {  	[dreg:$0x2] =	wrdreg s2  }
0xb1: {  	[dreg:$0x3] =	wrdreg s24  }
0xb2: {  	[dreg:$0x4] =	wrdreg s18  }
0xb3: {  	[dreg:$0x5] =	wrdreg s4  }
0xb4: {  	[dreg:$0x6] =	wrdreg $0x9  }
0xb5: {  	_ =	task.clear_ibuf [dreg:s9], $0x7FFFF;
	_ =	strace $0x90000046  }
0xb6: {  	s29 =	simm.s32 $0x9;
	_ =	strace $0x80000048  }
0xb7: {  	_ =	swait.ge [sflag:s29], $0x1  }
0xb8: {  	[sflag:s29] =	ssyncadd.s32 $0xFFFFFFFF  }
0xb9: {  	_ =	strace $0x90000048  }
0xba: {  	_ =	sfence  }
0xbb: {  	s30 =	sld [smem:$0x0];
	_ =	sdelay $0x2  }
0xbc: {  	s31 =	sshll.u32 s1, $0xD;
	s1 =	sshrl.u32 s1, $0x2  }
0xbd: {  	s3 =	sand.u32 $0x4000, s31;
	s1 =	sadd.s32 s1, s30  }
0xbe: {  	s0 =	sor.u32 s3, s0;
	s1 =	sshll.u32 s1, $0x11  }
0xbf: {  	s0 =	sor.u32 s1, s0  }
0xc0: {  	s0 =	sadd.s32 $0x8F2B, s0  }
0xc1: {  	[sflag:s0] =	ssyncadd.remote.s32 $0x1  }
0xc2: {  	_ =	sfence.sel $0xFFFF  }
0xc3: {  	[dreg:$0x0] =	wrdreg $0xFFFFFFFF;
	(pc) =	sbr.abs _section_cstart, $3  }
0xc4: {  	[dreg:$0x1] =	wrdreg $0xFFFFFFFF  }
0xc5: {  	_ =	task.clear_ibuf [dreg:s9], $0x2FFFF;
	_ =	strace $0x9FFFFFFF  }
0xc6: {  	(tm) =	ssettm $0x7FFFFFFF  }
0xc7: {  	_ =	shalt  }
tec
execute0_lowered:
.L_overlay_start_1:
0x0: {  	(tag) =	ssettag $0x1  }
0x1: {  	s5 =	rddreg [dreg:$0x0]  }
0x2: {  	s6 =	rddreg [dreg:$0x1]  }
0x3: {  	s1 =	rddreg [dreg:$0x2];
	s3 =	simm.s32 $0x0;
	v0 =	vlaneseq.u32  }
0x4: {  	v1 =	vimm.f32 $9.000000000e+00;
	v2 =	vimm.s32 $0x0;
	[smem:$0x7FF] =	sst s3;
	v11 =	vmul.u32 $0x10, v0  }
0x5: {  	s2 =	rddreg [dreg:$0x3];
	vm1 =	vcmask $0x1B18;
	vm0 =	vcmask $0x300;
	vm3 =	vcmask $0x3330;
	_ =	strace $0x80000047  }
0x6: {  	vm2 =	vmor vm0, vm1;
	(erf) = vrcp.f32 v1;
	v12 =	vor.u32 $0x1, v11  }
0x7: {  	v13 =	vor.u32 $0x2, v11;
	v14 =	vor.u32 $0x3, v11;
	v15 =	vor.u32 $0x4, v11  }
0x8: {  	v16 =	vor.u32 $0x5, v11;
	v17 =	vor.u32 $0x6, v11;
	v19 =	vor.u32 $0x7, v11  }
0x9: {  	v20 =	vor.u32 $0x8, v11;
	v50 =	vor.u32 $0x9, v11;
	v22 =	vor.u32 $0xA, v11  }
0xa: {  	v23 =	vor.u32 $0xB, v11;
	v40 =	vor.u32 $0xC, v11;
	v25 =	vor.u32 $0xD, v11  }
0xb: {  	v26 =	vor.u32 $0xE, v11;
	v1 =	vimm.f32 $1.220703140e-05;
	v27 =	vor.u32 $0xF, v11  }
0xc: {  	v28 =	vor.u32 $0x100, v11;
	v29 =	vor.u32 $0x101, v11;
	v30 =	vor.u32 $0x102, v11  }
0xd: {  	v36 =	vor.u32 $0x103, v11;
	v37 =	vor.u32 $0x104, v11;
	v60 =	vor.u32 $0x204, v11  }
0xe: {  	v39 =	vor.u32 $0x105, v11;
	v41 =	vor.u32 $0x106, v11;
	v59 =	vor.u32 $0x206, v11;
	[tilespmem:$0x1FF00] =	vst v60  }
0xf: {  	v38 =	vor.u32 $0x107, v11;
	v43 =	vor.u32 $0x108, v11;
	v44 =	vor.u32 $0x109, v11;
	[tilespmem:$0x1FF10] =	vst v59  }
0x10: {  	v45 =	vor.u32 $0x10A, v11;
	v46 =	vor.u32 $0x10B, v11;
	v47 =	vor.u32 $0x10C, v11;
	[tilespmem:$0x1FF20] =	vst v41  }
0x11: {  	v48 =	vor.u32 $0x10D, v11;
	v49 =	vor.u32 $0x10E, v11;
	v51 =	vor.u32 $0x10F, v11;
	[tilespmem:$0x1FF30] =	vst v38  }
0x12: {  	v53 =	vor.u32 $0x200, v11;
	v3 =	vor.u32 $0x203, v11;
	v4 =	vor.u32 $0x205, v11;
	[tilespmem:$0x1FF40] =	vst v43  }
0x13: {  	s0 =	srdreg.scid;
	v5 =	vor.u32 $0x207, v11;
	v6 =	vor.u32 $0x208, v11;
	v7 =	vor.u32 $0x209, v11;
	[tilespmem:$0x1FF50] =	vst v3  }
0x14: {  	s4 =	stileid.u32;
	s11 =	simm.s32 $0x40;
	s12 =	simm.s32 $0x2E00;
	v8 =	vor.u32 $0x20A, v11;
	v9 =	vor.u32 $0x20B, v11;
	v10 =	vor.u32 $0x20C, v11;
	[tilespmem:$0x1FF60] =	vst v4  }
0x15: {  	s14 =	simm.s32 $0x2200;
	s15 =	simm.s32 $0x6E00;
	s16 =	simm.s32 $0x2280;
	v31 =	vor.u32 $0x20E, v11;
	v18 =	vsel vm0, $0x38800000, v1;
	vm0 =	vmor vm2, vm3;
	[tilespmem:$0x1FF70] =	vst v5  }
0x16: {  	s13 =	simm.s32 $0x80;
	s17 =	simm.s32 $0xAE00;
	s18 =	simm.s32 $0x2300;
	vm2 =	vcmask $0x73C;
	[tilespmem:$0x1FF80] =	vst v6;
	v18 =	vsel vm1, $0x38800000, v18;
	vm1 =	vcmask $0x1F0C  }
0x17: {  	s19 =	simm.s32 $0xEE00;
	s0 =	sand.u32 $0x1, s0;
	s7 =	sshll.u32 s4, $0x1;
	[tilespmem:$0x1FF90] =	vst v7;
	v34 =	vsel vm3, $0x38800000, v18;
	vm1 =	vmor vm2, vm1;
	vm2 =	vcmask $0xB08  }
0x18: {  	s20 =	simm.s32 $0x1EE80;
	s21 =	simm.s32 $0x1EE00;
	s7 =	sor.u32 s0, s7;
	[tilespmem:$0x1FFA0] =	vst v8;
	vm3 =	vcmask $0x3724;
	v35 =	vsel vm2, $0x38800000, v1;
	vm2 =	vcmask $0x2320  }
0x19: {  	s22 =	simm.s32 $0x0;
	s0 =	ssub.s32 $0x2, s0;
	s8 =	sshll.u32 s7, $0xD;
	[tilespmem:$0x1FFB0] =	vst v9;
	vm1 =	vmor vm1, vm3;
	v35 =	vsel vm2, $0x38800000, v35;
	vm2 =	vcmask $0x3B38  }
0x1a: {  	s9 =	sshll.u32 s7, $0x1;
	s10 =	sshrl.u32 s0, $0x1;
	s31 =	sshll.u32 s7, $0x6;
	[tilespmem:$0x1FFC0] =	vst v10;
	vm3 =	vcmask $0xF2C;
	v52 =	vsel vm2, $0x38800000, v35;
	vm2 =	vcmask $0x2714  }
0x1b: {  	v32 =	vor.u32 $0x20F, v11;
	s8 =	sadd.s32 s8, s6;
	s9 =	sadd.s32 s9, s6;
	s0 =	ssub.s32 s0, s10;
	[tilespmem:$0x1FFE0] =	vst v31;
	vm2 =	vmor vm3, vm2;
	vm3 =	vcmask $0x1310  }
0x1c: {  	s5 =	sadd.s32 s5, s31;
	s10 =	simm.s32 $0x200;
	[tilespmem:$0x1FFF0] =	vst v32;
	s6 =	sadd.s32 $0x600, s8;
	v18 =	vor.u32 $0x20D, v11;
	v1 =	vsel vm3, $0x38800000, v1;
	vm3 =	vcmask $0x2B28  }
0x1d: {  	v62 =	vor.u32 $0x201, v11;
	v63 =	vor.u32 $0x202, v11;
	s7 =	sadd.s32 $0x40600, s9;
	s8 =	smax.u32 s0, $0x1;
	s9 =	simm.s32 $0x3;
	[tilespmem:$0x1FFD0] =	vst v18;
	v42 =	vpop (erf);
	v33 =	vsel vm3, $0x38800000, v1  }
.LBB2_1:
0x1e: {  	v1 =	vor.u32 s3, v0  }
0x1f: {  	v54 =	vmulhi.u32 $0xAAAAAAAB, v1;
	_ =	sdelay $0x1  }
0x20: {  	v54 =	vshrl.u32 v54, $0x2  }
0x21: {  	v55 =	vmul.u32 $0xFFFFFFFA, v54  }
0x22: {  	s0 =	simm.s32 $0x10  }
0x23: {  	v56 =	vmov s3;
	v61 =	vor.u32 s0, v0;
	v1 =	vadd.s32 v1, v55  }
0x24: {  	vm3 =	veq.s32 v56, v0;
	v4 =	vmulhi.u32 $0xAAAAAAAB, v61;
	vm4 =	vne.s32 v1, $0x0  }
0x25: {  	vm3 =	vmand vm3, vm4  }
0x26: {  	[tilespmem:s3], [sflag:$0x3] =	stream.linear.gather [hbm4b:s5+s3], $0x200, $0x38;
	v56 =	vshrl.u32 v4, $0x2;
	v57 =	vsel vm3, $0xFFFFFFFF, v2;
	[tilespmem:$0x1F180] =	vst v63  }
0x27: {  	_ =	swait.ge [sflag:s9], $0x200;
	v5 =	vmul.u32 $0xFFFFFFFA, v56;
	v54 =	vadd.s32 v57, v54  }
0x28: {  	s23 =	simm.s32 $0x20;
	v58 =	vmov s0;
	[sflag:s9] =	ssyncset.done $0x0;
	v54 =	vshll.u32 v54, $0x7  }
0x29: {  	v6 =	vor.u32 s23, v0;
	[sflag:s9] =	ssyncadd.s32 $0xFFFFFE00;
	v55 =	vadd.s32 v61, v5;
	v1 =	vor.u32 v1, v54  }
0x2a: {  	v7 =	vmulhi.u32 $0xAAAAAAAB, v6;
	[tilespmem:s10], [sflag:$0x3] =	stream.linear.gather [hbm4b:s6+s3], $0x2000, $0x38;
	vm4 =	vne.s32 v55, $0x0;
	vm3 =	veq.s32 v58, v0;
	[tilespmem:$0x1F180] =	vst v63  }
0x2b: {  	_ =	swait.ge [sflag:s9], $0x2000;
	vm3 =	vmand vm3, vm4  }
0x2c: {  	[sflag:s9] =	ssyncset.done $0x0;
	v58 =	vshrl.u32 v7, $0x2;
	v32 =	vsel vm3, $0xFFFFFFFF, v2  }
0x2d: {  	[sflag:s9] =	ssyncadd.s32 $0xFFFFE000;
	v35 =	vmul.u32 $0xFFFFFFFA, v58;
	v54 =	vadd.s32 v32, v56  }
0x2e: {  	v54 =	vshll.u32 v54, $0x7;
	v60 =	vld.idx.msk [tilespmem:v1+s10+$0x0], $0xffff  }
0x2f: {  	s31 =	simm.s32 $0x30;
	v59 =	vmov s23;
	v56 =	vadd.s32 v6, v35;
	v54 =	vor.u32 v55, v54  }
0x30: {  	v38 =	vor.u32 s31, v0;
	vm3 =	veq.s32 v59, v0;
	vm4 =	vne.s32 v56, $0x0  }
0x31: {  	vm3 =	vmand vm3, vm4;
	v1 =	vmulhi.u32 $0xAAAAAAAB, v38  }
0x32: {  	v41 =	vsel vm3, $0xFFFFFFFF, v2  }
0x33: {  	v55 =	vadd.s32 v41, v58;
	v1 =	vshrl.u32 v1, $0x2;
	[tilespmem:s14+$0x0] =	vst v60  }
0x34: {  	v55 =	vshll.u32 v55, $0x7;
	v43 =	vmul.u32 $0xFFFFFFFA, v1;
	v57 =	vld.idx.msk [tilespmem:v54+s10+$0x0], $0xffff  }
0x35: {  	v56 =	vor.u32 v56, v55  }
0x36: {  	s23 =	simm.s32 $0x40;
	v61 =	vmov s31;
	v55 =	vadd.s32 v38, v43  }
0x37: {  	s25 =	simm.s32 $0x50;
	s24 =	simm.s32 $0x2200;
	vm3 =	veq.s32 v61, v0;
	v54 =	vor.u32 s23, v0;
	vm4 =	vne.s32 v55, $0x0  }
.LBB2_2:
0x38: {  	p0 =	sne.s32 s25, $0x170;
	v58 =	vmulhi.u32 $0xAAAAAAAB, v54;
	vm3 =	vmand vm3, vm4;
	s24 =	sadd.s32 $0x10, s24  }
0x39: {  	v59 =	vsel vm3, $0xFFFFFFFF, v2;
	[tilespmem:s24+$0x0] =	vst v57  }
.Ltmp0:
0x3a: {  	v59 =	vadd.s32 v59, v1;
	v1 =	vshrl.u32 v58, $0x2;
	v57 =	vld.idx.msk [tilespmem:v56+s10+$0x0], $0xffff;
	(pc) =	sbr.rel @p0 .LBB2_2-.Ltmp0, $4  }
0x3b: {  	v58 =	vmul.u32 $0xFFFFFFFA, v1;
	v56 =	vshll.u32 v59, $0x7  }
0x3c: {  	v56 =	vor.u32 v55, v56  }
0x3d: {  	v59 =	vmov s23;
	s23 =	smov.u32 s25;
	v55 =	vadd.s32 v54, v58  }
0x3e: {  	s25 =	sadd.s32 $0x10, s25;
	vm3 =	veq.s32 v59, v0;
	v54 =	vor.u32 s23, v0;
	vm4 =	vne.s32 v55, $0x0  }
0x3f: {  	v58 =	vmulhi.u32 $0xAAAAAAAB, v54  }
0x40: {  	vm3 =	vmand vm3, vm4  }
0x41: {  	s0 =	sadd.s32 $0x10, s24;
	v59 =	vsel vm3, $0xFFFFFFFF, v2;
	v58 =	vshrl.u32 v58, $0x2  }
0x42: {  	[tilespmem:s0+$0x0] =	vst v57;
	v1 =	vadd.s32 v59, v1;
	v43 =	vmul.u32 $0xFFFFFFFA, v58  }
0x43: {  	v56 =	vld.idx.msk [tilespmem:v56+s10+$0x0], $0xffff;
	v1 =	vshll.u32 v1, $0x7  }
0x44: {  	v59 =	vmov s23;
	v1 =	vor.u32 v55, v1;
	v60 =	vadd.s32 v54, v43  }
0x45: {  	vm3 =	veq.s32 v59, v0;
	vm15 =	vne.s32 v60, $0x0  }
0x46: {  	vm3 =	vmand vm3, vm15  }
0x47: {  	s0 =	sadd.s32 $0x10, s0;
	v61 =	vsel vm3, $0xFFFFFFFF, v2  }
0x48: {  	[tilespmem:s0+$0x0] =	vst v56;
	v55 =	vadd.s32 v61, v58  }
0x49: {  	v1 =	vld.idx.msk [tilespmem:v1+s10+$0x0], $0xffff;
	v55 =	vshll.u32 v55, $0x7  }
0x4a: {  	v54 =	vor.u32 v60, v55;
	_ =	sdelay $0x2  }
0x4b: {  	s0 =	sadd.s32 $0x10, s0  }
0x4c: {  	[tilespmem:s0+$0x0] =	vst v1  }
0x4d: {  	v1 =	vld.idx.msk [tilespmem:v54+s10+$0x0], $0xffff;
	_ =	sdelay $0x3  }
0x4e: {  	s0 =	sadd.s32 $0x10, s0  }
0x4f: {  	s25 =	simm.s32 $0x0;
	[tilespmem:s0+$0x0] =	vst v1  }
0x50: {  	[tilespmem:s12], [sflag:$0x1] =	stream.indirect.gather [hbm4b:s1+s11], $0x80, s25, s11, $0xb8;
	[tilespmem:$0x1F180] =	vst v63  }
0x51: {  	_ = 	snop  }
0x52: {  	[tilespmem:s15], [sflag:$0x1] =	stream.indirect.gather [hbm4b:s2+s13], $0x80, s14, s13, $0xb8;
	[tilespmem:$0x1F180] =	vst v63  }
0x53: {  	_ = 	snop  }
0x54: {  	[tilespmem:s17], [sflag:$0x1] =	stream.indirect.gather [hbm4b:s2+s13], $0x80, s16, s13, $0xb8;
	[tilespmem:$0x1F180] =	vst v63  }
0x55: {  	s23 =	simm.s32 $0x180  }
0x56: {  	v54 =	vimm.f32 $0.0e+00;
	[tilespmem:s19], [sflag:$0x1] =	stream.indirect.gather [hbm4b:s2+s13], $0x80, s18, s13, $0xb8;
	[tilespmem:$0x1F180] =	vst v63  }
.LBB2_5:
0x57: {  	p0 =	seq.s32 s25, $0x7  }
.Ltmp1:
0x58: {  	_ = 	snop;
	(pc) =	sbr.rel @p0 .LBB2_9-.Ltmp1, $2  }
0x59: {  	_ =	sdelay $0x2  }
0x5a: {  	s24 =	sadd.s32 $0x1, s25  }
0x5b: {  	s0 =	simm.s32 $0x0  }
0x5c: {  	v1 =	vor.u32 s0, v0  }
0x5d: {  	v55 =	vmulhi.u32 $0xAAAAAAAB, v1;
	_ =	sdelay $0x1  }
0x5e: {  	v55 =	vshrl.u32 v55, $0x2  }
0x5f: {  	v56 =	vmul.u32 $0xFFFFFFFA, v55  }
0x60: {  	s28 =	simm.s32 $0x10  }
0x61: {  	v57 =	vmov s0;
	v32 =	vor.u32 s28, v0;
	v1 =	vadd.s32 v1, v56  }
0x62: {  	vm3 =	veq.s32 v57, v0;
	v35 =	vmulhi.u32 $0xAAAAAAAB, v32;
	vm4 =	vne.s32 v1, $0x0  }
0x63: {  	vm3 =	vmand vm3, vm4  }
0x64: {  	v57 =	vshrl.u32 v35, $0x2;
	v58 =	vsel vm3, $0xFFFFFFFF, v2  }
0x65: {  	v38 =	vmul.u32 $0xFFFFFFFA, v57;
	v55 =	vadd.s32 v58, v55  }
0x66: {  	s29 =	sshll.u32 s24, $0xA;
	v55 =	vshll.u32 v55, $0x7  }
0x67: {  	s26 =	simm.s32 $0x20;
	v59 =	vmov s28;
	s29 =	sadd.s32 s29, s6;
	v56 =	vadd.s32 v32, v38;
	v60 =	vor.u32 v1, v55  }
0x68: {  	v41 =	vor.u32 s26, v0;
	[tilespmem:s10], [sflag:$0x3] =	stream.linear.gather [hbm4b:s29+s0], $0x2000, $0x38;
	vm4 =	vne.s32 v56, $0x0;
	vm3 =	veq.s32 v59, v0;
	[tilespmem:$0x1F180] =	vst v63  }
0x69: {  	v43 =	vmulhi.u32 $0xAAAAAAAB, v41;
	_ =	swait.ge [sflag:s9], $0x2000;
	vm3 =	vmand vm3, vm4  }
0x6a: {  	[sflag:s9] =	ssyncset.done $0x0;
	v61 =	vsel vm3, $0xFFFFFFFF, v2  }
0x6b: {  	[sflag:s9] =	ssyncadd.s32 $0xFFFFE000;
	v1 =	vshrl.u32 v43, $0x2;
	v55 =	vadd.s32 v61, v57  }
0x6c: {  	v59 =	vmul.u32 $0xFFFFFFFA, v1;
	v55 =	vshll.u32 v55, $0x7;
	v58 =	vld.idx.msk [tilespmem:v60+s10+$0x0], $0xffff  }
0x6d: {  	v57 =	vor.u32 v56, v55  }
0x6e: {  	s31 =	sadd.s32 $0x0, s23;
	s29 =	simm.s32 $0x30;
	v61 =	vmov s26;
	v55 =	vadd.s32 v41, v59  }
0x6f: {  	s30 =	simm.s32 $0x40;
	s31 =	sand.u32 $0x3F80, s31;
	s0 =	sand.u32 $0x70, s0;
	vm3 =	veq.s32 v61, v0;
	v56 =	vor.u32 s29, v0;
	vm4 =	vne.s32 v55, $0x0  }
.LBB2_7:
0x70: {  	p0 =	sne.s32 s30, $0x170;
	v59 =	vmulhi.u32 $0xAAAAAAAB, v56;
	vm3 =	vmand vm3, vm4;
	s0 =	sor.u32 s0, s31;
	s4 =	smov.u32 s28  }
0x71: {  	s28 =	smov.u32 s26;
	s26 =	smov.u32 s29;
	s29 =	smov.u32 s30;
	v60 =	vsel vm3, $0xFFFFFFFF, v2;
	[tilespmem:s0+$0x2200] =	vst v58  }
.Ltmp2:
0x72: {  	v60 =	vadd.s32 v60, v1;
	v1 =	vshrl.u32 v59, $0x2;
	v58 =	vld.idx.msk [tilespmem:v57+s10+$0x0], $0xffff;
	(pc) =	sbr.rel @p0 .LBB2_7-.Ltmp2, $4  }
0x73: {  	v59 =	vmul.u32 $0xFFFFFFFA, v1;
	v57 =	vshll.u32 v60, $0x7  }
0x74: {  	v57 =	vor.u32 v55, v57  }
0x75: {  	s0 =	sadd.s32 s4, s23;
	v60 =	vmov s26;
	v55 =	vadd.s32 v56, v59  }
0x76: {  	s30 =	sadd.s32 $0x10, s30;
	s31 =	sand.u32 $0x3F80, s0;
	s0 =	sand.u32 $0x70, s4;
	vm3 =	veq.s32 v60, v0;
	v56 =	vor.u32 s29, v0;
	vm4 =	vne.s32 v55, $0x0  }
0x77: {  	v59 =	vmulhi.u32 $0xAAAAAAAB, v56  }
0x78: {  	vm3 =	vmand vm3, vm4  }
0x79: {  	s0 =	sor.u32 s0, s31;
	v60 =	vsel vm3, $0xFFFFFFFF, v2;
	v59 =	vshrl.u32 v59, $0x2  }
0x7a: {  	[tilespmem:s0+$0x2200] =	vst v58;
	v1 =	vadd.s32 v60, v1;
	v41 =	vmul.u32 $0xFFFFFFFA, v59  }
0x7b: {  	v57 =	vld.idx.msk [tilespmem:v57+s10+$0x0], $0xffff;
	v1 =	vshll.u32 v1, $0x7  }
0x7c: {  	v43 =	vmov s29;
	v1 =	vor.u32 v55, v1;
	v60 =	vadd.s32 v56, v41  }
0x7d: {  	s31 =	sadd.s32 s28, s23;
	vm3 =	veq.s32 v43, v0;
	vm15 =	vne.s32 v60, $0x0  }
0x7e: {  	s4 =	sand.u32 $0x70, s28;
	s0 =	sand.u32 $0x3F80, s31;
	vm3 =	vmand vm3, vm15  }
0x7f: {  	s0 =	sor.u32 s4, s0;
	v61 =	vsel vm3, $0xFFFFFFFF, v2  }
0x80: {  	[tilespmem:s0+$0x2200] =	vst v57;
	v55 =	vadd.s32 v61, v59  }
0x81: {  	v1 =	vld.idx.msk [tilespmem:v1+s10+$0x0], $0xffff;
	v55 =	vshll.u32 v55, $0x7  }
0x82: {  	v55 =	vor.u32 v60, v55  }
0x83: {  	s4 =	sadd.s32 s26, s23  }
0x84: {  	s26 =	sand.u32 $0x70, s26;
	s0 =	sand.u32 $0x3F80, s4  }
0x85: {  	s0 =	sor.u32 s26, s0  }
0x86: {  	[tilespmem:s0+$0x2200] =	vst v1  }
0x87: {  	v1 =	vld.idx.msk [tilespmem:v55+s10+$0x0], $0xffff  }
0x88: {  	s26 =	sand.u32 $0x1, s24  }
0x89: {  	s28 =	sadd.s32 s29, s23;
	s29 =	sand.u32 $0x70, s29;
	s30 =	sshll.u32 s26, $0xD  }
0x8a: {  	s31 =	sshll.u32 s24, $0x6;
	s4 =	sadd.s32 $0x2E00, s30;
	s0 =	sand.u32 $0x3F80, s28  }
0x8b: {  	s30 =	sand.u32 $0x3FFFFFC0, s31;
	s31 =	smul.u32 $0x600, s24;
	s0 =	sor.u32 s29, s0  }
0x8c: {  	s29 =	smul.u32 $0x30000, s26;
	s26 =	sadd.s32 $0x1, s26;
	[tilespmem:s0+$0x2200] =	vst v1  }
0x8d: {  	[tilespmem:s4], [sflag:s26] =	stream.indirect.gather [hbm4b:s1+s11], $0x80, s30, s11, $0xb8;
	[tilespmem:$0x1F180] =	vst v63  }
0x8e: {  	s0 =	sshrl.u32 s29, $0x2;
	s4 =	sshra.s32 s31, $0x2  }
0x8f: {  	s30 =	sadd.s32 $0x6E00, s0;
	s31 =	sadd.s32 $0x2200, s4  }
0x90: {  	[tilespmem:s30], [sflag:s26] =	stream.indirect.gather [hbm4b:s2+s13], $0x80, s31, s13, $0xb8;
	[tilespmem:$0x1F180] =	vst v63  }
0x91: {  	s30 =	sadd.s32 $0xAE00, s0;
	s31 =	sadd.s32 $0x2280, s4  }
0x92: {  	[tilespmem:s30], [sflag:s26] =	stream.indirect.gather [hbm4b:s2+s13], $0x80, s31, s13, $0xb8;
	[tilespmem:$0x1F180] =	vst v63  }
0x93: {  	s0 =	sadd.s32 $0xEE00, s0;
	s4 =	sadd.s32 $0x2300, s4  }
0x94: {  	[tilespmem:s0], [sflag:s26] =	stream.indirect.gather [hbm4b:s2+s13], $0x80, s4, s13, $0xb8;
	[tilespmem:$0x1F180] =	vst v63  }
.LBB2_9:
0x95: {  	s0 =	sand.u32 $0x1, s25  }
0x96: {  	s4 =	sadd.s32 $0x1, s0  }
0x97: {  	_ =	swait.ge [sflag:s4], $0x2000  }
0x98: {  	[sflag:s4] =	ssyncset.done $0x0  }
0x99: {  	[sflag:s4] =	ssyncadd.s32 $0xFFFFE000  }
0x9a: {  	_ =	swait.ge [sflag:s4], $0x4000  }
0x9b: {  	[sflag:s4] =	ssyncset.done $0x0  }
0x9c: {  	[sflag:s4] =	ssyncadd.s32 $0xFFFFC000  }
0x9d: {  	_ =	swait.ge [sflag:s4], $0x4000  }
0x9e: {  	s25 =	smul.u32 $0x30000, s0;
	s0 =	sshll.u32 s0, $0xD;
	[sflag:s4] =	ssyncset.done $0x0  }
0x9f: {  	s0 =	sadd.s32 $0x2E00, s0;
	[sflag:s4] =	ssyncadd.s32 $0xFFFFC000  }
0xa0: {  	s25 =	sshrl.u32 s25, $0x2;
	v55 =	vmov s0;
	_ =	swait.ge [sflag:s4], $0x4000  }
0xa1: {  	s26 =	sadd.s32 $0x6E00, s25;
	[sflag:s4] =	ssyncset.done $0x0  }
0xa2: {  	s25 =	simm.s32 $0x0;
	v56 =	vmov s26;
	[sflag:s4] =	ssyncadd.s32 $0xFFFFC000  }
.LBB2_10:
0xa3: {  	s0 =	sshll.u32 s25, $0xA  }
0xa4: {  	s0 =	sand.u32 $0x3FFFFC00, s0  }
0xa5: {  	v57 =	vld.idx.msk [tilespmem:v55+s0+$0x0 ss:$0x1], $0xffff  }
0xa6: {  	v58 =	vld.idx.msk [tilespmem:v55+s0+$0x10 ss:$0x1], $0xffff  }
0xa7: {  	v59 =	vld.idx.msk [tilespmem:v55+s0+$0x20 ss:$0x1], $0xffff  }
0xa8: {  	v60 =	vld.idx.msk [tilespmem:v55+s0+$0x30 ss:$0x1], $0xffff  }
0xa9: {  	v61 =	vld.idx.msk [tilespmem:v55+s0+$0x40 ss:$0x1], $0xffff  }
0xaa: {  	v43 =	vmov v62;
	s4 =	smul.u32 $0x6000, s25;
	v62 =	vld.idx.msk [tilespmem:v55+s0+$0x50 ss:$0x1], $0xffff  }
0xab: {  	v41 =	vmov v63;
	v63 =	vld.idx.msk [tilespmem:v55+s0+$0x60 ss:$0x1], $0xffff  }
0xac: {  	v1 =	vld.idx.msk [tilespmem:v55+s0+$0x70 ss:$0x1], $0xffff;
	s26 =	sshra.s32 s4, $0x2  }
0xad: {  	v3 =	vld.idx.msk [tilespmem:v56+s26+$0x0 ss:$0x1], $0xffff  }
0xae: {  	v4 =	vld.idx.msk [tilespmem:v56+s26+$0x10 ss:$0x1], $0xffff  }
0xaf: {  	v5 =	vld.idx.msk [tilespmem:v56+s26+$0x20 ss:$0x1], $0xffff  }
0xb0: {  	v6 =	vld.idx.msk [tilespmem:v56+s26+$0x30 ss:$0x1], $0xffff  }
0xb1: {  	v7 =	vld.idx.msk [tilespmem:v56+s26+$0x40 ss:$0x1], $0xffff  }
0xb2: {  	v8 =	vld.idx.msk [tilespmem:v56+s26+$0x50 ss:$0x1], $0xffff  }
0xb3: {  	v9 =	vld.idx.msk [tilespmem:v56+s26+$0x60 ss:$0x1], $0xffff  }
0xb4: {  	v10 =	vld.idx.msk [tilespmem:v56+s26+$0x70 ss:$0x1], $0xffff;
	_ =	sdelay $0x1  }
0xb5: {  	v3 =	vmul.f32 v3, v57;
	v4 =	vmul.f32 v4, v58  }
0xb6: {  	v5 =	vmul.f32 v5, v59;
	v6 =	vmul.f32 v6, v60  }
0xb7: {  	v7 =	vmul.f32 v7, v61;
	v8 =	vmul.f32 v8, v62  }
0xb8: {  	v9 =	vmul.f32 v9, v63;
	v10 =	vmul.f32 v10, v1  }
0xb9: {  	v3 =	vadd.f32 v4, v3;
	v35 =	vadd.f32 v6, v5  }
0xba: {  	v38 =	vadd.f32 v8, v7;
	v32 =	vadd.f32 v10, v9;
	_ =	sdelay $0x1  }
0xbb: {  	v3 =	vadd.f32 v35, v3;
	v35 =	vadd.f32 v32, v38;
	_ =	sdelay $0x1  }
0xbc: {  	v3 =	vadd.f32 v35, v3;
	_ =	sdelay $0x1  }
0xbd: {  	[tilespmem:$0x1EE80] =	vst v3  }
0xbe: {  	v3 =	vld.idx.msk [tilespmem:v56+s26+$0x80 ss:$0x1], $0xffff  }
0xbf: {  	v4 =	vld.idx.msk [tilespmem:v56+s26+$0x90 ss:$0x1], $0xffff  }
0xc0: {  	v38 =	vld.idx.msk [tilespmem:v56+s26+$0xA0 ss:$0x1], $0xffff  }
0xc1: {  	v32 =	vld.idx.msk [tilespmem:v56+s26+$0xB0 ss:$0x1], $0xffff  }
0xc2: {  	v35 =	vld.idx.msk [tilespmem:v56+s26+$0xC0 ss:$0x1], $0xffff  }
0xc3: {  	v8 =	vld.idx.msk [tilespmem:v56+s26+$0xD0 ss:$0x1], $0xffff  }
0xc4: {  	v9 =	vld.idx.msk [tilespmem:v56+s26+$0xE0 ss:$0x1], $0xffff  }
0xc5: {  	v10 =	vld.idx.msk [tilespmem:v56+s26+$0xF0 ss:$0x1], $0xffff;
	_ =	sdelay $0x1  }
0xc6: {  	v3 =	vmul.f32 v3, v57;
	v4 =	vmul.f32 v4, v58  }
0xc7: {  	v5 =	vmul.f32 v38, v59;
	v6 =	vmul.f32 v32, v60  }
0xc8: {  	v7 =	vmul.f32 v35, v61;
	v8 =	vmul.f32 v8, v62  }
0xc9: {  	v9 =	vmul.f32 v9, v63;
	v10 =	vmul.f32 v10, v1  }
0xca: {  	v3 =	vadd.f32 v4, v3;
	v38 =	vadd.f32 v6, v5  }
0xcb: {  	v32 =	vadd.f32 v8, v7;
	v35 =	vadd.f32 v10, v9;
	_ =	sdelay $0x1  }
0xcc: {  	v3 =	vadd.f32 v38, v3;
	v38 =	vadd.f32 v35, v32;
	_ =	sdelay $0x1  }
0xcd: {  	v3 =	vadd.f32 v38, v3;
	_ =	sdelay $0x1  }
0xce: {  	[tilespmem:$0x1EE90] =	vst v3  }
0xcf: {  	v3 =	vld.idx.msk [tilespmem:v56+s26+$0x100 ss:$0x1], $0xffff  }
0xd0: {  	v4 =	vld.idx.msk [tilespmem:v56+s26+$0x110 ss:$0x1], $0xffff  }
0xd1: {  	v32 =	vld.idx.msk [tilespmem:v56+s26+$0x120 ss:$0x1], $0xffff  }
0xd2: {  	v35 =	vld.idx.msk [tilespmem:v56+s26+$0x130 ss:$0x1], $0xffff  }
0xd3: {  	v38 =	vld.idx.msk [tilespmem:v56+s26+$0x140 ss:$0x1], $0xffff  }
0xd4: {  	v8 =	vld.idx.msk [tilespmem:v56+s26+$0x150 ss:$0x1], $0xffff  }
0xd5: {  	v9 =	vld.idx.msk [tilespmem:v56+s26+$0x160 ss:$0x1], $0xffff  }
0xd6: {  	v10 =	vld.idx.msk [tilespmem:v56+s26+$0x170 ss:$0x1], $0xffff;
	_ =	sdelay $0x1  }
0xd7: {  	v3 =	vmul.f32 v3, v57;
	v4 =	vmul.f32 v4, v58  }
0xd8: {  	v5 =	vmul.f32 v32, v59;
	v6 =	vmul.f32 v35, v60  }
0xd9: {  	v7 =	vmul.f32 v38, v61;
	v8 =	vmul.f32 v8, v62  }
0xda: {  	v9 =	vmul.f32 v9, v63;
	v10 =	vmul.f32 v10, v1  }
0xdb: {  	v3 =	vadd.f32 v4, v3;
	v32 =	vadd.f32 v6, v5  }
0xdc: {  	v35 =	vadd.f32 v8, v7;
	v38 =	vadd.f32 v10, v9;
	_ =	sdelay $0x1  }
0xdd: {  	v3 =	vadd.f32 v32, v3;
	v32 =	vadd.f32 v38, v35;
	_ =	sdelay $0x1  }
0xde: {  	v3 =	vadd.f32 v32, v3;
	_ =	sdelay $0x1  }
0xdf: {  	[tilespmem:$0x1EEA0] =	vst v3  }
0xe0: {  	v3 =	vld.idx.msk [tilespmem:v56+s26+$0x180 ss:$0x1], $0xffff  }
0xe1: {  	v4 =	vld.idx.msk [tilespmem:v56+s26+$0x190 ss:$0x1], $0xffff  }
0xe2: {  	v35 =	vld.idx.msk [tilespmem:v56+s26+$0x1A0 ss:$0x1], $0xffff  }
0xe3: {  	v38 =	vld.idx.msk [tilespmem:v56+s26+$0x1B0 ss:$0x1], $0xffff  }
0xe4: {  	v32 =	vld.idx.msk [tilespmem:v56+s26+$0x1C0 ss:$0x1], $0xffff  }
0xe5: {  	v8 =	vld.idx.msk [tilespmem:v56+s26+$0x1D0 ss:$0x1], $0xffff  }
0xe6: {  	v9 =	vld.idx.msk [tilespmem:v56+s26+$0x1E0 ss:$0x1], $0xffff  }
0xe7: {  	v10 =	vld.idx.msk [tilespmem:v56+s26+$0x1F0 ss:$0x1], $0xffff;
	_ =	sdelay $0x1  }
0xe8: {  	v3 =	vmul.f32 v3, v57;
	v4 =	vmul.f32 v4, v58  }
0xe9: {  	v5 =	vmul.f32 v35, v59;
	v6 =	vmul.f32 v38, v60  }
0xea: {  	v7 =	vmul.f32 v32, v61;
	v8 =	vmul.f32 v8, v62  }
0xeb: {  	v9 =	vmul.f32 v9, v63;
	v10 =	vmul.f32 v10, v1  }
0xec: {  	v3 =	vadd.f32 v4, v3;
	v35 =	vadd.f32 v6, v5  }
0xed: {  	v38 =	vadd.f32 v8, v7;
	v32 =	vadd.f32 v10, v9;
	_ =	sdelay $0x1  }
0xee: {  	v3 =	vadd.f32 v35, v3;
	v35 =	vadd.f32 v32, v38;
	_ =	sdelay $0x1  }
0xef: {  	v3 =	vadd.f32 v35, v3;
	_ =	sdelay $0x1  }
0xf0: {  	[tilespmem:$0x1EEB0] =	vst v3  }
0xf1: {  	v3 =	vld.idx.msk [tilespmem:v56+s26+$0x200 ss:$0x1], $0xffff  }
0xf2: {  	v4 =	vld.idx.msk [tilespmem:v56+s26+$0x210 ss:$0x1], $0xffff  }
0xf3: {  	v38 =	vld.idx.msk [tilespmem:v56+s26+$0x220 ss:$0x1], $0xffff  }
0xf4: {  	v32 =	vld.idx.msk [tilespmem:v56+s26+$0x230 ss:$0x1], $0xffff  }
0xf5: {  	v35 =	vld.idx.msk [tilespmem:v56+s26+$0x240 ss:$0x1], $0xffff  }
0xf6: {  	v8 =	vld.idx.msk [tilespmem:v56+s26+$0x250 ss:$0x1], $0xffff  }
0xf7: {  	v9 =	vld.idx.msk [tilespmem:v56+s26+$0x260 ss:$0x1], $0xffff  }
0xf8: {  	v10 =	vld.idx.msk [tilespmem:v56+s26+$0x270 ss:$0x1], $0xffff;
	_ =	sdelay $0x1  }
0xf9: {  	v3 =	vmul.f32 v3, v57;
	v4 =	vmul.f32 v4, v58  }
0xfa: {  	v5 =	vmul.f32 v38, v59;
	v6 =	vmul.f32 v32, v60  }
0xfb: {  	v7 =	vmul.f32 v35, v61;
	v8 =	vmul.f32 v8, v62  }
0xfc: {  	v9 =	vmul.f32 v9, v63;
	v10 =	vmul.f32 v10, v1  }
0xfd: {  	v3 =	vadd.f32 v4, v3;
	v38 =	vadd.f32 v6, v5  }
0xfe: {  	v32 =	vadd.f32 v8, v7;
	v35 =	vadd.f32 v10, v9;
	_ =	sdelay $0x1  }
0xff: {  	v3 =	vadd.f32 v38, v3;
	v38 =	vadd.f32 v35, v32;
	_ =	sdelay $0x1  }
0x100: {  	v3 =	vadd.f32 v38, v3;
	_ =	sdelay $0x1  }
0x101: {  	[tilespmem:$0x1EEC0] =	vst v3  }
0x102: {  	v3 =	vld.idx.msk [tilespmem:v56+s26+$0x280 ss:$0x1], $0xffff  }
0x103: {  	v4 =	vld.idx.msk [tilespmem:v56+s26+$0x290 ss:$0x1], $0xffff  }
0x104: {  	v32 =	vld.idx.msk [tilespmem:v56+s26+$0x2A0 ss:$0x1], $0xffff  }
0x105: {  	v35 =	vld.idx.msk [tilespmem:v56+s26+$0x2B0 ss:$0x1], $0xffff  }
0x106: {  	v38 =	vld.idx.msk [tilespmem:v56+s26+$0x2C0 ss:$0x1], $0xffff  }
0x107: {  	v8 =	vld.idx.msk [tilespmem:v56+s26+$0x2D0 ss:$0x1], $0xffff  }
0x108: {  	v9 =	vld.idx.msk [tilespmem:v56+s26+$0x2E0 ss:$0x1], $0xffff  }
0x109: {  	v10 =	vld.idx.msk [tilespmem:v56+s26+$0x2F0 ss:$0x1], $0xffff;
	_ =	sdelay $0x1  }
0x10a: {  	v3 =	vmul.f32 v3, v57;
	v4 =	vmul.f32 v4, v58  }
0x10b: {  	v5 =	vmul.f32 v32, v59;
	v6 =	vmul.f32 v35, v60  }
0x10c: {  	v7 =	vmul.f32 v38, v61;
	v8 =	vmul.f32 v8, v62  }
0x10d: {  	v9 =	vmul.f32 v9, v63;
	v1 =	vmul.f32 v10, v1  }
0x10e: {  	v3 =	vadd.f32 v4, v3;
	v63 =	vadd.f32 v6, v5  }
0x10f: {  	v32 =	vadd.f32 v8, v7;
	v1 =	vadd.f32 v1, v9;
	_ =	sdelay $0x1  }
0x110: {  	v3 =	vadd.f32 v63, v3;
	v1 =	vadd.f32 v1, v32  }
0x111: {  	s26 =	sshll.u32 s25, $0x3  }
0x112: {  	s30 =	sor.u32 $0x1, s26;
	v1 =	vadd.f32 v1, v3  }
0x113: {  	s31 =	sshll.u32 s30, $0x7  }
0x114: {  	s4 =	sand.u32 $0x3FFFFC80, s31;
	[tilespmem:$0x1EED0] =	vst v1  }
0x115: {  	v57 =	vld.idx.msk [tilespmem:v55+s4+$0x0 ss:$0x1], $0xffff  }
0x116: {  	v58 =	vld.idx.msk [tilespmem:v55+s4+$0x10 ss:$0x1], $0xffff  }
0x117: {  	v59 =	vld.idx.msk [tilespmem:v55+s4+$0x20 ss:$0x1], $0xffff  }
0x118: {  	v60 =	vld.idx.msk [tilespmem:v55+s4+$0x30 ss:$0x1], $0xffff  }
0x119: {  	v61 =	vld.idx.msk [tilespmem:v55+s4+$0x40 ss:$0x1], $0xffff  }
0x11a: {  	s0 =	smul.u32 $0xC00, s30;
	v62 =	vld.idx.msk [tilespmem:v55+s4+$0x50 ss:$0x1], $0xffff  }
0x11b: {  	v1 =	vld.idx.msk [tilespmem:v55+s4+$0x60 ss:$0x1], $0xffff  }
0x11c: {  	s28 =	sshra.s32 s0, $0x2;
	v63 =	vld.idx.msk [tilespmem:v55+s4+$0x70 ss:$0x1], $0xffff  }
0x11d: {  	v3 =	vld.idx.msk [tilespmem:v56+s28+$0x0 ss:$0x1], $0xffff  }
0x11e: {  	v4 =	vld.idx.msk [tilespmem:v56+s28+$0x10 ss:$0x1], $0xffff  }
0x11f: {  	v35 =	vld.idx.msk [tilespmem:v56+s28+$0x20 ss:$0x1], $0xffff  }
0x120: {  	v38 =	vld.idx.msk [tilespmem:v56+s28+$0x30 ss:$0x1], $0xffff  }
0x121: {  	v32 =	vld.idx.msk [tilespmem:v56+s28+$0x40 ss:$0x1], $0xffff  }
0x122: {  	v8 =	vld.idx.msk [tilespmem:v56+s28+$0x50 ss:$0x1], $0xffff  }
0x123: {  	v9 =	vld.idx.msk [tilespmem:v56+s28+$0x60 ss:$0x1], $0xffff  }
0x124: {  	v10 =	vld.idx.msk [tilespmem:v56+s28+$0x70 ss:$0x1], $0xffff;
	_ =	sdelay $0x1  }
0x125: {  	v3 =	vmul.f32 v3, v57;
	v4 =	vmul.f32 v4, v58  }
0x126: {  	v5 =	vmul.f32 v35, v59;
	v6 =	vmul.f32 v38, v60  }
0x127: {  	v7 =	vmul.f32 v32, v61;
	v8 =	vmul.f32 v8, v62  }
0x128: {  	v9 =	vmul.f32 v9, v1;
	v10 =	vmul.f32 v10, v63  }
0x129: {  	v3 =	vadd.f32 v4, v3;
	v35 =	vadd.f32 v6, v5  }
0x12a: {  	v38 =	vadd.f32 v8, v7;
	v32 =	vadd.f32 v10, v9;
	_ =	sdelay $0x1  }
0x12b: {  	v3 =	vadd.f32 v35, v3;
	v35 =	vadd.f32 v32, v38;
	_ =	sdelay $0x1  }
0x12c: {  	v3 =	vadd.f32 v35, v3;
	_ =	sdelay $0x1  }
0x12d: {  	[tilespmem:$0x1EEE0] =	vst v3  }
0x12e: {  	v3 =	vld.idx.msk [tilespmem:v56+s28+$0x80 ss:$0x1], $0xffff  }
0x12f: {  	v4 =	vld.idx.msk [tilespmem:v56+s28+$0x90 ss:$0x1], $0xffff  }
0x130: {  	v38 =	vld.idx.msk [tilespmem:v56+s28+$0xA0 ss:$0x1], $0xffff  }
0x131: {  	v32 =	vld.idx.msk [tilespmem:v56+s28+$0xB0 ss:$0x1], $0xffff  }
0x132: {  	v35 =	vld.idx.msk [tilespmem:v56+s28+$0xC0 ss:$0x1], $0xffff  }
0x133: {  	v8 =	vld.idx.msk [tilespmem:v56+s28+$0xD0 ss:$0x1], $0xffff  }
0x134: {  	v9 =	vld.idx.msk [tilespmem:v56+s28+$0xE0 ss:$0x1], $0xffff  }
0x135: {  	v10 =	vld.idx.msk [tilespmem:v56+s28+$0xF0 ss:$0x1], $0xffff;
	_ =	sdelay $0x1  }
0x136: {  	v3 =	vmul.f32 v3, v57;
	v4 =	vmul.f32 v4, v58  }
0x137: {  	v5 =	vmul.f32 v38, v59;
	v6 =	vmul.f32 v32, v60  }
0x138: {  	v7 =	vmul.f32 v35, v61;
	v8 =	vmul.f32 v8, v62  }
0x139: {  	v9 =	vmul.f32 v9, v1;
	v10 =	vmul.f32 v10, v63  }
0x13a: {  	v3 =	vadd.f32 v4, v3;
	v38 =	vadd.f32 v6, v5  }
0x13b: {  	v32 =	vadd.f32 v8, v7;
	v35 =	vadd.f32 v10, v9;
	_ =	sdelay $0x1  }
0x13c: {  	v3 =	vadd.f32 v38, v3;
	v38 =	vadd.f32 v35, v32;
	_ =	sdelay $0x1  }
0x13d: {  	v3 =	vadd.f32 v38, v3;
	_ =	sdelay $0x1  }
0x13e: {  	[tilespmem:$0x1EEF0] =	vst v3  }
0x13f: {  	v3 =	vld.idx.msk [tilespmem:v56+s28+$0x100 ss:$0x1], $0xffff  }
0x140: {  	v4 =	vld.idx.msk [tilespmem:v56+s28+$0x110 ss:$0x1], $0xffff  }
0x141: {  	v32 =	vld.idx.msk [tilespmem:v56+s28+$0x120 ss:$0x1], $0xffff  }
0x142: {  	v35 =	vld.idx.msk [tilespmem:v56+s28+$0x130 ss:$0x1], $0xffff  }
0x143: {  	v38 =	vld.idx.msk [tilespmem:v56+s28+$0x140 ss:$0x1], $0xffff  }
0x144: {  	v8 =	vld.idx.msk [tilespmem:v56+s28+$0x150 ss:$0x1], $0xffff  }
0x145: {  	v9 =	vld.idx.msk [tilespmem:v56+s28+$0x160 ss:$0x1], $0xffff  }
0x146: {  	v10 =	vld.idx.msk [tilespmem:v56+s28+$0x170 ss:$0x1], $0xffff;
	_ =	sdelay $0x1  }
0x147: {  	v3 =	vmul.f32 v3, v57;
	v4 =	vmul.f32 v4, v58  }
0x148: {  	v5 =	vmul.f32 v32, v59;
	v6 =	vmul.f32 v35, v60  }
0x149: {  	v7 =	vmul.f32 v38, v61;
	v8 =	vmul.f32 v8, v62  }
0x14a: {  	v9 =	vmul.f32 v9, v1;
	v10 =	vmul.f32 v10, v63  }
0x14b: {  	v3 =	vadd.f32 v4, v3;
	v32 =	vadd.f32 v6, v5  }
0x14c: {  	v35 =	vadd.f32 v8, v7;
	v38 =	vadd.f32 v10, v9;
	_ =	sdelay $0x1  }
0x14d: {  	v3 =	vadd.f32 v32, v3;
	v32 =	vadd.f32 v38, v35;
	_ =	sdelay $0x1  }
0x14e: {  	v3 =	vadd.f32 v32, v3;
	_ =	sdelay $0x1  }
0x14f: {  	[tilespmem:$0x1EF00] =	vst v3  }
0x150: {  	v3 =	vld.idx.msk [tilespmem:v56+s28+$0x180 ss:$0x1], $0xffff  }
0x151: {  	v4 =	vld.idx.msk [tilespmem:v56+s28+$0x190 ss:$0x1], $0xffff  }
0x152: {  	v35 =	vld.idx.msk [tilespmem:v56+s28+$0x1A0 ss:$0x1], $0xffff  }
0x153: {  	v38 =	vld.idx.msk [tilespmem:v56+s28+$0x1B0 ss:$0x1], $0xffff  }
0x154: {  	v32 =	vld.idx.msk [tilespmem:v56+s28+$0x1C0 ss:$0x1], $0xffff  }
0x155: {  	v8 =	vld.idx.msk [tilespmem:v56+s28+$0x1D0 ss:$0x1], $0xffff  }
0x156: {  	v9 =	vld.idx.msk [tilespmem:v56+s28+$0x1E0 ss:$0x1], $0xffff  }
0x157: {  	v10 =	vld.idx.msk [tilespmem:v56+s28+$0x1F0 ss:$0x1], $0xffff;
	_ =	sdelay $0x1  }
0x158: {  	v3 =	vmul.f32 v3, v57;
	v4 =	vmul.f32 v4, v58  }
0x159: {  	v5 =	vmul.f32 v35, v59;
	v6 =	vmul.f32 v38, v60  }
0x15a: {  	v7 =	vmul.f32 v32, v61;
	v8 =	vmul.f32 v8, v62  }
0x15b: {  	v9 =	vmul.f32 v9, v1;
	v10 =	vmul.f32 v10, v63  }
0x15c: {  	v3 =	vadd.f32 v4, v3;
	v35 =	vadd.f32 v6, v5  }
0x15d: {  	v38 =	vadd.f32 v8, v7;
	v32 =	vadd.f32 v10, v9;
	_ =	sdelay $0x1  }
0x15e: {  	v3 =	vadd.f32 v35, v3;
	v35 =	vadd.f32 v32, v38;
	_ =	sdelay $0x1  }
0x15f: {  	v3 =	vadd.f32 v35, v3;
	_ =	sdelay $0x1  }
0x160: {  	[tilespmem:$0x1EF10] =	vst v3  }
0x161: {  	v3 =	vld.idx.msk [tilespmem:v56+s28+$0x200 ss:$0x1], $0xffff  }
0x162: {  	v4 =	vld.idx.msk [tilespmem:v56+s28+$0x210 ss:$0x1], $0xffff  }
0x163: {  	v38 =	vld.idx.msk [tilespmem:v56+s28+$0x220 ss:$0x1], $0xffff  }
0x164: {  	v32 =	vld.idx.msk [tilespmem:v56+s28+$0x230 ss:$0x1], $0xffff  }
0x165: {  	v35 =	vld.idx.msk [tilespmem:v56+s28+$0x240 ss:$0x1], $0xffff  }
0x166: {  	v8 =	vld.idx.msk [tilespmem:v56+s28+$0x250 ss:$0x1], $0xffff  }
0x167: {  	v9 =	vld.idx.msk [tilespmem:v56+s28+$0x260 ss:$0x1], $0xffff  }
0x168: {  	v10 =	vld.idx.msk [tilespmem:v56+s28+$0x270 ss:$0x1], $0xffff;
	_ =	sdelay $0x1  }
0x169: {  	v3 =	vmul.f32 v3, v57;
	v4 =	vmul.f32 v4, v58  }
0x16a: {  	v5 =	vmul.f32 v38, v59;
	v6 =	vmul.f32 v32, v60  }
0x16b: {  	v7 =	vmul.f32 v35, v61;
	v8 =	vmul.f32 v8, v62  }
0x16c: {  	v9 =	vmul.f32 v9, v1;
	v10 =	vmul.f32 v10, v63  }
0x16d: {  	v3 =	vadd.f32 v4, v3;
	v38 =	vadd.f32 v6, v5  }
0x16e: {  	v32 =	vadd.f32 v8, v7;
	v35 =	vadd.f32 v10, v9;
	_ =	sdelay $0x1  }
0x16f: {  	v3 =	vadd.f32 v38, v3;
	v38 =	vadd.f32 v35, v32;
	_ =	sdelay $0x1  }
0x170: {  	v3 =	vadd.f32 v38, v3;
	_ =	sdelay $0x1  }
0x171: {  	[tilespmem:$0x1EF20] =	vst v3  }
0x172: {  	v3 =	vld.idx.msk [tilespmem:v56+s28+$0x280 ss:$0x1], $0xffff  }
0x173: {  	v4 =	vld.idx.msk [tilespmem:v56+s28+$0x290 ss:$0x1], $0xffff  }
0x174: {  	v32 =	vld.idx.msk [tilespmem:v56+s28+$0x2A0 ss:$0x1], $0xffff  }
0x175: {  	v35 =	vld.idx.msk [tilespmem:v56+s28+$0x2B0 ss:$0x1], $0xffff  }
0x176: {  	v38 =	vld.idx.msk [tilespmem:v56+s28+$0x2C0 ss:$0x1], $0xffff  }
0x177: {  	v8 =	vld.idx.msk [tilespmem:v56+s28+$0x2D0 ss:$0x1], $0xffff  }
0x178: {  	v9 =	vld.idx.msk [tilespmem:v56+s28+$0x2E0 ss:$0x1], $0xffff  }
0x179: {  	v10 =	vld.idx.msk [tilespmem:v56+s28+$0x2F0 ss:$0x1], $0xffff;
	_ =	sdelay $0x1  }
0x17a: {  	v3 =	vmul.f32 v3, v57;
	v4 =	vmul.f32 v4, v58  }
0x17b: {  	v5 =	vmul.f32 v32, v59;
	v6 =	vmul.f32 v35, v60  }
0x17c: {  	v7 =	vmul.f32 v38, v61;
	v8 =	vmul.f32 v8, v62  }
0x17d: {  	v1 =	vmul.f32 v9, v1;
	v9 =	vmul.f32 v10, v63  }
0x17e: {  	v3 =	vadd.f32 v4, v3;
	v63 =	vadd.f32 v6, v5  }
0x17f: {  	v32 =	vadd.f32 v8, v7;
	v1 =	vadd.f32 v9, v1;
	_ =	sdelay $0x1  }
0x180: {  	v3 =	vadd.f32 v63, v3;
	v1 =	vadd.f32 v1, v32;
	_ =	sdelay $0x1  }
0x181: {  	s28 =	sor.u32 $0x2, s26;
	v1 =	vadd.f32 v1, v3  }
0x182: {  	s29 =	sshll.u32 s28, $0x7  }
0x183: {  	s4 =	sand.u32 $0x3FFFFD00, s29;
	[tilespmem:$0x1EF30] =	vst v1  }
0x184: {  	v57 =	vld.idx.msk [tilespmem:v55+s4+$0x0 ss:$0x1], $0xffff  }
0x185: {  	v58 =	vld.idx.msk [tilespmem:v55+s4+$0x10 ss:$0x1], $0xffff  }
0x186: {  	v59 =	vld.idx.msk [tilespmem:v55+s4+$0x20 ss:$0x1], $0xffff  }
0x187: {  	v60 =	vld.idx.msk [tilespmem:v55+s4+$0x30 ss:$0x1], $0xffff  }
0x188: {  	v61 =	vld.idx.msk [tilespmem:v55+s4+$0x40 ss:$0x1], $0xffff  }
0x189: {  	s0 =	smul.u32 $0xC00, s28;
	v62 =	vld.idx.msk [tilespmem:v55+s4+$0x50 ss:$0x1], $0xffff  }
0x18a: {  	v1 =	vld.idx.msk [tilespmem:v55+s4+$0x60 ss:$0x1], $0xffff  }
0x18b: {  	s30 =	sshra.s32 s0, $0x2;
	v63 =	vld.idx.msk [tilespmem:v55+s4+$0x70 ss:$0x1], $0xffff  }
0x18c: {  	v3 =	vld.idx.msk [tilespmem:v56+s30+$0x0 ss:$0x1], $0xffff  }
0x18d: {  	v4 =	vld.idx.msk [tilespmem:v56+s30+$0x10 ss:$0x1], $0xffff  }
0x18e: {  	v35 =	vld.idx.msk [tilespmem:v56+s30+$0x20 ss:$0x1], $0xffff  }
0x18f: {  	v38 =	vld.idx.msk [tilespmem:v56+s30+$0x30 ss:$0x1], $0xffff  }
0x190: {  	v32 =	vld.idx.msk [tilespmem:v56+s30+$0x40 ss:$0x1], $0xffff  }
0x191: {  	v8 =	vld.idx.msk [tilespmem:v56+s30+$0x50 ss:$0x1], $0xffff  }
0x192: {  	v9 =	vld.idx.msk [tilespmem:v56+s30+$0x60 ss:$0x1], $0xffff  }
0x193: {  	v10 =	vld.idx.msk [tilespmem:v56+s30+$0x70 ss:$0x1], $0xffff;
	_ =	sdelay $0x1  }
0x194: {  	v3 =	vmul.f32 v3, v57;
	v4 =	vmul.f32 v4, v58  }
0x195: {  	v5 =	vmul.f32 v35, v59;
	v6 =	vmul.f32 v38, v60  }
0x196: {  	v7 =	vmul.f32 v32, v61;
	v8 =	vmul.f32 v8, v62  }
0x197: {  	v9 =	vmul.f32 v9, v1;
	v10 =	vmul.f32 v10, v63  }
0x198: {  	v3 =	vadd.f32 v4, v3;
	v35 =	vadd.f32 v6, v5  }
0x199: {  	v38 =	vadd.f32 v8, v7;
	v32 =	vadd.f32 v10, v9;
	_ =	sdelay $0x1  }
0x19a: {  	v3 =	vadd.f32 v35, v3;
	v35 =	vadd.f32 v32, v38;
	_ =	sdelay $0x1  }
0x19b: {  	v3 =	vadd.f32 v35, v3;
	_ =	sdelay $0x1  }
0x19c: {  	[tilespmem:$0x1EF40] =	vst v3  }
0x19d: {  	v3 =	vld.idx.msk [tilespmem:v56+s30+$0x80 ss:$0x1], $0xffff  }
0x19e: {  	v4 =	vld.idx.msk [tilespmem:v56+s30+$0x90 ss:$0x1], $0xffff  }
0x19f: {  	v38 =	vld.idx.msk [tilespmem:v56+s30+$0xA0 ss:$0x1], $0xffff  }
0x1a0: {  	v32 =	vld.idx.msk [tilespmem:v56+s30+$0xB0 ss:$0x1], $0xffff  }
0x1a1: {  	v35 =	vld.idx.msk [tilespmem:v56+s30+$0xC0 ss:$0x1], $0xffff  }
0x1a2: {  	v8 =	vld.idx.msk [tilespmem:v56+s30+$0xD0 ss:$0x1], $0xffff  }
0x1a3: {  	v9 =	vld.idx.msk [tilespmem:v56+s30+$0xE0 ss:$0x1], $0xffff  }
0x1a4: {  	v10 =	vld.idx.msk [tilespmem:v56+s30+$0xF0 ss:$0x1], $0xffff;
	_ =	sdelay $0x1  }
0x1a5: {  	v3 =	vmul.f32 v3, v57;
	v4 =	vmul.f32 v4, v58  }
0x1a6: {  	v5 =	vmul.f32 v38, v59;
	v6 =	vmul.f32 v32, v60  }
0x1a7: {  	v7 =	vmul.f32 v35, v61;
	v8 =	vmul.f32 v8, v62  }
0x1a8: {  	v9 =	vmul.f32 v9, v1;
	v10 =	vmul.f32 v10, v63  }
0x1a9: {  	v3 =	vadd.f32 v4, v3;
	v38 =	vadd.f32 v6, v5  }
0x1aa: {  	v32 =	vadd.f32 v8, v7;
	v35 =	vadd.f32 v10, v9;
	_ =	sdelay $0x1  }
0x1ab: {  	v3 =	vadd.f32 v38, v3;
	v38 =	vadd.f32 v35, v32;
	_ =	sdelay $0x1  }
0x1ac: {  	v3 =	vadd.f32 v38, v3;
	_ =	sdelay $0x1  }
0x1ad: {  	[tilespmem:$0x1EF50] =	vst v3  }
0x1ae: {  	v3 =	vld.idx.msk [tilespmem:v56+s30+$0x100 ss:$0x1], $0xffff  }
0x1af: {  	v4 =	vld.idx.msk [tilespmem:v56+s30+$0x110 ss:$0x1], $0xffff  }
0x1b0: {  	v32 =	vld.idx.msk [tilespmem:v56+s30+$0x120 ss:$0x1], $0xffff  }
0x1b1: {  	v35 =	vld.idx.msk [tilespmem:v56+s30+$0x130 ss:$0x1], $0xffff  }
0x1b2: {  	v38 =	vld.idx.msk [tilespmem:v56+s30+$0x140 ss:$0x1], $0xffff  }
0x1b3: {  	v8 =	vld.idx.msk [tilespmem:v56+s30+$0x150 ss:$0x1], $0xffff  }
0x1b4: {  	v9 =	vld.idx.msk [tilespmem:v56+s30+$0x160 ss:$0x1], $0xffff  }
0x1b5: {  	v10 =	vld.idx.msk [tilespmem:v56+s30+$0x170 ss:$0x1], $0xffff;
	_ =	sdelay $0x1  }
0x1b6: {  	v3 =	vmul.f32 v3, v57;
	v4 =	vmul.f32 v4, v58  }
0x1b7: {  	v5 =	vmul.f32 v32, v59;
	v6 =	vmul.f32 v35, v60  }
0x1b8: {  	v7 =	vmul.f32 v38, v61;
	v8 =	vmul.f32 v8, v62  }
0x1b9: {  	v9 =	vmul.f32 v9, v1;
	v10 =	vmul.f32 v10, v63  }
0x1ba: {  	v3 =	vadd.f32 v4, v3;
	v32 =	vadd.f32 v6, v5  }
0x1bb: {  	v35 =	vadd.f32 v8, v7;
	v38 =	vadd.f32 v10, v9;
	_ =	sdelay $0x1  }
0x1bc: {  	v3 =	vadd.f32 v32, v3;
	v32 =	vadd.f32 v38, v35;
	_ =	sdelay $0x1  }
0x1bd: {  	v3 =	vadd.f32 v32, v3;
	_ =	sdelay $0x1  }
0x1be: {  	[tilespmem:$0x1EF60] =	vst v3  }
0x1bf: {  	v3 =	vld.idx.msk [tilespmem:v56+s30+$0x180 ss:$0x1], $0xffff  }
0x1c0: {  	v4 =	vld.idx.msk [tilespmem:v56+s30+$0x190 ss:$0x1], $0xffff  }
0x1c1: {  	v35 =	vld.idx.msk [tilespmem:v56+s30+$0x1A0 ss:$0x1], $0xffff  }
0x1c2: {  	v38 =	vld.idx.msk [tilespmem:v56+s30+$0x1B0 ss:$0x1], $0xffff  }
0x1c3: {  	v32 =	vld.idx.msk [tilespmem:v56+s30+$0x1C0 ss:$0x1], $0xffff  }
0x1c4: {  	v8 =	vld.idx.msk [tilespmem:v56+s30+$0x1D0 ss:$0x1], $0xffff  }
0x1c5: {  	v9 =	vld.idx.msk [tilespmem:v56+s30+$0x1E0 ss:$0x1], $0xffff  }
0x1c6: {  	v10 =	vld.idx.msk [tilespmem:v56+s30+$0x1F0 ss:$0x1], $0xffff;
	_ =	sdelay $0x1  }
0x1c7: {  	v3 =	vmul.f32 v3, v57;
	v4 =	vmul.f32 v4, v58  }
0x1c8: {  	v5 =	vmul.f32 v35, v59;
	v6 =	vmul.f32 v38, v60  }
0x1c9: {  	v7 =	vmul.f32 v32, v61;
	v8 =	vmul.f32 v8, v62  }
0x1ca: {  	v9 =	vmul.f32 v9, v1;
	v10 =	vmul.f32 v10, v63  }
0x1cb: {  	v3 =	vadd.f32 v4, v3;
	v35 =	vadd.f32 v6, v5  }
0x1cc: {  	v38 =	vadd.f32 v8, v7;
	v32 =	vadd.f32 v10, v9;
	_ =	sdelay $0x1  }
0x1cd: {  	v3 =	vadd.f32 v35, v3;
	v35 =	vadd.f32 v32, v38;
	_ =	sdelay $0x1  }
0x1ce: {  	v3 =	vadd.f32 v35, v3;
	_ =	sdelay $0x1  }
0x1cf: {  	[tilespmem:$0x1EF70] =	vst v3  }
0x1d0: {  	v3 =	vld.idx.msk [tilespmem:v56+s30+$0x200 ss:$0x1], $0xffff  }
0x1d1: {  	v4 =	vld.idx.msk [tilespmem:v56+s30+$0x210 ss:$0x1], $0xffff  }
0x1d2: {  	v38 =	vld.idx.msk [tilespmem:v56+s30+$0x220 ss:$0x1], $0xffff  }
0x1d3: {  	v32 =	vld.idx.msk [tilespmem:v56+s30+$0x230 ss:$0x1], $0xffff  }
0x1d4: {  	v35 =	vld.idx.msk [tilespmem:v56+s30+$0x240 ss:$0x1], $0xffff  }
0x1d5: {  	v8 =	vld.idx.msk [tilespmem:v56+s30+$0x250 ss:$0x1], $0xffff  }
0x1d6: {  	v9 =	vld.idx.msk [tilespmem:v56+s30+$0x260 ss:$0x1], $0xffff  }
0x1d7: {  	v10 =	vld.idx.msk [tilespmem:v56+s30+$0x270 ss:$0x1], $0xffff;
	_ =	sdelay $0x1  }
0x1d8: {  	v3 =	vmul.f32 v3, v57;
	v4 =	vmul.f32 v4, v58  }
0x1d9: {  	v5 =	vmul.f32 v38, v59;
	v6 =	vmul.f32 v32, v60  }
0x1da: {  	v7 =	vmul.f32 v35, v61;
	v8 =	vmul.f32 v8, v62  }
0x1db: {  	v9 =	vmul.f32 v9, v1;
	v10 =	vmul.f32 v10, v63  }
0x1dc: {  	v3 =	vadd.f32 v4, v3;
	v38 =	vadd.f32 v6, v5  }
0x1dd: {  	v32 =	vadd.f32 v8, v7;
	v35 =	vadd.f32 v10, v9;
	_ =	sdelay $0x1  }
0x1de: {  	v3 =	vadd.f32 v38, v3;
	v38 =	vadd.f32 v35, v32;
	_ =	sdelay $0x1  }
0x1df: {  	v3 =	vadd.f32 v38, v3;
	_ =	sdelay $0x1  }
0x1e0: {  	[tilespmem:$0x1EF80] =	vst v3  }
0x1e1: {  	v3 =	vld.idx.msk [tilespmem:v56+s30+$0x280 ss:$0x1], $0xffff  }
0x1e2: {  	v4 =	vld.idx.msk [tilespmem:v56+s30+$0x290 ss:$0x1], $0xffff  }
0x1e3: {  	v32 =	vld.idx.msk [tilespmem:v56+s30+$0x2A0 ss:$0x1], $0xffff  }
0x1e4: {  	v35 =	vld.idx.msk [tilespmem:v56+s30+$0x2B0 ss:$0x1], $0xffff  }
0x1e5: {  	v38 =	vld.idx.msk [tilespmem:v56+s30+$0x2C0 ss:$0x1], $0xffff  }
0x1e6: {  	v8 =	vld.idx.msk [tilespmem:v56+s30+$0x2D0 ss:$0x1], $0xffff  }
0x1e7: {  	v9 =	vld.idx.msk [tilespmem:v56+s30+$0x2E0 ss:$0x1], $0xffff  }
0x1e8: {  	v10 =	vld.idx.msk [tilespmem:v56+s30+$0x2F0 ss:$0x1], $0xffff;
	_ =	sdelay $0x1  }
0x1e9: {  	v3 =	vmul.f32 v3, v57;
	v4 =	vmul.f32 v4, v58  }
0x1ea: {  	v5 =	vmul.f32 v32, v59;
	v6 =	vmul.f32 v35, v60  }
0x1eb: {  	v7 =	vmul.f32 v38, v61;
	v8 =	vmul.f32 v8, v62  }
0x1ec: {  	v1 =	vmul.f32 v9, v1;
	v9 =	vmul.f32 v10, v63  }
0x1ed: {  	v3 =	vadd.f32 v4, v3;
	v63 =	vadd.f32 v6, v5  }
0x1ee: {  	v32 =	vadd.f32 v8, v7;
	v1 =	vadd.f32 v9, v1;
	_ =	sdelay $0x1  }
0x1ef: {  	v3 =	vadd.f32 v63, v3;
	v1 =	vadd.f32 v1, v32;
	_ =	sdelay $0x1  }
0x1f0: {  	s31 =	sor.u32 $0x3, s26;
	v1 =	vadd.f32 v1, v3  }
0x1f1: {  	s28 =	sshll.u32 s31, $0x7  }
0x1f2: {  	s4 =	sand.u32 $0x3FFFFD80, s28;
	[tilespmem:$0x1EF90] =	vst v1  }
0x1f3: {  	v57 =	vld.idx.msk [tilespmem:v55+s4+$0x0 ss:$0x1], $0xffff  }
0x1f4: {  	v58 =	vld.idx.msk [tilespmem:v55+s4+$0x10 ss:$0x1], $0xffff  }
0x1f5: {  	v59 =	vld.idx.msk [tilespmem:v55+s4+$0x20 ss:$0x1], $0xffff  }
0x1f6: {  	v60 =	vld.idx.msk [tilespmem:v55+s4+$0x30 ss:$0x1], $0xffff  }
0x1f7: {  	v61 =	vld.idx.msk [tilespmem:v55+s4+$0x40 ss:$0x1], $0xffff  }
0x1f8: {  	s0 =	smul.u32 $0xC00, s31;
	v62 =	vld.idx.msk [tilespmem:v55+s4+$0x50 ss:$0x1], $0xffff  }
0x1f9: {  	v1 =	vld.idx.msk [tilespmem:v55+s4+$0x60 ss:$0x1], $0xffff  }
0x1fa: {  	s29 =	sshra.s32 s0, $0x2;
	v63 =	vld.idx.msk [tilespmem:v55+s4+$0x70 ss:$0x1], $0xffff  }
0x1fb: {  	v3 =	vld.idx.msk [tilespmem:v56+s29+$0x0 ss:$0x1], $0xffff  }
0x1fc: {  	v4 =	vld.idx.msk [tilespmem:v56+s29+$0x10 ss:$0x1], $0xffff  }
0x1fd: {  	v35 =	vld.idx.msk [tilespmem:v56+s29+$0x20 ss:$0x1], $0xffff  }
0x1fe: {  	v38 =	vld.idx.msk [tilespmem:v56+s29+$0x30 ss:$0x1], $0xffff  }
0x1ff: {  	v32 =	vld.idx.msk [tilespmem:v56+s29+$0x40 ss:$0x1], $0xffff  }
0x200: {  	v8 =	vld.idx.msk [tilespmem:v56+s29+$0x50 ss:$0x1], $0xffff  }
0x201: {  	v9 =	vld.idx.msk [tilespmem:v56+s29+$0x60 ss:$0x1], $0xffff  }
0x202: {  	v10 =	vld.idx.msk [tilespmem:v56+s29+$0x70 ss:$0x1], $0xffff;
	_ =	sdelay $0x1  }
0x203: {  	v3 =	vmul.f32 v3, v57;
	v4 =	vmul.f32 v4, v58  }
0x204: {  	v5 =	vmul.f32 v35, v59;
	v6 =	vmul.f32 v38, v60  }
0x205: {  	v7 =	vmul.f32 v32, v61;
	v8 =	vmul.f32 v8, v62  }
0x206: {  	v9 =	vmul.f32 v9, v1;
	v10 =	vmul.f32 v10, v63  }
0x207: {  	v3 =	vadd.f32 v4, v3;
	v35 =	vadd.f32 v6, v5  }
0x208: {  	v38 =	vadd.f32 v8, v7;
	v32 =	vadd.f32 v10, v9;
	_ =	sdelay $0x1  }
0x209: {  	v3 =	vadd.f32 v35, v3;
	v35 =	vadd.f32 v32, v38;
	_ =	sdelay $0x1  }
0x20a: {  	v3 =	vadd.f32 v35, v3;
	_ =	sdelay $0x1  }
0x20b: {  	[tilespmem:$0x1EFA0] =	vst v3  }
0x20c: {  	v3 =	vld.idx.msk [tilespmem:v56+s29+$0x80 ss:$0x1], $0xffff  }
0x20d: {  	v4 =	vld.idx.msk [tilespmem:v56+s29+$0x90 ss:$0x1], $0xffff  }
0x20e: {  	v38 =	vld.idx.msk [tilespmem:v56+s29+$0xA0 ss:$0x1], $0xffff  }
0x20f: {  	v32 =	vld.idx.msk [tilespmem:v56+s29+$0xB0 ss:$0x1], $0xffff  }
0x210: {  	v35 =	vld.idx.msk [tilespmem:v56+s29+$0xC0 ss:$0x1], $0xffff  }
0x211: {  	v8 =	vld.idx.msk [tilespmem:v56+s29+$0xD0 ss:$0x1], $0xffff  }
0x212: {  	v9 =	vld.idx.msk [tilespmem:v56+s29+$0xE0 ss:$0x1], $0xffff  }
0x213: {  	v10 =	vld.idx.msk [tilespmem:v56+s29+$0xF0 ss:$0x1], $0xffff;
	_ =	sdelay $0x1  }
0x214: {  	v3 =	vmul.f32 v3, v57;
	v4 =	vmul.f32 v4, v58  }
0x215: {  	v5 =	vmul.f32 v38, v59;
	v6 =	vmul.f32 v32, v60  }
0x216: {  	v7 =	vmul.f32 v35, v61;
	v8 =	vmul.f32 v8, v62  }
0x217: {  	v9 =	vmul.f32 v9, v1;
	v10 =	vmul.f32 v10, v63  }
0x218: {  	v3 =	vadd.f32 v4, v3;
	v38 =	vadd.f32 v6, v5  }
0x219: {  	v32 =	vadd.f32 v8, v7;
	v35 =	vadd.f32 v10, v9;
	_ =	sdelay $0x1  }
0x21a: {  	v3 =	vadd.f32 v38, v3;
	v38 =	vadd.f32 v35, v32;
	_ =	sdelay $0x1  }
0x21b: {  	v3 =	vadd.f32 v38, v3;
	_ =	sdelay $0x1  }
0x21c: {  	[tilespmem:$0x1EFB0] =	vst v3  }
0x21d: {  	v3 =	vld.idx.msk [tilespmem:v56+s29+$0x100 ss:$0x1], $0xffff  }
0x21e: {  	v4 =	vld.idx.msk [tilespmem:v56+s29+$0x110 ss:$0x1], $0xffff  }
0x21f: {  	v32 =	vld.idx.msk [tilespmem:v56+s29+$0x120 ss:$0x1], $0xffff  }
0x220: {  	v35 =	vld.idx.msk [tilespmem:v56+s29+$0x130 ss:$0x1], $0xffff  }
0x221: {  	v38 =	vld.idx.msk [tilespmem:v56+s29+$0x140 ss:$0x1], $0xffff  }
0x222: {  	v8 =	vld.idx.msk [tilespmem:v56+s29+$0x150 ss:$0x1], $0xffff  }
0x223: {  	v9 =	vld.idx.msk [tilespmem:v56+s29+$0x160 ss:$0x1], $0xffff  }
0x224: {  	v10 =	vld.idx.msk [tilespmem:v56+s29+$0x170 ss:$0x1], $0xffff;
	_ =	sdelay $0x1  }
0x225: {  	v3 =	vmul.f32 v3, v57;
	v4 =	vmul.f32 v4, v58  }
0x226: {  	v5 =	vmul.f32 v32, v59;
	v6 =	vmul.f32 v35, v60  }
0x227: {  	v7 =	vmul.f32 v38, v61;
	v8 =	vmul.f32 v8, v62  }
0x228: {  	v9 =	vmul.f32 v9, v1;
	v10 =	vmul.f32 v10, v63  }
0x229: {  	v3 =	vadd.f32 v4, v3;
	v32 =	vadd.f32 v6, v5  }
0x22a: {  	v35 =	vadd.f32 v8, v7;
	v38 =	vadd.f32 v10, v9;
	_ =	sdelay $0x1  }
0x22b: {  	v3 =	vadd.f32 v32, v3;
	v32 =	vadd.f32 v38, v35;
	_ =	sdelay $0x1  }
0x22c: {  	v3 =	vadd.f32 v32, v3;
	_ =	sdelay $0x1  }
0x22d: {  	[tilespmem:$0x1EFC0] =	vst v3  }
0x22e: {  	v3 =	vld.idx.msk [tilespmem:v56+s29+$0x180 ss:$0x1], $0xffff  }
0x22f: {  	v4 =	vld.idx.msk [tilespmem:v56+s29+$0x190 ss:$0x1], $0xffff  }
0x230: {  	v35 =	vld.idx.msk [tilespmem:v56+s29+$0x1A0 ss:$0x1], $0xffff  }
0x231: {  	v38 =	vld.idx.msk [tilespmem:v56+s29+$0x1B0 ss:$0x1], $0xffff  }
0x232: {  	v32 =	vld.idx.msk [tilespmem:v56+s29+$0x1C0 ss:$0x1], $0xffff  }
0x233: {  	v8 =	vld.idx.msk [tilespmem:v56+s29+$0x1D0 ss:$0x1], $0xffff  }
0x234: {  	v9 =	vld.idx.msk [tilespmem:v56+s29+$0x1E0 ss:$0x1], $0xffff  }
0x235: {  	v10 =	vld.idx.msk [tilespmem:v56+s29+$0x1F0 ss:$0x1], $0xffff;
	_ =	sdelay $0x1  }
0x236: {  	v3 =	vmul.f32 v3, v57;
	v4 =	vmul.f32 v4, v58  }
0x237: {  	v5 =	vmul.f32 v35, v59;
	v6 =	vmul.f32 v38, v60  }
0x238: {  	v7 =	vmul.f32 v32, v61;
	v8 =	vmul.f32 v8, v62  }
0x239: {  	v9 =	vmul.f32 v9, v1;
	v10 =	vmul.f32 v10, v63  }
0x23a: {  	v3 =	vadd.f32 v4, v3;
	v35 =	vadd.f32 v6, v5  }
0x23b: {  	v38 =	vadd.f32 v8, v7;
	v32 =	vadd.f32 v10, v9;
	_ =	sdelay $0x1  }
0x23c: {  	v3 =	vadd.f32 v35, v3;
	v35 =	vadd.f32 v32, v38;
	_ =	sdelay $0x1  }
0x23d: {  	v3 =	vadd.f32 v35, v3;
	_ =	sdelay $0x1  }
0x23e: {  	[tilespmem:$0x1EFD0] =	vst v3  }
0x23f: {  	v3 =	vld.idx.msk [tilespmem:v56+s29+$0x200 ss:$0x1], $0xffff  }
0x240: {  	v4 =	vld.idx.msk [tilespmem:v56+s29+$0x210 ss:$0x1], $0xffff  }
0x241: {  	v38 =	vld.idx.msk [tilespmem:v56+s29+$0x220 ss:$0x1], $0xffff  }
0x242: {  	v32 =	vld.idx.msk [tilespmem:v56+s29+$0x230 ss:$0x1], $0xffff  }
0x243: {  	v35 =	vld.idx.msk [tilespmem:v56+s29+$0x240 ss:$0x1], $0xffff  }
0x244: {  	v8 =	vld.idx.msk [tilespmem:v56+s29+$0x250 ss:$0x1], $0xffff  }
0x245: {  	v9 =	vld.idx.msk [tilespmem:v56+s29+$0x260 ss:$0x1], $0xffff  }
0x246: {  	v10 =	vld.idx.msk [tilespmem:v56+s29+$0x270 ss:$0x1], $0xffff;
	_ =	sdelay $0x1  }
0x247: {  	v3 =	vmul.f32 v3, v57;
	v4 =	vmul.f32 v4, v58  }
0x248: {  	v5 =	vmul.f32 v38, v59;
	v6 =	vmul.f32 v32, v60  }
0x249: {  	v7 =	vmul.f32 v35, v61;
	v8 =	vmul.f32 v8, v62  }
0x24a: {  	v9 =	vmul.f32 v9, v1;
	v10 =	vmul.f32 v10, v63  }
0x24b: {  	v3 =	vadd.f32 v4, v3;
	v38 =	vadd.f32 v6, v5  }
0x24c: {  	v32 =	vadd.f32 v8, v7;
	v35 =	vadd.f32 v10, v9;
	_ =	sdelay $0x1  }
0x24d: {  	v3 =	vadd.f32 v38, v3;
	v38 =	vadd.f32 v35, v32;
	_ =	sdelay $0x1  }
0x24e: {  	v3 =	vadd.f32 v38, v3;
	_ =	sdelay $0x1  }
0x24f: {  	[tilespmem:$0x1EFE0] =	vst v3  }
0x250: {  	v3 =	vld.idx.msk [tilespmem:v56+s29+$0x280 ss:$0x1], $0xffff  }
0x251: {  	v4 =	vld.idx.msk [tilespmem:v56+s29+$0x290 ss:$0x1], $0xffff  }
0x252: {  	v32 =	vld.idx.msk [tilespmem:v56+s29+$0x2A0 ss:$0x1], $0xffff  }
0x253: {  	v35 =	vld.idx.msk [tilespmem:v56+s29+$0x2B0 ss:$0x1], $0xffff  }
0x254: {  	v38 =	vld.idx.msk [tilespmem:v56+s29+$0x2C0 ss:$0x1], $0xffff  }
0x255: {  	v8 =	vld.idx.msk [tilespmem:v56+s29+$0x2D0 ss:$0x1], $0xffff  }
0x256: {  	v9 =	vld.idx.msk [tilespmem:v56+s29+$0x2E0 ss:$0x1], $0xffff  }
0x257: {  	v10 =	vld.idx.msk [tilespmem:v56+s29+$0x2F0 ss:$0x1], $0xffff;
	_ =	sdelay $0x1  }
0x258: {  	v3 =	vmul.f32 v3, v57;
	v4 =	vmul.f32 v4, v58  }
0x259: {  	v5 =	vmul.f32 v32, v59;
	v6 =	vmul.f32 v35, v60  }
0x25a: {  	v7 =	vmul.f32 v38, v61;
	v8 =	vmul.f32 v8, v62  }
0x25b: {  	v1 =	vmul.f32 v9, v1;
	v9 =	vmul.f32 v10, v63  }
0x25c: {  	v3 =	vadd.f32 v4, v3;
	v63 =	vadd.f32 v6, v5  }
0x25d: {  	v32 =	vadd.f32 v8, v7;
	v1 =	vadd.f32 v9, v1;
	_ =	sdelay $0x1  }
0x25e: {  	v3 =	vadd.f32 v63, v3;
	v1 =	vadd.f32 v1, v32;
	_ =	sdelay $0x1  }
0x25f: {  	s30 =	sor.u32 $0x4, s26;
	v1 =	vadd.f32 v1, v3  }
0x260: {  	s31 =	sshll.u32 s30, $0x7  }
0x261: {  	s4 =	sand.u32 $0x3FFFFE00, s31;
	[tilespmem:$0x1EFF0] =	vst v1  }
0x262: {  	v57 =	vld.idx.msk [tilespmem:v55+s4+$0x0 ss:$0x1], $0xffff  }
0x263: {  	v58 =	vld.idx.msk [tilespmem:v55+s4+$0x10 ss:$0x1], $0xffff  }
0x264: {  	v59 =	vld.idx.msk [tilespmem:v55+s4+$0x20 ss:$0x1], $0xffff  }
0x265: {  	v60 =	vld.idx.msk [tilespmem:v55+s4+$0x30 ss:$0x1], $0xffff  }
0x266: {  	v61 =	vld.idx.msk [tilespmem:v55+s4+$0x40 ss:$0x1], $0xffff  }
0x267: {  	s0 =	smul.u32 $0xC00, s30;
	v62 =	vld.idx.msk [tilespmem:v55+s4+$0x50 ss:$0x1], $0xffff  }
0x268: {  	v1 =	vld.idx.msk [tilespmem:v55+s4+$0x60 ss:$0x1], $0xffff  }
0x269: {  	v63 =	vld.idx.msk [tilespmem:v55+s4+$0x70 ss:$0x1], $0xffff;
	s4 =	sshra.s32 s0, $0x2  }
0x26a: {  	v3 =	vld.idx.msk [tilespmem:v56+s4+$0x0 ss:$0x1], $0xffff  }
0x26b: {  	v4 =	vld.idx.msk [tilespmem:v56+s4+$0x10 ss:$0x1], $0xffff  }
0x26c: {  	v35 =	vld.idx.msk [tilespmem:v56+s4+$0x20 ss:$0x1], $0xffff  }
0x26d: {  	v38 =	vld.idx.msk [tilespmem:v56+s4+$0x30 ss:$0x1], $0xffff  }
0x26e: {  	v32 =	vld.idx.msk [tilespmem:v56+s4+$0x40 ss:$0x1], $0xffff  }
0x26f: {  	v8 =	vld.idx.msk [tilespmem:v56+s4+$0x50 ss:$0x1], $0xffff  }
0x270: {  	v9 =	vld.idx.msk [tilespmem:v56+s4+$0x60 ss:$0x1], $0xffff  }
0x271: {  	v10 =	vld.idx.msk [tilespmem:v56+s4+$0x70 ss:$0x1], $0xffff;
	_ =	sdelay $0x1  }
0x272: {  	v3 =	vmul.f32 v3, v57;
	v4 =	vmul.f32 v4, v58  }
0x273: {  	v5 =	vmul.f32 v35, v59;
	v6 =	vmul.f32 v38, v60  }
0x274: {  	v7 =	vmul.f32 v32, v61;
	v8 =	vmul.f32 v8, v62  }
0x275: {  	v9 =	vmul.f32 v9, v1;
	v10 =	vmul.f32 v10, v63  }
0x276: {  	v3 =	vadd.f32 v4, v3;
	v35 =	vadd.f32 v6, v5  }
0x277: {  	v38 =	vadd.f32 v8, v7;
	v32 =	vadd.f32 v10, v9;
	_ =	sdelay $0x1  }
0x278: {  	v3 =	vadd.f32 v35, v3;
	v35 =	vadd.f32 v32, v38;
	_ =	sdelay $0x1  }
0x279: {  	v3 =	vadd.f32 v35, v3;
	_ =	sdelay $0x1  }
0x27a: {  	[tilespmem:$0x1F000] =	vst v3  }
0x27b: {  	v3 =	vld.idx.msk [tilespmem:v56+s4+$0x80 ss:$0x1], $0xffff  }
0x27c: {  	v4 =	vld.idx.msk [tilespmem:v56+s4+$0x90 ss:$0x1], $0xffff  }
0x27d: {  	v38 =	vld.idx.msk [tilespmem:v56+s4+$0xA0 ss:$0x1], $0xffff  }
0x27e: {  	v32 =	vld.idx.msk [tilespmem:v56+s4+$0xB0 ss:$0x1], $0xffff  }
0x27f: {  	v35 =	vld.idx.msk [tilespmem:v56+s4+$0xC0 ss:$0x1], $0xffff  }
0x280: {  	v8 =	vld.idx.msk [tilespmem:v56+s4+$0xD0 ss:$0x1], $0xffff  }
0x281: {  	v9 =	vld.idx.msk [tilespmem:v56+s4+$0xE0 ss:$0x1], $0xffff  }
0x282: {  	v10 =	vld.idx.msk [tilespmem:v56+s4+$0xF0 ss:$0x1], $0xffff;
	_ =	sdelay $0x1  }
0x283: {  	v3 =	vmul.f32 v3, v57;
	v4 =	vmul.f32 v4, v58  }
0x284: {  	v5 =	vmul.f32 v38, v59;
	v6 =	vmul.f32 v32, v60  }
0x285: {  	v7 =	vmul.f32 v35, v61;
	v8 =	vmul.f32 v8, v62  }
0x286: {  	v9 =	vmul.f32 v9, v1;
	v10 =	vmul.f32 v10, v63  }
0x287: {  	v3 =	vadd.f32 v4, v3;
	v38 =	vadd.f32 v6, v5  }
0x288: {  	v32 =	vadd.f32 v8, v7;
	v35 =	vadd.f32 v10, v9;
	_ =	sdelay $0x1  }
0x289: {  	v3 =	vadd.f32 v38, v3;
	v38 =	vadd.f32 v35, v32;
	_ =	sdelay $0x1  }
0x28a: {  	v3 =	vadd.f32 v38, v3;
	_ =	sdelay $0x1  }
0x28b: {  	[tilespmem:$0x1F010] =	vst v3  }
0x28c: {  	v3 =	vld.idx.msk [tilespmem:v56+s4+$0x100 ss:$0x1], $0xffff  }
0x28d: {  	v4 =	vld.idx.msk [tilespmem:v56+s4+$0x110 ss:$0x1], $0xffff  }
0x28e: {  	v32 =	vld.idx.msk [tilespmem:v56+s4+$0x120 ss:$0x1], $0xffff  }
0x28f: {  	v35 =	vld.idx.msk [tilespmem:v56+s4+$0x130 ss:$0x1], $0xffff  }
0x290: {  	v38 =	vld.idx.msk [tilespmem:v56+s4+$0x140 ss:$0x1], $0xffff  }
0x291: {  	v8 =	vld.idx.msk [tilespmem:v56+s4+$0x150 ss:$0x1], $0xffff  }
0x292: {  	v9 =	vld.idx.msk [tilespmem:v56+s4+$0x160 ss:$0x1], $0xffff  }
0x293: {  	v10 =	vld.idx.msk [tilespmem:v56+s4+$0x170 ss:$0x1], $0xffff;
	_ =	sdelay $0x1  }
0x294: {  	v3 =	vmul.f32 v3, v57;
	v4 =	vmul.f32 v4, v58  }
0x295: {  	v5 =	vmul.f32 v32, v59;
	v6 =	vmul.f32 v35, v60  }
0x296: {  	v7 =	vmul.f32 v38, v61;
	v8 =	vmul.f32 v8, v62  }
0x297: {  	v9 =	vmul.f32 v9, v1;
	v10 =	vmul.f32 v10, v63  }
0x298: {  	v3 =	vadd.f32 v4, v3;
	v32 =	vadd.f32 v6, v5  }
0x299: {  	v35 =	vadd.f32 v8, v7;
	v38 =	vadd.f32 v10, v9;
	_ =	sdelay $0x1  }
0x29a: {  	v3 =	vadd.f32 v32, v3;
	v32 =	vadd.f32 v38, v35;
	_ =	sdelay $0x1  }
0x29b: {  	v3 =	vadd.f32 v32, v3;
	_ =	sdelay $0x1  }
0x29c: {  	[tilespmem:$0x1F020] =	vst v3  }
0x29d: {  	v3 =	vld.idx.msk [tilespmem:v56+s4+$0x180 ss:$0x1], $0xffff  }
0x29e: {  	v4 =	vld.idx.msk [tilespmem:v56+s4+$0x190 ss:$0x1], $0xffff  }
0x29f: {  	v35 =	vld.idx.msk [tilespmem:v56+s4+$0x1A0 ss:$0x1], $0xffff  }
0x2a0: {  	v38 =	vld.idx.msk [tilespmem:v56+s4+$0x1B0 ss:$0x1], $0xffff  }
0x2a1: {  	v32 =	vld.idx.msk [tilespmem:v56+s4+$0x1C0 ss:$0x1], $0xffff  }
0x2a2: {  	v8 =	vld.idx.msk [tilespmem:v56+s4+$0x1D0 ss:$0x1], $0xffff  }
0x2a3: {  	v9 =	vld.idx.msk [tilespmem:v56+s4+$0x1E0 ss:$0x1], $0xffff  }
0x2a4: {  	v10 =	vld.idx.msk [tilespmem:v56+s4+$0x1F0 ss:$0x1], $0xffff;
	_ =	sdelay $0x1  }
0x2a5: {  	v3 =	vmul.f32 v3, v57;
	v4 =	vmul.f32 v4, v58  }
0x2a6: {  	v5 =	vmul.f32 v35, v59;
	v6 =	vmul.f32 v38, v60  }
0x2a7: {  	v7 =	vmul.f32 v32, v61;
	v8 =	vmul.f32 v8, v62  }
0x2a8: {  	v9 =	vmul.f32 v9, v1;
	v10 =	vmul.f32 v10, v63  }
0x2a9: {  	v3 =	vadd.f32 v4, v3;
	v35 =	vadd.f32 v6, v5  }
0x2aa: {  	v38 =	vadd.f32 v8, v7;
	v32 =	vadd.f32 v10, v9;
	_ =	sdelay $0x1  }
0x2ab: {  	v3 =	vadd.f32 v35, v3;
	v35 =	vadd.f32 v32, v38;
	_ =	sdelay $0x1  }
0x2ac: {  	v3 =	vadd.f32 v35, v3;
	_ =	sdelay $0x1  }
0x2ad: {  	[tilespmem:$0x1F030] =	vst v3  }
0x2ae: {  	v3 =	vld.idx.msk [tilespmem:v56+s4+$0x200 ss:$0x1], $0xffff  }
0x2af: {  	v4 =	vld.idx.msk [tilespmem:v56+s4+$0x210 ss:$0x1], $0xffff  }
0x2b0: {  	v38 =	vld.idx.msk [tilespmem:v56+s4+$0x220 ss:$0x1], $0xffff  }
0x2b1: {  	v32 =	vld.idx.msk [tilespmem:v56+s4+$0x230 ss:$0x1], $0xffff  }
0x2b2: {  	v35 =	vld.idx.msk [tilespmem:v56+s4+$0x240 ss:$0x1], $0xffff  }
0x2b3: {  	v8 =	vld.idx.msk [tilespmem:v56+s4+$0x250 ss:$0x1], $0xffff  }
0x2b4: {  	v9 =	vld.idx.msk [tilespmem:v56+s4+$0x260 ss:$0x1], $0xffff  }
0x2b5: {  	v10 =	vld.idx.msk [tilespmem:v56+s4+$0x270 ss:$0x1], $0xffff;
	_ =	sdelay $0x1  }
0x2b6: {  	v3 =	vmul.f32 v3, v57;
	v4 =	vmul.f32 v4, v58  }
0x2b7: {  	v5 =	vmul.f32 v38, v59;
	v6 =	vmul.f32 v32, v60  }
0x2b8: {  	v7 =	vmul.f32 v35, v61;
	v8 =	vmul.f32 v8, v62  }
0x2b9: {  	v9 =	vmul.f32 v9, v1;
	v10 =	vmul.f32 v10, v63  }
0x2ba: {  	v3 =	vadd.f32 v4, v3;
	v38 =	vadd.f32 v6, v5  }
0x2bb: {  	v32 =	vadd.f32 v8, v7;
	v35 =	vadd.f32 v10, v9;
	_ =	sdelay $0x1  }
0x2bc: {  	v3 =	vadd.f32 v38, v3;
	v38 =	vadd.f32 v35, v32;
	_ =	sdelay $0x1  }
0x2bd: {  	v3 =	vadd.f32 v38, v3;
	_ =	sdelay $0x1  }
0x2be: {  	[tilespmem:$0x1F040] =	vst v3  }
0x2bf: {  	v3 =	vld.idx.msk [tilespmem:v56+s4+$0x280 ss:$0x1], $0xffff  }
0x2c0: {  	v4 =	vld.idx.msk [tilespmem:v56+s4+$0x290 ss:$0x1], $0xffff  }
0x2c1: {  	v32 =	vld.idx.msk [tilespmem:v56+s4+$0x2A0 ss:$0x1], $0xffff  }
0x2c2: {  	v35 =	vld.idx.msk [tilespmem:v56+s4+$0x2B0 ss:$0x1], $0xffff  }
0x2c3: {  	v38 =	vld.idx.msk [tilespmem:v56+s4+$0x2C0 ss:$0x1], $0xffff  }
0x2c4: {  	v8 =	vld.idx.msk [tilespmem:v56+s4+$0x2D0 ss:$0x1], $0xffff  }
0x2c5: {  	v9 =	vld.idx.msk [tilespmem:v56+s4+$0x2E0 ss:$0x1], $0xffff  }
0x2c6: {  	v10 =	vld.idx.msk [tilespmem:v56+s4+$0x2F0 ss:$0x1], $0xffff;
	_ =	sdelay $0x1  }
0x2c7: {  	v3 =	vmul.f32 v3, v57;
	v4 =	vmul.f32 v4, v58  }
0x2c8: {  	v5 =	vmul.f32 v32, v59;
	v6 =	vmul.f32 v35, v60  }
0x2c9: {  	v7 =	vmul.f32 v38, v61;
	v8 =	vmul.f32 v8, v62  }
0x2ca: {  	v1 =	vmul.f32 v9, v1;
	v9 =	vmul.f32 v10, v63  }
0x2cb: {  	v3 =	vadd.f32 v4, v3;
	v63 =	vadd.f32 v6, v5  }
0x2cc: {  	v32 =	vadd.f32 v8, v7;
	v1 =	vadd.f32 v9, v1;
	_ =	sdelay $0x1  }
0x2cd: {  	v3 =	vadd.f32 v63, v3;
	v1 =	vadd.f32 v1, v32;
	_ =	sdelay $0x1  }
0x2ce: {  	s28 =	sor.u32 $0x5, s26;
	v1 =	vadd.f32 v1, v3  }
0x2cf: {  	s29 =	sshll.u32 s28, $0x7  }
0x2d0: {  	s4 =	sand.u32 $0x3FFFFE80, s29;
	[tilespmem:$0x1F050] =	vst v1  }
0x2d1: {  	v57 =	vld.idx.msk [tilespmem:v55+s4+$0x0 ss:$0x1], $0xffff  }
0x2d2: {  	v58 =	vld.idx.msk [tilespmem:v55+s4+$0x10 ss:$0x1], $0xffff  }
0x2d3: {  	v59 =	vld.idx.msk [tilespmem:v55+s4+$0x20 ss:$0x1], $0xffff  }
0x2d4: {  	v60 =	vld.idx.msk [tilespmem:v55+s4+$0x30 ss:$0x1], $0xffff  }
0x2d5: {  	v61 =	vld.idx.msk [tilespmem:v55+s4+$0x40 ss:$0x1], $0xffff  }
0x2d6: {  	s0 =	smul.u32 $0xC00, s28;
	v62 =	vld.idx.msk [tilespmem:v55+s4+$0x50 ss:$0x1], $0xffff  }
0x2d7: {  	v1 =	vld.idx.msk [tilespmem:v55+s4+$0x60 ss:$0x1], $0xffff  }
0x2d8: {  	s30 =	sshra.s32 s0, $0x2;
	v63 =	vld.idx.msk [tilespmem:v55+s4+$0x70 ss:$0x1], $0xffff  }
0x2d9: {  	v3 =	vld.idx.msk [tilespmem:v56+s30+$0x0 ss:$0x1], $0xffff  }
0x2da: {  	v4 =	vld.idx.msk [tilespmem:v56+s30+$0x10 ss:$0x1], $0xffff  }
0x2db: {  	v35 =	vld.idx.msk [tilespmem:v56+s30+$0x20 ss:$0x1], $0xffff  }
0x2dc: {  	v38 =	vld.idx.msk [tilespmem:v56+s30+$0x30 ss:$0x1], $0xffff  }
0x2dd: {  	v32 =	vld.idx.msk [tilespmem:v56+s30+$0x40 ss:$0x1], $0xffff  }
0x2de: {  	v8 =	vld.idx.msk [tilespmem:v56+s30+$0x50 ss:$0x1], $0xffff  }
0x2df: {  	v9 =	vld.idx.msk [tilespmem:v56+s30+$0x60 ss:$0x1], $0xffff  }
0x2e0: {  	v10 =	vld.idx.msk [tilespmem:v56+s30+$0x70 ss:$0x1], $0xffff;
	_ =	sdelay $0x1  }
0x2e1: {  	v3 =	vmul.f32 v3, v57;
	v4 =	vmul.f32 v4, v58  }
0x2e2: {  	v5 =	vmul.f32 v35, v59;
	v6 =	vmul.f32 v38, v60  }
0x2e3: {  	v7 =	vmul.f32 v32, v61;
	v8 =	vmul.f32 v8, v62  }
0x2e4: {  	v9 =	vmul.f32 v9, v1;
	v10 =	vmul.f32 v10, v63  }
0x2e5: {  	v3 =	vadd.f32 v4, v3;
	v35 =	vadd.f32 v6, v5  }
0x2e6: {  	v38 =	vadd.f32 v8, v7;
	v32 =	vadd.f32 v10, v9;
	_ =	sdelay $0x1  }
0x2e7: {  	v3 =	vadd.f32 v35, v3;
	v35 =	vadd.f32 v32, v38;
	_ =	sdelay $0x1  }
0x2e8: {  	v3 =	vadd.f32 v35, v3;
	_ =	sdelay $0x1  }
0x2e9: {  	[tilespmem:$0x1F060] =	vst v3  }
0x2ea: {  	v3 =	vld.idx.msk [tilespmem:v56+s30+$0x80 ss:$0x1], $0xffff  }
0x2eb: {  	v4 =	vld.idx.msk [tilespmem:v56+s30+$0x90 ss:$0x1], $0xffff  }
0x2ec: {  	v38 =	vld.idx.msk [tilespmem:v56+s30+$0xA0 ss:$0x1], $0xffff  }
0x2ed: {  	v32 =	vld.idx.msk [tilespmem:v56+s30+$0xB0 ss:$0x1], $0xffff  }
0x2ee: {  	v35 =	vld.idx.msk [tilespmem:v56+s30+$0xC0 ss:$0x1], $0xffff  }
0x2ef: {  	v8 =	vld.idx.msk [tilespmem:v56+s30+$0xD0 ss:$0x1], $0xffff  }
0x2f0: {  	v9 =	vld.idx.msk [tilespmem:v56+s30+$0xE0 ss:$0x1], $0xffff  }
0x2f1: {  	v10 =	vld.idx.msk [tilespmem:v56+s30+$0xF0 ss:$0x1], $0xffff;
	_ =	sdelay $0x1  }
0x2f2: {  	v3 =	vmul.f32 v3, v57;
	v4 =	vmul.f32 v4, v58  }
0x2f3: {  	v5 =	vmul.f32 v38, v59;
	v6 =	vmul.f32 v32, v60  }
0x2f4: {  	v7 =	vmul.f32 v35, v61;
	v8 =	vmul.f32 v8, v62  }
0x2f5: {  	v9 =	vmul.f32 v9, v1;
	v10 =	vmul.f32 v10, v63  }
0x2f6: {  	v3 =	vadd.f32 v4, v3;
	v38 =	vadd.f32 v6, v5  }
0x2f7: {  	v32 =	vadd.f32 v8, v7;
	v35 =	vadd.f32 v10, v9;
	_ =	sdelay $0x1  }
0x2f8: {  	v3 =	vadd.f32 v38, v3;
	v38 =	vadd.f32 v35, v32;
	_ =	sdelay $0x1  }
0x2f9: {  	v3 =	vadd.f32 v38, v3;
	_ =	sdelay $0x1  }
0x2fa: {  	[tilespmem:$0x1F070] =	vst v3  }
0x2fb: {  	v3 =	vld.idx.msk [tilespmem:v56+s30+$0x100 ss:$0x1], $0xffff  }
0x2fc: {  	v4 =	vld.idx.msk [tilespmem:v56+s30+$0x110 ss:$0x1], $0xffff  }
0x2fd: {  	v32 =	vld.idx.msk [tilespmem:v56+s30+$0x120 ss:$0x1], $0xffff  }
0x2fe: {  	v35 =	vld.idx.msk [tilespmem:v56+s30+$0x130 ss:$0x1], $0xffff  }
0x2ff: {  	v38 =	vld.idx.msk [tilespmem:v56+s30+$0x140 ss:$0x1], $0xffff  }
0x300: {  	v8 =	vld.idx.msk [tilespmem:v56+s30+$0x150 ss:$0x1], $0xffff  }
0x301: {  	v9 =	vld.idx.msk [tilespmem:v56+s30+$0x160 ss:$0x1], $0xffff  }
0x302: {  	v10 =	vld.idx.msk [tilespmem:v56+s30+$0x170 ss:$0x1], $0xffff;
	_ =	sdelay $0x1  }
0x303: {  	v3 =	vmul.f32 v3, v57;
	v4 =	vmul.f32 v4, v58  }
0x304: {  	v5 =	vmul.f32 v32, v59;
	v6 =	vmul.f32 v35, v60  }
0x305: {  	v7 =	vmul.f32 v38, v61;
	v8 =	vmul.f32 v8, v62  }
0x306: {  	v9 =	vmul.f32 v9, v1;
	v10 =	vmul.f32 v10, v63  }
0x307: {  	v3 =	vadd.f32 v4, v3;
	v32 =	vadd.f32 v6, v5  }
0x308: {  	v35 =	vadd.f32 v8, v7;
	v38 =	vadd.f32 v10, v9;
	_ =	sdelay $0x1  }
0x309: {  	v3 =	vadd.f32 v32, v3;
	v32 =	vadd.f32 v38, v35;
	_ =	sdelay $0x1  }
0x30a: {  	v3 =	vadd.f32 v32, v3;
	_ =	sdelay $0x1  }
0x30b: {  	[tilespmem:$0x1F080] =	vst v3  }
0x30c: {  	v3 =	vld.idx.msk [tilespmem:v56+s30+$0x180 ss:$0x1], $0xffff  }
0x30d: {  	v4 =	vld.idx.msk [tilespmem:v56+s30+$0x190 ss:$0x1], $0xffff  }
0x30e: {  	v35 =	vld.idx.msk [tilespmem:v56+s30+$0x1A0 ss:$0x1], $0xffff  }
0x30f: {  	v38 =	vld.idx.msk [tilespmem:v56+s30+$0x1B0 ss:$0x1], $0xffff  }
0x310: {  	v32 =	vld.idx.msk [tilespmem:v56+s30+$0x1C0 ss:$0x1], $0xffff  }
0x311: {  	v8 =	vld.idx.msk [tilespmem:v56+s30+$0x1D0 ss:$0x1], $0xffff  }
0x312: {  	v9 =	vld.idx.msk [tilespmem:v56+s30+$0x1E0 ss:$0x1], $0xffff  }
0x313: {  	v10 =	vld.idx.msk [tilespmem:v56+s30+$0x1F0 ss:$0x1], $0xffff;
	_ =	sdelay $0x1  }
0x314: {  	v3 =	vmul.f32 v3, v57;
	v4 =	vmul.f32 v4, v58  }
0x315: {  	v5 =	vmul.f32 v35, v59;
	v6 =	vmul.f32 v38, v60  }
0x316: {  	v7 =	vmul.f32 v32, v61;
	v8 =	vmul.f32 v8, v62  }
0x317: {  	v9 =	vmul.f32 v9, v1;
	v10 =	vmul.f32 v10, v63  }
0x318: {  	v3 =	vadd.f32 v4, v3;
	v35 =	vadd.f32 v6, v5  }
0x319: {  	v38 =	vadd.f32 v8, v7;
	v32 =	vadd.f32 v10, v9;
	_ =	sdelay $0x1  }
0x31a: {  	v3 =	vadd.f32 v35, v3;
	v35 =	vadd.f32 v32, v38;
	_ =	sdelay $0x1  }
0x31b: {  	v3 =	vadd.f32 v35, v3;
	_ =	sdelay $0x1  }
0x31c: {  	[tilespmem:$0x1F090] =	vst v3  }
0x31d: {  	v3 =	vld.idx.msk [tilespmem:v56+s30+$0x200 ss:$0x1], $0xffff  }
0x31e: {  	v4 =	vld.idx.msk [tilespmem:v56+s30+$0x210 ss:$0x1], $0xffff  }
0x31f: {  	v38 =	vld.idx.msk [tilespmem:v56+s30+$0x220 ss:$0x1], $0xffff  }
0x320: {  	v32 =	vld.idx.msk [tilespmem:v56+s30+$0x230 ss:$0x1], $0xffff  }
0x321: {  	v35 =	vld.idx.msk [tilespmem:v56+s30+$0x240 ss:$0x1], $0xffff  }
0x322: {  	v8 =	vld.idx.msk [tilespmem:v56+s30+$0x250 ss:$0x1], $0xffff  }
0x323: {  	v9 =	vld.idx.msk [tilespmem:v56+s30+$0x260 ss:$0x1], $0xffff  }
0x324: {  	v10 =	vld.idx.msk [tilespmem:v56+s30+$0x270 ss:$0x1], $0xffff;
	_ =	sdelay $0x1  }
0x325: {  	v3 =	vmul.f32 v3, v57;
	v4 =	vmul.f32 v4, v58  }
0x326: {  	v5 =	vmul.f32 v38, v59;
	v6 =	vmul.f32 v32, v60  }
0x327: {  	v7 =	vmul.f32 v35, v61;
	v8 =	vmul.f32 v8, v62  }
0x328: {  	v9 =	vmul.f32 v9, v1;
	v10 =	vmul.f32 v10, v63  }
0x329: {  	v3 =	vadd.f32 v4, v3;
	v38 =	vadd.f32 v6, v5  }
0x32a: {  	v32 =	vadd.f32 v8, v7;
	v35 =	vadd.f32 v10, v9;
	_ =	sdelay $0x1  }
0x32b: {  	v3 =	vadd.f32 v38, v3;
	v38 =	vadd.f32 v35, v32;
	_ =	sdelay $0x1  }
0x32c: {  	v3 =	vadd.f32 v38, v3;
	_ =	sdelay $0x1  }
0x32d: {  	[tilespmem:$0x1F0A0] =	vst v3  }
0x32e: {  	v3 =	vld.idx.msk [tilespmem:v56+s30+$0x280 ss:$0x1], $0xffff  }
0x32f: {  	v4 =	vld.idx.msk [tilespmem:v56+s30+$0x290 ss:$0x1], $0xffff  }
0x330: {  	v32 =	vld.idx.msk [tilespmem:v56+s30+$0x2A0 ss:$0x1], $0xffff  }
0x331: {  	v35 =	vld.idx.msk [tilespmem:v56+s30+$0x2B0 ss:$0x1], $0xffff  }
0x332: {  	v38 =	vld.idx.msk [tilespmem:v56+s30+$0x2C0 ss:$0x1], $0xffff  }
0x333: {  	v8 =	vld.idx.msk [tilespmem:v56+s30+$0x2D0 ss:$0x1], $0xffff  }
0x334: {  	v9 =	vld.idx.msk [tilespmem:v56+s30+$0x2E0 ss:$0x1], $0xffff  }
0x335: {  	v10 =	vld.idx.msk [tilespmem:v56+s30+$0x2F0 ss:$0x1], $0xffff;
	_ =	sdelay $0x1  }
0x336: {  	v3 =	vmul.f32 v3, v57;
	v4 =	vmul.f32 v4, v58  }
0x337: {  	v5 =	vmul.f32 v32, v59;
	v6 =	vmul.f32 v35, v60  }
0x338: {  	v7 =	vmul.f32 v38, v61;
	v8 =	vmul.f32 v8, v62  }
0x339: {  	v1 =	vmul.f32 v9, v1;
	v9 =	vmul.f32 v10, v63  }
0x33a: {  	v3 =	vadd.f32 v4, v3;
	v63 =	vadd.f32 v6, v5  }
0x33b: {  	v32 =	vadd.f32 v8, v7;
	v1 =	vadd.f32 v9, v1;
	_ =	sdelay $0x1  }
0x33c: {  	v3 =	vadd.f32 v63, v3;
	v1 =	vadd.f32 v1, v32;
	_ =	sdelay $0x1  }
0x33d: {  	s31 =	sor.u32 $0x6, s26;
	v1 =	vadd.f32 v1, v3  }
0x33e: {  	s26 =	sshll.u32 s31, $0x7  }
0x33f: {  	s4 =	sand.u32 $0x3FFFFF00, s26;
	[tilespmem:$0x1F0B0] =	vst v1  }
0x340: {  	v57 =	vld.idx.msk [tilespmem:v55+s4+$0x0 ss:$0x1], $0xffff  }
0x341: {  	v58 =	vld.idx.msk [tilespmem:v55+s4+$0x10 ss:$0x1], $0xffff  }
0x342: {  	v59 =	vld.idx.msk [tilespmem:v55+s4+$0x20 ss:$0x1], $0xffff  }
0x343: {  	v60 =	vld.idx.msk [tilespmem:v55+s4+$0x30 ss:$0x1], $0xffff  }
0x344: {  	v61 =	vld.idx.msk [tilespmem:v55+s4+$0x40 ss:$0x1], $0xffff  }
0x345: {  	s0 =	smul.u32 $0xC00, s31;
	v62 =	vld.idx.msk [tilespmem:v55+s4+$0x50 ss:$0x1], $0xffff  }
0x346: {  	v1 =	vld.idx.msk [tilespmem:v55+s4+$0x60 ss:$0x1], $0xffff  }
0x347: {  	s28 =	sshra.s32 s0, $0x2;
	v63 =	vld.idx.msk [tilespmem:v55+s4+$0x70 ss:$0x1], $0xffff  }
0x348: {  	v3 =	vld.idx.msk [tilespmem:v56+s28+$0x0 ss:$0x1], $0xffff  }
0x349: {  	v4 =	vld.idx.msk [tilespmem:v56+s28+$0x10 ss:$0x1], $0xffff  }
0x34a: {  	v35 =	vld.idx.msk [tilespmem:v56+s28+$0x20 ss:$0x1], $0xffff  }
0x34b: {  	v38 =	vld.idx.msk [tilespmem:v56+s28+$0x30 ss:$0x1], $0xffff  }
0x34c: {  	v32 =	vld.idx.msk [tilespmem:v56+s28+$0x40 ss:$0x1], $0xffff  }
0x34d: {  	v8 =	vld.idx.msk [tilespmem:v56+s28+$0x50 ss:$0x1], $0xffff  }
0x34e: {  	v9 =	vld.idx.msk [tilespmem:v56+s28+$0x60 ss:$0x1], $0xffff  }
0x34f: {  	v10 =	vld.idx.msk [tilespmem:v56+s28+$0x70 ss:$0x1], $0xffff;
	_ =	sdelay $0x1  }
0x350: {  	v3 =	vmul.f32 v3, v57;
	v4 =	vmul.f32 v4, v58  }
0x351: {  	v5 =	vmul.f32 v35, v59;
	v6 =	vmul.f32 v38, v60  }
0x352: {  	v7 =	vmul.f32 v32, v61;
	v8 =	vmul.f32 v8, v62  }
0x353: {  	v9 =	vmul.f32 v9, v1;
	v10 =	vmul.f32 v10, v63  }
0x354: {  	v3 =	vadd.f32 v4, v3;
	v35 =	vadd.f32 v6, v5  }
0x355: {  	v38 =	vadd.f32 v8, v7;
	v32 =	vadd.f32 v10, v9;
	_ =	sdelay $0x1  }
0x356: {  	v3 =	vadd.f32 v35, v3;
	v35 =	vadd.f32 v32, v38;
	_ =	sdelay $0x1  }
0x357: {  	v3 =	vadd.f32 v35, v3;
	_ =	sdelay $0x1  }
0x358: {  	[tilespmem:$0x1F0C0] =	vst v3  }
0x359: {  	v3 =	vld.idx.msk [tilespmem:v56+s28+$0x80 ss:$0x1], $0xffff  }
0x35a: {  	v4 =	vld.idx.msk [tilespmem:v56+s28+$0x90 ss:$0x1], $0xffff  }
0x35b: {  	v38 =	vld.idx.msk [tilespmem:v56+s28+$0xA0 ss:$0x1], $0xffff  }
0x35c: {  	v32 =	vld.idx.msk [tilespmem:v56+s28+$0xB0 ss:$0x1], $0xffff  }
0x35d: {  	v35 =	vld.idx.msk [tilespmem:v56+s28+$0xC0 ss:$0x1], $0xffff  }
0x35e: {  	v8 =	vld.idx.msk [tilespmem:v56+s28+$0xD0 ss:$0x1], $0xffff  }
0x35f: {  	v9 =	vld.idx.msk [tilespmem:v56+s28+$0xE0 ss:$0x1], $0xffff  }
0x360: {  	v10 =	vld.idx.msk [tilespmem:v56+s28+$0xF0 ss:$0x1], $0xffff;
	_ =	sdelay $0x1  }
0x361: {  	v3 =	vmul.f32 v3, v57;
	v4 =	vmul.f32 v4, v58  }
0x362: {  	v5 =	vmul.f32 v38, v59;
	v6 =	vmul.f32 v32, v60  }
0x363: {  	v7 =	vmul.f32 v35, v61;
	v8 =	vmul.f32 v8, v62  }
0x364: {  	v9 =	vmul.f32 v9, v1;
	v10 =	vmul.f32 v10, v63  }
0x365: {  	v3 =	vadd.f32 v4, v3;
	v38 =	vadd.f32 v6, v5  }
0x366: {  	v32 =	vadd.f32 v8, v7;
	v35 =	vadd.f32 v10, v9;
	_ =	sdelay $0x1  }
0x367: {  	v3 =	vadd.f32 v38, v3;
	v38 =	vadd.f32 v35, v32;
	_ =	sdelay $0x1  }
0x368: {  	v3 =	vadd.f32 v38, v3;
	_ =	sdelay $0x1  }
0x369: {  	[tilespmem:$0x1F0D0] =	vst v3  }
0x36a: {  	v3 =	vld.idx.msk [tilespmem:v56+s28+$0x100 ss:$0x1], $0xffff  }
0x36b: {  	v4 =	vld.idx.msk [tilespmem:v56+s28+$0x110 ss:$0x1], $0xffff  }
0x36c: {  	v32 =	vld.idx.msk [tilespmem:v56+s28+$0x120 ss:$0x1], $0xffff  }
0x36d: {  	v35 =	vld.idx.msk [tilespmem:v56+s28+$0x130 ss:$0x1], $0xffff  }
0x36e: {  	v38 =	vld.idx.msk [tilespmem:v56+s28+$0x140 ss:$0x1], $0xffff  }
0x36f: {  	v8 =	vld.idx.msk [tilespmem:v56+s28+$0x150 ss:$0x1], $0xffff  }
0x370: {  	v9 =	vld.idx.msk [tilespmem:v56+s28+$0x160 ss:$0x1], $0xffff  }
0x371: {  	v10 =	vld.idx.msk [tilespmem:v56+s28+$0x170 ss:$0x1], $0xffff;
	_ =	sdelay $0x1  }
0x372: {  	v3 =	vmul.f32 v3, v57;
	v4 =	vmul.f32 v4, v58  }
0x373: {  	v5 =	vmul.f32 v32, v59;
	v6 =	vmul.f32 v35, v60  }
0x374: {  	v7 =	vmul.f32 v38, v61;
	v8 =	vmul.f32 v8, v62  }
0x375: {  	v9 =	vmul.f32 v9, v1;
	v10 =	vmul.f32 v10, v63  }
0x376: {  	v3 =	vadd.f32 v4, v3;
	v32 =	vadd.f32 v6, v5  }
0x377: {  	v35 =	vadd.f32 v8, v7;
	v38 =	vadd.f32 v10, v9;
	_ =	sdelay $0x1  }
0x378: {  	v3 =	vadd.f32 v32, v3;
	v32 =	vadd.f32 v38, v35;
	_ =	sdelay $0x1  }
0x379: {  	v3 =	vadd.f32 v32, v3;
	_ =	sdelay $0x1  }
0x37a: {  	[tilespmem:$0x1F0E0] =	vst v3  }
0x37b: {  	v3 =	vld.idx.msk [tilespmem:v56+s28+$0x180 ss:$0x1], $0xffff  }
0x37c: {  	v4 =	vld.idx.msk [tilespmem:v56+s28+$0x190 ss:$0x1], $0xffff  }
0x37d: {  	v35 =	vld.idx.msk [tilespmem:v56+s28+$0x1A0 ss:$0x1], $0xffff  }
0x37e: {  	v38 =	vld.idx.msk [tilespmem:v56+s28+$0x1B0 ss:$0x1], $0xffff  }
0x37f: {  	v32 =	vld.idx.msk [tilespmem:v56+s28+$0x1C0 ss:$0x1], $0xffff  }
0x380: {  	v8 =	vld.idx.msk [tilespmem:v56+s28+$0x1D0 ss:$0x1], $0xffff  }
0x381: {  	v9 =	vld.idx.msk [tilespmem:v56+s28+$0x1E0 ss:$0x1], $0xffff  }
0x382: {  	v10 =	vld.idx.msk [tilespmem:v56+s28+$0x1F0 ss:$0x1], $0xffff;
	_ =	sdelay $0x1  }
0x383: {  	v3 =	vmul.f32 v3, v57;
	v4 =	vmul.f32 v4, v58  }
0x384: {  	v5 =	vmul.f32 v35, v59;
	v6 =	vmul.f32 v38, v60  }
0x385: {  	v7 =	vmul.f32 v32, v61;
	v8 =	vmul.f32 v8, v62  }
0x386: {  	v9 =	vmul.f32 v9, v1;
	v10 =	vmul.f32 v10, v63  }
0x387: {  	v3 =	vadd.f32 v4, v3;
	v35 =	vadd.f32 v6, v5  }
0x388: {  	v38 =	vadd.f32 v8, v7;
	v32 =	vadd.f32 v10, v9;
	_ =	sdelay $0x1  }
0x389: {  	v3 =	vadd.f32 v35, v3;
	v35 =	vadd.f32 v32, v38;
	_ =	sdelay $0x1  }
0x38a: {  	v3 =	vadd.f32 v35, v3;
	_ =	sdelay $0x1  }
0x38b: {  	[tilespmem:$0x1F0F0] =	vst v3  }
0x38c: {  	v3 =	vld.idx.msk [tilespmem:v56+s28+$0x200 ss:$0x1], $0xffff  }
0x38d: {  	v4 =	vld.idx.msk [tilespmem:v56+s28+$0x210 ss:$0x1], $0xffff  }
0x38e: {  	v38 =	vld.idx.msk [tilespmem:v56+s28+$0x220 ss:$0x1], $0xffff  }
0x38f: {  	v32 =	vld.idx.msk [tilespmem:v56+s28+$0x230 ss:$0x1], $0xffff  }
0x390: {  	v35 =	vld.idx.msk [tilespmem:v56+s28+$0x240 ss:$0x1], $0xffff  }
0x391: {  	v8 =	vld.idx.msk [tilespmem:v56+s28+$0x250 ss:$0x1], $0xffff  }
0x392: {  	v9 =	vld.idx.msk [tilespmem:v56+s28+$0x260 ss:$0x1], $0xffff  }
0x393: {  	v10 =	vld.idx.msk [tilespmem:v56+s28+$0x270 ss:$0x1], $0xffff;
	_ =	sdelay $0x1  }
0x394: {  	v3 =	vmul.f32 v3, v57;
	v4 =	vmul.f32 v4, v58  }
0x395: {  	v5 =	vmul.f32 v38, v59;
	v6 =	vmul.f32 v32, v60  }
0x396: {  	v7 =	vmul.f32 v35, v61;
	v8 =	vmul.f32 v8, v62  }
0x397: {  	v9 =	vmul.f32 v9, v1;
	v10 =	vmul.f32 v10, v63  }
0x398: {  	v3 =	vadd.f32 v4, v3;
	v38 =	vadd.f32 v6, v5  }
0x399: {  	v32 =	vadd.f32 v8, v7;
	v35 =	vadd.f32 v10, v9;
	_ =	sdelay $0x1  }
0x39a: {  	v3 =	vadd.f32 v38, v3;
	v38 =	vadd.f32 v35, v32;
	_ =	sdelay $0x1  }
0x39b: {  	v3 =	vadd.f32 v38, v3;
	_ =	sdelay $0x1  }
0x39c: {  	[tilespmem:$0x1F100] =	vst v3  }
0x39d: {  	v3 =	vld.idx.msk [tilespmem:v56+s28+$0x280 ss:$0x1], $0xffff  }
0x39e: {  	v4 =	vld.idx.msk [tilespmem:v56+s28+$0x290 ss:$0x1], $0xffff  }
0x39f: {  	v32 =	vld.idx.msk [tilespmem:v56+s28+$0x2A0 ss:$0x1], $0xffff  }
0x3a0: {  	v35 =	vld.idx.msk [tilespmem:v56+s28+$0x2B0 ss:$0x1], $0xffff  }
0x3a1: {  	v38 =	vld.idx.msk [tilespmem:v56+s28+$0x2C0 ss:$0x1], $0xffff  }
0x3a2: {  	v8 =	vld.idx.msk [tilespmem:v56+s28+$0x2D0 ss:$0x1], $0xffff  }
0x3a3: {  	v9 =	vld.idx.msk [tilespmem:v56+s28+$0x2E0 ss:$0x1], $0xffff  }
0x3a4: {  	v10 =	vld.idx.msk [tilespmem:v56+s28+$0x2F0 ss:$0x1], $0xffff;
	_ =	sdelay $0x1  }
0x3a5: {  	v3 =	vmul.f32 v3, v57;
	v4 =	vmul.f32 v4, v58  }
0x3a6: {  	v5 =	vmul.f32 v32, v59;
	v6 =	vmul.f32 v35, v60  }
0x3a7: {  	v7 =	vmul.f32 v38, v61;
	v8 =	vmul.f32 v8, v62  }
0x3a8: {  	v1 =	vmul.f32 v9, v1;
	v9 =	vmul.f32 v10, v63  }
0x3a9: {  	v3 =	vadd.f32 v4, v3;
	v63 =	vadd.f32 v6, v5  }
0x3aa: {  	v32 =	vadd.f32 v8, v7;
	v1 =	vadd.f32 v9, v1;
	_ =	sdelay $0x1  }
0x3ab: {  	v3 =	vadd.f32 v63, v3;
	v1 =	vadd.f32 v1, v32;
	_ =	sdelay $0x1  }
0x3ac: {  	s29 =	sshllo.u32 s25, $0x3;
	v1 =	vadd.f32 v1, v3  }
0x3ad: {  	s30 =	sshll.u32 s29, $0x7  }
0x3ae: {  	s4 =	sand.u32 $0x3FFFFF80, s30;
	[tilespmem:$0x1F110] =	vst v1  }
0x3af: {  	v57 =	vld.idx.msk [tilespmem:v55+s4+$0x0 ss:$0x1], $0xffff  }
0x3b0: {  	v58 =	vld.idx.msk [tilespmem:v55+s4+$0x10 ss:$0x1], $0xffff  }
0x3b1: {  	v59 =	vld.idx.msk [tilespmem:v55+s4+$0x20 ss:$0x1], $0xffff  }
0x3b2: {  	v60 =	vld.idx.msk [tilespmem:v55+s4+$0x30 ss:$0x1], $0xffff  }
0x3b3: {  	v61 =	vld.idx.msk [tilespmem:v55+s4+$0x40 ss:$0x1], $0xffff  }
0x3b4: {  	s0 =	smul.u32 $0xC00, s29;
	v62 =	vld.idx.msk [tilespmem:v55+s4+$0x50 ss:$0x1], $0xffff  }
0x3b5: {  	v1 =	vld.idx.msk [tilespmem:v55+s4+$0x60 ss:$0x1], $0xffff  }
0x3b6: {  	s31 =	sshra.s32 s0, $0x2;
	v63 =	vld.idx.msk [tilespmem:v55+s4+$0x70 ss:$0x1], $0xffff  }
0x3b7: {  	v3 =	vld.idx.msk [tilespmem:v56+s31+$0x0 ss:$0x1], $0xffff  }
0x3b8: {  	v4 =	vld.idx.msk [tilespmem:v56+s31+$0x10 ss:$0x1], $0xffff  }
0x3b9: {  	v35 =	vld.idx.msk [tilespmem:v56+s31+$0x20 ss:$0x1], $0xffff  }
0x3ba: {  	v38 =	vld.idx.msk [tilespmem:v56+s31+$0x30 ss:$0x1], $0xffff  }
0x3bb: {  	v32 =	vld.idx.msk [tilespmem:v56+s31+$0x40 ss:$0x1], $0xffff  }
0x3bc: {  	v8 =	vld.idx.msk [tilespmem:v56+s31+$0x50 ss:$0x1], $0xffff  }
0x3bd: {  	v9 =	vld.idx.msk [tilespmem:v56+s31+$0x60 ss:$0x1], $0xffff  }
0x3be: {  	v10 =	vld.idx.msk [tilespmem:v56+s31+$0x70 ss:$0x1], $0xffff;
	_ =	sdelay $0x1  }
0x3bf: {  	v3 =	vmul.f32 v3, v57;
	v4 =	vmul.f32 v4, v58  }
0x3c0: {  	v5 =	vmul.f32 v35, v59;
	v6 =	vmul.f32 v38, v60  }
0x3c1: {  	v7 =	vmul.f32 v32, v61;
	v8 =	vmul.f32 v8, v62  }
0x3c2: {  	v9 =	vmul.f32 v9, v1;
	v10 =	vmul.f32 v10, v63  }
0x3c3: {  	v3 =	vadd.f32 v4, v3;
	v35 =	vadd.f32 v6, v5  }
0x3c4: {  	v38 =	vadd.f32 v8, v7;
	v32 =	vadd.f32 v10, v9;
	_ =	sdelay $0x1  }
0x3c5: {  	v3 =	vadd.f32 v35, v3;
	v35 =	vadd.f32 v32, v38;
	_ =	sdelay $0x1  }
0x3c6: {  	v3 =	vadd.f32 v35, v3;
	_ =	sdelay $0x1  }
0x3c7: {  	[tilespmem:$0x1F120] =	vst v3  }
0x3c8: {  	v3 =	vld.idx.msk [tilespmem:v56+s31+$0x80 ss:$0x1], $0xffff  }
0x3c9: {  	v4 =	vld.idx.msk [tilespmem:v56+s31+$0x90 ss:$0x1], $0xffff  }
0x3ca: {  	v38 =	vld.idx.msk [tilespmem:v56+s31+$0xA0 ss:$0x1], $0xffff  }
0x3cb: {  	v32 =	vld.idx.msk [tilespmem:v56+s31+$0xB0 ss:$0x1], $0xffff  }
0x3cc: {  	v35 =	vld.idx.msk [tilespmem:v56+s31+$0xC0 ss:$0x1], $0xffff  }
0x3cd: {  	v8 =	vld.idx.msk [tilespmem:v56+s31+$0xD0 ss:$0x1], $0xffff  }
0x3ce: {  	v9 =	vld.idx.msk [tilespmem:v56+s31+$0xE0 ss:$0x1], $0xffff  }
0x3cf: {  	v10 =	vld.idx.msk [tilespmem:v56+s31+$0xF0 ss:$0x1], $0xffff;
	_ =	sdelay $0x1  }
0x3d0: {  	v3 =	vmul.f32 v3, v57;
	v4 =	vmul.f32 v4, v58  }
0x3d1: {  	v5 =	vmul.f32 v38, v59;
	v6 =	vmul.f32 v32, v60  }
0x3d2: {  	v7 =	vmul.f32 v35, v61;
	v8 =	vmul.f32 v8, v62  }
0x3d3: {  	v9 =	vmul.f32 v9, v1;
	v10 =	vmul.f32 v10, v63  }
0x3d4: {  	v3 =	vadd.f32 v4, v3;
	v38 =	vadd.f32 v6, v5  }
0x3d5: {  	v32 =	vadd.f32 v8, v7;
	v35 =	vadd.f32 v10, v9;
	_ =	sdelay $0x1  }
0x3d6: {  	v3 =	vadd.f32 v38, v3;
	v38 =	vadd.f32 v35, v32;
	_ =	sdelay $0x1  }
0x3d7: {  	v3 =	vadd.f32 v38, v3;
	_ =	sdelay $0x1  }
0x3d8: {  	[tilespmem:$0x1F130] =	vst v3  }
0x3d9: {  	v3 =	vld.idx.msk [tilespmem:v56+s31+$0x100 ss:$0x1], $0xffff  }
0x3da: {  	v4 =	vld.idx.msk [tilespmem:v56+s31+$0x110 ss:$0x1], $0xffff  }
0x3db: {  	v32 =	vld.idx.msk [tilespmem:v56+s31+$0x120 ss:$0x1], $0xffff  }
0x3dc: {  	v35 =	vld.idx.msk [tilespmem:v56+s31+$0x130 ss:$0x1], $0xffff  }
0x3dd: {  	v38 =	vld.idx.msk [tilespmem:v56+s31+$0x140 ss:$0x1], $0xffff  }
0x3de: {  	v8 =	vld.idx.msk [tilespmem:v56+s31+$0x150 ss:$0x1], $0xffff  }
0x3df: {  	v9 =	vld.idx.msk [tilespmem:v56+s31+$0x160 ss:$0x1], $0xffff  }
0x3e0: {  	v10 =	vld.idx.msk [tilespmem:v56+s31+$0x170 ss:$0x1], $0xffff;
	_ =	sdelay $0x1  }
0x3e1: {  	v3 =	vmul.f32 v3, v57;
	v4 =	vmul.f32 v4, v58  }
0x3e2: {  	v5 =	vmul.f32 v32, v59;
	v6 =	vmul.f32 v35, v60  }
0x3e3: {  	v7 =	vmul.f32 v38, v61;
	v8 =	vmul.f32 v8, v62  }
0x3e4: {  	v9 =	vmul.f32 v9, v1;
	v10 =	vmul.f32 v10, v63  }
0x3e5: {  	v3 =	vadd.f32 v4, v3;
	v32 =	vadd.f32 v6, v5  }
0x3e6: {  	v35 =	vadd.f32 v8, v7;
	v38 =	vadd.f32 v10, v9;
	_ =	sdelay $0x1  }
0x3e7: {  	v3 =	vadd.f32 v32, v3;
	v32 =	vadd.f32 v38, v35;
	_ =	sdelay $0x1  }
0x3e8: {  	v3 =	vadd.f32 v32, v3;
	_ =	sdelay $0x1  }
0x3e9: {  	[tilespmem:$0x1F140] =	vst v3  }
0x3ea: {  	v3 =	vld.idx.msk [tilespmem:v56+s31+$0x180 ss:$0x1], $0xffff  }
0x3eb: {  	v4 =	vld.idx.msk [tilespmem:v56+s31+$0x190 ss:$0x1], $0xffff  }
0x3ec: {  	v35 =	vld.idx.msk [tilespmem:v56+s31+$0x1A0 ss:$0x1], $0xffff  }
0x3ed: {  	v38 =	vld.idx.msk [tilespmem:v56+s31+$0x1B0 ss:$0x1], $0xffff  }
0x3ee: {  	v32 =	vld.idx.msk [tilespmem:v56+s31+$0x1C0 ss:$0x1], $0xffff  }
0x3ef: {  	v8 =	vld.idx.msk [tilespmem:v56+s31+$0x1D0 ss:$0x1], $0xffff  }
0x3f0: {  	v9 =	vld.idx.msk [tilespmem:v56+s31+$0x1E0 ss:$0x1], $0xffff  }
0x3f1: {  	v10 =	vld.idx.msk [tilespmem:v56+s31+$0x1F0 ss:$0x1], $0xffff;
	_ =	sdelay $0x1  }
0x3f2: {  	v3 =	vmul.f32 v3, v57;
	v4 =	vmul.f32 v4, v58  }
0x3f3: {  	v5 =	vmul.f32 v35, v59;
	v6 =	vmul.f32 v38, v60  }
0x3f4: {  	v7 =	vmul.f32 v32, v61;
	v8 =	vmul.f32 v8, v62  }
0x3f5: {  	v9 =	vmul.f32 v9, v1;
	v10 =	vmul.f32 v10, v63  }
0x3f6: {  	v3 =	vadd.f32 v4, v3;
	v35 =	vadd.f32 v6, v5  }
0x3f7: {  	v38 =	vadd.f32 v8, v7;
	v32 =	vadd.f32 v10, v9;
	_ =	sdelay $0x1  }
0x3f8: {  	v3 =	vadd.f32 v35, v3;
	v35 =	vadd.f32 v32, v38;
	_ =	sdelay $0x1  }
0x3f9: {  	v3 =	vadd.f32 v35, v3;
	_ =	sdelay $0x1  }
0x3fa: {  	[tilespmem:$0x1F150] =	vst v3  }
0x3fb: {  	v3 =	vld.idx.msk [tilespmem:v56+s31+$0x200 ss:$0x1], $0xffff  }
0x3fc: {  	v4 =	vld.idx.msk [tilespmem:v56+s31+$0x210 ss:$0x1], $0xffff  }
0x3fd: {  	v38 =	vld.idx.msk [tilespmem:v56+s31+$0x220 ss:$0x1], $0xffff  }
0x3fe: {  	v32 =	vld.idx.msk [tilespmem:v56+s31+$0x230 ss:$0x1], $0xffff  }
0x3ff: {  	v35 =	vld.idx.msk [tilespmem:v56+s31+$0x240 ss:$0x1], $0xffff  }
0x400: {  	v8 =	vld.idx.msk [tilespmem:v56+s31+$0x250 ss:$0x1], $0xffff  }
0x401: {  	v9 =	vld.idx.msk [tilespmem:v56+s31+$0x260 ss:$0x1], $0xffff  }
0x402: {  	v10 =	vld.idx.msk [tilespmem:v56+s31+$0x270 ss:$0x1], $0xffff;
	_ =	sdelay $0x1  }
0x403: {  	v3 =	vmul.f32 v3, v57;
	v4 =	vmul.f32 v4, v58  }
0x404: {  	v5 =	vmul.f32 v38, v59;
	v6 =	vmul.f32 v32, v60  }
0x405: {  	v7 =	vmul.f32 v35, v61;
	v8 =	vmul.f32 v8, v62  }
0x406: {  	v9 =	vmul.f32 v9, v1;
	v10 =	vmul.f32 v10, v63  }
0x407: {  	v3 =	vadd.f32 v4, v3;
	v38 =	vadd.f32 v6, v5  }
0x408: {  	v32 =	vadd.f32 v8, v7;
	v35 =	vadd.f32 v10, v9;
	_ =	sdelay $0x1  }
0x409: {  	v3 =	vadd.f32 v38, v3;
	v38 =	vadd.f32 v35, v32;
	_ =	sdelay $0x1  }
0x40a: {  	v3 =	vadd.f32 v38, v3;
	_ =	sdelay $0x1  }
0x40b: {  	[tilespmem:$0x1F160] =	vst v3  }
0x40c: {  	v3 =	vld.idx.msk [tilespmem:v56+s31+$0x280 ss:$0x1], $0xffff  }
0x40d: {  	v4 =	vld.idx.msk [tilespmem:v56+s31+$0x290 ss:$0x1], $0xffff  }
0x40e: {  	v32 =	vld.idx.msk [tilespmem:v56+s31+$0x2A0 ss:$0x1], $0xffff  }
0x40f: {  	v35 =	vld.idx.msk [tilespmem:v56+s31+$0x2B0 ss:$0x1], $0xffff  }
0x410: {  	v38 =	vld.idx.msk [tilespmem:v56+s31+$0x2C0 ss:$0x1], $0xffff  }
0x411: {  	v8 =	vld.idx.msk [tilespmem:v56+s31+$0x2D0 ss:$0x1], $0xffff  }
0x412: {  	v9 =	vld.idx.msk [tilespmem:v56+s31+$0x2E0 ss:$0x1], $0xffff  }
0x413: {  	v10 =	vld.idx.msk [tilespmem:v56+s31+$0x2F0 ss:$0x1], $0xffff;
	_ =	sdelay $0x1  }
0x414: {  	v3 =	vmul.f32 v3, v57;
	v4 =	vmul.f32 v4, v58  }
0x415: {  	v5 =	vmul.f32 v32, v59;
	v6 =	vmul.f32 v35, v60  }
0x416: {  	v7 =	vmul.f32 v38, v61;
	v8 =	vmul.f32 v8, v62  }
0x417: {  	v1 =	vmul.f32 v9, v1;
	v9 =	vmul.f32 v10, v63  }
0x418: {  	v3 =	vadd.f32 v4, v3;
	v59 =	vadd.f32 v6, v5  }
0x419: {  	v60 =	vadd.f32 v8, v7;
	v1 =	vadd.f32 v9, v1;
	_ =	sdelay $0x1  }
0x41a: {  	v3 =	vadd.f32 v59, v3;
	v1 =	vadd.f32 v1, v60;
	_ =	sdelay $0x1  }
0x41b: {  	v1 =	vadd.f32 v1, v3;
	_ =	sdelay $0x1  }
0x41c: {  	[tilespmem:$0x1F170] =	vst v1  }
0x41d: {  	v1 =	vld.idx.msk [tilespmem:v11+s20+$0x0], $0xffff  }
0x41e: {  	v3 =	vld.idx.msk [tilespmem:v12+s20+$0x0], $0xffff  }
0x41f: {  	v4 =	vld.idx.msk [tilespmem:v13+s20+$0x0], $0xffff  }
0x420: {  	v5 =	vld.idx.msk [tilespmem:v14+s20+$0x0], $0xffff  }
0x421: {  	v6 =	vld.idx.msk [tilespmem:v15+s20+$0x0], $0xffff  }
0x422: {  	v7 =	vld.idx.msk [tilespmem:v16+s20+$0x0], $0xffff  }
0x423: {  	v8 =	vld.idx.msk [tilespmem:v17+s20+$0x0], $0xffff  }
0x424: {  	v9 =	vld.idx.msk [tilespmem:v19+s20+$0x0], $0xffff  }
0x425: {  	v10 =	vld.idx.msk [tilespmem:v20+s20+$0x0], $0xffff  }
0x426: {  	v57 =	vld.idx.msk [tilespmem:v50+s20+$0x0], $0xffff  }
0x427: {  	v58 =	vld.idx.msk [tilespmem:v22+s20+$0x0], $0xffff  }
0x428: {  	v59 =	vld.idx.msk [tilespmem:v23+s20+$0x0], $0xffff  }
0x429: {  	v60 =	vld.idx.msk [tilespmem:v40+s20+$0x0], $0xffff  }
0x42a: {  	v61 =	vld.idx.msk [tilespmem:v25+s20+$0x0], $0xffff  }
0x42b: {  	v62 =	vld.idx.msk [tilespmem:v26+s20+$0x0], $0xffff  }
0x42c: {  	v63 =	vld.idx.msk [tilespmem:v27+s20+$0x0], $0xffff  }
0x42d: {  	v18 =	vmov v11;
	v11 =	vld.idx.msk [tilespmem:v28+s20+$0x0], $0xffff  }
0x42e: {  	v31 =	vmov v25;
	v25 =	vmov v19;
	v19 =	vmov v12;
	v12 =	vld.idx.msk [tilespmem:v29+s20+$0x0], $0xffff  }
0x42f: {  	v32 =	vmov v20;
	v20 =	vmov v13;
	v13 =	vld.idx.msk [tilespmem:v30+s20+$0x0], $0xffff  }
0x430: {  	v21 =	vmov v14;
	v14 =	vld.idx.msk [tilespmem:v36+s20+$0x0], $0xffff  }
0x431: {  	v35 =	vmov v22;
	v22 =	vmov v15;
	v15 =	vld.idx.msk [tilespmem:v37+s20+$0x0], $0xffff  }
0x432: {  	v38 =	vmov v23;
	v23 =	vmov v16;
	v16 =	vld.idx.msk [tilespmem:v39+s20+$0x0], $0xffff  }
0x433: {  	v24 =	vmov v17;
	v17 =	vld [tilespmem:$0x1FF20]  }
0x434: {  	v1 =	vadd.f32 v3, v1;
	v3 =	vadd.f32 v5, v4;
	v4 =	vld [tilespmem:$0x1FF30]  }
0x435: {  	v5 =	vadd.f32 v7, v6;
	v7 =	vld [tilespmem:$0x1FF40]  }
0x436: {  	v6 =	vadd.f32 v9, v8;
	v8 =	vadd.f32 v57, v10;
	v10 =	vld.idx.msk [tilespmem:v44+s20+$0x0], $0xffff  }
0x437: {  	v9 =	vadd.f32 v59, v58;
	v59 =	vld.idx.msk [tilespmem:v45+s20+$0x0], $0xffff  }
0x438: {  	v11 =	vadd.f32 v12, v11;
	v12 =	vld [tilespmem:$0x1FF50]  }
0x439: {  	v57 =	vadd.f32 v61, v60;
	v58 =	vadd.f32 v63, v62;
	v60 =	vld [tilespmem:$0x1FF10]  }
0x43a: {  	v1 =	vadd.f32 v3, v1;
	v3 =	vadd.f32 v6, v5;
	v5 =	vld.idx.msk [tilespmem:v46+s20+$0x0], $0xffff  }
0x43b: {  	v61 =	vadd.f32 v9, v8;
	v9 =	vld.idx.msk [tilespmem:v47+s20+$0x0], $0xffff  }
0x43c: {  	v8 =	vadd.f32 v58, v57;
	v57 =	vld.idx.msk [tilespmem:v48+s20+$0x0], $0xffff  }
0x43d: {  	v13 =	vadd.f32 v14, v13;
	v6 =	vld.idx.msk [tilespmem:v49+s20+$0x0], $0xffff  }
0x43e: {  	v58 =	vld.idx.msk [tilespmem:v43+s20+$0x0], $0xffff  }
0x43f: {  	v11 =	vadd.f32 v13, v11;
	v13 =	vld [tilespmem:$0x1FF80]  }
0x440: {  	v17 =	vld.idx.msk [tilespmem:v17+s20+$0x0], $0xffff  }
0x441: {  	v1 =	vadd.f32 v3, v1;
	v3 =	vadd.f32 v8, v61;
	v8 =	vld.idx.msk [tilespmem:v51+s20+$0x0], $0xffff  }
0x442: {  	v61 =	vld.idx.msk [tilespmem:v41+s20+$0x0], $0xffff  }
0x443: {  	v63 =	vmov v41;
	v41 =	vld [tilespmem:$0x1FF90]  }
0x444: {  	v1 =	vadd.f32 v3, v1;
	v3 =	vld.idx.msk [tilespmem:v53+s20+$0x0], $0xffff  }
0x445: {  	v9 =	vadd.f32 v57, v9;
	v57 =	vld [tilespmem:$0x1FFD0]  }
0x446: {  	v5 =	vadd.f32 v5, v59;
	v59 =	vld [tilespmem:$0x1FFF0]  }
0x447: {  	v62 =	vmov v43;
	v4 =	vld.idx.msk [tilespmem:v4+s20+$0x0], $0xffff;
	v43 =	vsub.f32 $0.0e+00, v1  }
0x448: {  	v7 =	vld.idx.msk [tilespmem:v7+s20+$0x0], $0xffff  }
0x449: {  	v1 =	vsel vm0, v1, v43;
	v43 =	vld [tilespmem:$0x1FF00]  }
0x44a: {  	v12 =	vld.idx.msk [tilespmem:v12+s20+$0x0], $0xffff  }
0x44b: {  	v6 =	vadd.f32 v8, v6;
	v8 =	vld [tilespmem:$0x1FF70]  }
0x44c: {  	v13 =	vld.idx.msk [tilespmem:v13+s20+$0x0], $0xffff  }
0x44d: {  	v6 =	vadd.f32 v6, v9;
	v9 =	vld [tilespmem:$0x1FFA0]  }
0x44e: {  	v7 =	vadd.f32 v10, v7;
	v10 =	vld [tilespmem:$0x1FF60]  }
0x44f: {  	v14 =	vadd.f32 v16, v15;
	v4 =	vadd.f32 v4, v17;
	v17 =	vld.idx.msk [tilespmem:v60+s20+$0x0], $0xffff  }
0x450: {  	v5 =	vadd.f32 v5, v7;
	v7 =	vld.idx.msk [tilespmem:v41+s20+$0x0], $0xffff  }
0x451: {  	v4 =	vadd.f32 v4, v14;
	v15 =	vld.idx.msk [tilespmem:v43+s20+$0x0], $0xffff  }
0x452: {  	v16 =	vand.u32 $0x7FFFFFFF, v1;
	v43 =	vld [tilespmem:$0x1FFB0]  }
0x453: {  	v16 =	vsub.f32 $0.0e+00, v16;
	v4 =	vadd.f32 v4, v11;
	v11 =	vld [tilespmem:$0x1FFC0]  }
0x454: {  	v14 =	vld [tilespmem:$0x1FFE0]  }
0x455: {  	v16 =	vmul.f32 $1.442695020e+00, v16;
	v60 =	vld.idx.msk [tilespmem:v59+s20+$0x0], $0xffff  }
0x456: {  	v8 =	vld.idx.msk [tilespmem:v8+s20+$0x0], $0xffff;
	v5 =	vadd.f32 v6, v5  }
0x457: {  	(erf) = vpow2.f32 v16;
	v9 =	vld.idx.msk [tilespmem:v9+s20+$0x0], $0xffff  }
0x458: {  	v4 =	vadd.f32 v5, v4;
	v5 =	vld.idx.msk [tilespmem:v57+s20+$0x0], $0xffff  }
0x459: {  	v10 =	vld.idx.msk [tilespmem:v10+s20+$0x0], $0xffff  }
0x45a: {  	v6 =	vld.idx.msk [tilespmem:v43+s20+$0x0], $0xffff  }
0x45b: {  	v11 =	vld.idx.msk [tilespmem:v11+s20+$0x0], $0xffff  }
0x45c: {  	v16 =	vsub.f32 $0.0e+00, v4;
	v14 =	vld.idx.msk [tilespmem:v14+s20+$0x0], $0xffff  }
0x45d: {  	v3 =	vadd.f32 v58, v3;
	v12 =	vadd.f32 v12, v61  }
0x45e: {  	v7 =	vadd.f32 v7, v13;
	v8 =	vadd.f32 v8, v17;
	v4 =	vsel vm1, v16, v4  }
0x45f: {  	v10 =	vadd.f32 v10, v15;
	v6 =	vadd.f32 v6, v9;
	v9 =	vand.u32 $0x7FFFFFFF, v4  }
0x460: {  	v5 =	vadd.f32 v5, v11;
	v11 =	vpop (erf);
	v9 =	vsub.f32 $0.0e+00, v9  }
0x461: {  	v13 =	vadd.f32 v60, v14;
	v14 =	vadd.f32 $2.000000000e+00, v11  }
0x462: {  	v3 =	vadd.f32 v12, v3;
	v8 =	vadd.f32 v8, v10;
	v9 =	vmul.f32 $1.442695020e+00, v9  }
0x463: {  	v5 =	vadd.f32 v13, v5;
	(erf) = vrcp.f32 v14;
	v6 =	vadd.f32 v6, v7  }
0x464: {  	(erf) = vpow2.f32 v9  }
0x465: {  	v3 =	vadd.f32 v8, v3;
	v5 =	vadd.f32 v5, v6;
	_ =	sdelay $0x1  }
0x466: {  	v3 =	vadd.f32 v5, v3;
	_ =	sdelay $0x1  }
0x467: {  	v5 =	vsub.f32 $0.0e+00, v3;
	_ =	sdelay $0x1  }
0x468: {  	v16 =	vmov v23;
	v23 =	vmov v38;
	v3 =	vsel vm2, v5, v3  }
0x469: {  	v15 =	vmov v22;
	v22 =	vmov v35;
	v35 =	vpop (erf);
	v38 =	vand.u32 $0x7FFFFFFF, v3  }
0x46a: {  	v6 =	vsub.f32 $0.0e+00, v38;
	v41 =	vpop (erf)  }
0x46b: {  	v8 =	vadd.f32 $2.000000000e+00, v41  }
0x46c: {  	v6 =	vmul.f32 $1.442695020e+00, v6  }
0x46d: {  	(erf) = vrcp.f32 v8  }
0x46e: {  	(erf) = vpow2.f32 v6;
	_ =	sdelay $0x7  }
0x46f: {  	v43 =	vpop (erf)  }
0x470: {  	v8 =	vpop (erf)  }
0x471: {  	v9 =	vadd.f32 $2.000000000e+00, v8;
	_ =	sdelay $0x1  }
0x472: {  	(erf) = vrcp.f32 v9;
	_ =	sdelay $0x2  }
0x473: {  	v5 =	vmul.f32 v35, v11;
	_ =	sdelay $0x1  }
0x474: {  	v9 =	vmul.f32 v5, v5;
	_ =	sdelay $0x1  }
0x475: {  	v57 =	vmul.f32 v9, v42  }
0x476: {  	v6 =	vmul.f32 v43, v41  }
0x477: {  	v7 =	vadd.f32 $1.428571490e-01, v57;
	v11 =	vpop (erf)  }
0x478: {  	v10 =	vmul.f32 v6, v6;
	v8 =	vmul.f32 v11, v8  }
0x479: {  	v7 =	vmul.f32 v7, v9  }
0x47a: {  	v11 =	vmul.f32 v10, v42;
	v12 =	vmul.f32 v8, v8;
	_ =	sdelay $0x1  }
0x47b: {  	v7 =	vadd.f32 $2.000000030e-01, v7;
	v11 =	vadd.f32 $1.428571490e-01, v11;
	v13 =	vmul.f32 v12, v42;
	_ =	sdelay $0x1  }
0x47c: {  	v7 =	vmul.f32 v7, v9;
	v11 =	vmul.f32 v11, v10;
	v13 =	vadd.f32 $1.428571490e-01, v13;
	_ =	sdelay $0x1  }
0x47d: {  	v7 =	vadd.f32 $3.333333430e-01, v7;
	v11 =	vadd.f32 $2.000000030e-01, v11;
	v13 =	vmul.f32 v13, v12;
	_ =	sdelay $0x1  }
0x47e: {  	v7 =	vmul.f32 v7, v9;
	v11 =	vmul.f32 v11, v10;
	v9 =	vadd.f32 $2.000000030e-01, v13;
	_ =	sdelay $0x1  }
0x47f: {  	v11 =	vadd.f32 $3.333333430e-01, v11;
	v9 =	vmul.f32 v9, v12  }
0x480: {  	v5 =	vadd.f32 v5, v5  }
0x481: {  	v7 =	vadd.f32 $1.000000000e+00, v7;
	v10 =	vmul.f32 v11, v10;
	v58 =	vadd.f32 $3.333333430e-01, v9  }
0x482: {  	v1 =	vxor.u32 $0x80000000, v1;
	v6 =	vadd.f32 v6, v6  }
0x483: {  	v5 =	vmul.f32 v7, v5;
	v9 =	vadd.f32 $1.000000000e+00, v10;
	v7 =	vmul.f32 v58, v12  }
0x484: {  	v1 =	vmax.f32 v1, $0.0e+00;
	v4 =	vxor.u32 $0x80000000, v4;
	v60 =	vadd.f32 v8, v8  }
0x485: {  	v1 =	vadd.f32 v5, v1;
	v59 =	vmul.f32 v9, v6;
	v7 =	vadd.f32 $1.000000000e+00, v7  }
0x486: {  	v4 =	vmax.f32 v4, $0.0e+00;
	v3 =	vxor.u32 $0x80000000, v3  }
0x487: {  	v1 =	vmul.f32 v34, v1;
	v4 =	vadd.f32 v59, v4;
	v61 =	vmul.f32 v7, v60  }
0x488: {  	p0 =	seq.s32 s25, $0x7;
	v3 =	vmax.f32 v3, $0.0e+00  }
.Ltmp3:
0x489: {  	v1 =	vadd.f32 v1, v54;
	v4 =	vmul.f32 v52, v4;
	v3 =	vadd.f32 v61, v3;
	(pc) =	sbr.rel @!p0 .LBB2_10-.Ltmp3, $4  }
0x48a: {  	_ = 	snop  }
0x48b: {  	v1 =	vadd.f32 v4, v1;
	v3 =	vmul.f32 v33, v3  }
0x48c: {  	v17 =	vmovc v24;
	v14 =	vmov v21;
	v13 =	vmov v20;
	v20 =	vmov v32  }
0x48d: {  	s25 =	sadd.s32 $0x1, s25;
	v11 =	vmovc v18;
	v12 =	vmovc v19;
	v19 =	vmov v25;
	v25 =	vmov v31;
	v54 =	vadd.f32 v3, v1  }
0x48e: {  	p0 =	seq.s32 s24, $0x8  }
.Ltmp4:
0x48f: {  	_ = 	snop;
	(pc) =	sbr.rel @!p0 .LBB2_5-.Ltmp4, $2  }
0x490: {  	_ =	sdelay $0x2  }
0x491: {  	s23 =	sadd.s32 $0x180, s23;
	s25 =	smov.u32 s24  }
0x492: {  	s22 =	sadd.s32 $0x1, s22  }
0x493: {  	p0 =	sne.s32 s22, s8  }
.Ltmp5:
0x494: {  	[tilespmem:$0x1EE00] =	vst v54;
	(pc) =	sbr.rel @p0 .LBB2_1-.Ltmp5, $4  }
0x495: {  	[hbm4b:s7+s3] =	stream.linear.scatter [tilespmem:s21], [sflag:$0x3], $0x10, $0x38;
	[tilespmem:$0x1F180] =	vst v63  }
0x496: {  	_ =	swait.ge [sflag:s9], $0x10  }
0x497: {  	[sflag:s9] =	ssyncset.done $0x0  }
0x498: {  	[sflag:s9] =	ssyncadd.s32 $0xFFFFFFF0  }
0x499: {  	_ =	sfence.sel $0x180000  }
0x49a: {  	[bflag:$0x0] =	sbarrier.arrive $0xFFFF  }
0x49b: {  	_ =	strace $0x90000047  }
0x49c: {  	s0 =	stileid.u32;
	[bflag:$0x2] =	sbarrier.arrive $0xFFFF  }
0x49d: {  	p0 =	sne.s32 s0, $0x0;
	s0 =	rddreg [dreg:$0x4]  }
0x49e: {  	s0 =	sadd.s32 @!p0 $0x100000, s0  }
0x49f: {  	[sflag:s0] =	ssyncadd.tile.s32 @!p0 $0x1;
	_ =	shalt  }
.Lfunc_end2:
_tile_overlayer_lowered:
.L_overlay_start_2:
0x4a0: {  	(tag) =	ssettag $0x2  }
0x4a1: {  	s0 =	rddreg [dreg:$0x0];
	s2 =	stileid.u32  }
0x4a2: {  	s1 =	rddreg [dreg:$0x1];
	p0 =	sne.s32 s2, $0x0  }
0x4a3: {  	s3 =	rddreg [dreg:$0x2];
	[bflag:$0x3] =	sbarrier.arrive $0xFFFF;
	s2 =	simm.s32 @!p0 $0x1C03  }
0x4a4: {  	[timem:s3], [sflag:s2] =	dma.local @!p0 [hbm:s0], s1  }
0x4a5: {  	s0 =	simm.s32 @!p0 $0x3  }
0x4a6: {  	_ =	swait.ge @!p0 [sflag:s0], s1  }
0x4a7: {  	s1 =	ssub.s32 @!p0 $0x0, s1;
	[sflag:s0] =	ssyncset.done @!p0 $0x0  }
0x4a8: {  	[sflag:s0] =	ssyncadd.s32 @!p0 s1  }
0x4a9: {  	[bflag:$0x3] =	sbarrier.arrive $0xFFFF  }
0x4aa: {  	_ =	shalt  }

</sc_bundles>
